<compile_context>
chip_gen: v7x
topology: tpu7x:2x2x1
jax: 0.10.2.dev20260603
libtpu: 0.0.44.dev20260713+nightly
codegen_flags: <defaults>
</compile_context>

<pallas_src>
import math
import functools

import jax
import jax.numpy as jnp
from jax import lax
from jax.experimental import pallas as pl
from jax.experimental.pallas import tpu as pltpu

NUM_BUCKETS = 32
MAX_DISTANCE = 128
NUM_HEADS = 16
SEQ = 4096

R = 128
LROW = 8064
EXT = 8192


def _bias_vec(table_col):
    t = lax.broadcasted_iota(jnp.int32, (1, EXT), 1)
    d = t - (SEQ - 1)
    n = -d
    ret = jnp.where(n < 0, NUM_BUCKETS // 2, 0)
    na = jnp.abs(n)
    max_exact = NUM_BUCKETS // 4
    is_small = na < max_exact
    naf = na.astype(jnp.float32)
    val = max_exact + (
        jnp.log(naf / max_exact)
        / math.log(MAX_DISTANCE / max_exact)
        * (NUM_BUCKETS // 2 - max_exact)
    ).astype(jnp.int32)
    val = jnp.minimum(val, NUM_BUCKETS // 2 - 1)
    bucket = ret + jnp.where(is_small, na, val)
    acc = jnp.zeros((1, EXT), jnp.float32)
    for b in range(NUM_BUCKETS):
        acc = jnp.where(bucket == b, table_col[b], acc)
    return acc


def _tc_body(table_ref, out_ref, bias_ref):
    h = pl.program_id(0)
    g = pl.program_id(1)

    @pl.when(g == 0)
    def _():
        vec = _bias_vec(table_ref[0, 0, :])
        for p in range(R):
            bias_ref[p, :] = vec[0, (R - 1 - p):(R - 1 - p) + LROW]

    i0 = g * R
    u0 = (SEQ - R) - i0
    out_ref[0, :, :] = bias_ref[:, pl.ds(u0, SEQ)]


def _tc_call(table3, interpret=False):
    return pl.pallas_call(
        _tc_body,
        grid=(NUM_HEADS, SEQ // R),
        in_specs=[pl.BlockSpec((1, 1, NUM_BUCKETS), lambda h, g: (h, 0, 0))],
        out_specs=pl.BlockSpec((1, R, SEQ), lambda h, g: (h, g, 0)),
        out_shape=jax.ShapeDtypeStruct((NUM_HEADS, SEQ, SEQ), jnp.float32),
        scratch_shapes=[pltpu.VMEM((R, LROW), jnp.float32)],
        interpret=interpret,
    )(table3)



from jax.experimental.pallas import tpu_sc as plsc

MCLS = 8
KPG = 16
NG = 16
LM = 6016
UPT = 8
EXTS = 8192
NBLK = NUM_HEADS * SEQ // KPG


def _stage_body(table_ref, bias_ref):
    acc = _bias_vec_sc(table_ref)
    for half in range(2):
        for m in range(MCLS):
            off0 = 2160 - 2048 * half - 16 * m
            for p in range(KPG):
                base = (KPG - 1 - p) + off0
                bias_ref[0, half, m, p, :] = acc[0, base:base + LM]


def _bias_vec_sc(table_ref):
    t = lax.broadcasted_iota(jnp.int32, (1, EXTS), 1)
    d = t - (SEQ - 1)
    n = -d
    ret = jnp.where(n < 0, NUM_BUCKETS // 2, 0)
    na = jnp.abs(n)
    max_exact = NUM_BUCKETS // 4
    is_small = na < max_exact
    naf = na.astype(jnp.float32)
    val = max_exact + (
        jnp.log(naf / max_exact)
        / math.log(MAX_DISTANCE / max_exact)
        * (NUM_BUCKETS // 2 - max_exact)
    ).astype(jnp.int32)
    val = jnp.minimum(val, NUM_BUCKETS // 2 - 1)
    bucket = ret + jnp.where(is_small, na, val)
    acc = jnp.zeros((1, EXTS), jnp.float32)
    for b in range(NUM_BUCKETS):
        acc = jnp.where(bucket == b, table_ref[0, 0, b], acc)
    return acc


def _stage_call(table3):
    return pl.pallas_call(
        _stage_body,
        grid=(NUM_HEADS,),
        in_specs=[pl.BlockSpec((1, 1, NUM_BUCKETS), lambda h: (h, 0, 0))],
        out_specs=pl.BlockSpec((1, 2, MCLS, KPG, LM), lambda h: (h, 0, 0, 0, 0)),
        out_shape=jax.ShapeDtypeStruct((NUM_HEADS, 2, MCLS, KPG, LM), jnp.float32),
    )(table3)


_SC_MESH = plsc.VectorSubcoreMesh(core_axis_name="c", subcore_axis_name="s")


@functools.partial(
    pl.kernel,
    mesh=_SC_MESH,
    out_type=jax.ShapeDtypeStruct((NBLK, KPG, SEQ), jnp.float32),
    scratch_types=[
        pltpu.VMEM((KPG, LM), jnp.float32),
        pltpu.SemaphoreType.DMA,
    ],
)
def _sc_write(bias_hbm, out_hbm, bias_v, sem):
    c = lax.axis_index("c")
    s = lax.axis_index("s")
    wid = s * 2 + c

    def drain_one(k, carry):
        pltpu.make_async_copy(
            bias_v.at[:, pl.ds(0, SEQ)],
            out_hbm.at[0],
            sem,
        ).wait()
        return carry

    def unit(j, carry):
        u = wid * UPT + j
        h = u // (2 * MCLS)
        rem = lax.rem(u, 2 * MCLS)
        half = rem // MCLS
        m = lax.rem(rem, MCLS)

        @pl.when(j > 0)
        def _():
            lax.fori_loop(0, NG, drain_one, 0)

        pltpu.sync_copy(bias_hbm.at[h, half, m], bias_v)

        def store(k, cc):
            w0 = pl.multiple_of(128 * (NG - 1) - 128 * k, 128)
            g = 128 * half + MCLS * k + m
            pltpu.async_copy(
                bias_v.at[:, pl.ds(w0, SEQ)],
                out_hbm.at[h * (SEQ // KPG) + g],
                sem,
            )
            return cc

        lax.fori_loop(0, NG, store, 0)
        return carry

    lax.fori_loop(0, UPT, unit, 0)
    lax.fori_loop(0, NG, drain_one, 0)


def kernel(query_length, key_length, rel_bias_table):
    del query_length, key_length
    table3 = rel_bias_table.T.reshape(NUM_HEADS, 1, NUM_BUCKETS)
    bias = _stage_call(table3)
    out = _sc_write(bias)
    return out.reshape(1, NUM_HEADS, SEQ, SEQ)

# --- scband reference (transcript-rebuilt; emitter-appended) ---
"""Pipeline reference for scband-relative-position-bias-1675037245609 (READ-ONLY COPY).

The authoritative reference and input builder live on the scoring server;
editing this copy changes nothing except your own understanding.
"""

import jax, jax.numpy as jnp
import numpy as np
import math

NUM_BUCKETS = 32
MAX_DISTANCE = 128
NUM_HEADS = 16
SEQ_LENGTH = 4096

def _relative_position_bucket(relative_position, num_buckets=32, max_distance=128):
    ret = jnp.zeros_like(relative_position)
    n = -relative_position
    num_buckets = num_buckets // 2
    ret = ret + (n < 0).astype(jnp.int64) * num_buckets
    n = jnp.abs(n)
    max_exact = num_buckets // 2
    is_small = n < max_exact
    val_if_large = max_exact + (jnp.log(n.astype(jnp.float32) / max_exact) / math.log(max_distance / max_exact) * (num_buckets - max_exact)).astype(jnp.int64)
    val_if_large = jnp.minimum(val_if_large, jnp.full_like(val_if_large, num_buckets - 1))
    ret = ret + jnp.where(is_small, n, val_if_large)
    return ret

def setup_inputs(seed: int = 0) -> dict:
    key = jax.random.key(seed)
    rel_bias_table = jax.random.normal(key, (NUM_BUCKETS, NUM_HEADS), dtype=jnp.float32)
    return {"query_length": SEQ_LENGTH, "key_length": SEQ_LENGTH, "rel_bias_table": rel_bias_table}

def reference(query_length, key_length, rel_bias_table):
    context_position = (jnp.arange(SEQ_LENGTH, dtype=jnp.int64) + (query_length - query_length))[:, None]
    memory_position = (jnp.arange(SEQ_LENGTH, dtype=jnp.int64) + (key_length - key_length))[None, :]
    relative_position = memory_position - context_position
    relative_position_bucket = _relative_position_bucket(relative_position, num_buckets=NUM_BUCKETS, max_distance=MAX_DISTANCE)
    values = jnp.take(rel_bias_table, relative_position_bucket, axis=0)  # [Q, K, H]
    values = jnp.transpose(values, (2, 0, 1))[None, :, :, :]  # [1, H, Q, K]
    return values

if __name__ == "__main__":
    import jax
    _d = setup_inputs()
    print(jax.jit(kernel)(*tuple(_d.values())))

</pallas_src>

<mosaic_0001>
#map = affine_map<(d0, d1) -> (0, 0, 0, 0, 0)>
#map1 = affine_map<(d0, d1) -> (0, 0, 0)>
module attributes {stable_mosaic.version = 14 : i64} {
  func.func @_sc_write(%arg0: i32, %arg1: i32, %arg2: memref<16x2x8x16x6016xf32, #tpu.memory_space<hbm>>, %arg3: memref<4096x16x4096xf32, #tpu.memory_space<hbm>>, %arg4: memref<16x6016xf32, #tpu.memory_space<vmem>>, %arg5: memref<!tpu.dma_semaphore, #tpu.memory_space<semaphore_mem>>) attributes {dimension_semantics = [#tpu.dimension_semantics<core_parallel>, #tpu.dimension_semantics<subcore_parallel>], iteration_bounds = array<i64: 2, 16>, scalar_prefetch = 0 : i64, scratch_operands = 2 : i64, tpu.core_type = #tpu.core_type<sc_vector_subcore>, window_params = [{transform_indices = #map}, {transform_indices = #map1}]} {
    %mul3A = arith.constant 2 : i32
    %mul3A_0 = arith.muli %arg1, %mul3A : i32
    %add3A = arith.addi %mul3A_0, %arg0 : i32
    %scan3A = arith.constant 0 : i32
    %scan3A_1 = arith.constant 0 : i32
    %scan3A_2 = arith.constant 8 : i32
    %scan3A_3 = arith.addi %scan3A_1, %scan3A_2 : i32
    %scan3A_4 = arith.constant 1 : i32
    scf.for %scan3A_12 = %scan3A_1 to %scan3A_3 step %scan3A_4  : i32 {
      %mul3A_13 = arith.constant 8 : i32
      %mul3A_14 = arith.muli %add3A, %mul3A_13 : i32
      %add3A_15 = arith.addi %mul3A_14, %scan3A_12 : i32
      %jit3A = arith.constant 16 : i32
      %div3A = arith.divsi %add3A_15, %jit3A : i32
      %sign3A = arith.constant 0 : i32
      %sign3A_16 = arith.cmpi sgt, %add3A_15, %sign3A : i32
      %sign3A_17 = arith.extui %sign3A_16 : i1 to i32
      %sign3A_18 = arith.constant 0 : i32
      %sign3A_19 = arith.cmpi slt, %add3A_15, %sign3A_18 : i32
      %sign3A_20 = arith.extui %sign3A_19 : i1 to i32
      %sign3A_21 = arith.subi %sign3A_17, %sign3A_20 : i32
      %sign3A_22 = arith.constant 0 : i32
      %sign3A_23 = arith.cmpi sgt, %jit3A, %sign3A_22 : i32
      %sign3A_24 = arith.extui %sign3A_23 : i1 to i32
      %sign3A_25 = arith.constant 0 : i32
      %sign3A_26 = arith.cmpi slt, %jit3A, %sign3A_25 : i32
      %sign3A_27 = arith.extui %sign3A_26 : i1 to i32
      %sign3A_28 = arith.subi %sign3A_24, %sign3A_27 : i32
      %ne3A = arith.cmpi ne, %sign3A_21, %sign3A_28 : i32
      %rem3A = arith.remsi %add3A_15, %jit3A : i32
      %ne3A_29 = arith.constant 0 : i32
      %ne3A_30 = arith.cmpi ne, %rem3A, %ne3A_29 : i32
      %and3A = arith.andi %ne3A, %ne3A_30 : i1
      %sub3A = arith.constant 1 : i32
      %sub3A_31 = arith.subi %div3A, %sub3A : i32
      %select_n3A = arith.select %and3A, %sub3A_31, %div3A : i32
      %rem3A_32 = arith.constant 16 : i32
      %rem3A_33 = arith.remsi %add3A_15, %rem3A_32 : i32
      %jit3A_34 = arith.constant 8 : i32
      %div3A_35 = arith.divsi %rem3A_33, %jit3A_34 : i32
      %sign3A_36 = arith.constant 0 : i32
      %sign3A_37 = arith.cmpi sgt, %rem3A_33, %sign3A_36 : i32
      %sign3A_38 = arith.extui %sign3A_37 : i1 to i32
      %sign3A_39 = arith.constant 0 : i32
      %sign3A_40 = arith.cmpi slt, %rem3A_33, %sign3A_39 : i32
      %sign3A_41 = arith.extui %sign3A_40 : i1 to i32
      %sign3A_42 = arith.subi %sign3A_38, %sign3A_41 : i32
      %sign3A_43 = arith.constant 0 : i32
      %sign3A_44 = arith.cmpi sgt, %jit3A_34, %sign3A_43 : i32
      %sign3A_45 = arith.extui %sign3A_44 : i1 to i32
      %sign3A_46 = arith.constant 0 : i32
      %sign3A_47 = arith.cmpi slt, %jit3A_34, %sign3A_46 : i32
      %sign3A_48 = arith.extui %sign3A_47 : i1 to i32
      %sign3A_49 = arith.subi %sign3A_45, %sign3A_48 : i32
      %ne3A_50 = arith.cmpi ne, %sign3A_42, %sign3A_49 : i32
      %rem3A_51 = arith.remsi %rem3A_33, %jit3A_34 : i32
      %ne3A_52 = arith.constant 0 : i32
      %ne3A_53 = arith.cmpi ne, %rem3A_51, %ne3A_52 : i32
      %and3A_54 = arith.andi %ne3A_50, %ne3A_53 : i1
      %sub3A_55 = arith.constant 1 : i32
      %sub3A_56 = arith.subi %div3A_35, %sub3A_55 : i32
      %select_n3A_57 = arith.select %and3A_54, %sub3A_56, %div3A_35 : i32
      %rem3A_58 = arith.constant 8 : i32
      %rem3A_59 = arith.remsi %rem3A_33, %rem3A_58 : i32
      %gt3A = arith.constant 0 : i32
      %gt3A_60 = arith.cmpi sgt, %scan3A_12, %gt3A : i32
      %convert_element_type3A = arith.extui %gt3A_60 : i1 to i32
      %cond3A = arith.constant 0 : i32
      %cond3A_61 = arith.cmpi ne, %convert_element_type3A, %cond3A : i32
      scf.if %cond3A_61 {
        %scan3A_68 = arith.constant 0 : i32
        %scan3A_69 = arith.constant 0 : i32
        %scan3A_70 = arith.constant 16 : i32
        %scan3A_71 = arith.addi %scan3A_69, %scan3A_70 : i32
        %scan3A_72 = arith.constant 1 : i32
        scf.for %scan3A_74 = %scan3A_69 to %scan3A_71 step %scan3A_72  : i32 {
          %dma_wait3A = arith.constant 0 : i32
          %dma_wait3A_75 = arith.constant 0 : i32
          %dma_wait3A_76 = arith.constant 0 : i32
          %dma_wait3A_77 = tpu.memref_slice %arg4[%dma_wait3A_75, %dma_wait3A_76] : memref<16x6016xf32, #tpu.memory_space<vmem>> -> memref<16x4096xf32, #tpu.memory_space<vmem>>
          %dma_wait3A_78 = arith.constant 0 : i32
          %dma_wait3A_79 = arith.constant 0 : i32
          %dma_wait3A_80 = tpu.memref_slice %arg3[%dma_wait3A, %dma_wait3A_78, %dma_wait3A_79] : memref<4096x16x4096xf32, #tpu.memory_space<hbm>> -> memref<1x16x4096xf32, #tpu.memory_space<hbm>>
          %dma_wait3A_81 = tpu.memref_squeeze %dma_wait3A_80 : memref<1x16x4096xf32, #tpu.memory_space<hbm>> -> memref<16x4096xf32, #tpu.memory_space<hbm>>
          %dma_wait3A_82 = arith.constant 0 : i32
          %dma_wait3A_83 = arith.constant 0 : i32
          %dma_wait3A_84 = tpu.memref_slice %arg3[%dma_wait3A, %dma_wait3A_82, %dma_wait3A_83] : memref<4096x16x4096xf32, #tpu.memory_space<hbm>> -> memref<1x16x4096xf32, #tpu.memory_space<hbm>>
          %dma_wait3A_85 = tpu.memref_squeeze %dma_wait3A_84 : memref<1x16x4096xf32, #tpu.memory_space<hbm>> -> memref<16x4096xf32, #tpu.memory_space<hbm>>
          %dma_wait3A_86 = arith.constant 0 : i32
          %dma_wait3A_87 = arith.constant 0 : i32
          %dma_wait3A_88 = tpu.memref_slice %arg4[%dma_wait3A_86, %dma_wait3A_87] : memref<16x6016xf32, #tpu.memory_space<vmem>> -> memref<16x4096xf32, #tpu.memory_space<vmem>>
          tpu.wait_dma2 semaphore(%arg5 : memref<!tpu.dma_semaphore, #tpu.memory_space<semaphore_mem>>) src(%dma_wait3A_88 : memref<16x4096xf32, #tpu.memory_space<vmem>>) dst(%dma_wait3A_85 : memref<16x4096xf32, #tpu.memory_space<hbm>>)
        }
        %scan3A_73 = arith.constant 16 : i32
      } else {
      }
      "tpu.region"() ({
        %run_scoped3A = tpu.sem_alloc : memref<!tpu.dma_semaphore, #tpu.memory_space<semaphore_mem>>
        %dma_start3A = arith.constant 0 : i32
        %dma_start3A_68 = arith.constant 0 : i32
        %dma_start3A_69 = tpu.memref_slice %arg2[%select_n3A, %select_n3A_57, %rem3A_59, %dma_start3A, %dma_start3A_68] : memref<16x2x8x16x6016xf32, #tpu.memory_space<hbm>> -> memref<1x1x1x16x6016xf32, #tpu.memory_space<hbm>>
        %dma_start3A_70 = tpu.memref_squeeze %dma_start3A_69 : memref<1x1x1x16x6016xf32, #tpu.memory_space<hbm>> -> memref<16x6016xf32, #tpu.memory_space<hbm>>
        %dma_start3A_71 = arith.constant 0 : i32
        %dma_start3A_72 = arith.constant 0 : i32
        %dma_start3A_73 = tpu.memref_slice %arg2[%select_n3A, %select_n3A_57, %rem3A_59, %dma_start3A_71, %dma_start3A_72] : memref<16x2x8x16x6016xf32, #tpu.memory_space<hbm>> -> memref<1x1x1x16x6016xf32, #tpu.memory_space<hbm>>
        %dma_start3A_74 = tpu.memref_squeeze %dma_start3A_73 : memref<1x1x1x16x6016xf32, #tpu.memory_space<hbm>> -> memref<16x6016xf32, #tpu.memory_space<hbm>>
        tpu.enqueue_dma source(%dma_start3A_74 : memref<16x6016xf32, #tpu.memory_space<hbm>>) target(%arg4 : memref<16x6016xf32, #tpu.memory_space<vmem>>) target_semaphore(%run_scoped3A : memref<!tpu.dma_semaphore, #tpu.memory_space<semaphore_mem>>)
        %dma_wait3A = arith.constant 0 : i32
        %dma_wait3A_75 = arith.constant 0 : i32
        %dma_wait3A_76 = tpu.memref_slice %arg2[%select_n3A, %select_n3A_57, %rem3A_59, %dma_wait3A, %dma_wait3A_75] : memref<16x2x8x16x6016xf32, #tpu.memory_space<hbm>> -> memref<1x1x1x16x6016xf32, #tpu.memory_space<hbm>>
        %dma_wait3A_77 = tpu.memref_squeeze %dma_wait3A_76 : memref<1x1x1x16x6016xf32, #tpu.memory_space<hbm>> -> memref<16x6016xf32, #tpu.memory_space<hbm>>
        %dma_wait3A_78 = arith.constant 0 : i32
        %dma_wait3A_79 = arith.constant 0 : i32
        %dma_wait3A_80 = tpu.memref_slice %arg2[%select_n3A, %select_n3A_57, %rem3A_59, %dma_wait3A_78, %dma_wait3A_79] : memref<16x2x8x16x6016xf32, #tpu.memory_space<hbm>> -> memref<1x1x1x16x6016xf32, #tpu.memory_space<hbm>>
        %dma_wait3A_81 = tpu.memref_squeeze %dma_wait3A_80 : memref<1x1x1x16x6016xf32, #tpu.memory_space<hbm>> -> memref<16x6016xf32, #tpu.memory_space<hbm>>
        tpu.wait_dma2 semaphore(%run_scoped3A : memref<!tpu.dma_semaphore, #tpu.memory_space<semaphore_mem>>) src(%dma_wait3A_81 : memref<16x6016xf32, #tpu.memory_space<hbm>>) dst(%arg4 : memref<16x6016xf32, #tpu.memory_space<vmem>>)
        tpu.yield
      }) : () -> ()
      %scan3A_62 = arith.constant 0 : i32
      %scan3A_63 = arith.constant 0 : i32
      %scan3A_64 = arith.constant 16 : i32
      %scan3A_65 = arith.addi %scan3A_63, %scan3A_64 : i32
      %scan3A_66 = arith.constant 1 : i32
      scf.for %scan3A_68 = %scan3A_63 to %scan3A_65 step %scan3A_66  : i32 {
        %mul3A_69 = arith.constant 128 : i32
        %mul3A_70 = arith.muli %mul3A_69, %scan3A_68 : i32
        %sub3A_71 = arith.constant 1920 : i32
        %sub3A_72 = arith.subi %sub3A_71, %mul3A_70 : i32
        %multiple_of3A = tpu.assume_multiple %sub3A_72, 128 : i32
        %mul3A_73 = arith.constant 128 : i32
        %mul3A_74 = arith.muli %mul3A_73, %select_n3A_57 : i32
        %mul3A_75 = arith.constant 8 : i32
        %mul3A_76 = arith.muli %mul3A_75, %scan3A_68 : i32
        %add3A_77 = arith.addi %mul3A_74, %mul3A_76 : i32
        %add3A_78 = arith.addi %add3A_77, %rem3A_59 : i32
        %mul3A_79 = arith.constant 256 : i32
        %mul3A_80 = arith.muli %select_n3A, %mul3A_79 : i32
        %add3A_81 = arith.addi %mul3A_80, %add3A_78 : i32
        %dma_start3A = arith.constant 0 : i32
        %dma_start3A_82 = tpu.memref_slice %arg4[%dma_start3A, %multiple_of3A] : memref<16x6016xf32, #tpu.memory_space<vmem>> -> memref<16x4096xf32, #tpu.memory_space<vmem>>
        %dma_start3A_83 = arith.constant 0 : i32
        %dma_start3A_84 = arith.constant 0 : i32
        %dma_start3A_85 = tpu.memref_slice %arg3[%add3A_81, %dma_start3A_83, %dma_start3A_84] : memref<4096x16x4096xf32, #tpu.memory_space<hbm>> -> memref<1x16x4096xf32, #tpu.memory_space<hbm>>
        %dma_start3A_86 = tpu.memref_squeeze %dma_start3A_85 : memref<1x16x4096xf32, #tpu.memory_space<hbm>> -> memref<16x4096xf32, #tpu.memory_space<hbm>>
        %dma_start3A_87 = arith.constant 0 : i32
        %dma_start3A_88 = arith.constant 0 : i32
        %dma_start3A_89 = tpu.memref_slice %arg3[%add3A_81, %dma_start3A_87, %dma_start3A_88] : memref<4096x16x4096xf32, #tpu.memory_space<hbm>> -> memref<1x16x4096xf32, #tpu.memory_space<hbm>>
        %dma_start3A_90 = tpu.memref_squeeze %dma_start3A_89 : memref<1x16x4096xf32, #tpu.memory_space<hbm>> -> memref<16x4096xf32, #tpu.memory_space<hbm>>
        %dma_start3A_91 = arith.constant 0 : i32
        %dma_start3A_92 = tpu.memref_slice %arg4[%dma_start3A_91, %multiple_of3A] : memref<16x6016xf32, #tpu.memory_space<vmem>> -> memref<16x4096xf32, #tpu.memory_space<vmem>>
        tpu.enqueue_dma source(%dma_start3A_92 : memref<16x4096xf32, #tpu.memory_space<vmem>>) target(%dma_start3A_90 : memref<16x4096xf32, #tpu.memory_space<hbm>>) target_semaphore(%arg5 : memref<!tpu.dma_semaphore, #tpu.memory_space<semaphore_mem>>)
      }
      %scan3A_67 = arith.constant 16 : i32
    }
    %scan3A_5 = arith.constant 8 : i32
    %scan3A_6 = arith.constant 0 : i32
    %scan3A_7 = arith.constant 0 : i32
    %scan3A_8 = arith.constant 16 : i32
    %scan3A_9 = arith.addi %scan3A_7, %scan3A_8 : i32
    %scan3A_10 = arith.constant 1 : i32
    scf.for %scan3A_12 = %scan3A_7 to %scan3A_9 step %scan3A_10  : i32 {
      %dma_wait3A = arith.constant 0 : i32
      %dma_wait3A_13 = arith.constant 0 : i32
      %dma_wait3A_14 = arith.constant 0 : i32
      %dma_wait3A_15 = tpu.memref_slice %arg4[%dma_wait3A_13, %dma_wait3A_14] : memref<16x6016xf32, #tpu.memory_space<vmem>> -> memref<16x4096xf32, #tpu.memory_space<vmem>>
      %dma_wait3A_16 = arith.constant 0 : i32
      %dma_wait3A_17 = arith.constant 0 : i32
      %dma_wait3A_18 = tpu.memref_slice %arg3[%dma_wait3A, %dma_wait3A_16, %dma_wait3A_17] : memref<4096x16x4096xf32, #tpu.memory_space<hbm>> -> memref<1x16x4096xf32, #tpu.memory_space<hbm>>
      %dma_wait3A_19 = tpu.memref_squeeze %dma_wait3A_18 : memref<1x16x4096xf32, #tpu.memory_space<hbm>> -> memref<16x4096xf32, #tpu.memory_space<hbm>>
      %dma_wait3A_20 = arith.constant 0 : i32
      %dma_wait3A_21 = arith.constant 0 : i32
      %dma_wait3A_22 = tpu.memref_slice %arg3[%dma_wait3A, %dma_wait3A_20, %dma_wait3A_21] : memref<4096x16x4096xf32, #tpu.memory_space<hbm>> -> memref<1x16x4096xf32, #tpu.memory_space<hbm>>
      %dma_wait3A_23 = tpu.memref_squeeze %dma_wait3A_22 : memref<1x16x4096xf32, #tpu.memory_space<hbm>> -> memref<16x4096xf32, #tpu.memory_space<hbm>>
      %dma_wait3A_24 = arith.constant 0 : i32
      %dma_wait3A_25 = arith.constant 0 : i32
      %dma_wait3A_26 = tpu.memref_slice %arg4[%dma_wait3A_24, %dma_wait3A_25] : memref<16x6016xf32, #tpu.memory_space<vmem>> -> memref<16x4096xf32, #tpu.memory_space<vmem>>
      tpu.wait_dma2 semaphore(%arg5 : memref<!tpu.dma_semaphore, #tpu.memory_space<semaphore_mem>>) src(%dma_wait3A_26 : memref<16x4096xf32, #tpu.memory_space<vmem>>) dst(%dma_wait3A_23 : memref<16x4096xf32, #tpu.memory_space<hbm>>)
    }
    %scan3A_11 = arith.constant 16 : i32
    return
  }
}

module attributes {stable_mosaic.version = 14 : i64} {
  func.func @_stage_body(%arg0: i32, %arg1: memref<1x1x32xf32, #tpu.memory_space<vmem>>, %arg2: memref<1x2x8x16x6016xf32, #tpu.memory_space<vmem>>) attributes {dimension_semantics = [#tpu.dimension_semantics<arbitrary>], iteration_bounds = array<i64: 16>, scalar_prefetch = 0 : i64, scratch_operands = 0 : i64, tpu.core_type = #tpu.core_type<tc>, window_params = [{transform_indices = @transform_0, window_bounds = array<i64: 1, 1, 32>}, {transform_indices = @transform_1, window_bounds = array<i64: 1, 2, 8, 16, 6016>}]} {
    %iota3A = tpu.iota {dimensions = array<i32: 1>} : vector<1x8192xi32>
    %sub3A = arith.constant 4095 : i32
    %sub3A_0 = vector.broadcast %sub3A : i32 to vector<1x8192xi32>
    %sub3A_1 = arith.subi %iota3A, %sub3A_0 : vector<1x8192xi32>
    %neg3A = arith.constant 0 : i32
    %neg3A_2 = vector.broadcast %neg3A : i32 to vector<1x8192xi32>
    %neg3A_3 = arith.subi %neg3A_2, %sub3A_1 : vector<1x8192xi32>
    %lt3A = arith.constant 0 : i32
    %lt3A_4 = vector.broadcast %lt3A : i32 to vector<1x8192xi32>
    %lt3A_5 = arith.cmpi slt, %neg3A_3, %lt3A_4 : vector<1x8192xi32>
    %jit3A = arith.constant 16 : i32
    %jit3A_6 = arith.constant 0 : i32
    %broadcast_in_dim3A = vector.broadcast %jit3A : i32 to vector<1x8192xi32>
    %broadcast_in_dim3A_7 = vector.broadcast %jit3A_6 : i32 to vector<1x8192xi32>
    %select_n3A = arith.select %lt3A_5, %broadcast_in_dim3A, %broadcast_in_dim3A_7 : vector<1x8192xi1>, vector<1x8192xi32>
    %abs3A = math.absi %neg3A_3 : vector<1x8192xi32>
    %lt3A_8 = arith.constant 8 : i32
    %lt3A_9 = vector.broadcast %lt3A_8 : i32 to vector<1x8192xi32>
    %lt3A_10 = arith.cmpi slt, %abs3A, %lt3A_9 : vector<1x8192xi32>
    %convert_element_type3A = arith.sitofp %abs3A : vector<1x8192xi32> to vector<1x8192xf32>
    %div3A = arith.constant 8.000000e+00 : f32
    %div3A_11 = vector.broadcast %div3A : f32 to vector<1x8192xf32>
    %div3A_12 = arith.divf %convert_element_type3A, %div3A_11 : vector<1x8192xf32>
    %log3A = math.log %div3A_12 : vector<1x8192xf32>
    %div3A_13 = arith.constant 2.77258873 : f32
    %div3A_14 = vector.broadcast %div3A_13 : f32 to vector<1x8192xf32>
    %div3A_15 = arith.divf %log3A, %div3A_14 : vector<1x8192xf32>
    %mul3A = arith.constant 8.000000e+00 : f32
    %mul3A_16 = vector.broadcast %mul3A : f32 to vector<1x8192xf32>
    %mul3A_17 = arith.mulf %div3A_15, %mul3A_16 : vector<1x8192xf32>
    %convert_element_type3A_18 = arith.fptosi %mul3A_17 : vector<1x8192xf32> to vector<1x8192xi32>
    %add3A = arith.constant 8 : i32
    %add3A_19 = vector.broadcast %add3A : i32 to vector<1x8192xi32>
    %add3A_20 = arith.addi %add3A_19, %convert_element_type3A_18 : vector<1x8192xi32>
    %min3A = arith.constant 15 : i32
    %min3A_21 = vector.broadcast %min3A : i32 to vector<1x8192xi32>
    %min3A_22 = arith.minsi %add3A_20, %min3A_21 : vector<1x8192xi32>
    %select_n3A_23 = arith.select %lt3A_10, %abs3A, %min3A_22 : vector<1x8192xi1>, vector<1x8192xi32>
    %add3A_24 = arith.addi %select_n3A, %select_n3A_23 : vector<1x8192xi32>
    %broadcast_in_dim3A_25 = arith.constant 0.000000e+00 : f32
    %broadcast_in_dim3A_26 = vector.broadcast %broadcast_in_dim3A_25 : f32 to vector<1x8192xf32>
    %eq3A = arith.constant 0 : i32
    %eq3A_27 = vector.broadcast %eq3A : i32 to vector<1x8192xi32>
    %eq3A_28 = arith.cmpi eq, %add3A_24, %eq3A_27 : vector<1x8192xi32>
    %get3A = arith.constant 0 : index
    %get3A_29 = arith.constant 0 : index
    %get3A_30 = arith.constant 0 : index
    %get3A_31 = vector.load %arg1[%get3A, %get3A_29, %get3A_30] : memref<1x1x32xf32, #tpu.memory_space<vmem>>, vector<1x1x1xf32>
    %get3A_32 = vector.extract %get3A_31[0, 0, 0] : f32 from vector<1x1x1xf32>
    %broadcast_in_dim3A_33 = vector.broadcast %get3A_32 : f32 to vector<1x8192xf32>
    %select_n3A_34 = arith.select %eq3A_28, %broadcast_in_dim3A_33, %broadcast_in_dim3A_26 : vector<1x8192xi1>, vector<1x8192xf32>
    %eq3A_35 = arith.constant 1 : i32
    %eq3A_36 = vector.broadcast %eq3A_35 : i32 to vector<1x8192xi32>
    %eq3A_37 = arith.cmpi eq, %add3A_24, %eq3A_36 : vector<1x8192xi32>
    %get3A_38 = arith.constant 0 : index
    %get3A_39 = arith.constant 0 : index
    %get3A_40 = arith.constant 1 : index
    %get3A_41 = vector.load %arg1[%get3A_38, %get3A_39, %get3A_40] : memref<1x1x32xf32, #tpu.memory_space<vmem>>, vector<1x1x1xf32>
    %get3A_42 = vector.extract %get3A_41[0, 0, 0] : f32 from vector<1x1x1xf32>
    %broadcast_in_dim3A_43 = vector.broadcast %get3A_42 : f32 to vector<1x8192xf32>
    %select_n3A_44 = arith.select %eq3A_37, %broadcast_in_dim3A_43, %select_n3A_34 : vector<1x8192xi1>, vector<1x8192xf32>
    %eq3A_45 = arith.constant 2 : i32
    %eq3A_46 = vector.broadcast %eq3A_45 : i32 to vector<1x8192xi32>
    %eq3A_47 = arith.cmpi eq, %add3A_24, %eq3A_46 : vector<1x8192xi32>
    %get3A_48 = arith.constant 0 : index
    %get3A_49 = arith.constant 0 : index
    %get3A_50 = arith.constant 2 : index
    %get3A_51 = vector.load %arg1[%get3A_48, %get3A_49, %get3A_50] : memref<1x1x32xf32, #tpu.memory_space<vmem>>, vector<1x1x1xf32>
    %get3A_52 = vector.extract %get3A_51[0, 0, 0] : f32 from vector<1x1x1xf32>
    %broadcast_in_dim3A_53 = vector.broadcast %get3A_52 : f32 to vector<1x8192xf32>
    %select_n3A_54 = arith.select %eq3A_47, %broadcast_in_dim3A_53, %select_n3A_44 : vector<1x8192xi1>, vector<1x8192xf32>
    %eq3A_55 = arith.constant 3 : i32
    %eq3A_56 = vector.broadcast %eq3A_55 : i32 to vector<1x8192xi32>
    %eq3A_57 = arith.cmpi eq, %add3A_24, %eq3A_56 : vector<1x8192xi32>
    %get3A_58 = arith.constant 0 : index
    %get3A_59 = arith.constant 0 : index
    %get3A_60 = arith.constant 3 : index
    %get3A_61 = vector.load %arg1[%get3A_58, %get3A_59, %get3A_60] : memref<1x1x32xf32, #tpu.memory_space<vmem>>, vector<1x1x1xf32>
    %get3A_62 = vector.extract %get3A_61[0, 0, 0] : f32 from vector<1x1x1xf32>
    %broadcast_in_dim3A_63 = vector.broadcast %get3A_62 : f32 to vector<1x8192xf32>
    %select_n3A_64 = arith.select %eq3A_57, %broadcast_in_dim3A_63, %select_n3A_54 : vector<1x8192xi1>, vector<1x8192xf32>
    %eq3A_65 = arith.constant 4 : i32
    %eq3A_66 = vector.broadcast %eq3A_65 : i32 to vector<1x8192xi32>
    %eq3A_67 = arith.cmpi eq, %add3A_24, %eq3A_66 : vector<1x8192xi32>
    %get3A_68 = arith.constant 0 : index
    %get3A_69 = arith.constant 0 : index
    %get3A_70 = arith.constant 4 : index
    %get3A_71 = vector.load %arg1[%get3A_68, %get3A_69, %get3A_70] : memref<1x1x32xf32, #tpu.memory_space<vmem>>, vector<1x1x1xf32>
    %get3A_72 = vector.extract %get3A_71[0, 0, 0] : f32 from vector<1x1x1xf32>
    %broadcast_in_dim3A_73 = vector.broadcast %get3A_72 : f32 to vector<1x8192xf32>
    %select_n3A_74 = arith.select %eq3A_67, %broadcast_in_dim3A_73, %select_n3A_64 : vector<1x8192xi1>, vector<1x8192xf32>
    %eq3A_75 = arith.constant 5 : i32
    %eq3A_76 = vector.broadcast %eq3A_75 : i32 to vector<1x8192xi32>
    %eq3A_77 = arith.cmpi eq, %add3A_24, %eq3A_76 : vector<1x8192xi32>
    %get3A_78 = arith.constant 0 : index
    %get3A_79 = arith.constant 0 : index
    %get3A_80 = arith.constant 5 : index
    %get3A_81 = vector.load %arg1[%get3A_78, %get3A_79, %get3A_80] : memref<1x1x32xf32, #tpu.memory_space<vmem>>, vector<1x1x1xf32>
    %get3A_82 = vector.extract %get3A_81[0, 0, 0] : f32 from vector<1x1x1xf32>
    %broadcast_in_dim3A_83 = vector.broadcast %get3A_82 : f32 to vector<1x8192xf32>
    %select_n3A_84 = arith.select %eq3A_77, %broadcast_in_dim3A_83, %select_n3A_74 : vector<1x8192xi1>, vector<1x8192xf32>
    %eq3A_85 = arith.constant 6 : i32
    %eq3A_86 = vector.broadcast %eq3A_85 : i32 to vector<1x8192xi32>
    %eq3A_87 = arith.cmpi eq, %add3A_24, %eq3A_86 : vector<1x8192xi32>
    %get3A_88 = arith.constant 0 : index
    %get3A_89 = arith.constant 0 : index
    %get3A_90 = arith.constant 6 : index
    %get3A_91 = vector.load %arg1[%get3A_88, %get3A_89, %get3A_90] : memref<1x1x32xf32, #tpu.memory_space<vmem>>, vector<1x1x1xf32>
    %get3A_92 = vector.extract %get3A_91[0, 0, 0] : f32 from vector<1x1x1xf32>
    %broadcast_in_dim3A_93 = vector.broadcast %get3A_92 : f32 to vector<1x8192xf32>
    %select_n3A_94 = arith.select %eq3A_87, %broadcast_in_dim3A_93, %select_n3A_84 : vector<1x8192xi1>, vector<1x8192xf32>
    %eq3A_95 = arith.constant 7 : i32
    %eq3A_96 = vector.broadcast %eq3A_95 : i32 to vector<1x8192xi32>
    %eq3A_97 = arith.cmpi eq, %add3A_24, %eq3A_96 : vector<1x8192xi32>
    %get3A_98 = arith.constant 0 : index
    %get3A_99 = arith.constant 0 : index
    %get3A_100 = arith.constant 7 : index
    %get3A_101 = vector.load %arg1[%get3A_98, %get3A_99, %get3A_100] : memref<1x1x32xf32, #tpu.memory_space<vmem>>, vector<1x1x1xf32>
    %get3A_102 = vector.extract %get3A_101[0, 0, 0] : f32 from vector<1x1x1xf32>
    %broadcast_in_dim3A_103 = vector.broadcast %get3A_102 : f32 to vector<1x8192xf32>
    %select_n3A_104 = arith.select %eq3A_97, %broadcast_in_dim3A_103, %select_n3A_94 : vector<1x8192xi1>, vector<1x8192xf32>
    %eq3A_105 = arith.constant 8 : i32
    %eq3A_106 = vector.broadcast %eq3A_105 : i32 to vector<1x8192xi32>
    %eq3A_107 = arith.cmpi eq, %add3A_24, %eq3A_106 : vector<1x8192xi32>
    %get3A_108 = arith.constant 0 : index
    %get3A_109 = arith.constant 0 : index
    %get3A_110 = arith.constant 8 : index
    %get3A_111 = vector.load %arg1[%get3A_108, %get3A_109, %get3A_110] : memref<1x1x32xf32, #tpu.memory_space<vmem>>, vector<1x1x1xf32>
    %get3A_112 = vector.extract %get3A_111[0, 0, 0] : f32 from vector<1x1x1xf32>
    %broadcast_in_dim3A_113 = vector.broadcast %get3A_112 : f32 to vector<1x8192xf32>
    %select_n3A_114 = arith.select %eq3A_107, %broadcast_in_dim3A_113, %select_n3A_104 : vector<1x8192xi1>, vector<1x8192xf32>
    %eq3A_115 = arith.constant 9 : i32
    %eq3A_116 = vector.broadcast %eq3A_115 : i32 to vector<1x8192xi32>
    %eq3A_117 = arith.cmpi eq, %add3A_24, %eq3A_116 : vector<1x8192xi32>
    %get3A_118 = arith.constant 0 : index
    %get3A_119 = arith.constant 0 : index
    %get3A_120 = arith.constant 9 : index
    %get3A_121 = vector.load %arg1[%get3A_118, %get3A_119, %get3A_120] : memref<1x1x32xf32, #tpu.memory_space<vmem>>, vector<1x1x1xf32>
    %get3A_122 = vector.extract %get3A_121[0, 0, 0] : f32 from vector<1x1x1xf32>
    %broadcast_in_dim3A_123 = vector.broadcast %get3A_122 : f32 to vector<1x8192xf32>
    %select_n3A_124 = arith.select %eq3A_117, %broadcast_in_dim3A_123, %select_n3A_114 : vector<1x8192xi1>, vector<1x8192xf32>
    %eq3A_125 = arith.constant 10 : i32
    %eq3A_126 = vector.broadcast %eq3A_125 : i32 to vector<1x8192xi32>
    %eq3A_127 = arith.cmpi eq, %add3A_24, %eq3A_126 : vector<1x8192xi32>
    %get3A_128 = arith.constant 0 : index
    %get3A_129 = arith.constant 0 : index
    %get3A_130 = arith.constant 10 : index
    %get3A_131 = vector.load %arg1[%get3A_128, %get3A_129, %get3A_130] : memref<1x1x32xf32, #tpu.memory_space<vmem>>, vector<1x1x1xf32>
    %get3A_132 = vector.extract %get3A_131[0, 0, 0] : f32 from vector<1x1x1xf32>
    %broadcast_in_dim3A_133 = vector.broadcast %get3A_132 : f32 to vector<1x8192xf32>
    %select_n3A_134 = arith.select %eq3A_127, %broadcast_in_dim3A_133, %select_n3A_124 : vector<1x8192xi1>, vector<1x8192xf32>
    %eq3A_135 = arith.constant 11 : i32
    %eq3A_136 = vector.broadcast %eq3A_135 : i32 to vector<1x8192xi32>
    %eq3A_137 = arith.cmpi eq, %add3A_24, %eq3A_136 : vector<1x8192xi32>
    %get3A_138 = arith.constant 0 : index
    %get3A_139 = arith.constant 0 : index
    %get3A_140 = arith.constant 11 : index
    %get3A_141 = vector.load %arg1[%get3A_138, %get3A_139, %get3A_140] : memref<1x1x32xf32, #tpu.memory_space<vmem>>, vector<1x1x1xf32>
    %get3A_142 = vector.extract %get3A_141[0, 0, 0] : f32 from vector<1x1x1xf32>
    %broadcast_in_dim3A_143 = vector.broadcast %get3A_142 : f32 to vector<1x8192xf32>
    %select_n3A_144 = arith.select %eq3A_137, %broadcast_in_dim3A_143, %select_n3A_134 : vector<1x8192xi1>, vector<1x8192xf32>
    %eq3A_145 = arith.constant 12 : i32
    %eq3A_146 = vector.broadcast %eq3A_145 : i32 to vector<1x8192xi32>
    %eq3A_147 = arith.cmpi eq, %add3A_24, %eq3A_146 : vector<1x8192xi32>
    %get3A_148 = arith.constant 0 : index
    %get3A_149 = arith.constant 0 : index
    %get3A_150 = arith.constant 12 : index
    %get3A_151 = vector.load %arg1[%get3A_148, %get3A_149, %get3A_150] : memref<1x1x32xf32, #tpu.memory_space<vmem>>, vector<1x1x1xf32>
    %get3A_152 = vector.extract %get3A_151[0, 0, 0] : f32 from vector<1x1x1xf32>
    %broadcast_in_dim3A_153 = vector.broadcast %get3A_152 : f32 to vector<1x8192xf32>
    %select_n3A_154 = arith.select %eq3A_147, %broadcast_in_dim3A_153, %select_n3A_144 : vector<1x8192xi1>, vector<1x8192xf32>
    %eq3A_155 = arith.constant 13 : i32
    %eq3A_156 = vector.broadcast %eq3A_155 : i32 to vector<1x8192xi32>
    %eq3A_157 = arith.cmpi eq, %add3A_24, %eq3A_156 : vector<1x8192xi32>
    %get3A_158 = arith.constant 0 : index
    %get3A_159 = arith.constant 0 : index
    %get3A_160 = arith.constant 13 : index
    %get3A_161 = vector.load %arg1[%get3A_158, %get3A_159, %get3A_160] : memref<1x1x32xf32, #tpu.memory_space<vmem>>, vector<1x1x1xf32>
    %get3A_162 = vector.extract %get3A_161[0, 0, 0] : f32 from vector<1x1x1xf32>
    %broadcast_in_dim3A_163 = vector.broadcast %get3A_162 : f32 to vector<1x8192xf32>
    %select_n3A_164 = arith.select %eq3A_157, %broadcast_in_dim3A_163, %select_n3A_154 : vector<1x8192xi1>, vector<1x8192xf32>
    %eq3A_165 = arith.constant 14 : i32
    %eq3A_166 = vector.broadcast %eq3A_165 : i32 to vector<1x8192xi32>
    %eq3A_167 = arith.cmpi eq, %add3A_24, %eq3A_166 : vector<1x8192xi32>
    %get3A_168 = arith.constant 0 : index
    %get3A_169 = arith.constant 0 : index
    %get3A_170 = arith.constant 14 : index
    %get3A_171 = vector.load %arg1[%get3A_168, %get3A_169, %get3A_170] : memref<1x1x32xf32, #tpu.memory_space<vmem>>, vector<1x1x1xf32>
    %get3A_172 = vector.extract %get3A_171[0, 0, 0] : f32 from vector<1x1x1xf32>
    %broadcast_in_dim3A_173 = vector.broadcast %get3A_172 : f32 to vector<1x8192xf32>
    %select_n3A_174 = arith.select %eq3A_167, %broadcast_in_dim3A_173, %select_n3A_164 : vector<1x8192xi1>, vector<1x8192xf32>
    %eq3A_175 = arith.constant 15 : i32
    %eq3A_176 = vector.broadcast %eq3A_175 : i32 to vector<1x8192xi32>
    %eq3A_177 = arith.cmpi eq, %add3A_24, %eq3A_176 : vector<1x8192xi32>
    %get3A_178 = arith.constant 0 : index
    %get3A_179 = arith.constant 0 : index
    %get3A_180 = arith.constant 15 : index
    %get3A_181 = vector.load %arg1[%get3A_178, %get3A_179, %get3A_180] : memref<1x1x32xf32, #tpu.memory_space<vmem>>, vector<1x1x1xf32>
    %get3A_182 = vector.extract %get3A_181[0, 0, 0] : f32 from vector<1x1x1xf32>
    %broadcast_in_dim3A_183 = vector.broadcast %get3A_182 : f32 to vector<1x8192xf32>
    %select_n3A_184 = arith.select %eq3A_177, %broadcast_in_dim3A_183, %select_n3A_174 : vector<1x8192xi1>, vector<1x8192xf32>
    %eq3A_185 = arith.constant 16 : i32
    %eq3A_186 = vector.broadcast %eq3A_185 : i32 to vector<1x8192xi32>
    %eq3A_187 = arith.cmpi eq, %add3A_24, %eq3A_186 : vector<1x8192xi32>
    %get3A_188 = arith.constant 0 : index
    %get3A_189 = arith.constant 0 : index
    %get3A_190 = arith.constant 16 : index
    %get3A_191 = vector.load %arg1[%get3A_188, %get3A_189, %get3A_190] : memref<1x1x32xf32, #tpu.memory_space<vmem>>, vector<1x1x1xf32>
    %get3A_192 = vector.extract %get3A_191[0, 0, 0] : f32 from vector<1x1x1xf32>
    %broadcast_in_dim3A_193 = vector.broadcast %get3A_192 : f32 to vector<1x8192xf32>
    %select_n3A_194 = arith.select %eq3A_187, %broadcast_in_dim3A_193, %select_n3A_184 : vector<1x8192xi1>, vector<1x8192xf32>
    %eq3A_195 = arith.constant 17 : i32
    %eq3A_196 = vector.broadcast %eq3A_195 : i32 to vector<1x8192xi32>
    %eq3A_197 = arith.cmpi eq, %add3A_24, %eq3A_196 : vector<1x8192xi32>
    %get3A_198 = arith.constant 0 : index
    %get3A_199 = arith.constant 0 : index
    %get3A_200 = arith.constant 17 : index
    %get3A_201 = vector.load %arg1[%get3A_198, %get3A_199, %get3A_200] : memref<1x1x32xf32, #tpu.memory_space<vmem>>, vector<1x1x1xf32>
    %get3A_202 = vector.extract %get3A_201[0, 0, 0] : f32 from vector<1x1x1xf32>
    %broadcast_in_dim3A_203 = vector.broadcast %get3A_202 : f32 to vector<1x8192xf32>
    %select_n3A_204 = arith.select %eq3A_197, %broadcast_in_dim3A_203, %select_n3A_194 : vector<1x8192xi1>, vector<1x8192xf32>
    %eq3A_205 = arith.constant 18 : i32
    %eq3A_206 = vector.broadcast %eq3A_205 : i32 to vector<1x8192xi32>
    %eq3A_207 = arith.cmpi eq, %add3A_24, %eq3A_206 : vector<1x8192xi32>
    %get3A_208 = arith.constant 0 : index
    %get3A_209 = arith.constant 0 : index
    %get3A_210 = arith.constant 18 : index
    %get3A_211 = vector.load %arg1[%get3A_208, %get3A_209, %get3A_210] : memref<1x1x32xf32, #tpu.memory_space<vmem>>, vector<1x1x1xf32>
    %get3A_212 = vector.extract %get3A_211[0, 0, 0] : f32 from vector<1x1x1xf32>
    %broadcast_in_dim3A_213 = vector.broadcast %get3A_212 : f32 to vector<1x8192xf32>
    %select_n3A_214 = arith.select %eq3A_207, %broadcast_in_dim3A_213, %select_n3A_204 : vector<1x8192xi1>, vector<1x8192xf32>
    %eq3A_215 = arith.constant 19 : i32
    %eq3A_216 = vector.broadcast %eq3A_215 : i32 to vector<1x8192xi32>
    %eq3A_217 = arith.cmpi eq, %add3A_24, %eq3A_216 : vector<1x8192xi32>
    %get3A_218 = arith.constant 0 : index
    %get3A_219 = arith.constant 0 : index
    %get3A_220 = arith.constant 19 : index
    %get3A_221 = vector.load %arg1[%get3A_218, %get3A_219, %get3A_220] : memref<1x1x32xf32, #tpu.memory_space<vmem>>, vector<1x1x1xf32>
    %get3A_222 = vector.extract %get3A_221[0, 0, 0] : f32 from vector<1x1x1xf32>
    %broadcast_in_dim3A_223 = vector.broadcast %get3A_222 : f32 to vector<1x8192xf32>
    %select_n3A_224 = arith.select %eq3A_217, %broadcast_in_dim3A_223, %select_n3A_214 : vector<1x8192xi1>, vector<1x8192xf32>
    %eq3A_225 = arith.constant 20 : i32
    %eq3A_226 = vector.broadcast %eq3A_225 : i32 to vector<1x8192xi32>
    %eq3A_227 = arith.cmpi eq, %add3A_24, %eq3A_226 : vector<1x8192xi32>
    %get3A_228 = arith.constant 0 : index
    %get3A_229 = arith.constant 0 : index
    %get3A_230 = arith.constant 20 : index
    %get3A_231 = vector.load %arg1[%get3A_228, %get3A_229, %get3A_230] : memref<1x1x32xf32, #tpu.memory_space<vmem>>, vector<1x1x1xf32>
    %get3A_232 = vector.extract %get3A_231[0, 0, 0] : f32 from vector<1x1x1xf32>
    %broadcast_in_dim3A_233 = vector.broadcast %get3A_232 : f32 to vector<1x8192xf32>
    %select_n3A_234 = arith.select %eq3A_227, %broadcast_in_dim3A_233, %select_n3A_224 : vector<1x8192xi1>, vector<1x8192xf32>
    %eq3A_235 = arith.constant 21 : i32
    %eq3A_236 = vector.broadcast %eq3A_235 : i32 to vector<1x8192xi32>
    %eq3A_237 = arith.cmpi eq, %add3A_24, %eq3A_236 : vector<1x8192xi32>
    %get3A_238 = arith.constant 0 : index
    %get3A_239 = arith.constant 0 : index
    %get3A_240 = arith.constant 21 : index
    %get3A_241 = vector.load %arg1[%get3A_238, %get3A_239, %get3A_240] : memref<1x1x32xf32, #tpu.memory_space<vmem>>, vector<1x1x1xf32>
    %get3A_242 = vector.extract %get3A_241[0, 0, 0] : f32 from vector<1x1x1xf32>
    %broadcast_in_dim3A_243 = vector.broadcast %get3A_242 : f32 to vector<1x8192xf32>
    %select_n3A_244 = arith.select %eq3A_237, %broadcast_in_dim3A_243, %select_n3A_234 : vector<1x8192xi1>, vector<1x8192xf32>
    %eq3A_245 = arith.constant 22 : i32
    %eq3A_246 = vector.broadcast %eq3A_245 : i32 to vector<1x8192xi32>
    %eq3A_247 = arith.cmpi eq, %add3A_24, %eq3A_246 : vector<1x8192xi32>
    %get3A_248 = arith.constant 0 : index
    %get3A_249 = arith.constant 0 : index
    %get3A_250 = arith.constant 22 : index
    %get3A_251 = vector.load %arg1[%get3A_248, %get3A_249, %get3A_250] : memref<1x1x32xf32, #tpu.memory_space<vmem>>, vector<1x1x1xf32>
    %get3A_252 = vector.extract %get3A_251[0, 0, 0] : f32 from vector<1x1x1xf32>
    %broadcast_in_dim3A_253 = vector.broadcast %get3A_252 : f32 to vector<1x8192xf32>
    %select_n3A_254 = arith.select %eq3A_247, %broadcast_in_dim3A_253, %select_n3A_244 : vector<1x8192xi1>, vector<1x8192xf32>
    %eq3A_255 = arith.constant 23 : i32
    %eq3A_256 = vector.broadcast %eq3A_255 : i32 to vector<1x8192xi32>
    %eq3A_257 = arith.cmpi eq, %add3A_24, %eq3A_256 : vector<1x8192xi32>
    %get3A_258 = arith.constant 0 : index
    %get3A_259 = arith.constant 0 : index
    %get3A_260 = arith.constant 23 : index
    %get3A_261 = vector.load %arg1[%get3A_258, %get3A_259, %get3A_260] : memref<1x1x32xf32, #tpu.memory_space<vmem>>, vector<1x1x1xf32>
    %get3A_262 = vector.extract %get3A_261[0, 0, 0] : f32 from vector<1x1x1xf32>
    %broadcast_in_dim3A_263 = vector.broadcast %get3A_262 : f32 to vector<1x8192xf32>
    %select_n3A_264 = arith.select %eq3A_257, %broadcast_in_dim3A_263, %select_n3A_254 : vector<1x8192xi1>, vector<1x8192xf32>
    %eq3A_265 = arith.constant 24 : i32
    %eq3A_266 = vector.broadcast %eq3A_265 : i32 to vector<1x8192xi32>
    %eq3A_267 = arith.cmpi eq, %add3A_24, %eq3A_266 : vector<1x8192xi32>
    %get3A_268 = arith.constant 0 : index
    %get3A_269 = arith.constant 0 : index
    %get3A_270 = arith.constant 24 : index
    %get3A_271 = vector.load %arg1[%get3A_268, %get3A_269, %get3A_270] : memref<1x1x32xf32, #tpu.memory_space<vmem>>, vector<1x1x1xf32>
    %get3A_272 = vector.extract %get3A_271[0, 0, 0] : f32 from vector<1x1x1xf32>
    %broadcast_in_dim3A_273 = vector.broadcast %get3A_272 : f32 to vector<1x8192xf32>
    %select_n3A_274 = arith.select %eq3A_267, %broadcast_in_dim3A_273, %select_n3A_264 : vector<1x8192xi1>, vector<1x8192xf32>
    %eq3A_275 = arith.constant 25 : i32
    %eq3A_276 = vector.broadcast %eq3A_275 : i32 to vector<1x8192xi32>
    %eq3A_277 = arith.cmpi eq, %add3A_24, %eq3A_276 : vector<1x8192xi32>
    %get3A_278 = arith.constant 0 : index
    %get3A_279 = arith.constant 0 : index
    %get3A_280 = arith.constant 25 : index
    %get3A_281 = vector.load %arg1[%get3A_278, %get3A_279, %get3A_280] : memref<1x1x32xf32, #tpu.memory_space<vmem>>, vector<1x1x1xf32>
    %get3A_282 = vector.extract %get3A_281[0, 0, 0] : f32 from vector<1x1x1xf32>
    %broadcast_in_dim3A_283 = vector.broadcast %get3A_282 : f32 to vector<1x8192xf32>
    %select_n3A_284 = arith.select %eq3A_277, %broadcast_in_dim3A_283, %select_n3A_274 : vector<1x8192xi1>, vector<1x8192xf32>
    %eq3A_285 = arith.constant 26 : i32
    %eq3A_286 = vector.broadcast %eq3A_285 : i32 to vector<1x8192xi32>
    %eq3A_287 = arith.cmpi eq, %add3A_24, %eq3A_286 : vector<1x8192xi32>
    %get3A_288 = arith.constant 0 : index
    %get3A_289 = arith.constant 0 : index
    %get3A_290 = arith.constant 26 : index
    %get3A_291 = vector.load %arg1[%get3A_288, %get3A_289, %get3A_290] : memref<1x1x32xf32, #tpu.memory_space<vmem>>, vector<1x1x1xf32>
    %get3A_292 = vector.extract %get3A_291[0, 0, 0] : f32 from vector<1x1x1xf32>
    %broadcast_in_dim3A_293 = vector.broadcast %get3A_292 : f32 to vector<1x8192xf32>
    %select_n3A_294 = arith.select %eq3A_287, %broadcast_in_dim3A_293, %select_n3A_284 : vector<1x8192xi1>, vector<1x8192xf32>
    %eq3A_295 = arith.constant 27 : i32
    %eq3A_296 = vector.broadcast %eq3A_295 : i32 to vector<1x8192xi32>
    %eq3A_297 = arith.cmpi eq, %add3A_24, %eq3A_296 : vector<1x8192xi32>
    %get3A_298 = arith.constant 0 : index
    %get3A_299 = arith.constant 0 : index
    %get3A_300 = arith.constant 27 : index
    %get3A_301 = vector.load %arg1[%get3A_298, %get3A_299, %get3A_300] : memref<1x1x32xf32, #tpu.memory_space<vmem>>, vector<1x1x1xf32>
    %get3A_302 = vector.extract %get3A_301[0, 0, 0] : f32 from vector<1x1x1xf32>
    %broadcast_in_dim3A_303 = vector.broadcast %get3A_302 : f32 to vector<1x8192xf32>
    %select_n3A_304 = arith.select %eq3A_297, %broadcast_in_dim3A_303, %select_n3A_294 : vector<1x8192xi1>, vector<1x8192xf32>
    %eq3A_305 = arith.constant 28 : i32
    %eq3A_306 = vector.broadcast %eq3A_305 : i32 to vector<1x8192xi32>
    %eq3A_307 = arith.cmpi eq, %add3A_24, %eq3A_306 : vector<1x8192xi32>
    %get3A_308 = arith.constant 0 : index
    %get3A_309 = arith.constant 0 : index
    %get3A_310 = arith.constant 28 : index
    %get3A_311 = vector.load %arg1[%get3A_308, %get3A_309, %get3A_310] : memref<1x1x32xf32, #tpu.memory_space<vmem>>, vector<1x1x1xf32>
    %get3A_312 = vector.extract %get3A_311[0, 0, 0] : f32 from vector<1x1x1xf32>
    %broadcast_in_dim3A_313 = vector.broadcast %get3A_312 : f32 to vector<1x8192xf32>
    %select_n3A_314 = arith.select %eq3A_307, %broadcast_in_dim3A_313, %select_n3A_304 : vector<1x8192xi1>, vector<1x8192xf32>
    %eq3A_315 = arith.constant 29 : i32
    %eq3A_316 = vector.broadcast %eq3A_315 : i32 to vector<1x8192xi32>
    %eq3A_317 = arith.cmpi eq, %add3A_24, %eq3A_316 : vector<1x8192xi32>
    %get3A_318 = arith.constant 0 : index
    %get3A_319 = arith.constant 0 : index
    %get3A_320 = arith.constant 29 : index
    %get3A_321 = vector.load %arg1[%get3A_318, %get3A_319, %get3A_320] : memref<1x1x32xf32, #tpu.memory_space<vmem>>, vector<1x1x1xf32>
    %get3A_322 = vector.extract %get3A_321[0, 0, 0] : f32 from vector<1x1x1xf32>
    %broadcast_in_dim3A_323 = vector.broadcast %get3A_322 : f32 to vector<1x8192xf32>
    %select_n3A_324 = arith.select %eq3A_317, %broadcast_in_dim3A_323, %select_n3A_314 : vector<1x8192xi1>, vector<1x8192xf32>
    %eq3A_325 = arith.constant 30 : i32
    %eq3A_326 = vector.broadcast %eq3A_325 : i32 to vector<1x8192xi32>
    %eq3A_327 = arith.cmpi eq, %add3A_24, %eq3A_326 : vector<1x8192xi32>
    %get3A_328 = arith.constant 0 : index
    %get3A_329 = arith.constant 0 : index
    %get3A_330 = arith.constant 30 : index
    %get3A_331 = vector.load %arg1[%get3A_328, %get3A_329, %get3A_330] : memref<1x1x32xf32, #tpu.memory_space<vmem>>, vector<1x1x1xf32>
    %get3A_332 = vector.extract %get3A_331[0, 0, 0] : f32 from vector<1x1x1xf32>
    %broadcast_in_dim3A_333 = vector.broadcast %get3A_332 : f32 to vector<1x8192xf32>
    %select_n3A_334 = arith.select %eq3A_327, %broadcast_in_dim3A_333, %select_n3A_324 : vector<1x8192xi1>, vector<1x8192xf32>
    %eq3A_335 = arith.constant 31 : i32
    %eq3A_336 = vector.broadcast %eq3A_335 : i32 to vector<1x8192xi32>
    %eq3A_337 = arith.cmpi eq, %add3A_24, %eq3A_336 : vector<1x8192xi32>
    %get3A_338 = arith.constant 0 : index
    %get3A_339 = arith.constant 0 : index
    %get3A_340 = arith.constant 31 : index
    %get3A_341 = vector.load %arg1[%get3A_338, %get3A_339, %get3A_340] : memref<1x1x32xf32, #tpu.memory_space<vmem>>, vector<1x1x1xf32>
    %get3A_342 = vector.extract %get3A_341[0, 0, 0] : f32 from vector<1x1x1xf32>
    %broadcast_in_dim3A_343 = vector.broadcast %get3A_342 : f32 to vector<1x8192xf32>
    %select_n3A_344 = arith.select %eq3A_337, %broadcast_in_dim3A_343, %select_n3A_334 : vector<1x8192xi1>, vector<1x8192xf32>
    %slice3A = vector.extract_strided_slice %select_n3A_344 {offsets = [0, 2175], sizes = [1, 6016], strides = [1, 1]} : vector<1x8192xf32> to vector<1x6016xf32>
    %squeeze3A = vector.shape_cast %slice3A : vector<1x6016xf32> to vector<6016xf32>
    %swap3A = arith.constant 0 : index
    %swap3A_345 = arith.constant 0 : index
    %swap3A_346 = arith.constant 0 : index
    %swap3A_347 = arith.constant 0 : index
    %swap3A_348 = arith.constant 0 : index
    %swap3A_349 = vector.load %arg2[%swap3A, %swap3A_345, %swap3A_346, %swap3A_347, %swap3A_348] : memref<1x2x8x16x6016xf32, #tpu.memory_space<vmem>>, vector<1x1x1x1x6016xf32>
    %swap3A_350 = vector.shape_cast %swap3A_349 : vector<1x1x1x1x6016xf32> to vector<6016xf32>
    %swap3A_351 = vector.shape_cast %squeeze3A : vector<6016xf32> to vector<1x1x1x1x6016xf32>
    tpu.vector_store %arg2[%swap3A, %swap3A_345, %swap3A_346, %swap3A_347, %swap3A_348], %swap3A_351 {strides = array<i32>} : memref<1x2x8x16x6016xf32, #tpu.memory_space<vmem>>, vector<1x1x1x1x6016xf32>,
    %slice3A_352 = vector.extract_strided_slice %select_n3A_344 {offsets = [0, 2174], sizes = [1, 6016], strides = [1, 1]} : vector<1x8192xf32> to vector<1x6016xf32>
    %squeeze3A_353 = vector.shape_cast %slice3A_352 : vector<1x6016xf32> to vector<6016xf32>
    %swap3A_354 = arith.constant 0 : index
    %swap3A_355 = arith.constant 0 : index
    %swap3A_356 = arith.constant 0 : index
    %swap3A_357 = arith.constant 1 : index
    %swap3A_358 = arith.constant 0 : index
    %swap3A_359 = vector.load %arg2[%swap3A_354, %swap3A_355, %swap3A_356, %swap3A_357, %swap3A_358] : memref<1x2x8x16x6016xf32, #tpu.memory_space<vmem>>, vector<1x1x1x1x6016xf32>
    %swap3A_360 = vector.shape_cast %swap3A_359 : vector<1x1x1x1x6016xf32> to vector<6016xf32>
    %swap3A_361 = vector.shape_cast %squeeze3A_353 : vector<6016xf32> to vector<1x1x1x1x6016xf32>
    tpu.vector_store %arg2[%swap3A_354, %swap3A_355, %swap3A_356, %swap3A_357, %swap3A_358], %swap3A_361 {strides = array<i32>} : memref<1x2x8x16x6016xf32, #tpu.memory_space<vmem>>, vector<1x1x1x1x6016xf32>,
    %slice3A_362 = vector.extract_strided_slice %select_n3A_344 {offsets = [0, 2173], sizes = [1, 6016], strides = [1, 1]} : vector<1x8192xf32> to vector<1x6016xf32>
    %squeeze3A_363 = vector.shape_cast %slice3A_362 : vector<1x6016xf32> to vector<6016xf32>
    %swap3A_364 = arith.constant 0 : index
    %swap3A_365 = arith.constant 0 : index
    %swap3A_366 = arith.constant 0 : index
    %swap3A_367 = arith.constant 2 : index
    %swap3A_368 = arith.constant 0 : index
    %swap3A_369 = vector.load %arg2[%swap3A_364, %swap3A_365, %swap3A_366, %swap3A_367, %swap3A_368] : memref<1x2x8x16x6016xf32, #tpu.memory_space<vmem>>, vector<1x1x1x1x6016xf32>
    %swap3A_370 = vector.shape_cast %swap3A_369 : vector<1x1x1x1x6016xf32> to vector<6016xf32>
    %swap3A_371 = vector.shape_cast %squeeze3A_363 : vector<6016xf32> to vector<1x1x1x1x6016xf32>
    tpu.vector_store %arg2[%swap3A_364, %swap3A_365, %swap3A_366, %swap3A_367, %swap3A_368], %swap3A_371 {strides = array<i32>} : memref<1x2x8x16x6016xf32, #tpu.memory_space<vmem>>, vector<1x1x1x1x6016xf32>,
    %slice3A_372 = vector.extract_strided_slice %select_n3A_344 {offsets = [0, 2172], sizes = [1, 6016], strides = [1, 1]} : vector<1x8192xf32> to vector<1x6016xf32>
    %squeeze3A_373 = vector.shape_cast %slice3A_372 : vector<1x6016xf32> to vector<6016xf32>
    %swap3A_374 = arith.constant 0 : index
    %swap3A_375 = arith.constant 0 : index
    %swap3A_376 = arith.constant 0 : index
    %swap3A_377 = arith.constant 3 : index
    %swap3A_378 = arith.constant 0 : index
    %swap3A_379 = vector.load %arg2[%swap3A_374, %swap3A_375, %swap3A_376, %swap3A_377, %swap3A_378] : memref<1x2x8x16x6016xf32, #tpu.memory_space<vmem>>, vector<1x1x1x1x6016xf32>
    %swap3A_380 = vector.shape_cast %swap3A_379 : vector<1x1x1x1x6016xf32> to vector<6016xf32>
    %swap3A_381 = vector.shape_cast %squeeze3A_373 : vector<6016xf32> to vector<1x1x1x1x6016xf32>
    tpu.vector_store %arg2[%swap3A_374, %swap3A_375, %swap3A_376, %swap3A_377, %swap3A_378], %swap3A_381 {strides = array<i32>} : memref<1x2x8x16x6016xf32, #tpu.memory_space<vmem>>, vector<1x1x1x1x6016xf32>,
    %slice3A_382 = vector.extract_strided_slice %select_n3A_344 {offsets = [0, 2171], sizes = [1, 6016], strides = [1, 1]} : vector<1x8192xf32> to vector<1x6016xf32>
    %squeeze3A_383 = vector.shape_cast %slice3A_382 : vector<1x6016xf32> to vector<6016xf32>
    %swap3A_384 = arith.constant 0 : index
    %swap3A_385 = arith.constant 0 : index
    %swap3A_386 = arith.constant 0 : index
    %swap3A_387 = arith.constant 4 : index
    %swap3A_388 = arith.constant 0 : index
    %swap3A_389 = vector.load %arg2[%swap3A_384, %swap3A_385, %swap3A_386, %swap3A_387, %swap3A_388] : memref<1x2x8x16x6016xf32, #tpu.memory_space<vmem>>, vector<1x1x1x1x6016xf32>
    %swap3A_390 = vector.shape_cast %swap3A_389 : vector<1x1x1x1x6016xf32> to vector<6016xf32>
    %swap3A_391 = vector.shape_cast %squeeze3A_383 : vector<6016xf32> to vector<1x1x1x1x6016xf32>
    tpu.vector_store %arg2[%swap3A_384, %swap3A_385, %swap3A_386, %swap3A_387, %swap3A_388], %swap3A_391 {strides = array<i32>} : memref<1x2x8x16x6016xf32, #tpu.memory_space<vmem>>, vector<1x1x1x1x6016xf32>,
    %slice3A_392 = vector.extract_strided_slice %select_n3A_344 {offsets = [0, 2170], sizes = [1, 6016], strides = [1, 1]} : vector<1x8192xf32> to vector<1x6016xf32>
    %squeeze3A_393 = vector.shape_cast %slice3A_392 : vector<1x6016xf32> to vector<6016xf32>
    %swap3A_394 = arith.constant 0 : index
    %swap3A_395 = arith.constant 0 : index
    %swap3A_396 = arith.constant 0 : index
    %swap3A_397 = arith.constant 5 : index
    %swap3A_398 = arith.constant 0 : index
    %swap3A_399 = vector.load %arg2[%swap3A_394, %swap3A_395, %swap3A_396, %swap3A_397, %swap3A_398] : memref<1x2x8x16x6016xf32, #tpu.memory_space<vmem>>, vector<1x1x1x1x6016xf32>
    %swap3A_400 = vector.shape_cast %swap3A_399 : vector<1x1x1x1x6016xf32> to vector<6016xf32>
    %swap3A_401 = vector.shape_cast %squeeze3A_393 : vector<6016xf32> to vector<1x1x1x1x6016xf32>
    tpu.vector_store %arg2[%swap3A_394, %swap3A_395, %swap3A_396, %swap3A_397, %swap3A_398], %swap3A_401 {strides = array<i32>} : memref<1x2x8x16x6016xf32, #tpu.memory_space<vmem>>, vector<1x1x1x1x6016xf32>,
    %slice3A_402 = vector.extract_strided_slice %select_n3A_344 {offsets = [0, 2169], sizes = [1, 6016], strides = [1, 1]} : vector<1x8192xf32> to vector<1x6016xf32>
    %squeeze3A_403 = vector.shape_cast %slice3A_402 : vector<1x6016xf32> to vector<6016xf32>
    %swap3A_404 = arith.constant 0 : index
    %swap3A_405 = arith.constant 0 : index
    %swap3A_406 = arith.constant 0 : index
    %swap3A_407 = arith.constant 6 : index
    %swap3A_408 = arith.constant 0 : index
    %swap3A_409 = vector.load %arg2[%swap3A_404, %swap3A_405, %swap3A_406, %swap3A_407, %swap3A_408] : memref<1x2x8x16x6016xf32, #tpu.memory_space<vmem>>, vector<1x1x1x1x6016xf32>
    %swap3A_410 = vector.shape_cast %swap3A_409 : vector<1x1x1x1x6016xf32> to vector<6016xf32>
    %swap3A_411 = vector.shape_cast %squeeze3A_403 : vector<6016xf32> to vector<1x1x1x1x6016xf32>
    tpu.vector_store %arg2[%swap3A_404, %swap3A_405, %swap3A_406, %swap3A_407, %swap3A_408], %swap3A_411 {strides = array<i32>} : memref<1x2x8x16x6016xf32, #tpu.memory_space<vmem>>, vector<1x1x1x1x6016xf32>,
    %slice3A_412 = vector.extract_strided_slice %select_n3A_344 {offsets = [0, 2168], sizes = [1, 6016], strides = [1, 1]} : vector<1x8192xf32> to vector<1x6016xf32>
    %squeeze3A_413 = vector.shape_cast %slice3A_412 : vector<1x6016xf32> to vector<6016xf32>
    %swap3A_414 = arith.constant 0 : index
    %swap3A_415 = arith.constant 0 : index
    %swap3A_416 = arith.constant 0 : index
    %swap3A_417 = arith.constant 7 : index
    %swap3A_418 = arith.constant 0 : index
    %swap3A_419 = vector.load %arg2[%swap3A_414, %swap3A_415, %swap3A_416, %swap3A_417, %swap3A_418] : memref<1x2x8x16x6016xf32, #tpu.memory_space<vmem>>, vector<1x1x1x1x6016xf32>
    %swap3A_420 = vector.shape_cast %swap3A_419 : vector<1x1x1x1x6016xf32> to vector<6016xf32>
    %swap3A_421 = vector.shape_cast %squeeze3A_413 : vector<6016xf32> to vector<1x1x1x1x6016xf32>
    tpu.vector_store %arg2[%swap3A_414, %swap3A_415, %swap3A_416, %swap3A_417, %swap3A_418], %swap3A_421 {strides = array<i32>} : memref<1x2x8x16x6016xf32, #tpu.memory_space<vmem>>, vector<1x1x1x1x6016xf32>,
    %slice3A_422 = vector.extract_strided_slice %select_n3A_344 {offsets = [0, 2167], sizes = [1, 6016], strides = [1, 1]} : vector<1x8192xf32> to vector<1x6016xf32>
    %squeeze3A_423 = vector.shape_cast %slice3A_422 : vector<1x6016xf32> to vector<6016xf32>
    %swap3A_424 = arith.constant 0 : index
    %swap3A_425 = arith.constant 0 : index
    %swap3A_426 = arith.constant 0 : index
    %swap3A_427 = arith.constant 8 : index
    %swap3A_428 = arith.constant 0 : index
    %swap3A_429 = vector.load %arg2[%swap3A_424, %swap3A_425, %swap3A_426, %swap3A_427, %swap3A_428] : memref<1x2x8x16x6016xf32, #tpu.memory_space<vmem>>, vector<1x1x1x1x6016xf32>
    %swap3A_430 = vector.shape_cast %swap3A_429 : vector<1x1x1x1x6016xf32> to vector<6016xf32>
    %swap3A_431 = vector.shape_cast %squeeze3A_423 : vector<6016xf32> to vector<1x1x1x1x6016xf32>
    tpu.vector_store %arg2[%swap3A_424, %swap3A_425, %swap3A_426, %swap3A_427, %swap3A_428], %swap3A_431 {strides = array<i32>} : memref<1x2x8x16x6016xf32, #tpu.memory_space<vmem>>, vector<1x1x1x1x6016xf32>,
    %slice3A_432 = vector.extract_strided_slice %select_n3A_344 {offsets = [0, 2166], sizes = [1, 6016], strides = [1, 1]} : vector<1x8192xf32> to vector<1x6016xf32>
    %squeeze3A_433 = vector.shape_cast %slice3A_432 : vector<1x6016xf32> to vector<6016xf32>
    %swap3A_434 = arith.constant 0 : index
    %swap3A_435 = arith.constant 0 : index
    %swap3A_436 = arith.constant 0 : index
    %swap3A_437 = arith.constant 9 : index
    %swap3A_438 = arith.constant 0 : index
    %swap3A_439 = vector.load %arg2[%swap3A_434, %swap3A_435, %swap3A_436, %swap3A_437, %swap3A_438] : memref<1x2x8x16x6016xf32, #tpu.memory_space<vmem>>, vector<1x1x1x1x6016xf32>
    %swap3A_440 = vector.shape_cast %swap3A_439 : vector<1x1x1x1x6016xf32> to vector<6016xf32>
    %swap3A_441 = vector.shape_cast %squeeze3A_433 : vector<6016xf32> to vector<1x1x1x1x6016xf32>
    tpu.vector_store %arg2[%swap3A_434, %swap3A_435, %swap3A_436, %swap3A_437, %swap3A_438], %swap3A_441 {strides = array<i32>} : memref<1x2x8x16x6016xf32, #tpu.memory_space<vmem>>, vector<1x1x1x1x6016xf32>,
    %slice3A_442 = vector.extract_strided_slice %select_n3A_344 {offsets = [0, 2165], sizes = [1, 6016], strides = [1, 1]} : vector<1x8192xf32> to vector<1x6016xf32>
    %squeeze3A_443 = vector.shape_cast %slice3A_442 : vector<1x6016xf32> to vector<6016xf32>
    %swap3A_444 = arith.constant 0 : index
    %swap3A_445 = arith.constant 0 : index
    %swap3A_446 = arith.constant 0 : index
    %swap3A_447 = arith.constant 10 : index
    %swap3A_448 = arith.constant 0 : index
    %swap3A_449 = vector.load %arg2[%swap3A_444, %swap3A_445, %swap3A_446, %swap3A_447, %swap3A_448] : memref<1x2x8x16x6016xf32, #tpu.memory_space<vmem>>, vector<1x1x1x1x6016xf32>
    %swap3A_450 = vector.shape_cast %swap3A_449 : vector<1x1x1x1x6016xf32> to vector<6016xf32>
    %swap3A_451 = vector.shape_cast %squeeze3A_443 : vector<6016xf32> to vector<1x1x1x1x6016xf32>
    tpu.vector_store %arg2[%swap3A_444, %swap3A_445, %swap3A_446, %swap3A_447, %swap3A_448], %swap3A_451 {strides = array<i32>} : memref<1x2x8x16x6016xf32, #tpu.memory_space<vmem>>, vector<1x1x1x1x6016xf32>,
    %slice3A_452 = vector.extract_strided_slice %select_n3A_344 {offsets = [0, 2164], sizes = [1, 6016], strides = [1, 1]} : vector<1x8192xf32> to vector<1x6016xf32>
    %squeeze3A_453 = vector.shape_cast %slice3A_452 : vector<1x6016xf32> to vector<6016xf32>
    %swap3A_454 = arith.constant 0 : index
    %swap3A_455 = arith.constant 0 : index
    %swap3A_456 = arith.constant 0 : index
    %swap3A_457 = arith.constant 11 : index
    %swap3A_458 = arith.constant 0 : index
    %swap3A_459 = vector.load %arg2[%swap3A_454, %swap3A_455, %swap3A_456, %swap3A_457, %swap3A_458] : memref<1x2x8x16x6016xf32, #tpu.memory_space<vmem>>, vector<1x1x1x1x6016xf32>
    %swap3A_460 = vector.shape_cast %swap3A_459 : vector<1x1x1x1x6016xf32> to vector<6016xf32>
    %swap3A_461 = vector.shape_cast %squeeze3A_453 : vector<6016xf32> to vector<1x1x1x1x6016xf32>
    tpu.vector_store %arg2[%swap3A_454, %swap3A_455, %swap3A_456, %swap3A_457, %swap3A_458], %swap3A_461 {strides = array<i32>} : memref<1x2x8x16x6016xf32, #tpu.memory_space<vmem>>, vector<1x1x1x1x6016xf32>,
    %slice3A_462 = vector.extract_strided_slice %select_n3A_344 {offsets = [0, 2163], sizes = [1, 6016], strides = [1, 1]} : vector<1x8192xf32> to vector<1x6016xf32>
    %squeeze3A_463 = vector.shape_cast %slice3A_462 : vector<1x6016xf32> to vector<6016xf32>
    %swap3A_464 = arith.constant 0 : index
    %swap3A_465 = arith.constant 0 : index
    %swap3A_466 = arith.constant 0 : index
    %swap3A_467 = arith.constant 12 : index
    %swap3A_468 = arith.constant 0 : index
    %swap3A_469 = vector.load %arg2[%swap3A_464, %swap3A_465, %swap3A_466, %swap3A_467, %swap3A_468] : memref<1x2x8x16x6016xf32, #tpu.memory_space<vmem>>, vector<1x1x1x1x6016xf32>
    %swap3A_470 = vector.shape_cast %swap3A_469 : vector<1x1x1x1x6016xf32> to vector<6016xf32>
    %swap3A_471 = vector.shape_cast %squeeze3A_463 : vector<6016xf32> to vector<1x1x1x1x6016xf32>
    tpu.vector_store %arg2[%swap3A_464, %swap3A_465, %swap3A_466, %swap3A_467, %swap3A_468], %swap3A_471 {strides = array<i32>} : memref<1x2x8x16x6016xf32, #tpu.memory_space<vmem>>, vector<1x1x1x1x6016xf32>,
    %slice3A_472 = vector.extract_strided_slice %select_n3A_344 {offsets = [0, 2162], sizes = [1, 6016], strides = [1, 1]} : vector<1x8192xf32> to vector<1x6016xf32>
    %squeeze3A_473 = vector.shape_cast %slice3A_472 : vector<1x6016xf32> to vector<6016xf32>
    %swap3A_474 = arith.constant 0 : index
    %swap3A_475 = arith.constant 0 : index
    %swap3A_476 = arith.constant 0 : index
    %swap3A_477 = arith.constant 13 : index
    %swap3A_478 = arith.constant 0 : index
    %swap3A_479 = vector.load %arg2[%swap3A_474, %swap3A_475, %swap3A_476, %swap3A_477, %swap3A_478] : memref<1x2x8x16x6016xf32, #tpu.memory_space<vmem>>, vector<1x1x1x1x6016xf32>
    %swap3A_480 = vector.shape_cast %swap3A_479 : vector<1x1x1x1x6016xf32> to vector<6016xf32>
    %swap3A_481 = vector.shape_cast %squeeze3A_473 : vector<6016xf32> to vector<1x1x1x1x6016xf32>
    tpu.vector_store %arg2[%swap3A_474, %swap3A_475, %swap3A_476, %swap3A_477, %swap3A_478], %swap3A_481 {strides = array<i32>} : memref<1x2x8x16x6016xf32, #tpu.memory_space<vmem>>, vector<1x1x1x1x6016xf32>,
    %slice3A_482 = vector.extract_strided_slice %select_n3A_344 {offsets = [0, 2161], sizes = [1, 6016], strides = [1, 1]} : vector<1x8192xf32> to vector<1x6016xf32>
    %squeeze3A_483 = vector.shape_cast %slice3A_482 : vector<1x6016xf32> to vector<6016xf32>
    %swap3A_484 = arith.constant 0 : index
    %swap3A_485 = arith.constant 0 : index
    %swap3A_486 = arith.constant 0 : index
    %swap3A_487 = arith.constant 14 : index
    %swap3A_488 = arith.constant 0 : index
    %swap3A_489 = vector.load %arg2[%swap3A_484, %swap3A_485, %swap3A_486, %swap3A_487, %swap3A_488] : memref<1x2x8x16x6016xf32, #tpu.memory_space<vmem>>, vector<1x1x1x1x6016xf32>
    %swap3A_490 = vector.shape_cast %swap3A_489 : vector<1x1x1x1x6016xf32> to vector<6016xf32>
    %swap3A_491 = vector.shape_cast %squeeze3A_483 : vector<6016xf32> to vector<1x1x1x1x6016xf32>
    tpu.vector_store %arg2[%swap3A_484, %swap3A_485, %swap3A_486, %swap3A_487, %swap3A_488], %swap3A_491 {strides = array<i32>} : memref<1x2x8x16x6016xf32, #tpu.memory_space<vmem>>, vector<1x1x1x1x6016xf32>,
    %slice3A_492 = vector.extract_strided_slice %select_n3A_344 {offsets = [0, 2160], sizes = [1, 6016], strides = [1, 1]} : vector<1x8192xf32> to vector<1x6016xf32>
    %squeeze3A_493 = vector.shape_cast %slice3A_492 : vector<1x6016xf32> to vector<6016xf32>
    %swap3A_494 = arith.constant 0 : index
    %swap3A_495 = arith.constant 0 : index
    %swap3A_496 = arith.constant 0 : index
    %swap3A_497 = arith.constant 15 : index
    %swap3A_498 = arith.constant 0 : index
    %swap3A_499 = vector.load %arg2[%swap3A_494, %swap3A_495, %swap3A_496, %swap3A_497, %swap3A_498] : memref<1x2x8x16x6016xf32, #tpu.memory_space<vmem>>, vector<1x1x1x1x6016xf32>
    %swap3A_500 = vector.shape_cast %swap3A_499 : vector<1x1x1x1x6016xf32> to vector<6016xf32>
    %swap3A_501 = vector.shape_cast %squeeze3A_493 : vector<6016xf32> to vector<1x1x1x1x6016xf32>
    tpu.vector_store %arg2[%swap3A_494, %swap3A_495, %swap3A_496, %swap3A_497, %swap3A_498], %swap3A_501 {strides = array<i32>} : memref<1x2x8x16x6016xf32, #tpu.memory_space<vmem>>, vector<1x1x1x1x6016xf32>,
    %slice3A_502 = vector.extract_strided_slice %select_n3A_344 {offsets = [0, 2159], sizes = [1, 6016], strides = [1, 1]} : vector<1x8192xf32> to vector<1x6016xf32>
    %squeeze3A_503 = vector.shape_cast %slice3A_502 : vector<1x6016xf32> to vector<6016xf32>
    %swap3A_504 = arith.constant 0 : index
    %swap3A_505 = arith.constant 0 : index
    %swap3A_506 = arith.constant 1 : index
    %swap3A_507 = arith.constant 0 : index
    %swap3A_508 = arith.constant 0 : index
    %swap3A_509 = vector.load %arg2[%swap3A_504, %swap3A_505, %swap3A_506, %swap3A_507, %swap3A_508] : memref<1x2x8x16x6016xf32, #tpu.memory_space<vmem>>, vector<1x1x1x1x6016xf32>
    %swap3A_510 = vector.shape_cast %swap3A_509 : vector<1x1x1x1x6016xf32> to vector<6016xf32>
    %swap3A_511 = vector.shape_cast %squeeze3A_503 : vector<6016xf32> to vector<1x1x1x1x6016xf32>
    tpu.vector_store %arg2[%swap3A_504, %swap3A_505, %swap3A_506, %swap3A_507, %swap3A_508], %swap3A_511 {strides = array<i32>} : memref<1x2x8x16x6016xf32, #tpu.memory_space<vmem>>, vector<1x1x1x1x6016xf32>,
    %slice3A_512 = vector.extract_strided_slice %select_n3A_344 {offsets = [0, 2158], sizes = [1, 6016], strides = [1, 1]} : vector<1x8192xf32> to vector<1x6016xf32>
    %squeeze3A_513 = vector.shape_cast %slice3A_512 : vector<1x6016xf32> to vector<6016xf32>
    %swap3A_514 = arith.constant 0 : index
    %swap3A_515 = arith.constant 0 : index
    %swap3A_516 = arith.constant 1 : index
    %swap3A_517 = arith.constant 1 : index
    %swap3A_518 = arith.constant 0 : index
    %swap3A_519 = vector.load %arg2[%swap3A_514, %swap3A_515, %swap3A_516, %swap3A_517, %swap3A_518] : memref<1x2x8x16x6016xf32, #tpu.memory_space<vmem>>, vector<1x1x1x1x6016xf32>
    %swap3A_520 = vector.shape_cast %swap3A_519 : vector<1x1x1x1x6016xf32> to vector<6016xf32>
    %swap3A_521 = vector.shape_cast %squeeze3A_513 : vector<6016xf32> to vector<1x1x1x1x6016xf32>
    tpu.vector_store %arg2[%swap3A_514, %swap3A_515, %swap3A_516, %swap3A_517, %swap3A_518], %swap3A_521 {strides = array<i32>} : memref<1x2x8x16x6016xf32, #tpu.memory_space<vmem>>, vector<1x1x1x1x6016xf32>,
    %slice3A_522 = vector.extract_strided_slice %select_n3A_344 {offsets = [0, 2157], sizes = [1, 6016], strides = [1, 1]} : vector<1x8192xf32> to vector<1x6016xf32>
    %squeeze3A_523 = vector.shape_cast %slice3A_522 : vector<1x6016xf32> to vector<6016xf32>
    %swap3A_524 = arith.constant 0 : index
    %swap3A_525 = arith.constant 0 : index
    %swap3A_526 = arith.constant 1 : index
    %swap3A_527 = arith.constant 2 : index
    %swap3A_528 = arith.constant 0 : index
    %swap3A_529 = vector.load %arg2[%swap3A_524, %swap3A_525, %swap3A_526, %swap3A_527, %swap3A_528] : memref<1x2x8x16x6016xf32, #tpu.memory_space<vmem>>, vector<1x1x1x1x6016xf32>
    %swap3A_530 = vector.shape_cast %swap3A_529 : vector<1x1x1x1x6016xf32> to vector<6016xf32>
    %swap3A_531 = vector.shape_cast %squeeze3A_523 : vector<6016xf32> to vector<1x1x1x1x6016xf32>
    tpu.vector_store %arg2[%swap3A_524, %swap3A_525, %swap3A_526, %swap3A_527, %swap3A_528], %swap3A_531 {strides = array<i32>} : memref<1x2x8x16x6016xf32, #tpu.memory_space<vmem>>, vector<1x1x1x1x6016xf32>,
    %slice3A_532 = vector.extract_strided_slice %select_n3A_344 {offsets = [0, 2156], sizes = [1, 6016], strides = [1, 1]} : vector<1x8192xf32> to vector<1x6016xf32>
    %squeeze3A_533 = vector.shape_cast %slice3A_532 : vector<1x6016xf32> to vector<6016xf32>
    %swap3A_534 = arith.constant 0 : index
    %swap3A_535 = arith.constant 0 : index
    %swap3A_536 = arith.constant 1 : index
    %swap3A_537 = arith.constant 3 : index
    %swap3A_538 = arith.constant 0 : index
    %swap3A_539 = vector.load %arg2[%swap3A_534, %swap3A_535, %swap3A_536, %swap3A_537, %swap3A_538] : memref<1x2x8x16x6016xf32, #tpu.memory_space<vmem>>, vector<1x1x1x1x6016xf32>
    %swap3A_540 = vector.shape_cast %swap3A_539 : vector<1x1x1x1x6016xf32> to vector<6016xf32>
    %swap3A_541 = vector.shape_cast %squeeze3A_533 : vector<6016xf32> to vector<1x1x1x1x6016xf32>
    tpu.vector_store %arg2[%swap3A_534, %swap3A_535, %swap3A_536, %swap3A_537, %swap3A_538], %swap3A_541 {strides = array<i32>} : memref<1x2x8x16x6016xf32, #tpu.memory_space<vmem>>, vector<1x1x1x1x6016xf32>,
    %slice3A_542 = vector.extract_strided_slice %select_n3A_344 {offsets = [0, 2155], sizes = [1, 6016], strides = [1, 1]} : vector<1x8192xf32> to vector<1x6016xf32>
    %squeeze3A_543 = vector.shape_cast %slice3A_542 : vector<1x6016xf32> to vector<6016xf32>
    %swap3A_544 = arith.constant 0 : index
    %swap3A_545 = arith.constant 0 : index
    %swap3A_546 = arith.constant 1 : index
    %swap3A_547 = arith.constant 4 : index
    %swap3A_548 = arith.constant 0 : index
    %swap3A_549 = vector.load %arg2[%swap3A_544, %swap3A_545, %swap3A_546, %swap3A_547, %swap3A_548] : memref<1x2x8x16x6016xf32, #tpu.memory_space<vmem>>, vector<1x1x1x1x6016xf32>
    %swap3A_550 = vector.shape_cast %swap3A_549 : vector<1x1x1x1x6016xf32> to vector<6016xf32>
    %swap3A_551 = vector.shape_cast %squeeze3A_543 : vector<6016xf32> to vector<1x1x1x1x6016xf32>
    tpu.vector_store %arg2[%swap3A_544, %swap3A_545, %swap3A_546, %swap3A_547, %swap3A_548], %swap3A_551 {strides = array<i32>} : memref<1x2x8x16x6016xf32, #tpu.memory_space<vmem>>, vector<1x1x1x1x6016xf32>,
    %slice3A_552 = vector.extract_strided_slice %select_n3A_344 {offsets = [0, 2154], sizes = [1, 6016], strides = [1, 1]} : vector<1x8192xf32> to vector<1x6016xf32>
    %squeeze3A_553 = vector.shape_cast %slice3A_552 : vector<1x6016xf32> to vector<6016xf32>
    %swap3A_554 = arith.constant 0 : index
    %swap3A_555 = arith.constant 0 : index
    %swap3A_556 = arith.constant 1 : index
    %swap3A_557 = arith.constant 5 : index
    %swap3A_558 = arith.constant 0 : index
    %swap3A_559 = vector.load %arg2[%swap3A_554, %swap3A_555, %swap3A_556, %swap3A_557, %swap3A_558] : memref<1x2x8x16x6016xf32, #tpu.memory_space<vmem>>, vector<1x1x1x1x6016xf32>
    %swap3A_560 = vector.shape_cast %swap3A_559 : vector<1x1x1x1x6016xf32> to vector<6016xf32>
    %swap3A_561 = vector.shape_cast %squeeze3A_553 : vector<6016xf32> to vector<1x1x1x1x6016xf32>
    tpu.vector_store %arg2[%swap3A_554, %swap3A_555, %swap3A_556, %swap3A_557, %swap3A_558], %swap3A_561 {strides = array<i32>} : memref<1x2x8x16x6016xf32, #tpu.memory_space<vmem>>, vector<1x1x1x1x6016xf32>,
    %slice3A_562 = vector.extract_strided_slice %select_n3A_344 {offsets = [0, 2153], sizes = [1, 6016], strides = [1, 1]} : vector<1x8192xf32> to vector<1x6016xf32>
    %squeeze3A_563 = vector.shape_cast %slice3A_562 : vector<1x6016xf32> to vector<6016xf32>
    %swap3A_564 = arith.constant 0 : index
    %swap3A_565 = arith.constant 0 : index
    %swap3A_566 = arith.constant 1 : index
    %swap3A_567 = arith.constant 6 : index
    %swap3A_568 = arith.constant 0 : index
    %swap3A_569 = vector.load %arg2[%swap3A_564, %swap3A_565, %swap3A_566, %swap3A_567, %swap3A_568] : memref<1x2x8x16x6016xf32, #tpu.memory_space<vmem>>, vector<1x1x1x1x6016xf32>
    %swap3A_570 = vector.shape_cast %swap3A_569 : vector<1x1x1x1x6016xf32> to vector<6016xf32>
    %swap3A_571 = vector.shape_cast %squeeze3A_563 : vector<6016xf32> to vector<1x1x1x1x6016xf32>
    tpu.vector_store %arg2[%swap3A_564, %swap3A_565, %swap3A_566, %swap3A_567, %swap3A_568], %swap3A_571 {strides = array<i32>} : memref<1x2x8x16x6016xf32, #tpu.memory_space<vmem>>, vector<1x1x1x1x6016xf32>,
    %slice3A_572 = vector.extract_strided_slice %select_n3A_344 {offsets = [0, 2152], sizes = [1, 6016], strides = [1, 1]} : vector<1x8192xf32> to vector<1x6016xf32>
    %squeeze3A_573 = vector.shape_cast %slice3A_572 : vector<1x6016xf32> to vector<6016xf32>
    %swap3A_574 = arith.constant 0 : index
    %swap3A_575 = arith.constant 0 : index
    %swap3A_576 = arith.constant 1 : index
    %swap3A_577 = arith.constant 7 : index
    %swap3A_578 = arith.constant 0 : index
    %swap3A_579 = vector.load %arg2[%swap3A_574, %swap3A_575, %swap3A_576, %swap3A_577, %swap3A_578] : memref<1x2x8x16x6016xf32, #tpu.memory_space<vmem>>, vector<1x1x1x1x6016xf32>
    %swap3A_580 = vector.shape_cast %swap3A_579 : vector<1x1x1x1x6016xf32> to vector<6016xf32>
    %swap3A_581 = vector.shape_cast %squeeze3A_573 : vector<6016xf32> to vector<1x1x1x1x6016xf32>
    tpu.vector_store %arg2[%swap3A_574, %swap3A_575, %swap3A_576, %swap3A_577, %swap3A_578], %swap3A_581 {strides = array<i32>} : memref<1x2x8x16x6016xf32, #tpu.memory_space<vmem>>, vector<1x1x1x1x6016xf32>,
    %slice3A_582 = vector.extract_strided_slice %select_n3A_344 {offsets = [0, 2151], sizes = [1, 6016], strides = [1, 1]} : vector<1x8192xf32> to vector<1x6016xf32>
    %squeeze3A_583 = vector.shape_cast %slice3A_582 : vector<1x6016xf32> to vector<6016xf32>
    %swap3A_584 = arith.constant 0 : index
    %swap3A_585 = arith.constant 0 : index
    %swap3A_586 = arith.constant 1 : index
    %swap3A_587 = arith.constant 8 : index
    %swap3A_588 = arith.constant 0 : index
    %swap3A_589 = vector.load %arg2[%swap3A_584, %swap3A_585, %swap3A_586, %swap3A_587, %swap3A_588] : memref<1x2x8x16x6016xf32, #tpu.memory_space<vmem>>, vector<1x1x1x1x6016xf32>
    %swap3A_590 = vector.shape_cast %swap3A_589 : vector<1x1x1x1x6016xf32> to vector<6016xf32>
    %swap3A_591 = vector.shape_cast %squeeze3A_583 : vector<6016xf32> to vector<1x1x1x1x6016xf32>
    tpu.vector_store %arg2[%swap3A_584, %swap3A_585, %swap3A_586, %swap3A_587, %swap3A_588], %swap3A_591 {strides = array<i32>} : memref<1x2x8x16x6016xf32, #tpu.memory_space<vmem>>, vector<1x1x1x1x6016xf32>,
    %slice3A_592 = vector.extract_strided_slice %select_n3A_344 {offsets = [0, 2150], sizes = [1, 6016], strides = [1, 1]} : vector<1x8192xf32> to vector<1x6016xf32>
    %squeeze3A_593 = vector.shape_cast %slice3A_592 : vector<1x6016xf32> to vector<6016xf32>
    %swap3A_594 = arith.constant 0 : index
    %swap3A_595 = arith.constant 0 : index
    %swap3A_596 = arith.constant 1 : index
    %swap3A_597 = arith.constant 9 : index
    %swap3A_598 = arith.constant 0 : index
    %swap3A_599 = vector.load %arg2[%swap3A_594, %swap3A_595, %swap3A_596, %swap3A_597, %swap3A_598] : memref<1x2x8x16x6016xf32, #tpu.memory_space<vmem>>, vector<1x1x1x1x6016xf32>
    %swap3A_600 = vector.shape_cast %swap3A_599 : vector<1x1x1x1x6016xf32> to vector<6016xf32>
    %swap3A_601 = vector.shape_cast %squeeze3A_593 : vector<6016xf32> to vector<1x1x1x1x6016xf32>
    tpu.vector_store %arg2[%swap3A_594, %swap3A_595, %swap3A_596, %swap3A_597, %swap3A_598], %swap3A_601 {strides = array<i32>} : memref<1x2x8x16x6016xf32, #tpu.memory_space<vmem>>, vector<1x1x1x1x6016xf32>,
    %slice3A_602 = vector.extract_strided_slice %select_n3A_344 {offsets = [0, 2149], sizes = [1, 6016], strides = [1, 1]} : vector<1x8192xf32> to vector<1x6016xf32>
    %squeeze3A_603 = vector.shape_cast %slice3A_602 : vector<1x6016xf32> to vector<6016xf32>
    %swap3A_604 = arith.constant 0 : index
    %swap3A_605 = arith.constant 0 : index
    %swap3A_606 = arith.constant 1 : index
    %swap3A_607 = arith.constant 10 : index
    %swap3A_608 = arith.constant 0 : index
    %swap3A_609 = vector.load %arg2[%swap3A_604, %swap3A_605, %swap3A_606, %swap3A_607, %swap3A_608] : memref<1x2x8x16x6016xf32, #tpu.memory_space<vmem>>, vector<1x1x1x1x6016xf32>
    %swap3A_610 = vector.shape_cast %swap3A_609 : vector<1x1x1x1x6016xf32> to vector<6016xf32>
    %swap3A_611 = vector.shape_cast %squeeze3A_603 : vector<6016xf32> to vector<1x1x1x1x6016xf32>
    tpu.vector_store %arg2[%swap3A_604, %swap3A_605, %swap3A_606, %swap3A_607, %swap3A_608], %swap3A_611 {strides = array<i32>} : memref<1x2x8x16x6016xf32, #tpu.memory_space<vmem>>, vector<1x1x1x1x6016xf32>,
    %slice3A_612 = vector.extract_strided_slice %select_n3A_344 {offsets = [0, 2148], sizes = [1, 6016], strides = [1, 1]} : vector<1x8192xf32> to vector<1x6016xf32>
    %squeeze3A_613 = vector.shape_cast %slice3A_612 : vector<1x6016xf32> to vector<6016xf32>
    %swap3A_614 = arith.constant 0 : index
    %swap3A_615 = arith.constant 0 : index
    %swap3A_616 = arith.constant 1 : index
    %swap3A_617 = arith.constant 11 : index
    %swap3A_618 = arith.constant 0 : index
    %swap3A_619 = vector.load %arg2[%swap3A_614, %swap3A_615, %swap3A_616, %swap3A_617, %swap3A_618] : memref<1x2x8x16x6016xf32, #tpu.memory_space<vmem>>, vector<1x1x1x1x6016xf32>
    %swap3A_620 = vector.shape_cast %swap3A_619 : vector<1x1x1x1x6016xf32> to vector<6016xf32>
    %swap3A_621 = vector.shape_cast %squeeze3A_613 : vector<6016xf32> to vector<1x1x1x1x6016xf32>
    tpu.vector_store %arg2[%swap3A_614, %swap3A_615, %swap3A_616, %swap3A_617, %swap3A_618], %swap3A_621 {strides = array<i32>} : memref<1x2x8x16x6016xf32, #tpu.memory_space<vmem>>, vector<1x1x1x1x6016xf32>,
    %slice3A_622 = vector.extract_strided_slice %select_n3A_344 {offsets = [0, 2147], sizes = [1, 6016], strides = [1, 1]} : vector<1x8192xf32> to vector<1x6016xf32>
    %squeeze3A_623 = vector.shape_cast %slice3A_622 : vector<1x6016xf32> to vector<6016xf32>
    %swap3A_624 = arith.constant 0 : index
    %swap3A_625 = arith.constant 0 : index
    %swap3A_626 = arith.constant 1 : index
    %swap3A_627 = arith.constant 12 : index
    %swap3A_628 = arith.constant 0 : index
    %swap3A_629 = vector.load %arg2[%swap3A_624, %swap3A_625, %swap3A_626, %swap3A_627, %swap3A_628] : memref<1x2x8x16x6016xf32, #tpu.memory_space<vmem>>, vector<1x1x1x1x6016xf32>
    %swap3A_630 = vector.shape_cast %swap3A_629 : vector<1x1x1x1x6016xf32> to vector<6016xf32>
    %swap3A_631 = vector.shape_cast %squeeze3A_623 : vector<6016xf32> to vector<1x1x1x1x6016xf32>
    tpu.vector_store %arg2[%swap3A_624, %swap3A_625, %swap3A_626, %swap3A_627, %swap3A_628], %swap3A_631 {strides = array<i32>} : memref<1x2x8x16x6016xf32, #tpu.memory_space<vmem>>, vector<1x1x1x1x6016xf32>,
    %slice3A_632 = vector.extract_strided_slice %select_n3A_344 {offsets = [0, 2146], sizes = [1, 6016], strides = [1, 1]} : vector<1x8192xf32> to vector<1x6016xf32>
    %squeeze3A_633 = vector.shape_cast %slice3A_632 : vector<1x6016xf32> to vector<6016xf32>
    %swap3A_634 = arith.constant 0 : index
    %swap3A_635 = arith.constant 0 : index
    %swap3A_636 = arith.constant 1 : index
    %swap3A_637 = arith.constant 13 : index
    %swap3A_638 = arith.constant 0 : index
    %swap3A_639 = vector.load %arg2[%swap3A_634, %swap3A_635, %swap3A_636, %swap3A_637, %swap3A_638] : memref<1x2x8x16x6016xf32, #tpu.memory_space<vmem>>, vector<1x1x1x1x6016xf32>
    %swap3A_640 = vector.shape_cast %swap3A_639 : vector<1x1x1x1x6016xf32> to vector<6016xf32>
    %swap3A_641 = vector.shape_cast %squeeze3A_633 : vector<6016xf32> to vector<1x1x1x1x6016xf32>
    tpu.vector_store %arg2[%swap3A_634, %swap3A_635, %swap3A_636, %swap3A_637, %swap3A_638], %swap3A_641 {strides = array<i32>} : memref<1x2x8x16x6016xf32, #tpu.memory_space<vmem>>, vector<1x1x1x1x6016xf32>,
    %slice3A_642 = vector.extract_strided_slice %select_n3A_344 {offsets = [0, 2145], sizes = [1, 6016], strides = [1, 1]} : vector<1x8192xf32> to vector<1x6016xf32>
    %squeeze3A_643 = vector.shape_cast %slice3A_642 : vector<1x6016xf32> to vector<6016xf32>
    %swap3A_644 = arith.constant 0 : index
    %swap3A_645 = arith.constant 0 : index
    %swap3A_646 = arith.constant 1 : index
    %swap3A_647 = arith.constant 14 : index
    %swap3A_648 = arith.constant 0 : index
    %swap3A_649 = vector.load %arg2[%swap3A_644, %swap3A_645, %swap3A_646, %swap3A_647, %swap3A_648] : memref<1x2x8x16x6016xf32, #tpu.memory_space<vmem>>, vector<1x1x1x1x6016xf32>
    %swap3A_650 = vector.shape_cast %swap3A_649 : vector<1x1x1x1x6016xf32> to vector<6016xf32>
    %swap3A_651 = vector.shape_cast %squeeze3A_643 : vector<6016xf32> to vector<1x1x1x1x6016xf32>
    tpu.vector_store %arg2[%swap3A_644, %swap3A_645, %swap3A_646, %swap3A_647, %swap3A_648], %swap3A_651 {strides = array<i32>} : memref<1x2x8x16x6016xf32, #tpu.memory_space<vmem>>, vector<1x1x1x1x6016xf32>,
    %slice3A_652 = vector.extract_strided_slice %select_n3A_344 {offsets = [0, 2144], sizes = [1, 6016], strides = [1, 1]} : vector<1x8192xf32> to vector<1x6016xf32>
    %squeeze3A_653 = vector.shape_cast %slice3A_652 : vector<1x6016xf32> to vector<6016xf32>
    %swap3A_654 = arith.constant 0 : index
    %swap3A_655 = arith.constant 0 : index
    %swap3A_656 = arith.constant 1 : index
    %swap3A_657 = arith.constant 15 : index
    %swap3A_658 = arith.constant 0 : index
    %swap3A_659 = vector.load %arg2[%swap3A_654, %swap3A_655, %swap3A_656, %swap3A_657, %swap3A_658] : memref<1x2x8x16x6016xf32, #tpu.memory_space<vmem>>, vector<1x1x1x1x6016xf32>
    %swap3A_660 = vector.shape_cast %swap3A_659 : vector<1x1x1x1x6016xf32> to vector<6016xf32>
    %swap3A_661 = vector.shape_cast %squeeze3A_653 : vector<6016xf32> to vector<1x1x1x1x6016xf32>
    tpu.vector_store %arg2[%swap3A_654, %swap3A_655, %swap3A_656, %swap3A_657, %swap3A_658], %swap3A_661 {strides = array<i32>} : memref<1x2x8x16x6016xf32, #tpu.memory_space<vmem>>, vector<1x1x1x1x6016xf32>,
    %slice3A_662 = vector.extract_strided_slice %select_n3A_344 {offsets = [0, 2143], sizes = [1, 6016], strides = [1, 1]} : vector<1x8192xf32> to vector<1x6016xf32>
    %squeeze3A_663 = vector.shape_cast %slice3A_662 : vector<1x6016xf32> to vector<6016xf32>
    %swap3A_664 = arith.constant 0 : index
    %swap3A_665 = arith.constant 0 : index
    %swap3A_666 = arith.constant 2 : index
    %swap3A_667 = arith.constant 0 : index
    %swap3A_668 = arith.constant 0 : index
    %swap3A_669 = vector.load %arg2[%swap3A_664, %swap3A_665, %swap3A_666, %swap3A_667, %swap3A_668] : memref<1x2x8x16x6016xf32, #tpu.memory_space<vmem>>, vector<1x1x1x1x6016xf32>
    %swap3A_670 = vector.shape_cast %swap3A_669 : vector<1x1x1x1x6016xf32> to vector<6016xf32>
    %swap3A_671 = vector.shape_cast %squeeze3A_663 : vector<6016xf32> to vector<1x1x1x1x6016xf32>
    tpu.vector_store %arg2[%swap3A_664, %swap3A_665, %swap3A_666, %swap3A_667, %swap3A_668], %swap3A_671 {strides = array<i32>} : memref<1x2x8x16x6016xf32, #tpu.memory_space<vmem>>, vector<1x1x1x1x6016xf32>,
    %slice3A_672 = vector.extract_strided_slice %select_n3A_344 {offsets = [0, 2142], sizes = [1, 6016], strides = [1, 1]} : vector<1x8192xf32> to vector<1x6016xf32>
    %squeeze3A_673 = vector.shape_cast %slice3A_672 : vector<1x6016xf32> to vector<6016xf32>
    %swap3A_674 = arith.constant 0 : index
    %swap3A_675 = arith.constant 0 : index
    %swap3A_676 = arith.constant 2 : index
    %swap3A_677 = arith.constant 1 : index
    %swap3A_678 = arith.constant 0 : index
    %swap3A_679 = vector.load %arg2[%swap3A_674, %swap3A_675, %swap3A_676, %swap3A_677, %swap3A_678] : memref<1x2x8x16x6016xf32, #tpu.memory_space<vmem>>, vector<1x1x1x1x6016xf32>
    %swap3A_680 = vector.shape_cast %swap3A_679 : vector<1x1x1x1x6016xf32> to vector<6016xf32>
    %swap3A_681 = vector.shape_cast %squeeze3A_673 : vector<6016xf32> to vector<1x1x1x1x6016xf32>
    tpu.vector_store %arg2[%swap3A_674, %swap3A_675, %swap3A_676, %swap3A_677, %swap3A_678], %swap3A_681 {strides = array<i32>} : memref<1x2x8x16x6016xf32, #tpu.memory_space<vmem>>, vector<1x1x1x1x6016xf32>,
    %slice3A_682 = vector.extract_strided_slice %select_n3A_344 {offsets = [0, 2141], sizes = [1, 6016], strides = [1, 1]} : vector<1x8192xf32> to vector<1x6016xf32>
    %squeeze3A_683 = vector.shape_cast %slice3A_682 : vector<1x6016xf32> to vector<6016xf32>
    %swap3A_684 = arith.constant 0 : index
    %swap3A_685 = arith.constant 0 : index
    %swap3A_686 = arith.constant 2 : index
    %swap3A_687 = arith.constant 2 : index
    %swap3A_688 = arith.constant 0 : index
    %swap3A_689 = vector.load %arg2[%swap3A_684, %swap3A_685, %swap3A_686, %swap3A_687, %swap3A_688] : memref<1x2x8x16x6016xf32, #tpu.memory_space<vmem>>, vector<1x1x1x1x6016xf32>
    %swap3A_690 = vector.shape_cast %swap3A_689 : vector<1x1x1x1x6016xf32> to vector<6016xf32>
    %swap3A_691 = vector.shape_cast %squeeze3A_683 : vector<6016xf32> to vector<1x1x1x1x6016xf32>
    tpu.vector_store %arg2[%swap3A_684, %swap3A_685, %swap3A_686, %swap3A_687, %swap3A_688], %swap3A_691 {strides = array<i32>} : memref<1x2x8x16x6016xf32, #tpu.memory_space<vmem>>, vector<1x1x1x1x6016xf32>,
    %slice3A_692 = vector.extract_strided_slice %select_n3A_344 {offsets = [0, 2140], sizes = [1, 6016], strides = [1, 1]} : vector<1x8192xf32> to vector<1x6016xf32>
    %squeeze3A_693 = vector.shape_cast %slice3A_692 : vector<1x6016xf32> to vector<6016xf32>
    %swap3A_694 = arith.constant 0 : index
    %swap3A_695 = arith.constant 0 : index
    %swap3A_696 = arith.constant 2 : index
    %swap3A_697 = arith.constant 3 : index
    %swap3A_698 = arith.constant 0 : index
    %swap3A_699 = vector.load %arg2[%swap3A_694, %swap3A_695, %swap3A_696, %swap3A_697, %swap3A_698] : memref<1x2x8x16x6016xf32, #tpu.memory_space<vmem>>, vector<1x1x1x1x6016xf32>
    %swap3A_700 = vector.shape_cast %swap3A_699 : vector<1x1x1x1x6016xf32> to vector<6016xf32>
    %swap3A_701 = vector.shape_cast %squeeze3A_693 : vector<6016xf32> to vector<1x1x1x1x6016xf32>
    tpu.vector_store %arg2[%swap3A_694, %swap3A_695, %swap3A_696, %swap3A_697, %swap3A_698], %swap3A_701 {strides = array<i32>} : memref<1x2x8x16x6016xf32, #tpu.memory_space<vmem>>, vector<1x1x1x1x6016xf32>,
    %slice3A_702 = vector.extract_strided_slice %select_n3A_344 {offsets = [0, 2139], sizes = [1, 6016], strides = [1, 1]} : vector<1x8192xf32> to vector<1x6016xf32>
    %squeeze3A_703 = vector.shape_cast %slice3A_702 : vector<1x6016xf32> to vector<6016xf32>
    %swap3A_704 = arith.constant 0 : index
    %swap3A_705 = arith.constant 0 : index
    %swap3A_706 = arith.constant 2 : index
    %swap3A_707 = arith.constant 4 : index
    %swap3A_708 = arith.constant 0 : index
    %swap3A_709 = vector.load %arg2[%swap3A_704, %swap3A_705, %swap3A_706, %swap3A_707, %swap3A_708] : memref<1x2x8x16x6016xf32, #tpu.memory_space<vmem>>, vector<1x1x1x1x6016xf32>
    %swap3A_710 = vector.shape_cast %swap3A_709 : vector<1x1x1x1x6016xf32> to vector<6016xf32>
    %swap3A_711 = vector.shape_cast %squeeze3A_703 : vector<6016xf32> to vector<1x1x1x1x6016xf32>
    tpu.vector_store %arg2[%swap3A_704, %swap3A_705, %swap3A_706, %swap3A_707, %swap3A_708], %swap3A_711 {strides = array<i32>} : memref<1x2x8x16x6016xf32, #tpu.memory_space<vmem>>, vector<1x1x1x1x6016xf32>,
    %slice3A_712 = vector.extract_strided_slice %select_n3A_344 {offsets = [0, 2138], sizes = [1, 6016], strides = [1, 1]} : vector<1x8192xf32> to vector<1x6016xf32>
    %squeeze3A_713 = vector.shape_cast %slice3A_712 : vector<1x6016xf32> to vector<6016xf32>
    %swap3A_714 = arith.constant 0 : index
    %swap3A_715 = arith.constant 0 : index
    %swap3A_716 = arith.constant 2 : index
    %swap3A_717 = arith.constant 5 : index
    %swap3A_718 = arith.constant 0 : index
    %swap3A_719 = vector.load %arg2[%swap3A_714, %swap3A_715, %swap3A_716, %swap3A_717, %swap3A_718] : memref<1x2x8x16x6016xf32, #tpu.memory_space<vmem>>, vector<1x1x1x1x6016xf32>
    %swap3A_720 = vector.shape_cast %swap3A_719 : vector<1x1x1x1x6016xf32> to vector<6016xf32>
    %swap3A_721 = vector.shape_cast %squeeze3A_713 : vector<6016xf32> to vector<1x1x1x1x6016xf32>
    tpu.vector_store %arg2[%swap3A_714, %swap3A_715, %swap3A_716, %swap3A_717, %swap3A_718], %swap3A_721 {strides = array<i32>} : memref<1x2x8x16x6016xf32, #tpu.memory_space<vmem>>, vector<1x1x1x1x6016xf32>,
    %slice3A_722 = vector.extract_strided_slice %select_n3A_344 {offsets = [0, 2137], sizes = [1, 6016], strides = [1, 1]} : vector<1x8192xf32> to vector<1x6016xf32>
    %squeeze3A_723 = vector.shape_cast %slice3A_722 : vector<1x6016xf32> to vector<6016xf32>
    %swap3A_724 = arith.constant 0 : index
    %swap3A_725 = arith.constant 0 : index
    %swap3A_726 = arith.constant 2 : index
    %swap3A_727 = arith.constant 6 : index
    %swap3A_728 = arith.constant 0 : index
    %swap3A_729 = vector.load %arg2[%swap3A_724, %swap3A_725, %swap3A_726, %swap3A_727, %swap3A_728] : memref<1x2x8x16x6016xf32, #tpu.memory_space<vmem>>, vector<1x1x1x1x6016xf32>
    %swap3A_730 = vector.shape_cast %swap3A_729 : vector<1x1x1x1x6016xf32> to vector<6016xf32>
    %swap3A_731 = vector.shape_cast %squeeze3A_723 : vector<6016xf32> to vector<1x1x1x1x6016xf32>
    tpu.vector_store %arg2[%swap3A_724, %swap3A_725, %swap3A_726, %swap3A_727, %swap3A_728], %swap3A_731 {strides = array<i32>} : memref<1x2x8x16x6016xf32, #tpu.memory_space<vmem>>, vector<1x1x1x1x6016xf32>,
    %slice3A_732 = vector.extract_strided_slice %select_n3A_344 {offsets = [0, 2136], sizes = [1, 6016], strides = [1, 1]} : vector<1x8192xf32> to vector<1x6016xf32>
    %squeeze3A_733 = vector.shape_cast %slice3A_732 : vector<1x6016xf32> to vector<6016xf32>
    %swap3A_734 = arith.constant 0 : index
    %swap3A_735 = arith.constant 0 : index
    %swap3A_736 = arith.constant 2 : index
    %swap3A_737 = arith.constant 7 : index
    %swap3A_738 = arith.constant 0 : index
    %swap3A_739 = vector.load %arg2[%swap3A_734, %swap3A_735, %swap3A_736, %swap3A_737, %swap3A_738] : memref<1x2x8x16x6016xf32, #tpu.memory_space<vmem>>, vector<1x1x1x1x6016xf32>
    %swap3A_740 = vector.shape_cast %swap3A_739 : vector<1x1x1x1x6016xf32> to vector<6016xf32>
    %swap3A_741 = vector.shape_cast %squeeze3A_733 : vector<6016xf32> to vector<1x1x1x1x6016xf32>
    tpu.vector_store %arg2[%swap3A_734, %swap3A_735, %swap3A_736, %swap3A_737, %swap3A_738], %swap3A_741 {strides = array<i32>} : memref<1x2x8x16x6016xf32, #tpu.memory_space<vmem>>, vector<1x1x1x1x6016xf32>,
    %slice3A_742 = vector.extract_strided_slice %select_n3A_344 {offsets = [0, 2135], sizes = [1, 6016], strides = [1, 1]} : vector<1x8192xf32> to vector<1x6016xf32>
    %squeeze3A_743 = vector.shape_cast %slice3A_742 : vector<1x6016xf32> to vector<6016xf32>
    %swap3A_744 = arith.constant 0 : index
    %swap3A_745 = arith.constant 0 : index
    %swap3A_746 = arith.constant 2 : index
    %swap3A_747 = arith.constant 8 : index
    %swap3A_748 = arith.constant 0 : index
    %swap3A_749 = vector.load %arg2[%swap3A_744, %swap3A_745, %swap3A_746, %swap3A_747, %swap3A_748] : memref<1x2x8x16x6016xf32, #tpu.memory_space<vmem>>, vector<1x1x1x1x6016xf32>
    %swap3A_750 = vector.shape_cast %swap3A_749 : vector<1x1x1x1x6016xf32> to vector<6016xf32>
    %swap3A_751 = vector.shape_cast %squeeze3A_743 : vector<6016xf32> to vector<1x1x1x1x6016xf32>
    tpu.vector_store %arg2[%swap3A_744, %swap3A_745, %swap3A_746, %swap3A_747, %swap3A_748], %swap3A_751 {strides = array<i32>} : memref<1x2x8x16x6016xf32, #tpu.memory_space<vmem>>, vector<1x1x1x1x6016xf32>,
    %slice3A_752 = vector.extract_strided_slice %select_n3A_344 {offsets = [0, 2134], sizes = [1, 6016], strides = [1, 1]} : vector<1x8192xf32> to vector<1x6016xf32>
    %squeeze3A_753 = vector.shape_cast %slice3A_752 : vector<1x6016xf32> to vector<6016xf32>
    %swap3A_754 = arith.constant 0 : index
    %swap3A_755 = arith.constant 0 : index
    %swap3A_756 = arith.constant 2 : index
    %swap3A_757 = arith.constant 9 : index
    %swap3A_758 = arith.constant 0 : index
    %swap3A_759 = vector.load %arg2[%swap3A_754, %swap3A_755, %swap3A_756, %swap3A_757, %swap3A_758] : memref<1x2x8x16x6016xf32, #tpu.memory_space<vmem>>, vector<1x1x1x1x6016xf32>
    %swap3A_760 = vector.shape_cast %swap3A_759 : vector<1x1x1x1x6016xf32> to vector<6016xf32>
    %swap3A_761 = vector.shape_cast %squeeze3A_753 : vector<6016xf32> to vector<1x1x1x1x6016xf32>
    tpu.vector_store %arg2[%swap3A_754, %swap3A_755, %swap3A_756, %swap3A_757, %swap3A_758], %swap3A_761 {strides = array<i32>} : memref<1x2x8x16x6016xf32, #tpu.memory_space<vmem>>, vector<1x1x1x1x6016xf32>,
    %slice3A_762 = vector.extract_strided_slice %select_n3A_344 {offsets = [0, 2133], sizes = [1, 6016], strides = [1, 1]} : vector<1x8192xf32> to vector<1x6016xf32>
    %squeeze3A_763 = vector.shape_cast %slice3A_762 : vector<1x6016xf32> to vector<6016xf32>
    %swap3A_764 = arith.constant 0 : index
    %swap3A_765 = arith.constant 0 : index
    %swap3A_766 = arith.constant 2 : index
    %swap3A_767 = arith.constant 10 : index
    %swap3A_768 = arith.constant 0 : index
    %swap3A_769 = vector.load %arg2[%swap3A_764, %swap3A_765, %swap3A_766, %swap3A_767, %swap3A_768] : memref<1x2x8x16x6016xf32, #tpu.memory_space<vmem>>, vector<1x1x1x1x6016xf32>
    %swap3A_770 = vector.shape_cast %swap3A_769 : vector<1x1x1x1x6016xf32> to vector<6016xf32>
    %swap3A_771 = vector.shape_cast %squeeze3A_763 : vector<6016xf32> to vector<1x1x1x1x6016xf32>
    tpu.vector_store %arg2[%swap3A_764, %swap3A_765, %swap3A_766, %swap3A_767, %swap3A_768], %swap3A_771 {strides = array<i32>} : memref<1x2x8x16x6016xf32, #tpu.memory_space<vmem>>, vector<1x1x1x1x6016xf32>,
    %slice3A_772 = vector.extract_strided_slice %select_n3A_344 {offsets = [0, 2132], sizes = [1, 6016], strides = [1, 1]} : vector<1x8192xf32> to vector<1x6016xf32>
    %squeeze3A_773 = vector.shape_cast %slice3A_772 : vector<1x6016xf32> to vector<6016xf32>
    %swap3A_774 = arith.constant 0 : index
    %swap3A_775 = arith.constant 0 : index
    %swap3A_776 = arith.constant 2 : index
    %swap3A_777 = arith.constant 11 : index
    %swap3A_778 = arith.constant 0 : index
    %swap3A_779 = vector.load %arg2[%swap3A_774, %swap3A_775, %swap3A_776, %swap3A_777, %swap3A_778] : memref<1x2x8x16x6016xf32, #tpu.memory_space<vmem>>, vector<1x1x1x1x6016xf32>
    %swap3A_780 = vector.shape_cast %swap3A_779 : vector<1x1x1x1x6016xf32> to vector<6016xf32>
    %swap3A_781 = vector.shape_cast %squeeze3A_773 : vector<6016xf32> to vector<1x1x1x1x6016xf32>
    tpu.vector_store %arg2[%swap3A_774, %swap3A_775, %swap3A_776, %swap3A_777, %swap3A_778], %swap3A_781 {strides = array<i32>} : memref<1x2x8x16x6016xf32, #tpu.memory_space<vmem>>, vector<1x1x1x1x6016xf32>,
    %slice3A_782 = vector.extract_strided_slice %select_n3A_344 {offsets = [0, 2131], sizes = [1, 6016], strides = [1, 1]} : vector<1x8192xf32> to vector<1x6016xf32>
    %squeeze3A_783 = vector.shape_cast %slice3A_782 : vector<1x6016xf32> to vector<6016xf32>
    %swap3A_784 = arith.constant 0 : index
    %swap3A_785 = arith.constant 0 : index
    %swap3A_786 = arith.constant 2 : index
    %swap3A_787 = arith.constant 12 : index
    %swap3A_788 = arith.constant 0 : index
    %swap3A_789 = vector.load %arg2[%swap3A_784, %swap3A_785, %swap3A_786, %swap3A_787, %swap3A_788] : memref<1x2x8x16x6016xf32, #tpu.memory_space<vmem>>, vector<1x1x1x1x6016xf32>
    %swap3A_790 = vector.shape_cast %swap3A_789 : vector<1x1x1x1x6016xf32> to vector<6016xf32>
    %swap3A_791 = vector.shape_cast %squeeze3A_783 : vector<6016xf32> to vector<1x1x1x1x6016xf32>
    tpu.vector_store %arg2[%swap3A_784, %swap3A_785, %swap3A_786, %swap3A_787, %swap3A_788], %swap3A_791 {strides = array<i32>} : memref<1x2x8x16x6016xf32, #tpu.memory_space<vmem>>, vector<1x1x1x1x6016xf32>,
    %slice3A_792 = vector.extract_strided_slice %select_n3A_344 {offsets = [0, 2130], sizes = [1, 6016], strides = [1, 1]} : vector<1x8192xf32> to vector<1x6016xf32>
    %squeeze3A_793 = vector.shape_cast %slice3A_792 : vector<1x6016xf32> to vector<6016xf32>
    %swap3A_794 = arith.constant 0 : index
    %swap3A_795 = arith.constant 0 : index
    %swap3A_796 = arith.constant 2 : index
    %swap3A_797 = arith.constant 13 : index
    %swap3A_798 = arith.constant 0 : index
    %swap3A_799 = vector.load %arg2[%swap3A_794, %swap3A_795, %swap3A_796, %swap3A_797, %swap3A_798] : memref<1x2x8x16x6016xf32, #tpu.memory_space<vmem>>, vector<1x1x1x1x6016xf32>
    %swap3A_800 = vector.shape_cast %swap3A_799 : vector<1x1x1x1x6016xf32> to vector<6016xf32>
    %swap3A_801 = vector.shape_cast %squeeze3A_793 : vector<6016xf32> to vector<1x1x1x1x6016xf32>
    tpu.vector_store %arg2[%swap3A_794, %swap3A_795, %swap3A_796, %swap3A_797, %swap3A_798], %swap3A_801 {strides = array<i32>} : memref<1x2x8x16x6016xf32, #tpu.memory_space<vmem>>, vector<1x1x1x1x6016xf32>,
    %slice3A_802 = vector.extract_strided_slice %select_n3A_344 {offsets = [0, 2129], sizes = [1, 6016], strides = [1, 1]} : vector<1x8192xf32> to vector<1x6016xf32>
    %squeeze3A_803 = vector.shape_cast %slice3A_802 : vector<1x6016xf32> to vector<6016xf32>
    %swap3A_804 = arith.constant 0 : index
    %swap3A_805 = arith.constant 0 : index
    %swap3A_806 = arith.constant 2 : index
    %swap3A_807 = arith.constant 14 : index
    %swap3A_808 = arith.constant 0 : index
    %swap3A_809 = vector.load %arg2[%swap3A_804, %swap3A_805, %swap3A_806, %swap3A_807, %swap3A_808] : memref<1x2x8x16x6016xf32, #tpu.memory_space<vmem>>, vector<1x1x1x1x6016xf32>
    %swap3A_810 = vector.shape_cast %swap3A_809 : vector<1x1x1x1x6016xf32> to vector<6016xf32>
    %swap3A_811 = vector.shape_cast %squeeze3A_803 : vector<6016xf32> to vector<1x1x1x1x6016xf32>
    tpu.vector_store %arg2[%swap3A_804, %swap3A_805, %swap3A_806, %swap3A_807, %swap3A_808], %swap3A_811 {strides = array<i32>} : memref<1x2x8x16x6016xf32, #tpu.memory_space<vmem>>, vector<1x1x1x1x6016xf32>,
    %slice3A_812 = vector.extract_strided_slice %select_n3A_344 {offsets = [0, 2128], sizes = [1, 6016], strides = [1, 1]} : vector<1x8192xf32> to vector<1x6016xf32>
    %squeeze3A_813 = vector.shape_cast %slice3A_812 : vector<1x6016xf32> to vector<6016xf32>
    %swap3A_814 = arith.constant 0 : index
    %swap3A_815 = arith.constant 0 : index
    %swap3A_816 = arith.constant 2 : index
    %swap3A_817 = arith.constant 15 : index
    %swap3A_818 = arith.constant 0 : index
    %swap3A_819 = vector.load %arg2[%swap3A_814, %swap3A_815, %swap3A_816, %swap3A_817, %swap3A_818] : memref<1x2x8x16x6016xf32, #tpu.memory_space<vmem>>, vector<1x1x1x1x6016xf32>
    %swap3A_820 = vector.shape_cast %swap3A_819 : vector<1x1x1x1x6016xf32> to vector<6016xf32>
    %swap3A_821 = vector.shape_cast %squeeze3A_813 : vector<6016xf32> to vector<1x1x1x1x6016xf32>
    tpu.vector_store %arg2[%swap3A_814, %swap3A_815, %swap3A_816, %swap3A_817, %swap3A_818], %swap3A_821 {strides = array<i32>} : memref<1x2x8x16x6016xf32, #tpu.memory_space<vmem>>, vector<1x1x1x1x6016xf32>,
    %slice3A_822 = vector.extract_strided_slice %select_n3A_344 {offsets = [0, 2127], sizes = [1, 6016], strides = [1, 1]} : vector<1x8192xf32> to vector<1x6016xf32>
    %squeeze3A_823 = vector.shape_cast %slice3A_822 : vector<1x6016xf32> to vector<6016xf32>
    %swap3A_824 = arith.constant 0 : index
    %swap3A_825 = arith.constant 0 : index
    %swap3A_826 = arith.constant 3 : index
    %swap3A_827 = arith.constant 0 : index
    %swap3A_828 = arith.constant 0 : index
    %swap3A_829 = vector.load %arg2[%swap3A_824, %swap3A_825, %swap3A_826, %swap3A_827, %swap3A_828] : memref<1x2x8x16x6016xf32, #tpu.memory_space<vmem>>, vector<1x1x1x1x6016xf32>
    %swap3A_830 = vector.shape_cast %swap3A_829 : vector<1x1x1x1x6016xf32> to vector<6016xf32>
    %swap3A_831 = vector.shape_cast %squeeze3A_823 : vector<6016xf32> to vector<1x1x1x1x6016xf32>
    tpu.vector_store %arg2[%swap3A_824, %swap3A_825, %swap3A_826, %swap3A_827, %swap3A_828], %swap3A_831 {strides = array<i32>} : memref<1x2x8x16x6016xf32, #tpu.memory_space<vmem>>, vector<1x1x1x1x6016xf32>,
    %slice3A_832 = vector.extract_strided_slice %select_n3A_344 {offsets = [0, 2126], sizes = [1, 6016], strides = [1, 1]} : vector<1x8192xf32> to vector<1x6016xf32>
    %squeeze3A_833 = vector.shape_cast %slice3A_832 : vector<1x6016xf32> to vector<6016xf32>
    %swap3A_834 = arith.constant 0 : index
    %swap3A_835 = arith.constant 0 : index
    %swap3A_836 = arith.constant 3 : index
    %swap3A_837 = arith.constant 1 : index
    %swap3A_838 = arith.constant 0 : index
    %swap3A_839 = vector.load %arg2[%swap3A_834, %swap3A_835, %swap3A_836, %swap3A_837, %swap3A_838] : memref<1x2x8x16x6016xf32, #tpu.memory_space<vmem>>, vector<1x1x1x1x6016xf32>
    %swap3A_840 = vector.shape_cast %swap3A_839 : vector<1x1x1x1x6016xf32> to vector<6016xf32>
    %swap3A_841 = vector.shape_cast %squeeze3A_833 : vector<6016xf32> to vector<1x1x1x1x6016xf32>
    tpu.vector_store %arg2[%swap3A_834, %swap3A_835, %swap3A_836, %swap3A_837, %swap3A_838], %swap3A_841 {strides = array<i32>} : memref<1x2x8x16x6016xf32, #tpu.memory_space<vmem>>, vector<1x1x1x1x6016xf32>,
    %slice3A_842 = vector.extract_strided_slice %select_n3A_344 {offsets = [0, 2125], sizes = [1, 6016], strides = [1, 1]} : vector<1x8192xf32> to vector<1x6016xf32>
    %squeeze3A_843 = vector.shape_cast %slice3A_842 : vector<1x6016xf32> to vector<6016xf32>
    %swap3A_844 = arith.constant 0 : index
    %swap3A_845 = arith.constant 0 : index
    %swap3A_846 = arith.constant 3 : index
    %swap3A_847 = arith.constant 2 : index
    %swap3A_848 = arith.constant 0 : index
    %swap3A_849 = vector.load %arg2[%swap3A_844, %swap3A_845, %swap3A_846, %swap3A_847, %swap3A_848] : memref<1x2x8x16x6016xf32, #tpu.memory_space<vmem>>, vector<1x1x1x1x6016xf32>
    %swap3A_850 = vector.shape_cast %swap3A_849 : vector<1x1x1x1x6016xf32> to vector<6016xf32>
    %swap3A_851 = vector.shape_cast %squeeze3A_843 : vector<6016xf32> to vector<1x1x1x1x6016xf32>
    tpu.vector_store %arg2[%swap3A_844, %swap3A_845, %swap3A_846, %swap3A_847, %swap3A_848], %swap3A_851 {strides = array<i32>} : memref<1x2x8x16x6016xf32, #tpu.memory_space<vmem>>, vector<1x1x1x1x6016xf32>,
    %slice3A_852 = vector.extract_strided_slice %select_n3A_344 {offsets = [0, 2124], sizes = [1, 6016], strides = [1, 1]} : vector<1x8192xf32> to vector<1x6016xf32>
    %squeeze3A_853 = vector.shape_cast %slice3A_852 : vector<1x6016xf32> to vector<6016xf32>
    %swap3A_854 = arith.constant 0 : index
    %swap3A_855 = arith.constant 0 : index
    %swap3A_856 = arith.constant 3 : index
    %swap3A_857 = arith.constant 3 : index
    %swap3A_858 = arith.constant 0 : index
    %swap3A_859 = vector.load %arg2[%swap3A_854, %swap3A_855, %swap3A_856, %swap3A_857, %swap3A_858] : memref<1x2x8x16x6016xf32, #tpu.memory_space<vmem>>, vector<1x1x1x1x6016xf32>
    %swap3A_860 = vector.shape_cast %swap3A_859 : vector<1x1x1x1x6016xf32> to vector<6016xf32>
    %swap3A_861 = vector.shape_cast %squeeze3A_853 : vector<6016xf32> to vector<1x1x1x1x6016xf32>
    tpu.vector_store %arg2[%swap3A_854, %swap3A_855, %swap3A_856, %swap3A_857, %swap3A_858], %swap3A_861 {strides = array<i32>} : memref<1x2x8x16x6016xf32, #tpu.memory_space<vmem>>, vector<1x1x1x1x6016xf32>,
    %slice3A_862 = vector.extract_strided_slice %select_n3A_344 {offsets = [0, 2123], sizes = [1, 6016], strides = [1, 1]} : vector<1x8192xf32> to vector<1x6016xf32>
    %squeeze3A_863 = vector.shape_cast %slice3A_862 : vector<1x6016xf32> to vector<6016xf32>
    %swap3A_864 = arith.constant 0 : index
    %swap3A_865 = arith.constant 0 : index
    %swap3A_866 = arith.constant 3 : index
    %swap3A_867 = arith.constant 4 : index
    %swap3A_868 = arith.constant 0 : index
    %swap3A_869 = vector.load %arg2[%swap3A_864, %swap3A_865, %swap3A_866, %swap3A_867, %swap3A_868] : memref<1x2x8x16x6016xf32, #tpu.memory_space<vmem>>, vector<1x1x1x1x6016xf32>
    %swap3A_870 = vector.shape_cast %swap3A_869 : vector<1x1x1x1x6016xf32> to vector<6016xf32>
    %swap3A_871 = vector.shape_cast %squeeze3A_863 : vector<6016xf32> to vector<1x1x1x1x6016xf32>
    tpu.vector_store %arg2[%swap3A_864, %swap3A_865, %swap3A_866, %swap3A_867, %swap3A_868], %swap3A_871 {strides = array<i32>} : memref<1x2x8x16x6016xf32, #tpu.memory_space<vmem>>, vector<1x1x1x1x6016xf32>,
    %slice3A_872 = vector.extract_strided_slice %select_n3A_344 {offsets = [0, 2122], sizes = [1, 6016], strides = [1, 1]} : vector<1x8192xf32> to vector<1x6016xf32>
    %squeeze3A_873 = vector.shape_cast %slice3A_872 : vector<1x6016xf32> to vector<6016xf32>
    %swap3A_874 = arith.constant 0 : index
    %swap3A_875 = arith.constant 0 : index
    %swap3A_876 = arith.constant 3 : index
    %swap3A_877 = arith.constant 5 : index
    %swap3A_878 = arith.constant 0 : index
    %swap3A_879 = vector.load %arg2[%swap3A_874, %swap3A_875, %swap3A_876, %swap3A_877, %swap3A_878] : memref<1x2x8x16x6016xf32, #tpu.memory_space<vmem>>, vector<1x1x1x1x6016xf32>
    %swap3A_880 = vector.shape_cast %swap3A_879 : vector<1x1x1x1x6016xf32> to vector<6016xf32>
    %swap3A_881 = vector.shape_cast %squeeze3A_873 : vector<6016xf32> to vector<1x1x1x1x6016xf32>
    tpu.vector_store %arg2[%swap3A_874, %swap3A_875, %swap3A_876, %swap3A_877, %swap3A_878], %swap3A_881 {strides = array<i32>} : memref<1x2x8x16x6016xf32, #tpu.memory_space<vmem>>, vector<1x1x1x1x6016xf32>,
    %slice3A_882 = vector.extract_strided_slice %select_n3A_344 {offsets = [0, 2121], sizes = [1, 6016], strides = [1, 1]} : vector<1x8192xf32> to vector<1x6016xf32>
    %squeeze3A_883 = vector.shape_cast %slice3A_882 : vector<1x6016xf32> to vector<6016xf32>
    %swap3A_884 = arith.constant 0 : index
    %swap3A_885 = arith.constant 0 : index
    %swap3A_886 = arith.constant 3 : index
    %swap3A_887 = arith.constant 6 : index
    %swap3A_888 = arith.constant 0 : index
    %swap3A_889 = vector.load %arg2[%swap3A_884, %swap3A_885, %swap3A_886, %swap3A_887, %swap3A_888] : memref<1x2x8x16x6016xf32, #tpu.memory_space<vmem>>, vector<1x1x1x1x6016xf32>
    %swap3A_890 = vector.shape_cast %swap3A_889 : vector<1x1x1x1x6016xf32> to vector<6016xf32>
    %swap3A_891 = vector.shape_cast %squeeze3A_883 : vector<6016xf32> to vector<1x1x1x1x6016xf32>
    tpu.vector_store %arg2[%swap3A_884, %swap3A_885, %swap3A_886, %swap3A_887, %swap3A_888], %swap3A_891 {strides = array<i32>} : memref<1x2x8x16x6016xf32, #tpu.memory_space<vmem>>, vector<1x1x1x1x6016xf32>,
    %slice3A_892 = vector.extract_strided_slice %select_n3A_344 {offsets = [0, 2120], sizes = [1, 6016], strides = [1, 1]} : vector<1x8192xf32> to vector<1x6016xf32>
    %squeeze3A_893 = vector.shape_cast %slice3A_892 : vector<1x6016xf32> to vector<6016xf32>
    %swap3A_894 = arith.constant 0 : index
    %swap3A_895 = arith.constant 0 : index
    %swap3A_896 = arith.constant 3 : index
    %swap3A_897 = arith.constant 7 : index
    %swap3A_898 = arith.constant 0 : index
    %swap3A_899 = vector.load %arg2[%swap3A_894, %swap3A_895, %swap3A_896, %swap3A_897, %swap3A_898] : memref<1x2x8x16x6016xf32, #tpu.memory_space<vmem>>, vector<1x1x1x1x6016xf32>
    %swap3A_900 = vector.shape_cast %swap3A_899 : vector<1x1x1x1x6016xf32> to vector<6016xf32>
    %swap3A_901 = vector.shape_cast %squeeze3A_893 : vector<6016xf32> to vector<1x1x1x1x6016xf32>
    tpu.vector_store %arg2[%swap3A_894, %swap3A_895, %swap3A_896, %swap3A_897, %swap3A_898], %swap3A_901 {strides = array<i32>} : memref<1x2x8x16x6016xf32, #tpu.memory_space<vmem>>, vector<1x1x1x1x6016xf32>,
    %slice3A_902 = vector.extract_strided_slice %select_n3A_344 {offsets = [0, 2119], sizes = [1, 6016], strides = [1, 1]} : vector<1x8192xf32> to vector<1x6016xf32>
    %squeeze3A_903 = vector.shape_cast %slice3A_902 : vector<1x6016xf32> to vector<6016xf32>
    %swap3A_904 = arith.constant 0 : index
    %swap3A_905 = arith.constant 0 : index
    %swap3A_906 = arith.constant 3 : index
    %swap3A_907 = arith.constant 8 : index
    %swap3A_908 = arith.constant 0 : index
    %swap3A_909 = vector.load %arg2[%swap3A_904, %swap3A_905, %swap3A_906, %swap3A_907, %swap3A_908] : memref<1x2x8x16x6016xf32, #tpu.memory_space<vmem>>, vector<1x1x1x1x6016xf32>
    %swap3A_910 = vector.shape_cast %swap3A_909 : vector<1x1x1x1x6016xf32> to vector<6016xf32>
    %swap3A_911 = vector.shape_cast %squeeze3A_903 : vector<6016xf32> to vector<1x1x1x1x6016xf32>
    tpu.vector_store %arg2[%swap3A_904, %swap3A_905, %swap3A_906, %swap3A_907, %swap3A_908], %swap3A_911 {strides = array<i32>} : memref<1x2x8x16x6016xf32, #tpu.memory_space<vmem>>, vector<1x1x1x1x6016xf32>,
    %slice3A_912 = vector.extract_strided_slice %select_n3A_344 {offsets = [0, 2118], sizes = [1, 6016], strides = [1, 1]} : vector<1x8192xf32> to vector<1x6016xf32>
    %squeeze3A_913 = vector.shape_cast %slice3A_912 : vector<1x6016xf32> to vector<6016xf32>
    %swap3A_914 = arith.constant 0 : index
    %swap3A_915 = arith.constant 0 : index
    %swap3A_916 = arith.constant 3 : index
    %swap3A_917 = arith.constant 9 : index
    %swap3A_918 = arith.constant 0 : index
    %swap3A_919 = vector.load %arg2[%swap3A_914, %swap3A_915, %swap3A_916, %swap3A_917, %swap3A_918] : memref<1x2x8x16x6016xf32, #tpu.memory_space<vmem>>, vector<1x1x1x1x6016xf32>
    %swap3A_920 = vector.shape_cast %swap3A_919 : vector<1x1x1x1x6016xf32> to vector<6016xf32>
    %swap3A_921 = vector.shape_cast %squeeze3A_913 : vector<6016xf32> to vector<1x1x1x1x6016xf32>
    tpu.vector_store %arg2[%swap3A_914, %swap3A_915, %swap3A_916, %swap3A_917, %swap3A_918], %swap3A_921 {strides = array<i32>} : memref<1x2x8x16x6016xf32, #tpu.memory_space<vmem>>, vector<1x1x1x1x6016xf32>,
    %slice3A_922 = vector.extract_strided_slice %select_n3A_344 {offsets = [0, 2117], sizes = [1, 6016], strides = [1, 1]} : vector<1x8192xf32> to vector<1x6016xf32>
    %squeeze3A_923 = vector.shape_cast %slice3A_922 : vector<1x6016xf32> to vector<6016xf32>
    %swap3A_924 = arith.constant 0 : index
    %swap3A_925 = arith.constant 0 : index
    %swap3A_926 = arith.constant 3 : index
    %swap3A_927 = arith.constant 10 : index
    %swap3A_928 = arith.constant 0 : index
    %swap3A_929 = vector.load %arg2[%swap3A_924, %swap3A_925, %swap3A_926, %swap3A_927, %swap3A_928] : memref<1x2x8x16x6016xf32, #tpu.memory_space<vmem>>, vector<1x1x1x1x6016xf32>
    %swap3A_930 = vector.shape_cast %swap3A_929 : vector<1x1x1x1x6016xf32> to vector<6016xf32>
    %swap3A_931 = vector.shape_cast %squeeze3A_923 : vector<6016xf32> to vector<1x1x1x1x6016xf32>
    tpu.vector_store %arg2[%swap3A_924, %swap3A_925, %swap3A_926, %swap3A_927, %swap3A_928], %swap3A_931 {strides = array<i32>} : memref<1x2x8x16x6016xf32, #tpu.memory_space<vmem>>, vector<1x1x1x1x6016xf32>,
    %slice3A_932 = vector.extract_strided_slice %select_n3A_344 {offsets = [0, 2116], sizes = [1, 6016], strides = [1, 1]} : vector<1x8192xf32> to vector<1x6016xf32>
    %squeeze3A_933 = vector.shape_cast %slice3A_932 : vector<1x6016xf32> to vector<6016xf32>
    %swap3A_934 = arith.constant 0 : index
    %swap3A_935 = arith.constant 0 : index
    %swap3A_936 = arith.constant 3 : index
    %swap3A_937 = arith.constant 11 : index
    %swap3A_938 = arith.constant 0 : index
    %swap3A_939 = vector.load %arg2[%swap3A_934, %swap3A_935, %swap3A_936, %swap3A_937, %swap3A_938] : memref<1x2x8x16x6016xf32, #tpu.memory_space<vmem>>, vector<1x1x1x1x6016xf32>
    %swap3A_940 = vector.shape_cast %swap3A_939 : vector<1x1x1x1x6016xf32> to vector<6016xf32>
    %swap3A_941 = vector.shape_cast %squeeze3A_933 : vector<6016xf32> to vector<1x1x1x1x6016xf32>
    tpu.vector_store %arg2[%swap3A_934, %swap3A_935, %swap3A_936, %swap3A_937, %swap3A_938], %swap3A_941 {strides = array<i32>} : memref<1x2x8x16x6016xf32, #tpu.memory_space<vmem>>, vector<1x1x1x1x6016xf32>,
    %slice3A_942 = vector.extract_strided_slice %select_n3A_344 {offsets = [0, 2115], sizes = [1, 6016], strides = [1, 1]} : vector<1x8192xf32> to vector<1x6016xf32>
    %squeeze3A_943 = vector.shape_cast %slice3A_942 : vector<1x6016xf32> to vector<6016xf32>
    %swap3A_944 = arith.constant 0 : index
    %swap3A_945 = arith.constant 0 : index
    %swap3A_946 = arith.constant 3 : index
    %swap3A_947 = arith.constant 12 : index
    %swap3A_948 = arith.constant 0 : index
    %swap3A_949 = vector.load %arg2[%swap3A_944, %swap3A_945, %swap3A_946, %swap3A_947, %swap3A_948] : memref<1x2x8x16x6016xf32, #tpu.memory_space<vmem>>, vector<1x1x1x1x6016xf32>
    %swap3A_950 = vector.shape_cast %swap3A_949 : vector<1x1x1x1x6016xf32> to vector<6016xf32>
    %swap3A_951 = vector.shape_cast %squeeze3A_943 : vector<6016xf32> to vector<1x1x1x1x6016xf32>
    tpu.vector_store %arg2[%swap3A_944, %swap3A_945, %swap3A_946, %swap3A_947, %swap3A_948], %swap3A_951 {strides = array<i32>} : memref<1x2x8x16x6016xf32, #tpu.memory_space<vmem>>, vector<1x1x1x1x6016xf32>,
    %slice3A_952 = vector.extract_strided_slice %select_n3A_344 {offsets = [0, 2114], sizes = [1, 6016], strides = [1, 1]} : vector<1x8192xf32> to vector<1x6016xf32>
    %squeeze3A_953 = vector.shape_cast %slice3A_952 : vector<1x6016xf32> to vector<6016xf32>
    %swap3A_954 = arith.constant 0 : index
    %swap3A_955 = arith.constant 0 : index
    %swap3A_956 = arith.constant 3 : index
    %swap3A_957 = arith.constant 13 : index
    %swap3A_958 = arith.constant 0 : index
    %swap3A_959 = vector.load %arg2[%swap3A_954, %swap3A_955, %swap3A_956, %swap3A_957, %swap3A_958] : memref<1x2x8x16x6016xf32, #tpu.memory_space<vmem>>, vector<1x1x1x1x6016xf32>
    %swap3A_960 = vector.shape_cast %swap3A_959 : vector<1x1x1x1x6016xf32> to vector<6016xf32>
    %swap3A_961 = vector.shape_cast %squeeze3A_953 : vector<6016xf32> to vector<1x1x1x1x6016xf32>
    tpu.vector_store %arg2[%swap3A_954, %swap3A_955, %swap3A_956, %swap3A_957, %swap3A_958], %swap3A_961 {strides = array<i32>} : memref<1x2x8x16x6016xf32, #tpu.memory_space<vmem>>, vector<1x1x1x1x6016xf32>,
    %slice3A_962 = vector.extract_strided_slice %select_n3A_344 {offsets = [0, 2113], sizes = [1, 6016], strides = [1, 1]} : vector<1x8192xf32> to vector<1x6016xf32>
    %squeeze3A_963 = vector.shape_cast %slice3A_962 : vector<1x6016xf32> to vector<6016xf32>
    %swap3A_964 = arith.constant 0 : index
    %swap3A_965 = arith.constant 0 : index
    %swap3A_966 = arith.constant 3 : index
    %swap3A_967 = arith.constant 14 : index
    %swap3A_968 = arith.constant 0 : index
    %swap3A_969 = vector.load %arg2[%swap3A_964, %swap3A_965, %swap3A_966, %swap3A_967, %swap3A_968] : memref<1x2x8x16x6016xf32, #tpu.memory_space<vmem>>, vector<1x1x1x1x6016xf32>
    %swap3A_970 = vector.shape_cast %swap3A_969 : vector<1x1x1x1x6016xf32> to vector<6016xf32>
    %swap3A_971 = vector.shape_cast %squeeze3A_963 : vector<6016xf32> to vector<1x1x1x1x6016xf32>
    tpu.vector_store %arg2[%swap3A_964, %swap3A_965, %swap3A_966, %swap3A_967, %swap3A_968], %swap3A_971 {strides = array<i32>} : memref<1x2x8x16x6016xf32, #tpu.memory_space<vmem>>, vector<1x1x1x1x6016xf32>,
    %slice3A_972 = vector.extract_strided_slice %select_n3A_344 {offsets = [0, 2112], sizes = [1, 6016], strides = [1, 1]} : vector<1x8192xf32> to vector<1x6016xf32>
    %squeeze3A_973 = vector.shape_cast %slice3A_972 : vector<1x6016xf32> to vector<6016xf32>
    %swap3A_974 = arith.constant 0 : index
    %swap3A_975 = arith.constant 0 : index
    %swap3A_976 = arith.constant 3 : index
    %swap3A_977 = arith.constant 15 : index
    %swap3A_978 = arith.constant 0 : index
    %swap3A_979 = vector.load %arg2[%swap3A_974, %swap3A_975, %swap3A_976, %swap3A_977, %swap3A_978] : memref<1x2x8x16x6016xf32, #tpu.memory_space<vmem>>, vector<1x1x1x1x6016xf32>
    %swap3A_980 = vector.shape_cast %swap3A_979 : vector<1x1x1x1x6016xf32> to vector<6016xf32>
    %swap3A_981 = vector.shape_cast %squeeze3A_973 : vector<6016xf32> to vector<1x1x1x1x6016xf32>
    tpu.vector_store %arg2[%swap3A_974, %swap3A_975, %swap3A_976, %swap3A_977, %swap3A_978], %swap3A_981 {strides = array<i32>} : memref<1x2x8x16x6016xf32, #tpu.memory_space<vmem>>, vector<1x1x1x1x6016xf32>,
    %slice3A_982 = vector.extract_strided_slice %select_n3A_344 {offsets = [0, 2111], sizes = [1, 6016], strides = [1, 1]} : vector<1x8192xf32> to vector<1x6016xf32>
    %squeeze3A_983 = vector.shape_cast %slice3A_982 : vector<1x6016xf32> to vector<6016xf32>
    %swap3A_984 = arith.constant 0 : index
    %swap3A_985 = arith.constant 0 : index
    %swap3A_986 = arith.constant 4 : index
    %swap3A_987 = arith.constant 0 : index
    %swap3A_988 = arith.constant 0 : index
    %swap3A_989 = vector.load %arg2[%swap3A_984, %swap3A_985, %swap3A_986, %swap3A_987, %swap3A_988] : memref<1x2x8x16x6016xf32, #tpu.memory_space<vmem>>, vector<1x1x1x1x6016xf32>
    %swap3A_990 = vector.shape_cast %swap3A_989 : vector<1x1x1x1x6016xf32> to vector<6016xf32>
    %swap3A_991 = vector.shape_cast %squeeze3A_983 : vector<6016xf32> to vector<1x1x1x1x6016xf32>
    tpu.vector_store %arg2[%swap3A_984, %swap3A_985, %swap3A_986, %swap3A_987, %swap3A_988], %swap3A_991 {strides = array<i32>} : memref<1x2x8x16x6016xf32, #tpu.memory_space<vmem>>, vector<1x1x1x1x6016xf32>,
    %slice3A_992 = vector.extract_strided_slice %select_n3A_344 {offsets = [0, 2110], sizes = [1, 6016], strides = [1, 1]} : vector<1x8192xf32> to vector<1x6016xf32>
    %squeeze3A_993 = vector.shape_cast %slice3A_992 : vector<1x6016xf32> to vector<6016xf32>
    %swap3A_994 = arith.constant 0 : index
    %swap3A_995 = arith.constant 0 : index
    %swap3A_996 = arith.constant 4 : index
    %swap3A_997 = arith.constant 1 : index
    %swap3A_998 = arith.constant 0 : index
    %swap3A_999 = vector.load %arg2[%swap3A_994, %swap3A_995, %swap3A_996, %swap3A_997, %swap3A_998] : memref<1x2x8x16x6016xf32, #tpu.memory_space<vmem>>, vector<1x1x1x1x6016xf32>
    %swap3A_1000 = vector.shape_cast %swap3A_999 : vector<1x1x1x1x6016xf32> to vector<6016xf32>
    %swap3A_1001 = vector.shape_cast %squeeze3A_993 : vector<6016xf32> to vector<1x1x1x1x6016xf32>
    tpu.vector_store %arg2[%swap3A_994, %swap3A_995, %swap3A_996, %swap3A_997, %swap3A_998], %swap3A_1001 {strides = array<i32>} : memref<1x2x8x16x6016xf32, #tpu.memory_space<vmem>>, vector<1x1x1x1x6016xf32>,
    %slice3A_1002 = vector.extract_strided_slice %select_n3A_344 {offsets = [0, 2109], sizes = [1, 6016], strides = [1, 1]} : vector<1x8192xf32> to vector<1x6016xf32>
    %squeeze3A_1003 = vector.shape_cast %slice3A_1002 : vector<1x6016xf32> to vector<6016xf32>
    %swap3A_1004 = arith.constant 0 : index
    %swap3A_1005 = arith.constant 0 : index
    %swap3A_1006 = arith.constant 4 : index
    %swap3A_1007 = arith.constant 2 : index
    %swap3A_1008 = arith.constant 0 : index
    %swap3A_1009 = vector.load %arg2[%swap3A_1004, %swap3A_1005, %swap3A_1006, %swap3A_1007, %swap3A_1008] : memref<1x2x8x16x6016xf32, #tpu.memory_space<vmem>>, vector<1x1x1x1x6016xf32>
    %swap3A_1010 = vector.shape_cast %swap3A_1009 : vector<1x1x1x1x6016xf32> to vector<6016xf32>
    %swap3A_1011 = vector.shape_cast %squeeze3A_1003 : vector<6016xf32> to vector<1x1x1x1x6016xf32>
    tpu.vector_store %arg2[%swap3A_1004, %swap3A_1005, %swap3A_1006, %swap3A_1007, %swap3A_1008], %swap3A_1011 {strides = array<i32>} : memref<1x2x8x16x6016xf32, #tpu.memory_space<vmem>>, vector<1x1x1x1x6016xf32>,
    %slice3A_1012 = vector.extract_strided_slice %select_n3A_344 {offsets = [0, 2108], sizes = [1, 6016], strides = [1, 1]} : vector<1x8192xf32> to vector<1x6016xf32>
    %squeeze3A_1013 = vector.shape_cast %slice3A_1012 : vector<1x6016xf32> to vector<6016xf32>
    %swap3A_1014 = arith.constant 0 : index
    %swap3A_1015 = arith.constant 0 : index
    %swap3A_1016 = arith.constant 4 : index
    %swap3A_1017 = arith.constant 3 : index
    %swap3A_1018 = arith.constant 0 : index
    %swap3A_1019 = vector.load %arg2[%swap3A_1014, %swap3A_1015, %swap3A_1016, %swap3A_1017, %swap3A_1018] : memref<1x2x8x16x6016xf32, #tpu.memory_space<vmem>>, vector<1x1x1x1x6016xf32>
    %swap3A_1020 = vector.shape_cast %swap3A_1019 : vector<1x1x1x1x6016xf32> to vector<6016xf32>
    %swap3A_1021 = vector.shape_cast %squeeze3A_1013 : vector<6016xf32> to vector<1x1x1x1x6016xf32>
    tpu.vector_store %arg2[%swap3A_1014, %swap3A_1015, %swap3A_1016, %swap3A_1017, %swap3A_1018], %swap3A_1021 {strides = array<i32>} : memref<1x2x8x16x6016xf32, #tpu.memory_space<vmem>>, vector<1x1x1x1x6016xf32>,
    %slice3A_1022 = vector.extract_strided_slice %select_n3A_344 {offsets = [0, 2107], sizes = [1, 6016], strides = [1, 1]} : vector<1x8192xf32> to vector<1x6016xf32>
    %squeeze3A_1023 = vector.shape_cast %slice3A_1022 : vector<1x6016xf32> to vector<6016xf32>
    %swap3A_1024 = arith.constant 0 : index
    %swap3A_1025 = arith.constant 0 : index
    %swap3A_1026 = arith.constant 4 : index
    %swap3A_1027 = arith.constant 4 : index
    %swap3A_1028 = arith.constant 0 : index
    %swap3A_1029 = vector.load %arg2[%swap3A_1024, %swap3A_1025, %swap3A_1026, %swap3A_1027, %swap3A_1028] : memref<1x2x8x16x6016xf32, #tpu.memory_space<vmem>>, vector<1x1x1x1x6016xf32>
    %swap3A_1030 = vector.shape_cast %swap3A_1029 : vector<1x1x1x1x6016xf32> to vector<6016xf32>
    %swap3A_1031 = vector.shape_cast %squeeze3A_1023 : vector<6016xf32> to vector<1x1x1x1x6016xf32>
    tpu.vector_store %arg2[%swap3A_1024, %swap3A_1025, %swap3A_1026, %swap3A_1027, %swap3A_1028], %swap3A_1031 {strides = array<i32>} : memref<1x2x8x16x6016xf32, #tpu.memory_space<vmem>>, vector<1x1x1x1x6016xf32>,
    %slice3A_1032 = vector.extract_strided_slice %select_n3A_344 {offsets = [0, 2106], sizes = [1, 6016], strides = [1, 1]} : vector<1x8192xf32> to vector<1x6016xf32>
    %squeeze3A_1033 = vector.shape_cast %slice3A_1032 : vector<1x6016xf32> to vector<6016xf32>
    %swap3A_1034 = arith.constant 0 : index
    %swap3A_1035 = arith.constant 0 : index
    %swap3A_1036 = arith.constant 4 : index
    %swap3A_1037 = arith.constant 5 : index
    %swap3A_1038 = arith.constant 0 : index
    %swap3A_1039 = vector.load %arg2[%swap3A_1034, %swap3A_1035, %swap3A_1036, %swap3A_1037, %swap3A_1038] : memref<1x2x8x16x6016xf32, #tpu.memory_space<vmem>>, vector<1x1x1x1x6016xf32>
    %swap3A_1040 = vector.shape_cast %swap3A_1039 : vector<1x1x1x1x6016xf32> to vector<6016xf32>
    %swap3A_1041 = vector.shape_cast %squeeze3A_1033 : vector<6016xf32> to vector<1x1x1x1x6016xf32>
    tpu.vector_store %arg2[%swap3A_1034, %swap3A_1035, %swap3A_1036, %swap3A_1037, %swap3A_1038], %swap3A_1041 {strides = array<i32>} : memref<1x2x8x16x6016xf32, #tpu.memory_space<vmem>>, vector<1x1x1x1x6016xf32>,
    %slice3A_1042 = vector.extract_strided_slice %select_n3A_344 {offsets = [0, 2105], sizes = [1, 6016], strides = [1, 1]} : vector<1x8192xf32> to vector<1x6016xf32>
    %squeeze3A_1043 = vector.shape_cast %slice3A_1042 : vector<1x6016xf32> to vector<6016xf32>
    %swap3A_1044 = arith.constant 0 : index
    %swap3A_1045 = arith.constant 0 : index
    %swap3A_1046 = arith.constant 4 : index
    %swap3A_1047 = arith.constant 6 : index
    %swap3A_1048 = arith.constant 0 : index
    %swap3A_1049 = vector.load %arg2[%swap3A_1044, %swap3A_1045, %swap3A_1046, %swap3A_1047, %swap3A_1048] : memref<1x2x8x16x6016xf32, #tpu.memory_space<vmem>>, vector<1x1x1x1x6016xf32>
    %swap3A_1050 = vector.shape_cast %swap3A_1049 : vector<1x1x1x1x6016xf32> to vector<6016xf32>
    %swap3A_1051 = vector.shape_cast %squeeze3A_1043 : vector<6016xf32> to vector<1x1x1x1x6016xf32>
    tpu.vector_store %arg2[%swap3A_1044, %swap3A_1045, %swap3A_1046, %swap3A_1047, %swap3A_1048], %swap3A_1051 {strides = array<i32>} : memref<1x2x8x16x6016xf32, #tpu.memory_space<vmem>>, vector<1x1x1x1x6016xf32>,
    %slice3A_1052 = vector.extract_strided_slice %select_n3A_344 {offsets = [0, 2104], sizes = [1, 6016], strides = [1, 1]} : vector<1x8192xf32> to vector<1x6016xf32>
    %squeeze3A_1053 = vector.shape_cast %slice3A_1052 : vector<1x6016xf32> to vector<6016xf32>
    %swap3A_1054 = arith.constant 0 : index
    %swap3A_1055 = arith.constant 0 : index
    %swap3A_1056 = arith.constant 4 : index
    %swap3A_1057 = arith.constant 7 : index
    %swap3A_1058 = arith.constant 0 : index
    %swap3A_1059 = vector.load %arg2[%swap3A_1054, %swap3A_1055, %swap3A_1056, %swap3A_1057, %swap3A_1058] : memref<1x2x8x16x6016xf32, #tpu.memory_space<vmem>>, vector<1x1x1x1x6016xf32>
    %swap3A_1060 = vector.shape_cast %swap3A_1059 : vector<1x1x1x1x6016xf32> to vector<6016xf32>
    %swap3A_1061 = vector.shape_cast %squeeze3A_1053 : vector<6016xf32> to vector<1x1x1x1x6016xf32>
    tpu.vector_store %arg2[%swap3A_1054, %swap3A_1055, %swap3A_1056, %swap3A_1057, %swap3A_1058], %swap3A_1061 {strides = array<i32>} : memref<1x2x8x16x6016xf32, #tpu.memory_space<vmem>>, vector<1x1x1x1x6016xf32>,
    %slice3A_1062 = vector.extract_strided_slice %select_n3A_344 {offsets = [0, 2103], sizes = [1, 6016], strides = [1, 1]} : vector<1x8192xf32> to vector<1x6016xf32>
    %squeeze3A_1063 = vector.shape_cast %slice3A_1062 : vector<1x6016xf32> to vector<6016xf32>
    %swap3A_1064 = arith.constant 0 : index
    %swap3A_1065 = arith.constant 0 : index
    %swap3A_1066 = arith.constant 4 : index
    %swap3A_1067 = arith.constant 8 : index
    %swap3A_1068 = arith.constant 0 : index
    %swap3A_1069 = vector.load %arg2[%swap3A_1064, %swap3A_1065, %swap3A_1066, %swap3A_1067, %swap3A_1068] : memref<1x2x8x16x6016xf32, #tpu.memory_space<vmem>>, vector<1x1x1x1x6016xf32>
    %swap3A_1070 = vector.shape_cast %swap3A_1069 : vector<1x1x1x1x6016xf32> to vector<6016xf32>
    %swap3A_1071 = vector.shape_cast %squeeze3A_1063 : vector<6016xf32> to vector<1x1x1x1x6016xf32>
    tpu.vector_store %arg2[%swap3A_1064, %swap3A_1065, %swap3A_1066, %swap3A_1067, %swap3A_1068], %swap3A_1071 {strides = array<i32>} : memref<1x2x8x16x6016xf32, #tpu.memory_space<vmem>>, vector<1x1x1x1x6016xf32>,
    %slice3A_1072 = vector.extract_strided_slice %select_n3A_344 {offsets = [0, 2102], sizes = [1, 6016], strides = [1, 1]} : vector<1x8192xf32> to vector<1x6016xf32>
    %squeeze3A_1073 = vector.shape_cast %slice3A_1072 : vector<1x6016xf32> to vector<6016xf32>
    %swap3A_1074 = arith.constant 0 : index
    %swap3A_1075 = arith.constant 0 : index
    %swap3A_1076 = arith.constant 4 : index
    %swap3A_1077 = arith.constant 9 : index
    %swap3A_1078 = arith.constant 0 : index
    %swap3A_1079 = vector.load %arg2[%swap3A_1074, %swap3A_1075, %swap3A_1076, %swap3A_1077, %swap3A_1078] : memref<1x2x8x16x6016xf32, #tpu.memory_space<vmem>>, vector<1x1x1x1x6016xf32>
    %swap3A_1080 = vector.shape_cast %swap3A_1079 : vector<1x1x1x1x6016xf32> to vector<6016xf32>
    %swap3A_1081 = vector.shape_cast %squeeze3A_1073 : vector<6016xf32> to vector<1x1x1x1x6016xf32>
    tpu.vector_store %arg2[%swap3A_1074, %swap3A_1075, %swap3A_1076, %swap3A_1077, %swap3A_1078], %swap3A_1081 {strides = array<i32>} : memref<1x2x8x16x6016xf32, #tpu.memory_space<vmem>>, vector<1x1x1x1x6016xf32>,
    %slice3A_1082 = vector.extract_strided_slice %select_n3A_344 {offsets = [0, 2101], sizes = [1, 6016], strides = [1, 1]} : vector<1x8192xf32> to vector<1x6016xf32>
    %squeeze3A_1083 = vector.shape_cast %slice3A_1082 : vector<1x6016xf32> to vector<6016xf32>
    %swap3A_1084 = arith.constant 0 : index
    %swap3A_1085 = arith.constant 0 : index
    %swap3A_1086 = arith.constant 4 : index
    %swap3A_1087 = arith.constant 10 : index
    %swap3A_1088 = arith.constant 0 : index
    %swap3A_1089 = vector.load %arg2[%swap3A_1084, %swap3A_1085, %swap3A_1086, %swap3A_1087, %swap3A_1088] : memref<1x2x8x16x6016xf32, #tpu.memory_space<vmem>>, vector<1x1x1x1x6016xf32>
    %swap3A_1090 = vector.shape_cast %swap3A_1089 : vector<1x1x1x1x6016xf32> to vector<6016xf32>
    %swap3A_1091 = vector.shape_cast %squeeze3A_1083 : vector<6016xf32> to vector<1x1x1x1x6016xf32>
    tpu.vector_store %arg2[%swap3A_1084, %swap3A_1085, %swap3A_1086, %swap3A_1087, %swap3A_1088], %swap3A_1091 {strides = array<i32>} : memref<1x2x8x16x6016xf32, #tpu.memory_space<vmem>>, vector<1x1x1x1x6016xf32>,
    %slice3A_1092 = vector.extract_strided_slice %select_n3A_344 {offsets = [0, 2100], sizes = [1, 6016], strides = [1, 1]} : vector<1x8192xf32> to vector<1x6016xf32>
    %squeeze3A_1093 = vector.shape_cast %slice3A_1092 : vector<1x6016xf32> to vector<6016xf32>
    %swap3A_1094 = arith.constant 0 : index
    %swap3A_1095 = arith.constant 0 : index
    %swap3A_1096 = arith.constant 4 : index
    %swap3A_1097 = arith.constant 11 : index
    %swap3A_1098 = arith.constant 0 : index
    %swap3A_1099 = vector.load %arg2[%swap3A_1094, %swap3A_1095, %swap3A_1096, %swap3A_1097, %swap3A_1098] : memref<1x2x8x16x6016xf32, #tpu.memory_space<vmem>>, vector<1x1x1x1x6016xf32>
    %swap3A_1100 = vector.shape_cast %swap3A_1099 : vector<1x1x1x1x6016xf32> to vector<6016xf32>
    %swap3A_1101 = vector.shape_cast %squeeze3A_1093 : vector<6016xf32> to vector<1x1x1x1x6016xf32>
    tpu.vector_store %arg2[%swap3A_1094, %swap3A_1095, %swap3A_1096, %swap3A_1097, %swap3A_1098], %swap3A_1101 {strides = array<i32>} : memref<1x2x8x16x6016xf32, #tpu.memory_space<vmem>>, vector<1x1x1x1x6016xf32>,
    %slice3A_1102 = vector.extract_strided_slice %select_n3A_344 {offsets = [0, 2099], sizes = [1, 6016], strides = [1, 1]} : vector<1x8192xf32> to vector<1x6016xf32>
    %squeeze3A_1103 = vector.shape_cast %slice3A_1102 : vector<1x6016xf32> to vector<6016xf32>
    %swap3A_1104 = arith.constant 0 : index
    %swap3A_1105 = arith.constant 0 : index
    %swap3A_1106 = arith.constant 4 : index
    %swap3A_1107 = arith.constant 12 : index
    %swap3A_1108 = arith.constant 0 : index
    %swap3A_1109 = vector.load %arg2[%swap3A_1104, %swap3A_1105, %swap3A_1106, %swap3A_1107, %swap3A_1108] : memref<1x2x8x16x6016xf32, #tpu.memory_space<vmem>>, vector<1x1x1x1x6016xf32>
    %swap3A_1110 = vector.shape_cast %swap3A_1109 : vector<1x1x1x1x6016xf32> to vector<6016xf32>
    %swap3A_1111 = vector.shape_cast %squeeze3A_1103 : vector<6016xf32> to vector<1x1x1x1x6016xf32>
    tpu.vector_store %arg2[%swap3A_1104, %swap3A_1105, %swap3A_1106, %swap3A_1107, %swap3A_1108], %swap3A_1111 {strides = array<i32>} : memref<1x2x8x16x6016xf32, #tpu.memory_space<vmem>>, vector<1x1x1x1x6016xf32>,
    %slice3A_1112 = vector.extract_strided_slice %select_n3A_344 {offsets = [0, 2098], sizes = [1, 6016], strides = [1, 1]} : vector<1x8192xf32> to vector<1x6016xf32>
    %squeeze3A_1113 = vector.shape_cast %slice3A_1112 : vector<1x6016xf32> to vector<6016xf32>
    %swap3A_1114 = arith.constant 0 : index
    %swap3A_1115 = arith.constant 0 : index
    %swap3A_1116 = arith.constant 4 : index
    %swap3A_1117 = arith.constant 13 : index
    %swap3A_1118 = arith.constant 0 : index
    %swap3A_1119 = vector.load %arg2[%swap3A_1114, %swap3A_1115, %swap3A_1116, %swap3A_1117, %swap3A_1118] : memref<1x2x8x16x6016xf32, #tpu.memory_space<vmem>>, vector<1x1x1x1x6016xf32>
    %swap3A_1120 = vector.shape_cast %swap3A_1119 : vector<1x1x1x1x6016xf32> to vector<6016xf32>
    %swap3A_1121 = vector.shape_cast %squeeze3A_1113 : vector<6016xf32> to vector<1x1x1x1x6016xf32>
    tpu.vector_store %arg2[%swap3A_1114, %swap3A_1115, %swap3A_1116, %swap3A_1117, %swap3A_1118], %swap3A_1121 {strides = array<i32>} : memref<1x2x8x16x6016xf32, #tpu.memory_space<vmem>>, vector<1x1x1x1x6016xf32>,
    %slice3A_1122 = vector.extract_strided_slice %select_n3A_344 {offsets = [0, 2097], sizes = [1, 6016], strides = [1, 1]} : vector<1x8192xf32> to vector<1x6016xf32>
    %squeeze3A_1123 = vector.shape_cast %slice3A_1122 : vector<1x6016xf32> to vector<6016xf32>
    %swap3A_1124 = arith.constant 0 : index
    %swap3A_1125 = arith.constant 0 : index
    %swap3A_1126 = arith.constant 4 : index
    %swap3A_1127 = arith.constant 14 : index
    %swap3A_1128 = arith.constant 0 : index
    %swap3A_1129 = vector.load %arg2[%swap3A_1124, %swap3A_1125, %swap3A_1126, %swap3A_1127, %swap3A_1128] : memref<1x2x8x16x6016xf32, #tpu.memory_space<vmem>>, vector<1x1x1x1x6016xf32>
    %swap3A_1130 = vector.shape_cast %swap3A_1129 : vector<1x1x1x1x6016xf32> to vector<6016xf32>
    %swap3A_1131 = vector.shape_cast %squeeze3A_1123 : vector<6016xf32> to vector<1x1x1x1x6016xf32>
    tpu.vector_store %arg2[%swap3A_1124, %swap3A_1125, %swap3A_1126, %swap3A_1127, %swap3A_1128], %swap3A_1131 {strides = array<i32>} : memref<1x2x8x16x6016xf32, #tpu.memory_space<vmem>>, vector<1x1x1x1x6016xf32>,
    %slice3A_1132 = vector.extract_strided_slice %select_n3A_344 {offsets = [0, 2096], sizes = [1, 6016], strides = [1, 1]} : vector<1x8192xf32> to vector<1x6016xf32>
    %squeeze3A_1133 = vector.shape_cast %slice3A_1132 : vector<1x6016xf32> to vector<6016xf32>
    %swap3A_1134 = arith.constant 0 : index
    %swap3A_1135 = arith.constant 0 : index
    %swap3A_1136 = arith.constant 4 : index
    %swap3A_1137 = arith.constant 15 : index
    %swap3A_1138 = arith.constant 0 : index
    %swap3A_1139 = vector.load %arg2[%swap3A_1134, %swap3A_1135, %swap3A_1136, %swap3A_1137, %swap3A_1138] : memref<1x2x8x16x6016xf32, #tpu.memory_space<vmem>>, vector<1x1x1x1x6016xf32>
    %swap3A_1140 = vector.shape_cast %swap3A_1139 : vector<1x1x1x1x6016xf32> to vector<6016xf32>
    %swap3A_1141 = vector.shape_cast %squeeze3A_1133 : vector<6016xf32> to vector<1x1x1x1x6016xf32>
    tpu.vector_store %arg2[%swap3A_1134, %swap3A_1135, %swap3A_1136, %swap3A_1137, %swap3A_1138], %swap3A_1141 {strides = array<i32>} : memref<1x2x8x16x6016xf32, #tpu.memory_space<vmem>>, vector<1x1x1x1x6016xf32>,
    %slice3A_1142 = vector.extract_strided_slice %select_n3A_344 {offsets = [0, 2095], sizes = [1, 6016], strides = [1, 1]} : vector<1x8192xf32> to vector<1x6016xf32>
    %squeeze3A_1143 = vector.shape_cast %slice3A_1142 : vector<1x6016xf32> to vector<6016xf32>
    %swap3A_1144 = arith.constant 0 : index
    %swap3A_1145 = arith.constant 0 : index
    %swap3A_1146 = arith.constant 5 : index
    %swap3A_1147 = arith.constant 0 : index
    %swap3A_1148 = arith.constant 0 : index
    %swap3A_1149 = vector.load %arg2[%swap3A_1144, %swap3A_1145, %swap3A_1146, %swap3A_1147, %swap3A_1148] : memref<1x2x8x16x6016xf32, #tpu.memory_space<vmem>>, vector<1x1x1x1x6016xf32>
    %swap3A_1150 = vector.shape_cast %swap3A_1149 : vector<1x1x1x1x6016xf32> to vector<6016xf32>
    %swap3A_1151 = vector.shape_cast %squeeze3A_1143 : vector<6016xf32> to vector<1x1x1x1x6016xf32>
    tpu.vector_store %arg2[%swap3A_1144, %swap3A_1145, %swap3A_1146, %swap3A_1147, %swap3A_1148], %swap3A_1151 {strides = array<i32>} : memref<1x2x8x16x6016xf32, #tpu.memory_space<vmem>>, vector<1x1x1x1x6016xf32>,
    %slice3A_1152 = vector.extract_strided_slice %select_n3A_344 {offsets = [0, 2094], sizes = [1, 6016], strides = [1, 1]} : vector<1x8192xf32> to vector<1x6016xf32>
    %squeeze3A_1153 = vector.shape_cast %slice3A_1152 : vector<1x6016xf32> to vector<6016xf32>
    %swap3A_1154 = arith.constant 0 : index
    %swap3A_1155 = arith.constant 0 : index
    %swap3A_1156 = arith.constant 5 : index
    %swap3A_1157 = arith.constant 1 : index
    %swap3A_1158 = arith.constant 0 : index
    %swap3A_1159 = vector.load %arg2[%swap3A_1154, %swap3A_1155, %swap3A_1156, %swap3A_1157, %swap3A_1158] : memref<1x2x8x16x6016xf32, #tpu.memory_space<vmem>>, vector<1x1x1x1x6016xf32>
    %swap3A_1160 = vector.shape_cast %swap3A_1159 : vector<1x1x1x1x6016xf32> to vector<6016xf32>
    %swap3A_1161 = vector.shape_cast %squeeze3A_1153 : vector<6016xf32> to vector<1x1x1x1x6016xf32>
    tpu.vector_store %arg2[%swap3A_1154, %swap3A_1155, %swap3A_1156, %swap3A_1157, %swap3A_1158], %swap3A_1161 {strides = array<i32>} : memref<1x2x8x16x6016xf32, #tpu.memory_space<vmem>>, vector<1x1x1x1x6016xf32>,
    %slice3A_1162 = vector.extract_strided_slice %select_n3A_344 {offsets = [0, 2093], sizes = [1, 6016], strides = [1, 1]} : vector<1x8192xf32> to vector<1x6016xf32>
    %squeeze3A_1163 = vector.shape_cast %slice3A_1162 : vector<1x6016xf32> to vector<6016xf32>
    %swap3A_1164 = arith.constant 0 : index
    %swap3A_1165 = arith.constant 0 : index
    %swap3A_1166 = arith.constant 5 : index
    %swap3A_1167 = arith.constant 2 : index
    %swap3A_1168 = arith.constant 0 : index
    %swap3A_1169 = vector.load %arg2[%swap3A_1164, %swap3A_1165, %swap3A_1166, %swap3A_1167, %swap3A_1168] : memref<1x2x8x16x6016xf32, #tpu.memory_space<vmem>>, vector<1x1x1x1x6016xf32>
    %swap3A_1170 = vector.shape_cast %swap3A_1169 : vector<1x1x1x1x6016xf32> to vector<6016xf32>
    %swap3A_1171 = vector.shape_cast %squeeze3A_1163 : vector<6016xf32> to vector<1x1x1x1x6016xf32>
    tpu.vector_store %arg2[%swap3A_1164, %swap3A_1165, %swap3A_1166, %swap3A_1167, %swap3A_1168], %swap3A_1171 {strides = array<i32>} : memref<1x2x8x16x6016xf32, #tpu.memory_space<vmem>>, vector<1x1x1x1x6016xf32>,
    %slice3A_1172 = vector.extract_strided_slice %select_n3A_344 {offsets = [0, 2092], sizes = [1, 6016], strides = [1, 1]} : vector<1x8192xf32> to vector<1x6016xf32>
    %squeeze3A_1173 = vector.shape_cast %slice3A_1172 : vector<1x6016xf32> to vector<6016xf32>
    %swap3A_1174 = arith.constant 0 : index
    %swap3A_1175 = arith.constant 0 : index
    %swap3A_1176 = arith.constant 5 : index
    %swap3A_1177 = arith.constant 3 : index
    %swap3A_1178 = arith.constant 0 : index
    %swap3A_1179 = vector.load %arg2[%swap3A_1174, %swap3A_1175, %swap3A_1176, %swap3A_1177, %swap3A_1178] : memref<1x2x8x16x6016xf32, #tpu.memory_space<vmem>>, vector<1x1x1x1x6016xf32>
    %swap3A_1180 = vector.shape_cast %swap3A_1179 : vector<1x1x1x1x6016xf32> to vector<6016xf32>
    %swap3A_1181 = vector.shape_cast %squeeze3A_1173 : vector<6016xf32> to vector<1x1x1x1x6016xf32>
    tpu.vector_store %arg2[%swap3A_1174, %swap3A_1175, %swap3A_1176, %swap3A_1177, %swap3A_1178], %swap3A_1181 {strides = array<i32>} : memref<1x2x8x16x6016xf32, #tpu.memory_space<vmem>>, vector<1x1x1x1x6016xf32>,
    %slice3A_1182 = vector.extract_strided_slice %select_n3A_344 {offsets = [0, 2091], sizes = [1, 6016], strides = [1, 1]} : vector<1x8192xf32> to vector<1x6016xf32>
    %squeeze3A_1183 = vector.shape_cast %slice3A_1182 : vector<1x6016xf32> to vector<6016xf32>
    %swap3A_1184 = arith.constant 0 : index
    %swap3A_1185 = arith.constant 0 : index
    %swap3A_1186 = arith.constant 5 : index
    %swap3A_1187 = arith.constant 4 : index
    %swap3A_1188 = arith.constant 0 : index
    %swap3A_1189 = vector.load %arg2[%swap3A_1184, %swap3A_1185, %swap3A_1186, %swap3A_1187, %swap3A_1188] : memref<1x2x8x16x6016xf32, #tpu.memory_space<vmem>>, vector<1x1x1x1x6016xf32>
    %swap3A_1190 = vector.shape_cast %swap3A_1189 : vector<1x1x1x1x6016xf32> to vector<6016xf32>
    %swap3A_1191 = vector.shape_cast %squeeze3A_1183 : vector<6016xf32> to vector<1x1x1x1x6016xf32>
    tpu.vector_store %arg2[%swap3A_1184, %swap3A_1185, %swap3A_1186, %swap3A_1187, %swap3A_1188], %swap3A_1191 {strides = array<i32>} : memref<1x2x8x16x6016xf32, #tpu.memory_space<vmem>>, vector<1x1x1x1x6016xf32>,
    %slice3A_1192 = vector.extract_strided_slice %select_n3A_344 {offsets = [0, 2090], sizes = [1, 6016], strides = [1, 1]} : vector<1x8192xf32> to vector<1x6016xf32>
    %squeeze3A_1193 = vector.shape_cast %slice3A_1192 : vector<1x6016xf32> to vector<6016xf32>
    %swap3A_1194 = arith.constant 0 : index
    %swap3A_1195 = arith.constant 0 : index
    %swap3A_1196 = arith.constant 5 : index
    %swap3A_1197 = arith.constant 5 : index
    %swap3A_1198 = arith.constant 0 : index
    %swap3A_1199 = vector.load %arg2[%swap3A_1194, %swap3A_1195, %swap3A_1196, %swap3A_1197, %swap3A_1198] : memref<1x2x8x16x6016xf32, #tpu.memory_space<vmem>>, vector<1x1x1x1x6016xf32>
    %swap3A_1200 = vector.shape_cast %swap3A_1199 : vector<1x1x1x1x6016xf32> to vector<6016xf32>
    %swap3A_1201 = vector.shape_cast %squeeze3A_1193 : vector<6016xf32> to vector<1x1x1x1x6016xf32>
    tpu.vector_store %arg2[%swap3A_1194, %swap3A_1195, %swap3A_1196, %swap3A_1197, %swap3A_1198], %swap3A_1201 {strides = array<i32>} : memref<1x2x8x16x6016xf32, #tpu.memory_space<vmem>>, vector<1x1x1x1x6016xf32>,
    %slice3A_1202 = vector.extract_strided_slice %select_n3A_344 {offsets = [0, 2089], sizes = [1, 6016], strides = [1, 1]} : vector<1x8192xf32> to vector<1x6016xf32>
    %squeeze3A_1203 = vector.shape_cast %slice3A_1202 : vector<1x6016xf32> to vector<6016xf32>
    %swap3A_1204 = arith.constant 0 : index
    %swap3A_1205 = arith.constant 0 : index
    %swap3A_1206 = arith.constant 5 : index
    %swap3A_1207 = arith.constant 6 : index
    %swap3A_1208 = arith.constant 0 : index
    %swap3A_1209 = vector.load %arg2[%swap3A_1204, %swap3A_1205, %swap3A_1206, %swap3A_1207, %swap3A_1208] : memref<1x2x8x16x6016xf32, #tpu.memory_space<vmem>>, vector<1x1x1x1x6016xf32>
    %swap3A_1210 = vector.shape_cast %swap3A_1209 : vector<1x1x1x1x6016xf32> to vector<6016xf32>
    %swap3A_1211 = vector.shape_cast %squeeze3A_1203 : vector<6016xf32> to vector<1x1x1x1x6016xf32>
    tpu.vector_store %arg2[%swap3A_1204, %swap3A_1205, %swap3A_1206, %swap3A_1207, %swap3A_1208], %swap3A_1211 {strides = array<i32>} : memref<1x2x8x16x6016xf32, #tpu.memory_space<vmem>>, vector<1x1x1x1x6016xf32>,
    %slice3A_1212 = vector.extract_strided_slice %select_n3A_344 {offsets = [0, 2088], sizes = [1, 6016], strides = [1, 1]} : vector<1x8192xf32> to vector<1x6016xf32>
    %squeeze3A_1213 = vector.shape_cast %slice3A_1212 : vector<1x6016xf32> to vector<6016xf32>
    %swap3A_1214 = arith.constant 0 : index
    %swap3A_1215 = arith.constant 0 : index
    %swap3A_1216 = arith.constant 5 : index
    %swap3A_1217 = arith.constant 7 : index
    %swap3A_1218 = arith.constant 0 : index
    %swap3A_1219 = vector.load %arg2[%swap3A_1214, %swap3A_1215, %swap3A_1216, %swap3A_1217, %swap3A_1218] : memref<1x2x8x16x6016xf32, #tpu.memory_space<vmem>>, vector<1x1x1x1x6016xf32>
    %swap3A_1220 = vector.shape_cast %swap3A_1219 : vector<1x1x1x1x6016xf32> to vector<6016xf32>
    %swap3A_1221 = vector.shape_cast %squeeze3A_1213 : vector<6016xf32> to vector<1x1x1x1x6016xf32>
    tpu.vector_store %arg2[%swap3A_1214, %swap3A_1215, %swap3A_1216, %swap3A_1217, %swap3A_1218], %swap3A_1221 {strides = array<i32>} : memref<1x2x8x16x6016xf32, #tpu.memory_space<vmem>>, vector<1x1x1x1x6016xf32>,
    %slice3A_1222 = vector.extract_strided_slice %select_n3A_344 {offsets = [0, 2087], sizes = [1, 6016], strides = [1, 1]} : vector<1x8192xf32> to vector<1x6016xf32>
    %squeeze3A_1223 = vector.shape_cast %slice3A_1222 : vector<1x6016xf32> to vector<6016xf32>
    %swap3A_1224 = arith.constant 0 : index
    %swap3A_1225 = arith.constant 0 : index
    %swap3A_1226 = arith.constant 5 : index
    %swap3A_1227 = arith.constant 8 : index
    %swap3A_1228 = arith.constant 0 : index
    %swap3A_1229 = vector.load %arg2[%swap3A_1224, %swap3A_1225, %swap3A_1226, %swap3A_1227, %swap3A_1228] : memref<1x2x8x16x6016xf32, #tpu.memory_space<vmem>>, vector<1x1x1x1x6016xf32>
    %swap3A_1230 = vector.shape_cast %swap3A_1229 : vector<1x1x1x1x6016xf32> to vector<6016xf32>
    %swap3A_1231 = vector.shape_cast %squeeze3A_1223 : vector<6016xf32> to vector<1x1x1x1x6016xf32>
    tpu.vector_store %arg2[%swap3A_1224, %swap3A_1225, %swap3A_1226, %swap3A_1227, %swap3A_1228], %swap3A_1231 {strides = array<i32>} : memref<1x2x8x16x6016xf32, #tpu.memory_space<vmem>>, vector<1x1x1x1x6016xf32>,
    %slice3A_1232 = vector.extract_strided_slice %select_n3A_344 {offsets = [0, 2086], sizes = [1, 6016], strides = [1, 1]} : vector<1x8192xf32> to vector<1x6016xf32>
    %squeeze3A_1233 = vector.shape_cast %slice3A_1232 : vector<1x6016xf32> to vector<6016xf32>
    %swap3A_1234 = arith.constant 0 : index
    %swap3A_1235 = arith.constant 0 : index
    %swap3A_1236 = arith.constant 5 : index
    %swap3A_1237 = arith.constant 9 : index
    %swap3A_1238 = arith.constant 0 : index
    %swap3A_1239 = vector.load %arg2[%swap3A_1234, %swap3A_1235, %swap3A_1236, %swap3A_1237, %swap3A_1238] : memref<1x2x8x16x6016xf32, #tpu.memory_space<vmem>>, vector<1x1x1x1x6016xf32>
    %swap3A_1240 = vector.shape_cast %swap3A_1239 : vector<1x1x1x1x6016xf32> to vector<6016xf32>
    %swap3A_1241 = vector.shape_cast %squeeze3A_1233 : vector<6016xf32> to vector<1x1x1x1x6016xf32>
    tpu.vector_store %arg2[%swap3A_1234, %swap3A_1235, %swap3A_1236, %swap3A_1237, %swap3A_1238], %swap3A_1241 {strides = array<i32>} : memref<1x2x8x16x6016xf32, #tpu.memory_space<vmem>>, vector<1x1x1x1x6016xf32>,
    %slice3A_1242 = vector.extract_strided_slice %select_n3A_344 {offsets = [0, 2085], sizes = [1, 6016], strides = [1, 1]} : vector<1x8192xf32> to vector<1x6016xf32>
    %squeeze3A_1243 = vector.shape_cast %slice3A_1242 : vector<1x6016xf32> to vector<6016xf32>
    %swap3A_1244 = arith.constant 0 : index
    %swap3A_1245 = arith.constant 0 : index
    %swap3A_1246 = arith.constant 5 : index
    %swap3A_1247 = arith.constant 10 : index
    %swap3A_1248 = arith.constant 0 : index
    %swap3A_1249 = vector.load %arg2[%swap3A_1244, %swap3A_1245, %swap3A_1246, %swap3A_1247, %swap3A_1248] : memref<1x2x8x16x6016xf32, #tpu.memory_space<vmem>>, vector<1x1x1x1x6016xf32>
    %swap3A_1250 = vector.shape_cast %swap3A_1249 : vector<1x1x1x1x6016xf32> to vector<6016xf32>
    %swap3A_1251 = vector.shape_cast %squeeze3A_1243 : vector<6016xf32> to vector<1x1x1x1x6016xf32>
    tpu.vector_store %arg2[%swap3A_1244, %swap3A_1245, %swap3A_1246, %swap3A_1247, %swap3A_1248], %swap3A_1251 {strides = array<i32>} : memref<1x2x8x16x6016xf32, #tpu.memory_space<vmem>>, vector<1x1x1x1x6016xf32>,
    %slice3A_1252 = vector.extract_strided_slice %select_n3A_344 {offsets = [0, 2084], sizes = [1, 6016], strides = [1, 1]} : vector<1x8192xf32> to vector<1x6016xf32>
    %squeeze3A_1253 = vector.shape_cast %slice3A_1252 : vector<1x6016xf32> to vector<6016xf32>
    %swap3A_1254 = arith.constant 0 : index
    %swap3A_1255 = arith.constant 0 : index
    %swap3A_1256 = arith.constant 5 : index
    %swap3A_1257 = arith.constant 11 : index
    %swap3A_1258 = arith.constant 0 : index
    %swap3A_1259 = vector.load %arg2[%swap3A_1254, %swap3A_1255, %swap3A_1256, %swap3A_1257, %swap3A_1258] : memref<1x2x8x16x6016xf32, #tpu.memory_space<vmem>>, vector<1x1x1x1x6016xf32>
    %swap3A_1260 = vector.shape_cast %swap3A_1259 : vector<1x1x1x1x6016xf32> to vector<6016xf32>
    %swap3A_1261 = vector.shape_cast %squeeze3A_1253 : vector<6016xf32> to vector<1x1x1x1x6016xf32>
    tpu.vector_store %arg2[%swap3A_1254, %swap3A_1255, %swap3A_1256, %swap3A_1257, %swap3A_1258], %swap3A_1261 {strides = array<i32>} : memref<1x2x8x16x6016xf32, #tpu.memory_space<vmem>>, vector<1x1x1x1x6016xf32>,
    %slice3A_1262 = vector.extract_strided_slice %select_n3A_344 {offsets = [0, 2083], sizes = [1, 6016], strides = [1, 1]} : vector<1x8192xf32> to vector<1x6016xf32>
    %squeeze3A_1263 = vector.shape_cast %slice3A_1262 : vector<1x6016xf32> to vector<6016xf32>
    %swap3A_1264 = arith.constant 0 : index
    %swap3A_1265 = arith.constant 0 : index
    %swap3A_1266 = arith.constant 5 : index
    %swap3A_1267 = arith.constant 12 : index
    %swap3A_1268 = arith.constant 0 : index
    %swap3A_1269 = vector.load %arg2[%swap3A_1264, %swap3A_1265, %swap3A_1266, %swap3A_1267, %swap3A_1268] : memref<1x2x8x16x6016xf32, #tpu.memory_space<vmem>>, vector<1x1x1x1x6016xf32>
    %swap3A_1270 = vector.shape_cast %swap3A_1269 : vector<1x1x1x1x6016xf32> to vector<6016xf32>
    %swap3A_1271 = vector.shape_cast %squeeze3A_1263 : vector<6016xf32> to vector<1x1x1x1x6016xf32>
    tpu.vector_store %arg2[%swap3A_1264, %swap3A_1265, %swap3A_1266, %swap3A_1267, %swap3A_1268], %swap3A_1271 {strides = array<i32>} : memref<1x2x8x16x6016xf32, #tpu.memory_space<vmem>>, vector<1x1x1x1x6016xf32>,
    %slice3A_1272 = vector.extract_strided_slice %select_n3A_344 {offsets = [0, 2082], sizes = [1, 6016], strides = [1, 1]} : vector<1x8192xf32> to vector<1x6016xf32>
    %squeeze3A_1273 = vector.shape_cast %slice3A_1272 : vector<1x6016xf32> to vector<6016xf32>
    %swap3A_1274 = arith.constant 0 : index
    %swap3A_1275 = arith.constant 0 : index
    %swap3A_1276 = arith.constant 5 : index
    %swap3A_1277 = arith.constant 13 : index
    %swap3A_1278 = arith.constant 0 : index
    %swap3A_1279 = vector.load %arg2[%swap3A_1274, %swap3A_1275, %swap3A_1276, %swap3A_1277, %swap3A_1278] : memref<1x2x8x16x6016xf32, #tpu.memory_space<vmem>>, vector<1x1x1x1x6016xf32>
    %swap3A_1280 = vector.shape_cast %swap3A_1279 : vector<1x1x1x1x6016xf32> to vector<6016xf32>
    %swap3A_1281 = vector.shape_cast %squeeze3A_1273 : vector<6016xf32> to vector<1x1x1x1x6016xf32>
    tpu.vector_store %arg2[%swap3A_1274, %swap3A_1275, %swap3A_1276, %swap3A_1277, %swap3A_1278], %swap3A_1281 {strides = array<i32>} : memref<1x2x8x16x6016xf32, #tpu.memory_space<vmem>>, vector<1x1x1x1x6016xf32>,
    %slice3A_1282 = vector.extract_strided_slice %select_n3A_344 {offsets = [0, 2081], sizes = [1, 6016], strides = [1, 1]} : vector<1x8192xf32> to vector<1x6016xf32>
    %squeeze3A_1283 = vector.shape_cast %slice3A_1282 : vector<1x6016xf32> to vector<6016xf32>
    %swap3A_1284 = arith.constant 0 : index
    %swap3A_1285 = arith.constant 0 : index
    %swap3A_1286 = arith.constant 5 : index
    %swap3A_1287 = arith.constant 14 : index
    %swap3A_1288 = arith.constant 0 : index
    %swap3A_1289 = vector.load %arg2[%swap3A_1284, %swap3A_1285, %swap3A_1286, %swap3A_1287, %swap3A_1288] : memref<1x2x8x16x6016xf32, #tpu.memory_space<vmem>>, vector<1x1x1x1x6016xf32>
    %swap3A_1290 = vector.shape_cast %swap3A_1289 : vector<1x1x1x1x6016xf32> to vector<6016xf32>
    %swap3A_1291 = vector.shape_cast %squeeze3A_1283 : vector<6016xf32> to vector<1x1x1x1x6016xf32>
    tpu.vector_store %arg2[%swap3A_1284, %swap3A_1285, %swap3A_1286, %swap3A_1287, %swap3A_1288], %swap3A_1291 {strides = array<i32>} : memref<1x2x8x16x6016xf32, #tpu.memory_space<vmem>>, vector<1x1x1x1x6016xf32>,
    %slice3A_1292 = vector.extract_strided_slice %select_n3A_344 {offsets = [0, 2080], sizes = [1, 6016], strides = [1, 1]} : vector<1x8192xf32> to vector<1x6016xf32>
    %squeeze3A_1293 = vector.shape_cast %slice3A_1292 : vector<1x6016xf32> to vector<6016xf32>
    %swap3A_1294 = arith.constant 0 : index
    %swap3A_1295 = arith.constant 0 : index
    %swap3A_1296 = arith.constant 5 : index
    %swap3A_1297 = arith.constant 15 : index
    %swap3A_1298 = arith.constant 0 : index
    %swap3A_1299 = vector.load %arg2[%swap3A_1294, %swap3A_1295, %swap3A_1296, %swap3A_1297, %swap3A_1298] : memref<1x2x8x16x6016xf32, #tpu.memory_space<vmem>>, vector<1x1x1x1x6016xf32>
    %swap3A_1300 = vector.shape_cast %swap3A_1299 : vector<1x1x1x1x6016xf32> to vector<6016xf32>
    %swap3A_1301 = vector.shape_cast %squeeze3A_1293 : vector<6016xf32> to vector<1x1x1x1x6016xf32>
    tpu.vector_store %arg2[%swap3A_1294, %swap3A_1295, %swap3A_1296, %swap3A_1297, %swap3A_1298], %swap3A_1301 {strides = array<i32>} : memref<1x2x8x16x6016xf32, #tpu.memory_space<vmem>>, vector<1x1x1x1x6016xf32>,
    %slice3A_1302 = vector.extract_strided_slice %select_n3A_344 {offsets = [0, 2079], sizes = [1, 6016], strides = [1, 1]} : vector<1x8192xf32> to vector<1x6016xf32>
    %squeeze3A_1303 = vector.shape_cast %slice3A_1302 : vector<1x6016xf32> to vector<6016xf32>
    %swap3A_1304 = arith.constant 0 : index
    %swap3A_1305 = arith.constant 0 : index
    %swap3A_1306 = arith.constant 6 : index
    %swap3A_1307 = arith.constant 0 : index
    %swap3A_1308 = arith.constant 0 : index
    %swap3A_1309 = vector.load %arg2[%swap3A_1304, %swap3A_1305, %swap3A_1306, %swap3A_1307, %swap3A_1308] : memref<1x2x8x16x6016xf32, #tpu.memory_space<vmem>>, vector<1x1x1x1x6016xf32>
    %swap3A_1310 = vector.shape_cast %swap3A_1309 : vector<1x1x1x1x6016xf32> to vector<6016xf32>
    %swap3A_1311 = vector.shape_cast %squeeze3A_1303 : vector<6016xf32> to vector<1x1x1x1x6016xf32>
    tpu.vector_store %arg2[%swap3A_1304, %swap3A_1305, %swap3A_1306, %swap3A_1307, %swap3A_1308], %swap3A_1311 {strides = array<i32>} : memref<1x2x8x16x6016xf32, #tpu.memory_space<vmem>>, vector<1x1x1x1x6016xf32>,
    %slice3A_1312 = vector.extract_strided_slice %select_n3A_344 {offsets = [0, 2078], sizes = [1, 6016], strides = [1, 1]} : vector<1x8192xf32> to vector<1x6016xf32>
    %squeeze3A_1313 = vector.shape_cast %slice3A_1312 : vector<1x6016xf32> to vector<6016xf32>
    %swap3A_1314 = arith.constant 0 : index
    %swap3A_1315 = arith.constant 0 : index
    %swap3A_1316 = arith.constant 6 : index
    %swap3A_1317 = arith.constant 1 : index
    %swap3A_1318 = arith.constant 0 : index
    %swap3A_1319 = vector.load %arg2[%swap3A_1314, %swap3A_1315, %swap3A_1316, %swap3A_1317, %swap3A_1318] : memref<1x2x8x16x6016xf32, #tpu.memory_space<vmem>>, vector<1x1x1x1x6016xf32>
    %swap3A_1320 = vector.shape_cast %swap3A_1319 : vector<1x1x1x1x6016xf32> to vector<6016xf32>
    %swap3A_1321 = vector.shape_cast %squeeze3A_1313 : vector<6016xf32> to vector<1x1x1x1x6016xf32>
    tpu.vector_store %arg2[%swap3A_1314, %swap3A_1315, %swap3A_1316, %swap3A_1317, %swap3A_1318], %swap3A_1321 {strides = array<i32>} : memref<1x2x8x16x6016xf32, #tpu.memory_space<vmem>>, vector<1x1x1x1x6016xf32>,
    %slice3A_1322 = vector.extract_strided_slice %select_n3A_344 {offsets = [0, 2077], sizes = [1, 6016], strides = [1, 1]} : vector<1x8192xf32> to vector<1x6016xf32>
    %squeeze3A_1323 = vector.shape_cast %slice3A_1322 : vector<1x6016xf32> to vector<6016xf32>
    %swap3A_1324 = arith.constant 0 : index
    %swap3A_1325 = arith.constant 0 : index
    %swap3A_1326 = arith.constant 6 : index
    %swap3A_1327 = arith.constant 2 : index
    %swap3A_1328 = arith.constant 0 : index
    %swap3A_1329 = vector.load %arg2[%swap3A_1324, %swap3A_1325, %swap3A_1326, %swap3A_1327, %swap3A_1328] : memref<1x2x8x16x6016xf32, #tpu.memory_space<vmem>>, vector<1x1x1x1x6016xf32>
    %swap3A_1330 = vector.shape_cast %swap3A_1329 : vector<1x1x1x1x6016xf32> to vector<6016xf32>
    %swap3A_1331 = vector.shape_cast %squeeze3A_1323 : vector<6016xf32> to vector<1x1x1x1x6016xf32>
    tpu.vector_store %arg2[%swap3A_1324, %swap3A_1325, %swap3A_1326, %swap3A_1327, %swap3A_1328], %swap3A_1331 {strides = array<i32>} : memref<1x2x8x16x6016xf32, #tpu.memory_space<vmem>>, vector<1x1x1x1x6016xf32>,
    %slice3A_1332 = vector.extract_strided_slice %select_n3A_344 {offsets = [0, 2076], sizes = [1, 6016], strides = [1, 1]} : vector<1x8192xf32> to vector<1x6016xf32>
    %squeeze3A_1333 = vector.shape_cast %slice3A_1332 : vector<1x6016xf32> to vector<6016xf32>
    %swap3A_1334 = arith.constant 0 : index
    %swap3A_1335 = arith.constant 0 : index
    %swap3A_1336 = arith.constant 6 : index
    %swap3A_1337 = arith.constant 3 : index
    %swap3A_1338 = arith.constant 0 : index
    %swap3A_1339 = vector.load %arg2[%swap3A_1334, %swap3A_1335, %swap3A_1336, %swap3A_1337, %swap3A_1338] : memref<1x2x8x16x6016xf32, #tpu.memory_space<vmem>>, vector<1x1x1x1x6016xf32>
    %swap3A_1340 = vector.shape_cast %swap3A_1339 : vector<1x1x1x1x6016xf32> to vector<6016xf32>
    %swap3A_1341 = vector.shape_cast %squeeze3A_1333 : vector<6016xf32> to vector<1x1x1x1x6016xf32>
    tpu.vector_store %arg2[%swap3A_1334, %swap3A_1335, %swap3A_1336, %swap3A_1337, %swap3A_1338], %swap3A_1341 {strides = array<i32>} : memref<1x2x8x16x6016xf32, #tpu.memory_space<vmem>>, vector<1x1x1x1x6016xf32>,
    %slice3A_1342 = vector.extract_strided_slice %select_n3A_344 {offsets = [0, 2075], sizes = [1, 6016], strides = [1, 1]} : vector<1x8192xf32> to vector<1x6016xf32>
    %squeeze3A_1343 = vector.shape_cast %slice3A_1342 : vector<1x6016xf32> to vector<6016xf32>
    %swap3A_1344 = arith.constant 0 : index
    %swap3A_1345 = arith.constant 0 : index
    %swap3A_1346 = arith.constant 6 : index
    %swap3A_1347 = arith.constant 4 : index
    %swap3A_1348 = arith.constant 0 : index
    %swap3A_1349 = vector.load %arg2[%swap3A_1344, %swap3A_1345, %swap3A_1346, %swap3A_1347, %swap3A_1348] : memref<1x2x8x16x6016xf32, #tpu.memory_space<vmem>>, vector<1x1x1x1x6016xf32>
    %swap3A_1350 = vector.shape_cast %swap3A_1349 : vector<1x1x1x1x6016xf32> to vector<6016xf32>
    %swap3A_1351 = vector.shape_cast %squeeze3A_1343 : vector<6016xf32> to vector<1x1x1x1x6016xf32>
    tpu.vector_store %arg2[%swap3A_1344, %swap3A_1345, %swap3A_1346, %swap3A_1347, %swap3A_1348], %swap3A_1351 {strides = array<i32>} : memref<1x2x8x16x6016xf32, #tpu.memory_space<vmem>>, vector<1x1x1x1x6016xf32>,
    %slice3A_1352 = vector.extract_strided_slice %select_n3A_344 {offsets = [0, 2074], sizes = [1, 6016], strides = [1, 1]} : vector<1x8192xf32> to vector<1x6016xf32>
    %squeeze3A_1353 = vector.shape_cast %slice3A_1352 : vector<1x6016xf32> to vector<6016xf32>
    %swap3A_1354 = arith.constant 0 : index
    %swap3A_1355 = arith.constant 0 : index
    %swap3A_1356 = arith.constant 6 : index
    %swap3A_1357 = arith.constant 5 : index
    %swap3A_1358 = arith.constant 0 : index
    %swap3A_1359 = vector.load %arg2[%swap3A_1354, %swap3A_1355, %swap3A_1356, %swap3A_1357, %swap3A_1358] : memref<1x2x8x16x6016xf32, #tpu.memory_space<vmem>>, vector<1x1x1x1x6016xf32>
    %swap3A_1360 = vector.shape_cast %swap3A_1359 : vector<1x1x1x1x6016xf32> to vector<6016xf32>
    %swap3A_1361 = vector.shape_cast %squeeze3A_1353 : vector<6016xf32> to vector<1x1x1x1x6016xf32>
    tpu.vector_store %arg2[%swap3A_1354, %swap3A_1355, %swap3A_1356, %swap3A_1357, %swap3A_1358], %swap3A_1361 {strides = array<i32>} : memref<1x2x8x16x6016xf32, #tpu.memory_space<vmem>>, vector<1x1x1x1x6016xf32>,
    %slice3A_1362 = vector.extract_strided_slice %select_n3A_344 {offsets = [0, 2073], sizes = [1, 6016], strides = [1, 1]} : vector<1x8192xf32> to vector<1x6016xf32>
    %squeeze3A_1363 = vector.shape_cast %slice3A_1362 : vector<1x6016xf32> to vector<6016xf32>
    %swap3A_1364 = arith.constant 0 : index
    %swap3A_1365 = arith.constant 0 : index
    %swap3A_1366 = arith.constant 6 : index
    %swap3A_1367 = arith.constant 6 : index
    %swap3A_1368 = arith.constant 0 : index
    %swap3A_1369 = vector.load %arg2[%swap3A_1364, %swap3A_1365, %swap3A_1366, %swap3A_1367, %swap3A_1368] : memref<1x2x8x16x6016xf32, #tpu.memory_space<vmem>>, vector<1x1x1x1x6016xf32>
    %swap3A_1370 = vector.shape_cast %swap3A_1369 : vector<1x1x1x1x6016xf32> to vector<6016xf32>
    %swap3A_1371 = vector.shape_cast %squeeze3A_1363 : vector<6016xf32> to vector<1x1x1x1x6016xf32>
    tpu.vector_store %arg2[%swap3A_1364, %swap3A_1365, %swap3A_1366, %swap3A_1367, %swap3A_1368], %swap3A_1371 {strides = array<i32>} : memref<1x2x8x16x6016xf32, #tpu.memory_space<vmem>>, vector<1x1x1x1x6016xf32>,
    %slice3A_1372 = vector.extract_strided_slice %select_n3A_344 {offsets = [0, 2072], sizes = [1, 6016], strides = [1, 1]} : vector<1x8192xf32> to vector<1x6016xf32>
    %squeeze3A_1373 = vector.shape_cast %slice3A_1372 : vector<1x6016xf32> to vector<6016xf32>
    %swap3A_1374 = arith.constant 0 : index
    %swap3A_1375 = arith.constant 0 : index
    %swap3A_1376 = arith.constant 6 : index
    %swap3A_1377 = arith.constant 7 : index
    %swap3A_1378 = arith.constant 0 : index
    %swap3A_1379 = vector.load %arg2[%swap3A_1374, %swap3A_1375, %swap3A_1376, %swap3A_1377, %swap3A_1378] : memref<1x2x8x16x6016xf32, #tpu.memory_space<vmem>>, vector<1x1x1x1x6016xf32>
    %swap3A_1380 = vector.shape_cast %swap3A_1379 : vector<1x1x1x1x6016xf32> to vector<6016xf32>
    %swap3A_1381 = vector.shape_cast %squeeze3A_1373 : vector<6016xf32> to vector<1x1x1x1x6016xf32>
    tpu.vector_store %arg2[%swap3A_1374, %swap3A_1375, %swap3A_1376, %swap3A_1377, %swap3A_1378], %swap3A_1381 {strides = array<i32>} : memref<1x2x8x16x6016xf32, #tpu.memory_space<vmem>>, vector<1x1x1x1x6016xf32>,
    %slice3A_1382 = vector.extract_strided_slice %select_n3A_344 {offsets = [0, 2071], sizes = [1, 6016], strides = [1, 1]} : vector<1x8192xf32> to vector<1x6016xf32>
    %squeeze3A_1383 = vector.shape_cast %slice3A_1382 : vector<1x6016xf32> to vector<6016xf32>
    %swap3A_1384 = arith.constant 0 : index
    %swap3A_1385 = arith.constant 0 : index
    %swap3A_1386 = arith.constant 6 : index
    %swap3A_1387 = arith.constant 8 : index
    %swap3A_1388 = arith.constant 0 : index
    %swap3A_1389 = vector.load %arg2[%swap3A_1384, %swap3A_1385, %swap3A_1386, %swap3A_1387, %swap3A_1388] : memref<1x2x8x16x6016xf32, #tpu.memory_space<vmem>>, vector<1x1x1x1x6016xf32>
    %swap3A_1390 = vector.shape_cast %swap3A_1389 : vector<1x1x1x1x6016xf32> to vector<6016xf32>
    %swap3A_1391 = vector.shape_cast %squeeze3A_1383 : vector<6016xf32> to vector<1x1x1x1x6016xf32>
    tpu.vector_store %arg2[%swap3A_1384, %swap3A_1385, %swap3A_1386, %swap3A_1387, %swap3A_1388], %swap3A_1391 {strides = array<i32>} : memref<1x2x8x16x6016xf32, #tpu.memory_space<vmem>>, vector<1x1x1x1x6016xf32>,
    %slice3A_1392 = vector.extract_strided_slice %select_n3A_344 {offsets = [0, 2070], sizes = [1, 6016], strides = [1, 1]} : vector<1x8192xf32> to vector<1x6016xf32>
    %squeeze3A_1393 = vector.shape_cast %slice3A_1392 : vector<1x6016xf32> to vector<6016xf32>
    %swap3A_1394 = arith.constant 0 : index
    %swap3A_1395 = arith.constant 0 : index
    %swap3A_1396 = arith.constant 6 : index
    %swap3A_1397 = arith.constant 9 : index
    %swap3A_1398 = arith.constant 0 : index
    %swap3A_1399 = vector.load %arg2[%swap3A_1394, %swap3A_1395, %swap3A_1396, %swap3A_1397, %swap3A_1398] : memref<1x2x8x16x6016xf32, #tpu.memory_space<vmem>>, vector<1x1x1x1x6016xf32>
    %swap3A_1400 = vector.shape_cast %swap3A_1399 : vector<1x1x1x1x6016xf32> to vector<6016xf32>
    %swap3A_1401 = vector.shape_cast %squeeze3A_1393 : vector<6016xf32> to vector<1x1x1x1x6016xf32>
    tpu.vector_store %arg2[%swap3A_1394, %swap3A_1395, %swap3A_1396, %swap3A_1397, %swap3A_1398], %swap3A_1401 {strides = array<i32>} : memref<1x2x8x16x6016xf32, #tpu.memory_space<vmem>>, vector<1x1x1x1x6016xf32>,
    %slice3A_1402 = vector.extract_strided_slice %select_n3A_344 {offsets = [0, 2069], sizes = [1, 6016], strides = [1, 1]} : vector<1x8192xf32> to vector<1x6016xf32>
    %squeeze3A_1403 = vector.shape_cast %slice3A_1402 : vector<1x6016xf32> to vector<6016xf32>
    %swap3A_1404 = arith.constant 0 : index
    %swap3A_1405 = arith.constant 0 : index
    %swap3A_1406 = arith.constant 6 : index
    %swap3A_1407 = arith.constant 10 : index
    %swap3A_1408 = arith.constant 0 : index
    %swap3A_1409 = vector.load %arg2[%swap3A_1404, %swap3A_1405, %swap3A_1406, %swap3A_1407, %swap3A_1408] : memref<1x2x8x16x6016xf32, #tpu.memory_space<vmem>>, vector<1x1x1x1x6016xf32>
    %swap3A_1410 = vector.shape_cast %swap3A_1409 : vector<1x1x1x1x6016xf32> to vector<6016xf32>
    %swap3A_1411 = vector.shape_cast %squeeze3A_1403 : vector<6016xf32> to vector<1x1x1x1x6016xf32>
    tpu.vector_store %arg2[%swap3A_1404, %swap3A_1405, %swap3A_1406, %swap3A_1407, %swap3A_1408], %swap3A_1411 {strides = array<i32>} : memref<1x2x8x16x6016xf32, #tpu.memory_space<vmem>>, vector<1x1x1x1x6016xf32>,
    %slice3A_1412 = vector.extract_strided_slice %select_n3A_344 {offsets = [0, 2068], sizes = [1, 6016], strides = [1, 1]} : vector<1x8192xf32> to vector<1x6016xf32>
    %squeeze3A_1413 = vector.shape_cast %slice3A_1412 : vector<1x6016xf32> to vector<6016xf32>
    %swap3A_1414 = arith.constant 0 : index
    %swap3A_1415 = arith.constant 0 : index
    %swap3A_1416 = arith.constant 6 : index
    %swap3A_1417 = arith.constant 11 : index
    %swap3A_1418 = arith.constant 0 : index
    %swap3A_1419 = vector.load %arg2[%swap3A_1414, %swap3A_1415, %swap3A_1416, %swap3A_1417, %swap3A_1418] : memref<1x2x8x16x6016xf32, #tpu.memory_space<vmem>>, vector<1x1x1x1x6016xf32>
    %swap3A_1420 = vector.shape_cast %swap3A_1419 : vector<1x1x1x1x6016xf32> to vector<6016xf32>
    %swap3A_1421 = vector.shape_cast %squeeze3A_1413 : vector<6016xf32> to vector<1x1x1x1x6016xf32>
    tpu.vector_store %arg2[%swap3A_1414, %swap3A_1415, %swap3A_1416, %swap3A_1417, %swap3A_1418], %swap3A_1421 {strides = array<i32>} : memref<1x2x8x16x6016xf32, #tpu.memory_space<vmem>>, vector<1x1x1x1x6016xf32>,
    %slice3A_1422 = vector.extract_strided_slice %select_n3A_344 {offsets = [0, 2067], sizes = [1, 6016], strides = [1, 1]} : vector<1x8192xf32> to vector<1x6016xf32>
    %squeeze3A_1423 = vector.shape_cast %slice3A_1422 : vector<1x6016xf32> to vector<6016xf32>
    %swap3A_1424 = arith.constant 0 : index
    %swap3A_1425 = arith.constant 0 : index
    %swap3A_1426 = arith.constant 6 : index
    %swap3A_1427 = arith.constant 12 : index
    %swap3A_1428 = arith.constant 0 : index
    %swap3A_1429 = vector.load %arg2[%swap3A_1424, %swap3A_1425, %swap3A_1426, %swap3A_1427, %swap3A_1428] : memref<1x2x8x16x6016xf32, #tpu.memory_space<vmem>>, vector<1x1x1x1x6016xf32>
    %swap3A_1430 = vector.shape_cast %swap3A_1429 : vector<1x1x1x1x6016xf32> to vector<6016xf32>
    %swap3A_1431 = vector.shape_cast %squeeze3A_1423 : vector<6016xf32> to vector<1x1x1x1x6016xf32>
    tpu.vector_store %arg2[%swap3A_1424, %swap3A_1425, %swap3A_1426, %swap3A_1427, %swap3A_1428], %swap3A_1431 {strides = array<i32>} : memref<1x2x8x16x6016xf32, #tpu.memory_space<vmem>>, vector<1x1x1x1x6016xf32>,
    %slice3A_1432 = vector.extract_strided_slice %select_n3A_344 {offsets = [0, 2066], sizes = [1, 6016], strides = [1, 1]} : vector<1x8192xf32> to vector<1x6016xf32>
    %squeeze3A_1433 = vector.shape_cast %slice3A_1432 : vector<1x6016xf32> to vector<6016xf32>
    %swap3A_1434 = arith.constant 0 : index
    %swap3A_1435 = arith.constant 0 : index
    %swap3A_1436 = arith.constant 6 : index
    %swap3A_1437 = arith.constant 13 : index
    %swap3A_1438 = arith.constant 0 : index
    %swap3A_1439 = vector.load %arg2[%swap3A_1434, %swap3A_1435, %swap3A_1436, %swap3A_1437, %swap3A_1438] : memref<1x2x8x16x6016xf32, #tpu.memory_space<vmem>>, vector<1x1x1x1x6016xf32>
    %swap3A_1440 = vector.shape_cast %swap3A_1439 : vector<1x1x1x1x6016xf32> to vector<6016xf32>
    %swap3A_1441 = vector.shape_cast %squeeze3A_1433 : vector<6016xf32> to vector<1x1x1x1x6016xf32>
    tpu.vector_store %arg2[%swap3A_1434, %swap3A_1435, %swap3A_1436, %swap3A_1437, %swap3A_1438], %swap3A_1441 {strides = array<i32>} : memref<1x2x8x16x6016xf32, #tpu.memory_space<vmem>>, vector<1x1x1x1x6016xf32>,
    %slice3A_1442 = vector.extract_strided_slice %select_n3A_344 {offsets = [0, 2065], sizes = [1, 6016], strides = [1, 1]} : vector<1x8192xf32> to vector<1x6016xf32>
    %squeeze3A_1443 = vector.shape_cast %slice3A_1442 : vector<1x6016xf32> to vector<6016xf32>
    %swap3A_1444 = arith.constant 0 : index
    %swap3A_1445 = arith.constant 0 : index
    %swap3A_1446 = arith.constant 6 : index
    %swap3A_1447 = arith.constant 14 : index
    %swap3A_1448 = arith.constant 0 : index
    %swap3A_1449 = vector.load %arg2[%swap3A_1444, %swap3A_1445, %swap3A_1446, %swap3A_1447, %swap3A_1448] : memref<1x2x8x16x6016xf32, #tpu.memory_space<vmem>>, vector<1x1x1x1x6016xf32>
    %swap3A_1450 = vector.shape_cast %swap3A_1449 : vector<1x1x1x1x6016xf32> to vector<6016xf32>
    %swap3A_1451 = vector.shape_cast %squeeze3A_1443 : vector<6016xf32> to vector<1x1x1x1x6016xf32>
    tpu.vector_store %arg2[%swap3A_1444, %swap3A_1445, %swap3A_1446, %swap3A_1447, %swap3A_1448], %swap3A_1451 {strides = array<i32>} : memref<1x2x8x16x6016xf32, #tpu.memory_space<vmem>>, vector<1x1x1x1x6016xf32>,
    %slice3A_1452 = vector.extract_strided_slice %select_n3A_344 {offsets = [0, 2064], sizes = [1, 6016], strides = [1, 1]} : vector<1x8192xf32> to vector<1x6016xf32>
    %squeeze3A_1453 = vector.shape_cast %slice3A_1452 : vector<1x6016xf32> to vector<6016xf32>
    %swap3A_1454 = arith.constant 0 : index
    %swap3A_1455 = arith.constant 0 : index
    %swap3A_1456 = arith.constant 6 : index
    %swap3A_1457 = arith.constant 15 : index
    %swap3A_1458 = arith.constant 0 : index
    %swap3A_1459 = vector.load %arg2[%swap3A_1454, %swap3A_1455, %swap3A_1456, %swap3A_1457, %swap3A_1458] : memref<1x2x8x16x6016xf32, #tpu.memory_space<vmem>>, vector<1x1x1x1x6016xf32>
    %swap3A_1460 = vector.shape_cast %swap3A_1459 : vector<1x1x1x1x6016xf32> to vector<6016xf32>
    %swap3A_1461 = vector.shape_cast %squeeze3A_1453 : vector<6016xf32> to vector<1x1x1x1x6016xf32>
    tpu.vector_store %arg2[%swap3A_1454, %swap3A_1455, %swap3A_1456, %swap3A_1457, %swap3A_1458], %swap3A_1461 {strides = array<i32>} : memref<1x2x8x16x6016xf32, #tpu.memory_space<vmem>>, vector<1x1x1x1x6016xf32>,
    %slice3A_1462 = vector.extract_strided_slice %select_n3A_344 {offsets = [0, 2063], sizes = [1, 6016], strides = [1, 1]} : vector<1x8192xf32> to vector<1x6016xf32>
    %squeeze3A_1463 = vector.shape_cast %slice3A_1462 : vector<1x6016xf32> to vector<6016xf32>
    %swap3A_1464 = arith.constant 0 : index
    %swap3A_1465 = arith.constant 0 : index
    %swap3A_1466 = arith.constant 7 : index
    %swap3A_1467 = arith.constant 0 : index
    %swap3A_1468 = arith.constant 0 : index
    %swap3A_1469 = vector.load %arg2[%swap3A_1464, %swap3A_1465, %swap3A_1466, %swap3A_1467, %swap3A_1468] : memref<1x2x8x16x6016xf32, #tpu.memory_space<vmem>>, vector<1x1x1x1x6016xf32>
    %swap3A_1470 = vector.shape_cast %swap3A_1469 : vector<1x1x1x1x6016xf32> to vector<6016xf32>
    %swap3A_1471 = vector.shape_cast %squeeze3A_1463 : vector<6016xf32> to vector<1x1x1x1x6016xf32>
    tpu.vector_store %arg2[%swap3A_1464, %swap3A_1465, %swap3A_1466, %swap3A_1467, %swap3A_1468], %swap3A_1471 {strides = array<i32>} : memref<1x2x8x16x6016xf32, #tpu.memory_space<vmem>>, vector<1x1x1x1x6016xf32>,
    %slice3A_1472 = vector.extract_strided_slice %select_n3A_344 {offsets = [0, 2062], sizes = [1, 6016], strides = [1, 1]} : vector<1x8192xf32> to vector<1x6016xf32>
    %squeeze3A_1473 = vector.shape_cast %slice3A_1472 : vector<1x6016xf32> to vector<6016xf32>
    %swap3A_1474 = arith.constant 0 : index
    %swap3A_1475 = arith.constant 0 : index
    %swap3A_1476 = arith.constant 7 : index
    %swap3A_1477 = arith.constant 1 : index
    %swap3A_1478 = arith.constant 0 : index
    %swap3A_1479 = vector.load %arg2[%swap3A_1474, %swap3A_1475, %swap3A_1476, %swap3A_1477, %swap3A_1478] : memref<1x2x8x16x6016xf32, #tpu.memory_space<vmem>>, vector<1x1x1x1x6016xf32>
    %swap3A_1480 = vector.shape_cast %swap3A_1479 : vector<1x1x1x1x6016xf32> to vector<6016xf32>
    %swap3A_1481 = vector.shape_cast %squeeze3A_1473 : vector<6016xf32> to vector<1x1x1x1x6016xf32>
    tpu.vector_store %arg2[%swap3A_1474, %swap3A_1475, %swap3A_1476, %swap3A_1477, %swap3A_1478], %swap3A_1481 {strides = array<i32>} : memref<1x2x8x16x6016xf32, #tpu.memory_space<vmem>>, vector<1x1x1x1x6016xf32>,
    %slice3A_1482 = vector.extract_strided_slice %select_n3A_344 {offsets = [0, 2061], sizes = [1, 6016], strides = [1, 1]} : vector<1x8192xf32> to vector<1x6016xf32>
    %squeeze3A_1483 = vector.shape_cast %slice3A_1482 : vector<1x6016xf32> to vector<6016xf32>
    %swap3A_1484 = arith.constant 0 : index
    %swap3A_1485 = arith.constant 0 : index
    %swap3A_1486 = arith.constant 7 : index
    %swap3A_1487 = arith.constant 2 : index
    %swap3A_1488 = arith.constant 0 : index
    %swap3A_1489 = vector.load %arg2[%swap3A_1484, %swap3A_1485, %swap3A_1486, %swap3A_1487, %swap3A_1488] : memref<1x2x8x16x6016xf32, #tpu.memory_space<vmem>>, vector<1x1x1x1x6016xf32>
    %swap3A_1490 = vector.shape_cast %swap3A_1489 : vector<1x1x1x1x6016xf32> to vector<6016xf32>
    %swap3A_1491 = vector.shape_cast %squeeze3A_1483 : vector<6016xf32> to vector<1x1x1x1x6016xf32>
    tpu.vector_store %arg2[%swap3A_1484, %swap3A_1485, %swap3A_1486, %swap3A_1487, %swap3A_1488], %swap3A_1491 {strides = array<i32>} : memref<1x2x8x16x6016xf32, #tpu.memory_space<vmem>>, vector<1x1x1x1x6016xf32>,
    %slice3A_1492 = vector.extract_strided_slice %select_n3A_344 {offsets = [0, 2060], sizes = [1, 6016], strides = [1, 1]} : vector<1x8192xf32> to vector<1x6016xf32>
    %squeeze3A_1493 = vector.shape_cast %slice3A_1492 : vector<1x6016xf32> to vector<6016xf32>
    %swap3A_1494 = arith.constant 0 : index
    %swap3A_1495 = arith.constant 0 : index
    %swap3A_1496 = arith.constant 7 : index
    %swap3A_1497 = arith.constant 3 : index
    %swap3A_1498 = arith.constant 0 : index
    %swap3A_1499 = vector.load %arg2[%swap3A_1494, %swap3A_1495, %swap3A_1496, %swap3A_1497, %swap3A_1498] : memref<1x2x8x16x6016xf32, #tpu.memory_space<vmem>>, vector<1x1x1x1x6016xf32>
    %swap3A_1500 = vector.shape_cast %swap3A_1499 : vector<1x1x1x1x6016xf32> to vector<6016xf32>
    %swap3A_1501 = vector.shape_cast %squeeze3A_1493 : vector<6016xf32> to vector<1x1x1x1x6016xf32>
    tpu.vector_store %arg2[%swap3A_1494, %swap3A_1495, %swap3A_1496, %swap3A_1497, %swap3A_1498], %swap3A_1501 {strides = array<i32>} : memref<1x2x8x16x6016xf32, #tpu.memory_space<vmem>>, vector<1x1x1x1x6016xf32>,
    %slice3A_1502 = vector.extract_strided_slice %select_n3A_344 {offsets = [0, 2059], sizes = [1, 6016], strides = [1, 1]} : vector<1x8192xf32> to vector<1x6016xf32>
    %squeeze3A_1503 = vector.shape_cast %slice3A_1502 : vector<1x6016xf32> to vector<6016xf32>
    %swap3A_1504 = arith.constant 0 : index
    %swap3A_1505 = arith.constant 0 : index
    %swap3A_1506 = arith.constant 7 : index
    %swap3A_1507 = arith.constant 4 : index
    %swap3A_1508 = arith.constant 0 : index
    %swap3A_1509 = vector.load %arg2[%swap3A_1504, %swap3A_1505, %swap3A_1506, %swap3A_1507, %swap3A_1508] : memref<1x2x8x16x6016xf32, #tpu.memory_space<vmem>>, vector<1x1x1x1x6016xf32>
    %swap3A_1510 = vector.shape_cast %swap3A_1509 : vector<1x1x1x1x6016xf32> to vector<6016xf32>
    %swap3A_1511 = vector.shape_cast %squeeze3A_1503 : vector<6016xf32> to vector<1x1x1x1x6016xf32>
    tpu.vector_store %arg2[%swap3A_1504, %swap3A_1505, %swap3A_1506, %swap3A_1507, %swap3A_1508], %swap3A_1511 {strides = array<i32>} : memref<1x2x8x16x6016xf32, #tpu.memory_space<vmem>>, vector<1x1x1x1x6016xf32>,
    %slice3A_1512 = vector.extract_strided_slice %select_n3A_344 {offsets = [0, 2058], sizes = [1, 6016], strides = [1, 1]} : vector<1x8192xf32> to vector<1x6016xf32>
    %squeeze3A_1513 = vector.shape_cast %slice3A_1512 : vector<1x6016xf32> to vector<6016xf32>
    %swap3A_1514 = arith.constant 0 : index
    %swap3A_1515 = arith.constant 0 : index
    %swap3A_1516 = arith.constant 7 : index
    %swap3A_1517 = arith.constant 5 : index
    %swap3A_1518 = arith.constant 0 : index
    %swap3A_1519 = vector.load %arg2[%swap3A_1514, %swap3A_1515, %swap3A_1516, %swap3A_1517, %swap3A_1518] : memref<1x2x8x16x6016xf32, #tpu.memory_space<vmem>>, vector<1x1x1x1x6016xf32>
    %swap3A_1520 = vector.shape_cast %swap3A_1519 : vector<1x1x1x1x6016xf32> to vector<6016xf32>
    %swap3A_1521 = vector.shape_cast %squeeze3A_1513 : vector<6016xf32> to vector<1x1x1x1x6016xf32>
    tpu.vector_store %arg2[%swap3A_1514, %swap3A_1515, %swap3A_1516, %swap3A_1517, %swap3A_1518], %swap3A_1521 {strides = array<i32>} : memref<1x2x8x16x6016xf32, #tpu.memory_space<vmem>>, vector<1x1x1x1x6016xf32>,
    %slice3A_1522 = vector.extract_strided_slice %select_n3A_344 {offsets = [0, 2057], sizes = [1, 6016], strides = [1, 1]} : vector<1x8192xf32> to vector<1x6016xf32>
    %squeeze3A_1523 = vector.shape_cast %slice3A_1522 : vector<1x6016xf32> to vector<6016xf32>
    %swap3A_1524 = arith.constant 0 : index
    %swap3A_1525 = arith.constant 0 : index
    %swap3A_1526 = arith.constant 7 : index
    %swap3A_1527 = arith.constant 6 : index
    %swap3A_1528 = arith.constant 0 : index
    %swap3A_1529 = vector.load %arg2[%swap3A_1524, %swap3A_1525, %swap3A_1526, %swap3A_1527, %swap3A_1528] : memref<1x2x8x16x6016xf32, #tpu.memory_space<vmem>>, vector<1x1x1x1x6016xf32>
    %swap3A_1530 = vector.shape_cast %swap3A_1529 : vector<1x1x1x1x6016xf32> to vector<6016xf32>
    %swap3A_1531 = vector.shape_cast %squeeze3A_1523 : vector<6016xf32> to vector<1x1x1x1x6016xf32>
    tpu.vector_store %arg2[%swap3A_1524, %swap3A_1525, %swap3A_1526, %swap3A_1527, %swap3A_1528], %swap3A_1531 {strides = array<i32>} : memref<1x2x8x16x6016xf32, #tpu.memory_space<vmem>>, vector<1x1x1x1x6016xf32>,
    %slice3A_1532 = vector.extract_strided_slice %select_n3A_344 {offsets = [0, 2056], sizes = [1, 6016], strides = [1, 1]} : vector<1x8192xf32> to vector<1x6016xf32>
    %squeeze3A_1533 = vector.shape_cast %slice3A_1532 : vector<1x6016xf32> to vector<6016xf32>
    %swap3A_1534 = arith.constant 0 : index
    %swap3A_1535 = arith.constant 0 : index
    %swap3A_1536 = arith.constant 7 : index
    %swap3A_1537 = arith.constant 7 : index
    %swap3A_1538 = arith.constant 0 : index
    %swap3A_1539 = vector.load %arg2[%swap3A_1534, %swap3A_1535, %swap3A_1536, %swap3A_1537, %swap3A_1538] : memref<1x2x8x16x6016xf32, #tpu.memory_space<vmem>>, vector<1x1x1x1x6016xf32>
    %swap3A_1540 = vector.shape_cast %swap3A_1539 : vector<1x1x1x1x6016xf32> to vector<6016xf32>
    %swap3A_1541 = vector.shape_cast %squeeze3A_1533 : vector<6016xf32> to vector<1x1x1x1x6016xf32>
    tpu.vector_store %arg2[%swap3A_1534, %swap3A_1535, %swap3A_1536, %swap3A_1537, %swap3A_1538], %swap3A_1541 {strides = array<i32>} : memref<1x2x8x16x6016xf32, #tpu.memory_space<vmem>>, vector<1x1x1x1x6016xf32>,
    %slice3A_1542 = vector.extract_strided_slice %select_n3A_344 {offsets = [0, 2055], sizes = [1, 6016], strides = [1, 1]} : vector<1x8192xf32> to vector<1x6016xf32>
    %squeeze3A_1543 = vector.shape_cast %slice3A_1542 : vector<1x6016xf32> to vector<6016xf32>
    %swap3A_1544 = arith.constant 0 : index
    %swap3A_1545 = arith.constant 0 : index
    %swap3A_1546 = arith.constant 7 : index
    %swap3A_1547 = arith.constant 8 : index
    %swap3A_1548 = arith.constant 0 : index
    %swap3A_1549 = vector.load %arg2[%swap3A_1544, %swap3A_1545, %swap3A_1546, %swap3A_1547, %swap3A_1548] : memref<1x2x8x16x6016xf32, #tpu.memory_space<vmem>>, vector<1x1x1x1x6016xf32>
    %swap3A_1550 = vector.shape_cast %swap3A_1549 : vector<1x1x1x1x6016xf32> to vector<6016xf32>
    %swap3A_1551 = vector.shape_cast %squeeze3A_1543 : vector<6016xf32> to vector<1x1x1x1x6016xf32>
    tpu.vector_store %arg2[%swap3A_1544, %swap3A_1545, %swap3A_1546, %swap3A_1547, %swap3A_1548], %swap3A_1551 {strides = array<i32>} : memref<1x2x8x16x6016xf32, #tpu.memory_space<vmem>>, vector<1x1x1x1x6016xf32>,
    %slice3A_1552 = vector.extract_strided_slice %select_n3A_344 {offsets = [0, 2054], sizes = [1, 6016], strides = [1, 1]} : vector<1x8192xf32> to vector<1x6016xf32>
    %squeeze3A_1553 = vector.shape_cast %slice3A_1552 : vector<1x6016xf32> to vector<6016xf32>
    %swap3A_1554 = arith.constant 0 : index
    %swap3A_1555 = arith.constant 0 : index
    %swap3A_1556 = arith.constant 7 : index
    %swap3A_1557 = arith.constant 9 : index
    %swap3A_1558 = arith.constant 0 : index
    %swap3A_1559 = vector.load %arg2[%swap3A_1554, %swap3A_1555, %swap3A_1556, %swap3A_1557, %swap3A_1558] : memref<1x2x8x16x6016xf32, #tpu.memory_space<vmem>>, vector<1x1x1x1x6016xf32>
    %swap3A_1560 = vector.shape_cast %swap3A_1559 : vector<1x1x1x1x6016xf32> to vector<6016xf32>
    %swap3A_1561 = vector.shape_cast %squeeze3A_1553 : vector<6016xf32> to vector<1x1x1x1x6016xf32>
    tpu.vector_store %arg2[%swap3A_1554, %swap3A_1555, %swap3A_1556, %swap3A_1557, %swap3A_1558], %swap3A_1561 {strides = array<i32>} : memref<1x2x8x16x6016xf32, #tpu.memory_space<vmem>>, vector<1x1x1x1x6016xf32>,
    %slice3A_1562 = vector.extract_strided_slice %select_n3A_344 {offsets = [0, 2053], sizes = [1, 6016], strides = [1, 1]} : vector<1x8192xf32> to vector<1x6016xf32>
    %squeeze3A_1563 = vector.shape_cast %slice3A_1562 : vector<1x6016xf32> to vector<6016xf32>
    %swap3A_1564 = arith.constant 0 : index
    %swap3A_1565 = arith.constant 0 : index
    %swap3A_1566 = arith.constant 7 : index
    %swap3A_1567 = arith.constant 10 : index
    %swap3A_1568 = arith.constant 0 : index
    %swap3A_1569 = vector.load %arg2[%swap3A_1564, %swap3A_1565, %swap3A_1566, %swap3A_1567, %swap3A_1568] : memref<1x2x8x16x6016xf32, #tpu.memory_space<vmem>>, vector<1x1x1x1x6016xf32>
    %swap3A_1570 = vector.shape_cast %swap3A_1569 : vector<1x1x1x1x6016xf32> to vector<6016xf32>
    %swap3A_1571 = vector.shape_cast %squeeze3A_1563 : vector<6016xf32> to vector<1x1x1x1x6016xf32>
    tpu.vector_store %arg2[%swap3A_1564, %swap3A_1565, %swap3A_1566, %swap3A_1567, %swap3A_1568], %swap3A_1571 {strides = array<i32>} : memref<1x2x8x16x6016xf32, #tpu.memory_space<vmem>>, vector<1x1x1x1x6016xf32>,
    %slice3A_1572 = vector.extract_strided_slice %select_n3A_344 {offsets = [0, 2052], sizes = [1, 6016], strides = [1, 1]} : vector<1x8192xf32> to vector<1x6016xf32>
    %squeeze3A_1573 = vector.shape_cast %slice3A_1572 : vector<1x6016xf32> to vector<6016xf32>
    %swap3A_1574 = arith.constant 0 : index
    %swap3A_1575 = arith.constant 0 : index
    %swap3A_1576 = arith.constant 7 : index
    %swap3A_1577 = arith.constant 11 : index
    %swap3A_1578 = arith.constant 0 : index
    %swap3A_1579 = vector.load %arg2[%swap3A_1574, %swap3A_1575, %swap3A_1576, %swap3A_1577, %swap3A_1578] : memref<1x2x8x16x6016xf32, #tpu.memory_space<vmem>>, vector<1x1x1x1x6016xf32>
    %swap3A_1580 = vector.shape_cast %swap3A_1579 : vector<1x1x1x1x6016xf32> to vector<6016xf32>
    %swap3A_1581 = vector.shape_cast %squeeze3A_1573 : vector<6016xf32> to vector<1x1x1x1x6016xf32>
    tpu.vector_store %arg2[%swap3A_1574, %swap3A_1575, %swap3A_1576, %swap3A_1577, %swap3A_1578], %swap3A_1581 {strides = array<i32>} : memref<1x2x8x16x6016xf32, #tpu.memory_space<vmem>>, vector<1x1x1x1x6016xf32>,
    %slice3A_1582 = vector.extract_strided_slice %select_n3A_344 {offsets = [0, 2051], sizes = [1, 6016], strides = [1, 1]} : vector<1x8192xf32> to vector<1x6016xf32>
    %squeeze3A_1583 = vector.shape_cast %slice3A_1582 : vector<1x6016xf32> to vector<6016xf32>
    %swap3A_1584 = arith.constant 0 : index
    %swap3A_1585 = arith.constant 0 : index
    %swap3A_1586 = arith.constant 7 : index
    %swap3A_1587 = arith.constant 12 : index
    %swap3A_1588 = arith.constant 0 : index
    %swap3A_1589 = vector.load %arg2[%swap3A_1584, %swap3A_1585, %swap3A_1586, %swap3A_1587, %swap3A_1588] : memref<1x2x8x16x6016xf32, #tpu.memory_space<vmem>>, vector<1x1x1x1x6016xf32>
    %swap3A_1590 = vector.shape_cast %swap3A_1589 : vector<1x1x1x1x6016xf32> to vector<6016xf32>
    %swap3A_1591 = vector.shape_cast %squeeze3A_1583 : vector<6016xf32> to vector<1x1x1x1x6016xf32>
    tpu.vector_store %arg2[%swap3A_1584, %swap3A_1585, %swap3A_1586, %swap3A_1587, %swap3A_1588], %swap3A_1591 {strides = array<i32>} : memref<1x2x8x16x6016xf32, #tpu.memory_space<vmem>>, vector<1x1x1x1x6016xf32>,
    %slice3A_1592 = vector.extract_strided_slice %select_n3A_344 {offsets = [0, 2050], sizes = [1, 6016], strides = [1, 1]} : vector<1x8192xf32> to vector<1x6016xf32>
    %squeeze3A_1593 = vector.shape_cast %slice3A_1592 : vector<1x6016xf32> to vector<6016xf32>
    %swap3A_1594 = arith.constant 0 : index
    %swap3A_1595 = arith.constant 0 : index
    %swap3A_1596 = arith.constant 7 : index
    %swap3A_1597 = arith.constant 13 : index
    %swap3A_1598 = arith.constant 0 : index
    %swap3A_1599 = vector.load %arg2[%swap3A_1594, %swap3A_1595, %swap3A_1596, %swap3A_1597, %swap3A_1598] : memref<1x2x8x16x6016xf32, #tpu.memory_space<vmem>>, vector<1x1x1x1x6016xf32>
    %swap3A_1600 = vector.shape_cast %swap3A_1599 : vector<1x1x1x1x6016xf32> to vector<6016xf32>
    %swap3A_1601 = vector.shape_cast %squeeze3A_1593 : vector<6016xf32> to vector<1x1x1x1x6016xf32>
    tpu.vector_store %arg2[%swap3A_1594, %swap3A_1595, %swap3A_1596, %swap3A_1597, %swap3A_1598], %swap3A_1601 {strides = array<i32>} : memref<1x2x8x16x6016xf32, #tpu.memory_space<vmem>>, vector<1x1x1x1x6016xf32>,
    %slice3A_1602 = vector.extract_strided_slice %select_n3A_344 {offsets = [0, 2049], sizes = [1, 6016], strides = [1, 1]} : vector<1x8192xf32> to vector<1x6016xf32>
    %squeeze3A_1603 = vector.shape_cast %slice3A_1602 : vector<1x6016xf32> to vector<6016xf32>
    %swap3A_1604 = arith.constant 0 : index
    %swap3A_1605 = arith.constant 0 : index
    %swap3A_1606 = arith.constant 7 : index
    %swap3A_1607 = arith.constant 14 : index
    %swap3A_1608 = arith.constant 0 : index
    %swap3A_1609 = vector.load %arg2[%swap3A_1604, %swap3A_1605, %swap3A_1606, %swap3A_1607, %swap3A_1608] : memref<1x2x8x16x6016xf32, #tpu.memory_space<vmem>>, vector<1x1x1x1x6016xf32>
    %swap3A_1610 = vector.shape_cast %swap3A_1609 : vector<1x1x1x1x6016xf32> to vector<6016xf32>
    %swap3A_1611 = vector.shape_cast %squeeze3A_1603 : vector<6016xf32> to vector<1x1x1x1x6016xf32>
    tpu.vector_store %arg2[%swap3A_1604, %swap3A_1605, %swap3A_1606, %swap3A_1607, %swap3A_1608], %swap3A_1611 {strides = array<i32>} : memref<1x2x8x16x6016xf32, #tpu.memory_space<vmem>>, vector<1x1x1x1x6016xf32>,
    %slice3A_1612 = vector.extract_strided_slice %select_n3A_344 {offsets = [0, 2048], sizes = [1, 6016], strides = [1, 1]} : vector<1x8192xf32> to vector<1x6016xf32>
    %squeeze3A_1613 = vector.shape_cast %slice3A_1612 : vector<1x6016xf32> to vector<6016xf32>
    %swap3A_1614 = arith.constant 0 : index
    %swap3A_1615 = arith.constant 0 : index
    %swap3A_1616 = arith.constant 7 : index
    %swap3A_1617 = arith.constant 15 : index
    %swap3A_1618 = arith.constant 0 : index
    %swap3A_1619 = vector.load %arg2[%swap3A_1614, %swap3A_1615, %swap3A_1616, %swap3A_1617, %swap3A_1618] : memref<1x2x8x16x6016xf32, #tpu.memory_space<vmem>>, vector<1x1x1x1x6016xf32>
    %swap3A_1620 = vector.shape_cast %swap3A_1619 : vector<1x1x1x1x6016xf32> to vector<6016xf32>
    %swap3A_1621 = vector.shape_cast %squeeze3A_1613 : vector<6016xf32> to vector<1x1x1x1x6016xf32>
    tpu.vector_store %arg2[%swap3A_1614, %swap3A_1615, %swap3A_1616, %swap3A_1617, %swap3A_1618], %swap3A_1621 {strides = array<i32>} : memref<1x2x8x16x6016xf32, #tpu.memory_space<vmem>>, vector<1x1x1x1x6016xf32>,
    %slice3A_1622 = vector.extract_strided_slice %select_n3A_344 {offsets = [0, 127], sizes = [1, 6016], strides = [1, 1]} : vector<1x8192xf32> to vector<1x6016xf32>
    %squeeze3A_1623 = vector.shape_cast %slice3A_1622 : vector<1x6016xf32> to vector<6016xf32>
    %swap3A_1624 = arith.constant 0 : index
    %swap3A_1625 = arith.constant 1 : index
    %swap3A_1626 = arith.constant 0 : index
    %swap3A_1627 = arith.constant 0 : index
    %swap3A_1628 = arith.constant 0 : index
    %swap3A_1629 = vector.load %arg2[%swap3A_1624, %swap3A_1625, %swap3A_1626, %swap3A_1627, %swap3A_1628] : memref<1x2x8x16x6016xf32, #tpu.memory_space<vmem>>, vector<1x1x1x1x6016xf32>
    %swap3A_1630 = vector.shape_cast %swap3A_1629 : vector<1x1x1x1x6016xf32> to vector<6016xf32>
    %swap3A_1631 = vector.shape_cast %squeeze3A_1623 : vector<6016xf32> to vector<1x1x1x1x6016xf32>
    tpu.vector_store %arg2[%swap3A_1624, %swap3A_1625, %swap3A_1626, %swap3A_1627, %swap3A_1628], %swap3A_1631 {strides = array<i32>} : memref<1x2x8x16x6016xf32, #tpu.memory_space<vmem>>, vector<1x1x1x1x6016xf32>,
    %slice3A_1632 = vector.extract_strided_slice %select_n3A_344 {offsets = [0, 126], sizes = [1, 6016], strides = [1, 1]} : vector<1x8192xf32> to vector<1x6016xf32>
    %squeeze3A_1633 = vector.shape_cast %slice3A_1632 : vector<1x6016xf32> to vector<6016xf32>
    %swap3A_1634 = arith.constant 0 : index
    %swap3A_1635 = arith.constant 1 : index
    %swap3A_1636 = arith.constant 0 : index
    %swap3A_1637 = arith.constant 1 : index
    %swap3A_1638 = arith.constant 0 : index
    %swap3A_1639 = vector.load %arg2[%swap3A_1634, %swap3A_1635, %swap3A_1636, %swap3A_1637, %swap3A_1638] : memref<1x2x8x16x6016xf32, #tpu.memory_space<vmem>>, vector<1x1x1x1x6016xf32>
    %swap3A_1640 = vector.shape_cast %swap3A_1639 : vector<1x1x1x1x6016xf32> to vector<6016xf32>
    %swap3A_1641 = vector.shape_cast %squeeze3A_1633 : vector<6016xf32> to vector<1x1x1x1x6016xf32>
    tpu.vector_store %arg2[%swap3A_1634, %swap3A_1635, %swap3A_1636, %swap3A_1637, %swap3A_1638], %swap3A_1641 {strides = array<i32>} : memref<1x2x8x16x6016xf32, #tpu.memory_space<vmem>>, vector<1x1x1x1x6016xf32>,
    %slice3A_1642 = vector.extract_strided_slice %select_n3A_344 {offsets = [0, 125], sizes = [1, 6016], strides = [1, 1]} : vector<1x8192xf32> to vector<1x6016xf32>
    %squeeze3A_1643 = vector.shape_cast %slice3A_1642 : vector<1x6016xf32> to vector<6016xf32>
    %swap3A_1644 = arith.constant 0 : index
    %swap3A_1645 = arith.constant 1 : index
    %swap3A_1646 = arith.constant 0 : index
    %swap3A_1647 = arith.constant 2 : index
    %swap3A_1648 = arith.constant 0 : index
    %swap3A_1649 = vector.load %arg2[%swap3A_1644, %swap3A_1645, %swap3A_1646, %swap3A_1647, %swap3A_1648] : memref<1x2x8x16x6016xf32, #tpu.memory_space<vmem>>, vector<1x1x1x1x6016xf32>
    %swap3A_1650 = vector.shape_cast %swap3A_1649 : vector<1x1x1x1x6016xf32> to vector<6016xf32>
    %swap3A_1651 = vector.shape_cast %squeeze3A_1643 : vector<6016xf32> to vector<1x1x1x1x6016xf32>
    tpu.vector_store %arg2[%swap3A_1644, %swap3A_1645, %swap3A_1646, %swap3A_1647, %swap3A_1648], %swap3A_1651 {strides = array<i32>} : memref<1x2x8x16x6016xf32, #tpu.memory_space<vmem>>, vector<1x1x1x1x6016xf32>,
    %slice3A_1652 = vector.extract_strided_slice %select_n3A_344 {offsets = [0, 124], sizes = [1, 6016], strides = [1, 1]} : vector<1x8192xf32> to vector<1x6016xf32>
    %squeeze3A_1653 = vector.shape_cast %slice3A_1652 : vector<1x6016xf32> to vector<6016xf32>
    %swap3A_1654 = arith.constant 0 : index
    %swap3A_1655 = arith.constant 1 : index
    %swap3A_1656 = arith.constant 0 : index
    %swap3A_1657 = arith.constant 3 : index
    %swap3A_1658 = arith.constant 0 : index
    %swap3A_1659 = vector.load %arg2[%swap3A_1654, %swap3A_1655, %swap3A_1656, %swap3A_1657, %swap3A_1658] : memref<1x2x8x16x6016xf32, #tpu.memory_space<vmem>>, vector<1x1x1x1x6016xf32>
    %swap3A_1660 = vector.shape_cast %swap3A_1659 : vector<1x1x1x1x6016xf32> to vector<6016xf32>
    %swap3A_1661 = vector.shape_cast %squeeze3A_1653 : vector<6016xf32> to vector<1x1x1x1x6016xf32>
    tpu.vector_store %arg2[%swap3A_1654, %swap3A_1655, %swap3A_1656, %swap3A_1657, %swap3A_1658], %swap3A_1661 {strides = array<i32>} : memref<1x2x8x16x6016xf32, #tpu.memory_space<vmem>>, vector<1x1x1x1x6016xf32>,
    %slice3A_1662 = vector.extract_strided_slice %select_n3A_344 {offsets = [0, 123], sizes = [1, 6016], strides = [1, 1]} : vector<1x8192xf32> to vector<1x6016xf32>
    %squeeze3A_1663 = vector.shape_cast %slice3A_1662 : vector<1x6016xf32> to vector<6016xf32>
    %swap3A_1664 = arith.constant 0 : index
    %swap3A_1665 = arith.constant 1 : index
    %swap3A_1666 = arith.constant 0 : index
    %swap3A_1667 = arith.constant 4 : index
    %swap3A_1668 = arith.constant 0 : index
    %swap3A_1669 = vector.load %arg2[%swap3A_1664, %swap3A_1665, %swap3A_1666, %swap3A_1667, %swap3A_1668] : memref<1x2x8x16x6016xf32, #tpu.memory_space<vmem>>, vector<1x1x1x1x6016xf32>
    %swap3A_1670 = vector.shape_cast %swap3A_1669 : vector<1x1x1x1x6016xf32> to vector<6016xf32>
    %swap3A_1671 = vector.shape_cast %squeeze3A_1663 : vector<6016xf32> to vector<1x1x1x1x6016xf32>
    tpu.vector_store %arg2[%swap3A_1664, %swap3A_1665, %swap3A_1666, %swap3A_1667, %swap3A_1668], %swap3A_1671 {strides = array<i32>} : memref<1x2x8x16x6016xf32, #tpu.memory_space<vmem>>, vector<1x1x1x1x6016xf32>,
    %slice3A_1672 = vector.extract_strided_slice %select_n3A_344 {offsets = [0, 122], sizes = [1, 6016], strides = [1, 1]} : vector<1x8192xf32> to vector<1x6016xf32>
    %squeeze3A_1673 = vector.shape_cast %slice3A_1672 : vector<1x6016xf32> to vector<6016xf32>
    %swap3A_1674 = arith.constant 0 : index
    %swap3A_1675 = arith.constant 1 : index
    %swap3A_1676 = arith.constant 0 : index
    %swap3A_1677 = arith.constant 5 : index
    %swap3A_1678 = arith.constant 0 : index
    %swap3A_1679 = vector.load %arg2[%swap3A_1674, %swap3A_1675, %swap3A_1676, %swap3A_1677, %swap3A_1678] : memref<1x2x8x16x6016xf32, #tpu.memory_space<vmem>>, vector<1x1x1x1x6016xf32>
    %swap3A_1680 = vector.shape_cast %swap3A_1679 : vector<1x1x1x1x6016xf32> to vector<6016xf32>
    %swap3A_1681 = vector.shape_cast %squeeze3A_1673 : vector<6016xf32> to vector<1x1x1x1x6016xf32>
    tpu.vector_store %arg2[%swap3A_1674, %swap3A_1675, %swap3A_1676, %swap3A_1677, %swap3A_1678], %swap3A_1681 {strides = array<i32>} : memref<1x2x8x16x6016xf32, #tpu.memory_space<vmem>>, vector<1x1x1x1x6016xf32>,
    %slice3A_1682 = vector.extract_strided_slice %select_n3A_344 {offsets = [0, 121], sizes = [1, 6016], strides = [1, 1]} : vector<1x8192xf32> to vector<1x6016xf32>
    %squeeze3A_1683 = vector.shape_cast %slice3A_1682 : vector<1x6016xf32> to vector<6016xf32>
    %swap3A_1684 = arith.constant 0 : index
    %swap3A_1685 = arith.constant 1 : index
    %swap3A_1686 = arith.constant 0 : index
    %swap3A_1687 = arith.constant 6 : index
    %swap3A_1688 = arith.constant 0 : index
    %swap3A_1689 = vector.load %arg2[%swap3A_1684, %swap3A_1685, %swap3A_1686, %swap3A_1687, %swap3A_1688] : memref<1x2x8x16x6016xf32, #tpu.memory_space<vmem>>, vector<1x1x1x1x6016xf32>
    %swap3A_1690 = vector.shape_cast %swap3A_1689 : vector<1x1x1x1x6016xf32> to vector<6016xf32>
    %swap3A_1691 = vector.shape_cast %squeeze3A_1683 : vector<6016xf32> to vector<1x1x1x1x6016xf32>
    tpu.vector_store %arg2[%swap3A_1684, %swap3A_1685, %swap3A_1686, %swap3A_1687, %swap3A_1688], %swap3A_1691 {strides = array<i32>} : memref<1x2x8x16x6016xf32, #tpu.memory_space<vmem>>, vector<1x1x1x1x6016xf32>,
    %slice3A_1692 = vector.extract_strided_slice %select_n3A_344 {offsets = [0, 120], sizes = [1, 6016], strides = [1, 1]} : vector<1x8192xf32> to vector<1x6016xf32>
    %squeeze3A_1693 = vector.shape_cast %slice3A_1692 : vector<1x6016xf32> to vector<6016xf32>
    %swap3A_1694 = arith.constant 0 : index
    %swap3A_1695 = arith.constant 1 : index
    %swap3A_1696 = arith.constant 0 : index
    %swap3A_1697 = arith.constant 7 : index
    %swap3A_1698 = arith.constant 0 : index
    %swap3A_1699 = vector.load %arg2[%swap3A_1694, %swap3A_1695, %swap3A_1696, %swap3A_1697, %swap3A_1698] : memref<1x2x8x16x6016xf32, #tpu.memory_space<vmem>>, vector<1x1x1x1x6016xf32>
    %swap3A_1700 = vector.shape_cast %swap3A_1699 : vector<1x1x1x1x6016xf32> to vector<6016xf32>
    %swap3A_1701 = vector.shape_cast %squeeze3A_1693 : vector<6016xf32> to vector<1x1x1x1x6016xf32>
    tpu.vector_store %arg2[%swap3A_1694, %swap3A_1695, %swap3A_1696, %swap3A_1697, %swap3A_1698], %swap3A_1701 {strides = array<i32>} : memref<1x2x8x16x6016xf32, #tpu.memory_space<vmem>>, vector<1x1x1x1x6016xf32>,
    %slice3A_1702 = vector.extract_strided_slice %select_n3A_344 {offsets = [0, 119], sizes = [1, 6016], strides = [1, 1]} : vector<1x8192xf32> to vector<1x6016xf32>
    %squeeze3A_1703 = vector.shape_cast %slice3A_1702 : vector<1x6016xf32> to vector<6016xf32>
    %swap3A_1704 = arith.constant 0 : index
    %swap3A_1705 = arith.constant 1 : index
    %swap3A_1706 = arith.constant 0 : index
    %swap3A_1707 = arith.constant 8 : index
    %swap3A_1708 = arith.constant 0 : index
    %swap3A_1709 = vector.load %arg2[%swap3A_1704, %swap3A_1705, %swap3A_1706, %swap3A_1707, %swap3A_1708] : memref<1x2x8x16x6016xf32, #tpu.memory_space<vmem>>, vector<1x1x1x1x6016xf32>
    %swap3A_1710 = vector.shape_cast %swap3A_1709 : vector<1x1x1x1x6016xf32> to vector<6016xf32>
    %swap3A_1711 = vector.shape_cast %squeeze3A_1703 : vector<6016xf32> to vector<1x1x1x1x6016xf32>
    tpu.vector_store %arg2[%swap3A_1704, %swap3A_1705, %swap3A_1706, %swap3A_1707, %swap3A_1708], %swap3A_1711 {strides = array<i32>} : memref<1x2x8x16x6016xf32, #tpu.memory_space<vmem>>, vector<1x1x1x1x6016xf32>,
    %slice3A_1712 = vector.extract_strided_slice %select_n3A_344 {offsets = [0, 118], sizes = [1, 6016], strides = [1, 1]} : vector<1x8192xf32> to vector<1x6016xf32>
    %squeeze3A_1713 = vector.shape_cast %slice3A_1712 : vector<1x6016xf32> to vector<6016xf32>
    %swap3A_1714 = arith.constant 0 : index
    %swap3A_1715 = arith.constant 1 : index
    %swap3A_1716 = arith.constant 0 : index
    %swap3A_1717 = arith.constant 9 : index
    %swap3A_1718 = arith.constant 0 : index
    %swap3A_1719 = vector.load %arg2[%swap3A_1714, %swap3A_1715, %swap3A_1716, %swap3A_1717, %swap3A_1718] : memref<1x2x8x16x6016xf32, #tpu.memory_space<vmem>>, vector<1x1x1x1x6016xf32>
    %swap3A_1720 = vector.shape_cast %swap3A_1719 : vector<1x1x1x1x6016xf32> to vector<6016xf32>
    %swap3A_1721 = vector.shape_cast %squeeze3A_1713 : vector<6016xf32> to vector<1x1x1x1x6016xf32>
    tpu.vector_store %arg2[%swap3A_1714, %swap3A_1715, %swap3A_1716, %swap3A_1717, %swap3A_1718], %swap3A_1721 {strides = array<i32>} : memref<1x2x8x16x6016xf32, #tpu.memory_space<vmem>>, vector<1x1x1x1x6016xf32>,
    %slice3A_1722 = vector.extract_strided_slice %select_n3A_344 {offsets = [0, 117], sizes = [1, 6016], strides = [1, 1]} : vector<1x8192xf32> to vector<1x6016xf32>
    %squeeze3A_1723 = vector.shape_cast %slice3A_1722 : vector<1x6016xf32> to vector<6016xf32>
    %swap3A_1724 = arith.constant 0 : index
    %swap3A_1725 = arith.constant 1 : index
    %swap3A_1726 = arith.constant 0 : index
    %swap3A_1727 = arith.constant 10 : index
    %swap3A_1728 = arith.constant 0 : index
    %swap3A_1729 = vector.load %arg2[%swap3A_1724, %swap3A_1725, %swap3A_1726, %swap3A_1727, %swap3A_1728] : memref<1x2x8x16x6016xf32, #tpu.memory_space<vmem>>, vector<1x1x1x1x6016xf32>
    %swap3A_1730 = vector.shape_cast %swap3A_1729 : vector<1x1x1x1x6016xf32> to vector<6016xf32>
    %swap3A_1731 = vector.shape_cast %squeeze3A_1723 : vector<6016xf32> to vector<1x1x1x1x6016xf32>
    tpu.vector_store %arg2[%swap3A_1724, %swap3A_1725, %swap3A_1726, %swap3A_1727, %swap3A_1728], %swap3A_1731 {strides = array<i32>} : memref<1x2x8x16x6016xf32, #tpu.memory_space<vmem>>, vector<1x1x1x1x6016xf32>,
    %slice3A_1732 = vector.extract_strided_slice %select_n3A_344 {offsets = [0, 116], sizes = [1, 6016], strides = [1, 1]} : vector<1x8192xf32> to vector<1x6016xf32>
    %squeeze3A_1733 = vector.shape_cast %slice3A_1732 : vector<1x6016xf32> to vector<6016xf32>
    %swap3A_1734 = arith.constant 0 : index
    %swap3A_1735 = arith.constant 1 : index
    %swap3A_1736 = arith.constant 0 : index
    %swap3A_1737 = arith.constant 11 : index
    %swap3A_1738 = arith.constant 0 : index
    %swap3A_1739 = vector.load %arg2[%swap3A_1734, %swap3A_1735, %swap3A_1736, %swap3A_1737, %swap3A_1738] : memref<1x2x8x16x6016xf32, #tpu.memory_space<vmem>>, vector<1x1x1x1x6016xf32>
    %swap3A_1740 = vector.shape_cast %swap3A_1739 : vector<1x1x1x1x6016xf32> to vector<6016xf32>
    %swap3A_1741 = vector.shape_cast %squeeze3A_1733 : vector<6016xf32> to vector<1x1x1x1x6016xf32>
    tpu.vector_store %arg2[%swap3A_1734, %swap3A_1735, %swap3A_1736, %swap3A_1737, %swap3A_1738], %swap3A_1741 {strides = array<i32>} : memref<1x2x8x16x6016xf32, #tpu.memory_space<vmem>>, vector<1x1x1x1x6016xf32>,
    %slice3A_1742 = vector.extract_strided_slice %select_n3A_344 {offsets = [0, 115], sizes = [1, 6016], strides = [1, 1]} : vector<1x8192xf32> to vector<1x6016xf32>
    %squeeze3A_1743 = vector.shape_cast %slice3A_1742 : vector<1x6016xf32> to vector<6016xf32>
    %swap3A_1744 = arith.constant 0 : index
    %swap3A_1745 = arith.constant 1 : index
    %swap3A_1746 = arith.constant 0 : index
    %swap3A_1747 = arith.constant 12 : index
    %swap3A_1748 = arith.constant 0 : index
    %swap3A_1749 = vector.load %arg2[%swap3A_1744, %swap3A_1745, %swap3A_1746, %swap3A_1747, %swap3A_1748] : memref<1x2x8x16x6016xf32, #tpu.memory_space<vmem>>, vector<1x1x1x1x6016xf32>
    %swap3A_1750 = vector.shape_cast %swap3A_1749 : vector<1x1x1x1x6016xf32> to vector<6016xf32>
    %swap3A_1751 = vector.shape_cast %squeeze3A_1743 : vector<6016xf32> to vector<1x1x1x1x6016xf32>
    tpu.vector_store %arg2[%swap3A_1744, %swap3A_1745, %swap3A_1746, %swap3A_1747, %swap3A_1748], %swap3A_1751 {strides = array<i32>} : memref<1x2x8x16x6016xf32, #tpu.memory_space<vmem>>, vector<1x1x1x1x6016xf32>,
    %slice3A_1752 = vector.extract_strided_slice %select_n3A_344 {offsets = [0, 114], sizes = [1, 6016], strides = [1, 1]} : vector<1x8192xf32> to vector<1x6016xf32>
    %squeeze3A_1753 = vector.shape_cast %slice3A_1752 : vector<1x6016xf32> to vector<6016xf32>
    %swap3A_1754 = arith.constant 0 : index
    %swap3A_1755 = arith.constant 1 : index
    %swap3A_1756 = arith.constant 0 : index
    %swap3A_1757 = arith.constant 13 : index
    %swap3A_1758 = arith.constant 0 : index
    %swap3A_1759 = vector.load %arg2[%swap3A_1754, %swap3A_1755, %swap3A_1756, %swap3A_1757, %swap3A_1758] : memref<1x2x8x16x6016xf32, #tpu.memory_space<vmem>>, vector<1x1x1x1x6016xf32>
    %swap3A_1760 = vector.shape_cast %swap3A_1759 : vector<1x1x1x1x6016xf32> to vector<6016xf32>
    %swap3A_1761 = vector.shape_cast %squeeze3A_1753 : vector<6016xf32> to vector<1x1x1x1x6016xf32>
    tpu.vector_store %arg2[%swap3A_1754, %swap3A_1755, %swap3A_1756, %swap3A_1757, %swap3A_1758], %swap3A_1761 {strides = array<i32>} : memref<1x2x8x16x6016xf32, #tpu.memory_space<vmem>>, vector<1x1x1x1x6016xf32>,
    %slice3A_1762 = vector.extract_strided_slice %select_n3A_344 {offsets = [0, 113], sizes = [1, 6016], strides = [1, 1]} : vector<1x8192xf32> to vector<1x6016xf32>
    %squeeze3A_1763 = vector.shape_cast %slice3A_1762 : vector<1x6016xf32> to vector<6016xf32>
    %swap3A_1764 = arith.constant 0 : index
    %swap3A_1765 = arith.constant 1 : index
    %swap3A_1766 = arith.constant 0 : index
    %swap3A_1767 = arith.constant 14 : index
    %swap3A_1768 = arith.constant 0 : index
    %swap3A_1769 = vector.load %arg2[%swap3A_1764, %swap3A_1765, %swap3A_1766, %swap3A_1767, %swap3A_1768] : memref<1x2x8x16x6016xf32, #tpu.memory_space<vmem>>, vector<1x1x1x1x6016xf32>
    %swap3A_1770 = vector.shape_cast %swap3A_1769 : vector<1x1x1x1x6016xf32> to vector<6016xf32>
    %swap3A_1771 = vector.shape_cast %squeeze3A_1763 : vector<6016xf32> to vector<1x1x1x1x6016xf32>
    tpu.vector_store %arg2[%swap3A_1764, %swap3A_1765, %swap3A_1766, %swap3A_1767, %swap3A_1768], %swap3A_1771 {strides = array<i32>} : memref<1x2x8x16x6016xf32, #tpu.memory_space<vmem>>, vector<1x1x1x1x6016xf32>,
    %slice3A_1772 = vector.extract_strided_slice %select_n3A_344 {offsets = [0, 112], sizes = [1, 6016], strides = [1, 1]} : vector<1x8192xf32> to vector<1x6016xf32>
    %squeeze3A_1773 = vector.shape_cast %slice3A_1772 : vector<1x6016xf32> to vector<6016xf32>
    %swap3A_1774 = arith.constant 0 : index
    %swap3A_1775 = arith.constant 1 : index
    %swap3A_1776 = arith.constant 0 : index
    %swap3A_1777 = arith.constant 15 : index
    %swap3A_1778 = arith.constant 0 : index
    %swap3A_1779 = vector.load %arg2[%swap3A_1774, %swap3A_1775, %swap3A_1776, %swap3A_1777, %swap3A_1778] : memref<1x2x8x16x6016xf32, #tpu.memory_space<vmem>>, vector<1x1x1x1x6016xf32>
    %swap3A_1780 = vector.shape_cast %swap3A_1779 : vector<1x1x1x1x6016xf32> to vector<6016xf32>
    %swap3A_1781 = vector.shape_cast %squeeze3A_1773 : vector<6016xf32> to vector<1x1x1x1x6016xf32>
    tpu.vector_store %arg2[%swap3A_1774, %swap3A_1775, %swap3A_1776, %swap3A_1777, %swap3A_1778], %swap3A_1781 {strides = array<i32>} : memref<1x2x8x16x6016xf32, #tpu.memory_space<vmem>>, vector<1x1x1x1x6016xf32>,
    %slice3A_1782 = vector.extract_strided_slice %select_n3A_344 {offsets = [0, 111], sizes = [1, 6016], strides = [1, 1]} : vector<1x8192xf32> to vector<1x6016xf32>
    %squeeze3A_1783 = vector.shape_cast %slice3A_1782 : vector<1x6016xf32> to vector<6016xf32>
    %swap3A_1784 = arith.constant 0 : index
    %swap3A_1785 = arith.constant 1 : index
    %swap3A_1786 = arith.constant 1 : index
    %swap3A_1787 = arith.constant 0 : index
    %swap3A_1788 = arith.constant 0 : index
    %swap3A_1789 = vector.load %arg2[%swap3A_1784, %swap3A_1785, %swap3A_1786, %swap3A_1787, %swap3A_1788] : memref<1x2x8x16x6016xf32, #tpu.memory_space<vmem>>, vector<1x1x1x1x6016xf32>
    %swap3A_1790 = vector.shape_cast %swap3A_1789 : vector<1x1x1x1x6016xf32> to vector<6016xf32>
    %swap3A_1791 = vector.shape_cast %squeeze3A_1783 : vector<6016xf32> to vector<1x1x1x1x6016xf32>
    tpu.vector_store %arg2[%swap3A_1784, %swap3A_1785, %swap3A_1786, %swap3A_1787, %swap3A_1788], %swap3A_1791 {strides = array<i32>} : memref<1x2x8x16x6016xf32, #tpu.memory_space<vmem>>, vector<1x1x1x1x6016xf32>,
    %slice3A_1792 = vector.extract_strided_slice %select_n3A_344 {offsets = [0, 110], sizes = [1, 6016], strides = [1, 1]} : vector<1x8192xf32> to vector<1x6016xf32>
    %squeeze3A_1793 = vector.shape_cast %slice3A_1792 : vector<1x6016xf32> to vector<6016xf32>
    %swap3A_1794 = arith.constant 0 : index
    %swap3A_1795 = arith.constant 1 : index
    %swap3A_1796 = arith.constant 1 : index
    %swap3A_1797 = arith.constant 1 : index
    %swap3A_1798 = arith.constant 0 : index
    %swap3A_1799 = vector.load %arg2[%swap3A_1794, %swap3A_1795, %swap3A_1796, %swap3A_1797, %swap3A_1798] : memref<1x2x8x16x6016xf32, #tpu.memory_space<vmem>>, vector<1x1x1x1x6016xf32>
    %swap3A_1800 = vector.shape_cast %swap3A_1799 : vector<1x1x1x1x6016xf32> to vector<6016xf32>
    %swap3A_1801 = vector.shape_cast %squeeze3A_1793 : vector<6016xf32> to vector<1x1x1x1x6016xf32>
    tpu.vector_store %arg2[%swap3A_1794, %swap3A_1795, %swap3A_1796, %swap3A_1797, %swap3A_1798], %swap3A_1801 {strides = array<i32>} : memref<1x2x8x16x6016xf32, #tpu.memory_space<vmem>>, vector<1x1x1x1x6016xf32>,
    %slice3A_1802 = vector.extract_strided_slice %select_n3A_344 {offsets = [0, 109], sizes = [1, 6016], strides = [1, 1]} : vector<1x8192xf32> to vector<1x6016xf32>
    %squeeze3A_1803 = vector.shape_cast %slice3A_1802 : vector<1x6016xf32> to vector<6016xf32>
    %swap3A_1804 = arith.constant 0 : index
    %swap3A_1805 = arith.constant 1 : index
    %swap3A_1806 = arith.constant 1 : index
    %swap3A_1807 = arith.constant 2 : index
    %swap3A_1808 = arith.constant 0 : index
    %swap3A_1809 = vector.load %arg2[%swap3A_1804, %swap3A_1805, %swap3A_1806, %swap3A_1807, %swap3A_1808] : memref<1x2x8x16x6016xf32, #tpu.memory_space<vmem>>, vector<1x1x1x1x6016xf32>
    %swap3A_1810 = vector.shape_cast %swap3A_1809 : vector<1x1x1x1x6016xf32> to vector<6016xf32>
    %swap3A_1811 = vector.shape_cast %squeeze3A_1803 : vector<6016xf32> to vector<1x1x1x1x6016xf32>
    tpu.vector_store %arg2[%swap3A_1804, %swap3A_1805, %swap3A_1806, %swap3A_1807, %swap3A_1808], %swap3A_1811 {strides = array<i32>} : memref<1x2x8x16x6016xf32, #tpu.memory_space<vmem>>, vector<1x1x1x1x6016xf32>,
    %slice3A_1812 = vector.extract_strided_slice %select_n3A_344 {offsets = [0, 108], sizes = [1, 6016], strides = [1, 1]} : vector<1x8192xf32> to vector<1x6016xf32>
    %squeeze3A_1813 = vector.shape_cast %slice3A_1812 : vector<1x6016xf32> to vector<6016xf32>
    %swap3A_1814 = arith.constant 0 : index
    %swap3A_1815 = arith.constant 1 : index
    %swap3A_1816 = arith.constant 1 : index
    %swap3A_1817 = arith.constant 3 : index
    %swap3A_1818 = arith.constant 0 : index
    %swap3A_1819 = vector.load %arg2[%swap3A_1814, %swap3A_1815, %swap3A_1816, %swap3A_1817, %swap3A_1818] : memref<1x2x8x16x6016xf32, #tpu.memory_space<vmem>>, vector<1x1x1x1x6016xf32>
    %swap3A_1820 = vector.shape_cast %swap3A_1819 : vector<1x1x1x1x6016xf32> to vector<6016xf32>
    %swap3A_1821 = vector.shape_cast %squeeze3A_1813 : vector<6016xf32> to vector<1x1x1x1x6016xf32>
    tpu.vector_store %arg2[%swap3A_1814, %swap3A_1815, %swap3A_1816, %swap3A_1817, %swap3A_1818], %swap3A_1821 {strides = array<i32>} : memref<1x2x8x16x6016xf32, #tpu.memory_space<vmem>>, vector<1x1x1x1x6016xf32>,
    %slice3A_1822 = vector.extract_strided_slice %select_n3A_344 {offsets = [0, 107], sizes = [1, 6016], strides = [1, 1]} : vector<1x8192xf32> to vector<1x6016xf32>
    %squeeze3A_1823 = vector.shape_cast %slice3A_1822 : vector<1x6016xf32> to vector<6016xf32>
    %swap3A_1824 = arith.constant 0 : index
    %swap3A_1825 = arith.constant 1 : index
    %swap3A_1826 = arith.constant 1 : index
    %swap3A_1827 = arith.constant 4 : index
    %swap3A_1828 = arith.constant 0 : index
    %swap3A_1829 = vector.load %arg2[%swap3A_1824, %swap3A_1825, %swap3A_1826, %swap3A_1827, %swap3A_1828] : memref<1x2x8x16x6016xf32, #tpu.memory_space<vmem>>, vector<1x1x1x1x6016xf32>
    %swap3A_1830 = vector.shape_cast %swap3A_1829 : vector<1x1x1x1x6016xf32> to vector<6016xf32>
    %swap3A_1831 = vector.shape_cast %squeeze3A_1823 : vector<6016xf32> to vector<1x1x1x1x6016xf32>
    tpu.vector_store %arg2[%swap3A_1824, %swap3A_1825, %swap3A_1826, %swap3A_1827, %swap3A_1828], %swap3A_1831 {strides = array<i32>} : memref<1x2x8x16x6016xf32, #tpu.memory_space<vmem>>, vector<1x1x1x1x6016xf32>,
    %slice3A_1832 = vector.extract_strided_slice %select_n3A_344 {offsets = [0, 106], sizes = [1, 6016], strides = [1, 1]} : vector<1x8192xf32> to vector<1x6016xf32>
    %squeeze3A_1833 = vector.shape_cast %slice3A_1832 : vector<1x6016xf32> to vector<6016xf32>
    %swap3A_1834 = arith.constant 0 : index
    %swap3A_1835 = arith.constant 1 : index
    %swap3A_1836 = arith.constant 1 : index
    %swap3A_1837 = arith.constant 5 : index
    %swap3A_1838 = arith.constant 0 : index
    %swap3A_1839 = vector.load %arg2[%swap3A_1834, %swap3A_1835, %swap3A_1836, %swap3A_1837, %swap3A_1838] : memref<1x2x8x16x6016xf32, #tpu.memory_space<vmem>>, vector<1x1x1x1x6016xf32>
    %swap3A_1840 = vector.shape_cast %swap3A_1839 : vector<1x1x1x1x6016xf32> to vector<6016xf32>
    %swap3A_1841 = vector.shape_cast %squeeze3A_1833 : vector<6016xf32> to vector<1x1x1x1x6016xf32>
    tpu.vector_store %arg2[%swap3A_1834, %swap3A_1835, %swap3A_1836, %swap3A_1837, %swap3A_1838], %swap3A_1841 {strides = array<i32>} : memref<1x2x8x16x6016xf32, #tpu.memory_space<vmem>>, vector<1x1x1x1x6016xf32>,
    %slice3A_1842 = vector.extract_strided_slice %select_n3A_344 {offsets = [0, 105], sizes = [1, 6016], strides = [1, 1]} : vector<1x8192xf32> to vector<1x6016xf32>
    %squeeze3A_1843 = vector.shape_cast %slice3A_1842 : vector<1x6016xf32> to vector<6016xf32>
    %swap3A_1844 = arith.constant 0 : index
    %swap3A_1845 = arith.constant 1 : index
    %swap3A_1846 = arith.constant 1 : index
    %swap3A_1847 = arith.constant 6 : index
    %swap3A_1848 = arith.constant 0 : index
    %swap3A_1849 = vector.load %arg2[%swap3A_1844, %swap3A_1845, %swap3A_1846, %swap3A_1847, %swap3A_1848] : memref<1x2x8x16x6016xf32, #tpu.memory_space<vmem>>, vector<1x1x1x1x6016xf32>
    %swap3A_1850 = vector.shape_cast %swap3A_1849 : vector<1x1x1x1x6016xf32> to vector<6016xf32>
    %swap3A_1851 = vector.shape_cast %squeeze3A_1843 : vector<6016xf32> to vector<1x1x1x1x6016xf32>
    tpu.vector_store %arg2[%swap3A_1844, %swap3A_1845, %swap3A_1846, %swap3A_1847, %swap3A_1848], %swap3A_1851 {strides = array<i32>} : memref<1x2x8x16x6016xf32, #tpu.memory_space<vmem>>, vector<1x1x1x1x6016xf32>,
    %slice3A_1852 = vector.extract_strided_slice %select_n3A_344 {offsets = [0, 104], sizes = [1, 6016], strides = [1, 1]} : vector<1x8192xf32> to vector<1x6016xf32>
    %squeeze3A_1853 = vector.shape_cast %slice3A_1852 : vector<1x6016xf32> to vector<6016xf32>
    %swap3A_1854 = arith.constant 0 : index
    %swap3A_1855 = arith.constant 1 : index
    %swap3A_1856 = arith.constant 1 : index
    %swap3A_1857 = arith.constant 7 : index
    %swap3A_1858 = arith.constant 0 : index
    %swap3A_1859 = vector.load %arg2[%swap3A_1854, %swap3A_1855, %swap3A_1856, %swap3A_1857, %swap3A_1858] : memref<1x2x8x16x6016xf32, #tpu.memory_space<vmem>>, vector<1x1x1x1x6016xf32>
    %swap3A_1860 = vector.shape_cast %swap3A_1859 : vector<1x1x1x1x6016xf32> to vector<6016xf32>
    %swap3A_1861 = vector.shape_cast %squeeze3A_1853 : vector<6016xf32> to vector<1x1x1x1x6016xf32>
    tpu.vector_store %arg2[%swap3A_1854, %swap3A_1855, %swap3A_1856, %swap3A_1857, %swap3A_1858], %swap3A_1861 {strides = array<i32>} : memref<1x2x8x16x6016xf32, #tpu.memory_space<vmem>>, vector<1x1x1x1x6016xf32>,
    %slice3A_1862 = vector.extract_strided_slice %select_n3A_344 {offsets = [0, 103], sizes = [1, 6016], strides = [1, 1]} : vector<1x8192xf32> to vector<1x6016xf32>
    %squeeze3A_1863 = vector.shape_cast %slice3A_1862 : vector<1x6016xf32> to vector<6016xf32>
    %swap3A_1864 = arith.constant 0 : index
    %swap3A_1865 = arith.constant 1 : index
    %swap3A_1866 = arith.constant 1 : index
    %swap3A_1867 = arith.constant 8 : index
    %swap3A_1868 = arith.constant 0 : index
    %swap3A_1869 = vector.load %arg2[%swap3A_1864, %swap3A_1865, %swap3A_1866, %swap3A_1867, %swap3A_1868] : memref<1x2x8x16x6016xf32, #tpu.memory_space<vmem>>, vector<1x1x1x1x6016xf32>
    %swap3A_1870 = vector.shape_cast %swap3A_1869 : vector<1x1x1x1x6016xf32> to vector<6016xf32>
    %swap3A_1871 = vector.shape_cast %squeeze3A_1863 : vector<6016xf32> to vector<1x1x1x1x6016xf32>
    tpu.vector_store %arg2[%swap3A_1864, %swap3A_1865, %swap3A_1866, %swap3A_1867, %swap3A_1868], %swap3A_1871 {strides = array<i32>} : memref<1x2x8x16x6016xf32, #tpu.memory_space<vmem>>, vector<1x1x1x1x6016xf32>,
    %slice3A_1872 = vector.extract_strided_slice %select_n3A_344 {offsets = [0, 102], sizes = [1, 6016], strides = [1, 1]} : vector<1x8192xf32> to vector<1x6016xf32>
    %squeeze3A_1873 = vector.shape_cast %slice3A_1872 : vector<1x6016xf32> to vector<6016xf32>
    %swap3A_1874 = arith.constant 0 : index
    %swap3A_1875 = arith.constant 1 : index
    %swap3A_1876 = arith.constant 1 : index
    %swap3A_1877 = arith.constant 9 : index
    %swap3A_1878 = arith.constant 0 : index
    %swap3A_1879 = vector.load %arg2[%swap3A_1874, %swap3A_1875, %swap3A_1876, %swap3A_1877, %swap3A_1878] : memref<1x2x8x16x6016xf32, #tpu.memory_space<vmem>>, vector<1x1x1x1x6016xf32>
    %swap3A_1880 = vector.shape_cast %swap3A_1879 : vector<1x1x1x1x6016xf32> to vector<6016xf32>
    %swap3A_1881 = vector.shape_cast %squeeze3A_1873 : vector<6016xf32> to vector<1x1x1x1x6016xf32>
    tpu.vector_store %arg2[%swap3A_1874, %swap3A_1875, %swap3A_1876, %swap3A_1877, %swap3A_1878], %swap3A_1881 {strides = array<i32>} : memref<1x2x8x16x6016xf32, #tpu.memory_space<vmem>>, vector<1x1x1x1x6016xf32>,
    %slice3A_1882 = vector.extract_strided_slice %select_n3A_344 {offsets = [0, 101], sizes = [1, 6016], strides = [1, 1]} : vector<1x8192xf32> to vector<1x6016xf32>
    %squeeze3A_1883 = vector.shape_cast %slice3A_1882 : vector<1x6016xf32> to vector<6016xf32>
    %swap3A_1884 = arith.constant 0 : index
    %swap3A_1885 = arith.constant 1 : index
    %swap3A_1886 = arith.constant 1 : index
    %swap3A_1887 = arith.constant 10 : index
    %swap3A_1888 = arith.constant 0 : index
    %swap3A_1889 = vector.load %arg2[%swap3A_1884, %swap3A_1885, %swap3A_1886, %swap3A_1887, %swap3A_1888] : memref<1x2x8x16x6016xf32, #tpu.memory_space<vmem>>, vector<1x1x1x1x6016xf32>
    %swap3A_1890 = vector.shape_cast %swap3A_1889 : vector<1x1x1x1x6016xf32> to vector<6016xf32>
    %swap3A_1891 = vector.shape_cast %squeeze3A_1883 : vector<6016xf32> to vector<1x1x1x1x6016xf32>
    tpu.vector_store %arg2[%swap3A_1884, %swap3A_1885, %swap3A_1886, %swap3A_1887, %swap3A_1888], %swap3A_1891 {strides = array<i32>} : memref<1x2x8x16x6016xf32, #tpu.memory_space<vmem>>, vector<1x1x1x1x6016xf32>,
    %slice3A_1892 = vector.extract_strided_slice %select_n3A_344 {offsets = [0, 100], sizes = [1, 6016], strides = [1, 1]} : vector<1x8192xf32> to vector<1x6016xf32>
    %squeeze3A_1893 = vector.shape_cast %slice3A_1892 : vector<1x6016xf32> to vector<6016xf32>
    %swap3A_1894 = arith.constant 0 : index
    %swap3A_1895 = arith.constant 1 : index
    %swap3A_1896 = arith.constant 1 : index
    %swap3A_1897 = arith.constant 11 : index
    %swap3A_1898 = arith.constant 0 : index
    %swap3A_1899 = vector.load %arg2[%swap3A_1894, %swap3A_1895, %swap3A_1896, %swap3A_1897, %swap3A_1898] : memref<1x2x8x16x6016xf32, #tpu.memory_space<vmem>>, vector<1x1x1x1x6016xf32>
    %swap3A_1900 = vector.shape_cast %swap3A_1899 : vector<1x1x1x1x6016xf32> to vector<6016xf32>
    %swap3A_1901 = vector.shape_cast %squeeze3A_1893 : vector<6016xf32> to vector<1x1x1x1x6016xf32>
    tpu.vector_store %arg2[%swap3A_1894, %swap3A_1895, %swap3A_1896, %swap3A_1897, %swap3A_1898], %swap3A_1901 {strides = array<i32>} : memref<1x2x8x16x6016xf32, #tpu.memory_space<vmem>>, vector<1x1x1x1x6016xf32>,
    %slice3A_1902 = vector.extract_strided_slice %select_n3A_344 {offsets = [0, 99], sizes = [1, 6016], strides = [1, 1]} : vector<1x8192xf32> to vector<1x6016xf32>
    %squeeze3A_1903 = vector.shape_cast %slice3A_1902 : vector<1x6016xf32> to vector<6016xf32>
    %swap3A_1904 = arith.constant 0 : index
    %swap3A_1905 = arith.constant 1 : index
    %swap3A_1906 = arith.constant 1 : index
    %swap3A_1907 = arith.constant 12 : index
    %swap3A_1908 = arith.constant 0 : index
    %swap3A_1909 = vector.load %arg2[%swap3A_1904, %swap3A_1905, %swap3A_1906, %swap3A_1907, %swap3A_1908] : memref<1x2x8x16x6016xf32, #tpu.memory_space<vmem>>, vector<1x1x1x1x6016xf32>
    %swap3A_1910 = vector.shape_cast %swap3A_1909 : vector<1x1x1x1x6016xf32> to vector<6016xf32>
    %swap3A_1911 = vector.shape_cast %squeeze3A_1903 : vector<6016xf32> to vector<1x1x1x1x6016xf32>
    tpu.vector_store %arg2[%swap3A_1904, %swap3A_1905, %swap3A_1906, %swap3A_1907, %swap3A_1908], %swap3A_1911 {strides = array<i32>} : memref<1x2x8x16x6016xf32, #tpu.memory_space<vmem>>, vector<1x1x1x1x6016xf32>,
    %slice3A_1912 = vector.extract_strided_slice %select_n3A_344 {offsets = [0, 98], sizes = [1, 6016], strides = [1, 1]} : vector<1x8192xf32> to vector<1x6016xf32>
    %squeeze3A_1913 = vector.shape_cast %slice3A_1912 : vector<1x6016xf32> to vector<6016xf32>
    %swap3A_1914 = arith.constant 0 : index
    %swap3A_1915 = arith.constant 1 : index
    %swap3A_1916 = arith.constant 1 : index
    %swap3A_1917 = arith.constant 13 : index
    %swap3A_1918 = arith.constant 0 : index
    %swap3A_1919 = vector.load %arg2[%swap3A_1914, %swap3A_1915, %swap3A_1916, %swap3A_1917, %swap3A_1918] : memref<1x2x8x16x6016xf32, #tpu.memory_space<vmem>>, vector<1x1x1x1x6016xf32>
    %swap3A_1920 = vector.shape_cast %swap3A_1919 : vector<1x1x1x1x6016xf32> to vector<6016xf32>
    %swap3A_1921 = vector.shape_cast %squeeze3A_1913 : vector<6016xf32> to vector<1x1x1x1x6016xf32>
    tpu.vector_store %arg2[%swap3A_1914, %swap3A_1915, %swap3A_1916, %swap3A_1917, %swap3A_1918], %swap3A_1921 {strides = array<i32>} : memref<1x2x8x16x6016xf32, #tpu.memory_space<vmem>>, vector<1x1x1x1x6016xf32>,
    %slice3A_1922 = vector.extract_strided_slice %select_n3A_344 {offsets = [0, 97], sizes = [1, 6016], strides = [1, 1]} : vector<1x8192xf32> to vector<1x6016xf32>
    %squeeze3A_1923 = vector.shape_cast %slice3A_1922 : vector<1x6016xf32> to vector<6016xf32>
    %swap3A_1924 = arith.constant 0 : index
    %swap3A_1925 = arith.constant 1 : index
    %swap3A_1926 = arith.constant 1 : index
    %swap3A_1927 = arith.constant 14 : index
    %swap3A_1928 = arith.constant 0 : index
    %swap3A_1929 = vector.load %arg2[%swap3A_1924, %swap3A_1925, %swap3A_1926, %swap3A_1927, %swap3A_1928] : memref<1x2x8x16x6016xf32, #tpu.memory_space<vmem>>, vector<1x1x1x1x6016xf32>
    %swap3A_1930 = vector.shape_cast %swap3A_1929 : vector<1x1x1x1x6016xf32> to vector<6016xf32>
    %swap3A_1931 = vector.shape_cast %squeeze3A_1923 : vector<6016xf32> to vector<1x1x1x1x6016xf32>
    tpu.vector_store %arg2[%swap3A_1924, %swap3A_1925, %swap3A_1926, %swap3A_1927, %swap3A_1928], %swap3A_1931 {strides = array<i32>} : memref<1x2x8x16x6016xf32, #tpu.memory_space<vmem>>, vector<1x1x1x1x6016xf32>,
    %slice3A_1932 = vector.extract_strided_slice %select_n3A_344 {offsets = [0, 96], sizes = [1, 6016], strides = [1, 1]} : vector<1x8192xf32> to vector<1x6016xf32>
    %squeeze3A_1933 = vector.shape_cast %slice3A_1932 : vector<1x6016xf32> to vector<6016xf32>
    %swap3A_1934 = arith.constant 0 : index
    %swap3A_1935 = arith.constant 1 : index
    %swap3A_1936 = arith.constant 1 : index
    %swap3A_1937 = arith.constant 15 : index
    %swap3A_1938 = arith.constant 0 : index
    %swap3A_1939 = vector.load %arg2[%swap3A_1934, %swap3A_1935, %swap3A_1936, %swap3A_1937, %swap3A_1938] : memref<1x2x8x16x6016xf32, #tpu.memory_space<vmem>>, vector<1x1x1x1x6016xf32>
    %swap3A_1940 = vector.shape_cast %swap3A_1939 : vector<1x1x1x1x6016xf32> to vector<6016xf32>
    %swap3A_1941 = vector.shape_cast %squeeze3A_1933 : vector<6016xf32> to vector<1x1x1x1x6016xf32>
    tpu.vector_store %arg2[%swap3A_1934, %swap3A_1935, %swap3A_1936, %swap3A_1937, %swap3A_1938], %swap3A_1941 {strides = array<i32>} : memref<1x2x8x16x6016xf32, #tpu.memory_space<vmem>>, vector<1x1x1x1x6016xf32>,
    %slice3A_1942 = vector.extract_strided_slice %select_n3A_344 {offsets = [0, 95], sizes = [1, 6016], strides = [1, 1]} : vector<1x8192xf32> to vector<1x6016xf32>
    %squeeze3A_1943 = vector.shape_cast %slice3A_1942 : vector<1x6016xf32> to vector<6016xf32>
    %swap3A_1944 = arith.constant 0 : index
    %swap3A_1945 = arith.constant 1 : index
    %swap3A_1946 = arith.constant 2 : index
    %swap3A_1947 = arith.constant 0 : index
    %swap3A_1948 = arith.constant 0 : index
    %swap3A_1949 = vector.load %arg2[%swap3A_1944, %swap3A_1945, %swap3A_1946, %swap3A_1947, %swap3A_1948] : memref<1x2x8x16x6016xf32, #tpu.memory_space<vmem>>, vector<1x1x1x1x6016xf32>
    %swap3A_1950 = vector.shape_cast %swap3A_1949 : vector<1x1x1x1x6016xf32> to vector<6016xf32>
    %swap3A_1951 = vector.shape_cast %squeeze3A_1943 : vector<6016xf32> to vector<1x1x1x1x6016xf32>
    tpu.vector_store %arg2[%swap3A_1944, %swap3A_1945, %swap3A_1946, %swap3A_1947, %swap3A_1948], %swap3A_1951 {strides = array<i32>} : memref<1x2x8x16x6016xf32, #tpu.memory_space<vmem>>, vector<1x1x1x1x6016xf32>,
    %slice3A_1952 = vector.extract_strided_slice %select_n3A_344 {offsets = [0, 94], sizes = [1, 6016], strides = [1, 1]} : vector<1x8192xf32> to vector<1x6016xf32>
    %squeeze3A_1953 = vector.shape_cast %slice3A_1952 : vector<1x6016xf32> to vector<6016xf32>
    %swap3A_1954 = arith.constant 0 : index
    %swap3A_1955 = arith.constant 1 : index
    %swap3A_1956 = arith.constant 2 : index
    %swap3A_1957 = arith.constant 1 : index
    %swap3A_1958 = arith.constant 0 : index
    %swap3A_1959 = vector.load %arg2[%swap3A_1954, %swap3A_1955, %swap3A_1956, %swap3A_1957, %swap3A_1958] : memref<1x2x8x16x6016xf32, #tpu.memory_space<vmem>>, vector<1x1x1x1x6016xf32>
    %swap3A_1960 = vector.shape_cast %swap3A_1959 : vector<1x1x1x1x6016xf32> to vector<6016xf32>
    %swap3A_1961 = vector.shape_cast %squeeze3A_1953 : vector<6016xf32> to vector<1x1x1x1x6016xf32>
    tpu.vector_store %arg2[%swap3A_1954, %swap3A_1955, %swap3A_1956, %swap3A_1957, %swap3A_1958], %swap3A_1961 {strides = array<i32>} : memref<1x2x8x16x6016xf32, #tpu.memory_space<vmem>>, vector<1x1x1x1x6016xf32>,
    %slice3A_1962 = vector.extract_strided_slice %select_n3A_344 {offsets = [0, 93], sizes = [1, 6016], strides = [1, 1]} : vector<1x8192xf32> to vector<1x6016xf32>
    %squeeze3A_1963 = vector.shape_cast %slice3A_1962 : vector<1x6016xf32> to vector<6016xf32>
    %swap3A_1964 = arith.constant 0 : index
    %swap3A_1965 = arith.constant 1 : index
    %swap3A_1966 = arith.constant 2 : index
    %swap3A_1967 = arith.constant 2 : index
    %swap3A_1968 = arith.constant 0 : index
    %swap3A_1969 = vector.load %arg2[%swap3A_1964, %swap3A_1965, %swap3A_1966, %swap3A_1967, %swap3A_1968] : memref<1x2x8x16x6016xf32, #tpu.memory_space<vmem>>, vector<1x1x1x1x6016xf32>
    %swap3A_1970 = vector.shape_cast %swap3A_1969 : vector<1x1x1x1x6016xf32> to vector<6016xf32>
    %swap3A_1971 = vector.shape_cast %squeeze3A_1963 : vector<6016xf32> to vector<1x1x1x1x6016xf32>
    tpu.vector_store %arg2[%swap3A_1964, %swap3A_1965, %swap3A_1966, %swap3A_1967, %swap3A_1968], %swap3A_1971 {strides = array<i32>} : memref<1x2x8x16x6016xf32, #tpu.memory_space<vmem>>, vector<1x1x1x1x6016xf32>,
    %slice3A_1972 = vector.extract_strided_slice %select_n3A_344 {offsets = [0, 92], sizes = [1, 6016], strides = [1, 1]} : vector<1x8192xf32> to vector<1x6016xf32>
    %squeeze3A_1973 = vector.shape_cast %slice3A_1972 : vector<1x6016xf32> to vector<6016xf32>
    %swap3A_1974 = arith.constant 0 : index
    %swap3A_1975 = arith.constant 1 : index
    %swap3A_1976 = arith.constant 2 : index
    %swap3A_1977 = arith.constant 3 : index
    %swap3A_1978 = arith.constant 0 : index
    %swap3A_1979 = vector.load %arg2[%swap3A_1974, %swap3A_1975, %swap3A_1976, %swap3A_1977, %swap3A_1978] : memref<1x2x8x16x6016xf32, #tpu.memory_space<vmem>>, vector<1x1x1x1x6016xf32>
    %swap3A_1980 = vector.shape_cast %swap3A_1979 : vector<1x1x1x1x6016xf32> to vector<6016xf32>
    %swap3A_1981 = vector.shape_cast %squeeze3A_1973 : vector<6016xf32> to vector<1x1x1x1x6016xf32>
    tpu.vector_store %arg2[%swap3A_1974, %swap3A_1975, %swap3A_1976, %swap3A_1977, %swap3A_1978], %swap3A_1981 {strides = array<i32>} : memref<1x2x8x16x6016xf32, #tpu.memory_space<vmem>>, vector<1x1x1x1x6016xf32>,
    %slice3A_1982 = vector.extract_strided_slice %select_n3A_344 {offsets = [0, 91], sizes = [1, 6016], strides = [1, 1]} : vector<1x8192xf32> to vector<1x6016xf32>
    %squeeze3A_1983 = vector.shape_cast %slice3A_1982 : vector<1x6016xf32> to vector<6016xf32>
    %swap3A_1984 = arith.constant 0 : index
    %swap3A_1985 = arith.constant 1 : index
    %swap3A_1986 = arith.constant 2 : index
    %swap3A_1987 = arith.constant 4 : index
    %swap3A_1988 = arith.constant 0 : index
    %swap3A_1989 = vector.load %arg2[%swap3A_1984, %swap3A_1985, %swap3A_1986, %swap3A_1987, %swap3A_1988] : memref<1x2x8x16x6016xf32, #tpu.memory_space<vmem>>, vector<1x1x1x1x6016xf32>
    %swap3A_1990 = vector.shape_cast %swap3A_1989 : vector<1x1x1x1x6016xf32> to vector<6016xf32>
    %swap3A_1991 = vector.shape_cast %squeeze3A_1983 : vector<6016xf32> to vector<1x1x1x1x6016xf32>
    tpu.vector_store %arg2[%swap3A_1984, %swap3A_1985, %swap3A_1986, %swap3A_1987, %swap3A_1988], %swap3A_1991 {strides = array<i32>} : memref<1x2x8x16x6016xf32, #tpu.memory_space<vmem>>, vector<1x1x1x1x6016xf32>,
    %slice3A_1992 = vector.extract_strided_slice %select_n3A_344 {offsets = [0, 90], sizes = [1, 6016], strides = [1, 1]} : vector<1x8192xf32> to vector<1x6016xf32>
    %squeeze3A_1993 = vector.shape_cast %slice3A_1992 : vector<1x6016xf32> to vector<6016xf32>
    %swap3A_1994 = arith.constant 0 : index
    %swap3A_1995 = arith.constant 1 : index
    %swap3A_1996 = arith.constant 2 : index
    %swap3A_1997 = arith.constant 5 : index
    %swap3A_1998 = arith.constant 0 : index
    %swap3A_1999 = vector.load %arg2[%swap3A_1994, %swap3A_1995, %swap3A_1996, %swap3A_1997, %swap3A_1998] : memref<1x2x8x16x6016xf32, #tpu.memory_space<vmem>>, vector<1x1x1x1x6016xf32>
    %swap3A_2000 = vector.shape_cast %swap3A_1999 : vector<1x1x1x1x6016xf32> to vector<6016xf32>
    %swap3A_2001 = vector.shape_cast %squeeze3A_1993 : vector<6016xf32> to vector<1x1x1x1x6016xf32>
    tpu.vector_store %arg2[%swap3A_1994, %swap3A_1995, %swap3A_1996, %swap3A_1997, %swap3A_1998], %swap3A_2001 {strides = array<i32>} : memref<1x2x8x16x6016xf32, #tpu.memory_space<vmem>>, vector<1x1x1x1x6016xf32>,
    %slice3A_2002 = vector.extract_strided_slice %select_n3A_344 {offsets = [0, 89], sizes = [1, 6016], strides = [1, 1]} : vector<1x8192xf32> to vector<1x6016xf32>
    %squeeze3A_2003 = vector.shape_cast %slice3A_2002 : vector<1x6016xf32> to vector<6016xf32>
    %swap3A_2004 = arith.constant 0 : index
    %swap3A_2005 = arith.constant 1 : index
    %swap3A_2006 = arith.constant 2 : index
    %swap3A_2007 = arith.constant 6 : index
    %swap3A_2008 = arith.constant 0 : index
    %swap3A_2009 = vector.load %arg2[%swap3A_2004, %swap3A_2005, %swap3A_2006, %swap3A_2007, %swap3A_2008] : memref<1x2x8x16x6016xf32, #tpu.memory_space<vmem>>, vector<1x1x1x1x6016xf32>
    %swap3A_2010 = vector.shape_cast %swap3A_2009 : vector<1x1x1x1x6016xf32> to vector<6016xf32>
    %swap3A_2011 = vector.shape_cast %squeeze3A_2003 : vector<6016xf32> to vector<1x1x1x1x6016xf32>
    tpu.vector_store %arg2[%swap3A_2004, %swap3A_2005, %swap3A_2006, %swap3A_2007, %swap3A_2008], %swap3A_2011 {strides = array<i32>} : memref<1x2x8x16x6016xf32, #tpu.memory_space<vmem>>, vector<1x1x1x1x6016xf32>,
    %slice3A_2012 = vector.extract_strided_slice %select_n3A_344 {offsets = [0, 88], sizes = [1, 6016], strides = [1, 1]} : vector<1x8192xf32> to vector<1x6016xf32>
    %squeeze3A_2013 = vector.shape_cast %slice3A_2012 : vector<1x6016xf32> to vector<6016xf32>
    %swap3A_2014 = arith.constant 0 : index
    %swap3A_2015 = arith.constant 1 : index
    %swap3A_2016 = arith.constant 2 : index
    %swap3A_2017 = arith.constant 7 : index
    %swap3A_2018 = arith.constant 0 : index
    %swap3A_2019 = vector.load %arg2[%swap3A_2014, %swap3A_2015, %swap3A_2016, %swap3A_2017, %swap3A_2018] : memref<1x2x8x16x6016xf32, #tpu.memory_space<vmem>>, vector<1x1x1x1x6016xf32>
    %swap3A_2020 = vector.shape_cast %swap3A_2019 : vector<1x1x1x1x6016xf32> to vector<6016xf32>
    %swap3A_2021 = vector.shape_cast %squeeze3A_2013 : vector<6016xf32> to vector<1x1x1x1x6016xf32>
    tpu.vector_store %arg2[%swap3A_2014, %swap3A_2015, %swap3A_2016, %swap3A_2017, %swap3A_2018], %swap3A_2021 {strides = array<i32>} : memref<1x2x8x16x6016xf32, #tpu.memory_space<vmem>>, vector<1x1x1x1x6016xf32>,
    %slice3A_2022 = vector.extract_strided_slice %select_n3A_344 {offsets = [0, 87], sizes = [1, 6016], strides = [1, 1]} : vector<1x8192xf32> to vector<1x6016xf32>
    %squeeze3A_2023 = vector.shape_cast %slice3A_2022 : vector<1x6016xf32> to vector<6016xf32>
    %swap3A_2024 = arith.constant 0 : index
    %swap3A_2025 = arith.constant 1 : index
    %swap3A_2026 = arith.constant 2 : index
    %swap3A_2027 = arith.constant 8 : index
    %swap3A_2028 = arith.constant 0 : index
    %swap3A_2029 = vector.load %arg2[%swap3A_2024, %swap3A_2025, %swap3A_2026, %swap3A_2027, %swap3A_2028] : memref<1x2x8x16x6016xf32, #tpu.memory_space<vmem>>, vector<1x1x1x1x6016xf32>
    %swap3A_2030 = vector.shape_cast %swap3A_2029 : vector<1x1x1x1x6016xf32> to vector<6016xf32>
    %swap3A_2031 = vector.shape_cast %squeeze3A_2023 : vector<6016xf32> to vector<1x1x1x1x6016xf32>
    tpu.vector_store %arg2[%swap3A_2024, %swap3A_2025, %swap3A_2026, %swap3A_2027, %swap3A_2028], %swap3A_2031 {strides = array<i32>} : memref<1x2x8x16x6016xf32, #tpu.memory_space<vmem>>, vector<1x1x1x1x6016xf32>,
    %slice3A_2032 = vector.extract_strided_slice %select_n3A_344 {offsets = [0, 86], sizes = [1, 6016], strides = [1, 1]} : vector<1x8192xf32> to vector<1x6016xf32>
    %squeeze3A_2033 = vector.shape_cast %slice3A_2032 : vector<1x6016xf32> to vector<6016xf32>
    %swap3A_2034 = arith.constant 0 : index
    %swap3A_2035 = arith.constant 1 : index
    %swap3A_2036 = arith.constant 2 : index
    %swap3A_2037 = arith.constant 9 : index
    %swap3A_2038 = arith.constant 0 : index
    %swap3A_2039 = vector.load %arg2[%swap3A_2034, %swap3A_2035, %swap3A_2036, %swap3A_2037, %swap3A_2038] : memref<1x2x8x16x6016xf32, #tpu.memory_space<vmem>>, vector<1x1x1x1x6016xf32>
    %swap3A_2040 = vector.shape_cast %swap3A_2039 : vector<1x1x1x1x6016xf32> to vector<6016xf32>
    %swap3A_2041 = vector.shape_cast %squeeze3A_2033 : vector<6016xf32> to vector<1x1x1x1x6016xf32>
    tpu.vector_store %arg2[%swap3A_2034, %swap3A_2035, %swap3A_2036, %swap3A_2037, %swap3A_2038], %swap3A_2041 {strides = array<i32>} : memref<1x2x8x16x6016xf32, #tpu.memory_space<vmem>>, vector<1x1x1x1x6016xf32>,
    %slice3A_2042 = vector.extract_strided_slice %select_n3A_344 {offsets = [0, 85], sizes = [1, 6016], strides = [1, 1]} : vector<1x8192xf32> to vector<1x6016xf32>
    %squeeze3A_2043 = vector.shape_cast %slice3A_2042 : vector<1x6016xf32> to vector<6016xf32>
    %swap3A_2044 = arith.constant 0 : index
    %swap3A_2045 = arith.constant 1 : index
    %swap3A_2046 = arith.constant 2 : index
    %swap3A_2047 = arith.constant 10 : index
    %swap3A_2048 = arith.constant 0 : index
    %swap3A_2049 = vector.load %arg2[%swap3A_2044, %swap3A_2045, %swap3A_2046, %swap3A_2047, %swap3A_2048] : memref<1x2x8x16x6016xf32, #tpu.memory_space<vmem>>, vector<1x1x1x1x6016xf32>
    %swap3A_2050 = vector.shape_cast %swap3A_2049 : vector<1x1x1x1x6016xf32> to vector<6016xf32>
    %swap3A_2051 = vector.shape_cast %squeeze3A_2043 : vector<6016xf32> to vector<1x1x1x1x6016xf32>
    tpu.vector_store %arg2[%swap3A_2044, %swap3A_2045, %swap3A_2046, %swap3A_2047, %swap3A_2048], %swap3A_2051 {strides = array<i32>} : memref<1x2x8x16x6016xf32, #tpu.memory_space<vmem>>, vector<1x1x1x1x6016xf32>,
    %slice3A_2052 = vector.extract_strided_slice %select_n3A_344 {offsets = [0, 84], sizes = [1, 6016], strides = [1, 1]} : vector<1x8192xf32> to vector<1x6016xf32>
    %squeeze3A_2053 = vector.shape_cast %slice3A_2052 : vector<1x6016xf32> to vector<6016xf32>
    %swap3A_2054 = arith.constant 0 : index
    %swap3A_2055 = arith.constant 1 : index
    %swap3A_2056 = arith.constant 2 : index
    %swap3A_2057 = arith.constant 11 : index
    %swap3A_2058 = arith.constant 0 : index
    %swap3A_2059 = vector.load %arg2[%swap3A_2054, %swap3A_2055, %swap3A_2056, %swap3A_2057, %swap3A_2058] : memref<1x2x8x16x6016xf32, #tpu.memory_space<vmem>>, vector<1x1x1x1x6016xf32>
    %swap3A_2060 = vector.shape_cast %swap3A_2059 : vector<1x1x1x1x6016xf32> to vector<6016xf32>
    %swap3A_2061 = vector.shape_cast %squeeze3A_2053 : vector<6016xf32> to vector<1x1x1x1x6016xf32>
    tpu.vector_store %arg2[%swap3A_2054, %swap3A_2055, %swap3A_2056, %swap3A_2057, %swap3A_2058], %swap3A_2061 {strides = array<i32>} : memref<1x2x8x16x6016xf32, #tpu.memory_space<vmem>>, vector<1x1x1x1x6016xf32>,
    %slice3A_2062 = vector.extract_strided_slice %select_n3A_344 {offsets = [0, 83], sizes = [1, 6016], strides = [1, 1]} : vector<1x8192xf32> to vector<1x6016xf32>
    %squeeze3A_2063 = vector.shape_cast %slice3A_2062 : vector<1x6016xf32> to vector<6016xf32>
    %swap3A_2064 = arith.constant 0 : index
    %swap3A_2065 = arith.constant 1 : index
    %swap3A_2066 = arith.constant 2 : index
    %swap3A_2067 = arith.constant 12 : index
    %swap3A_2068 = arith.constant 0 : index
    %swap3A_2069 = vector.load %arg2[%swap3A_2064, %swap3A_2065, %swap3A_2066, %swap3A_2067, %swap3A_2068] : memref<1x2x8x16x6016xf32, #tpu.memory_space<vmem>>, vector<1x1x1x1x6016xf32>
    %swap3A_2070 = vector.shape_cast %swap3A_2069 : vector<1x1x1x1x6016xf32> to vector<6016xf32>
    %swap3A_2071 = vector.shape_cast %squeeze3A_2063 : vector<6016xf32> to vector<1x1x1x1x6016xf32>
    tpu.vector_store %arg2[%swap3A_2064, %swap3A_2065, %swap3A_2066, %swap3A_2067, %swap3A_2068], %swap3A_2071 {strides = array<i32>} : memref<1x2x8x16x6016xf32, #tpu.memory_space<vmem>>, vector<1x1x1x1x6016xf32>,
    %slice3A_2072 = vector.extract_strided_slice %select_n3A_344 {offsets = [0, 82], sizes = [1, 6016], strides = [1, 1]} : vector<1x8192xf32> to vector<1x6016xf32>
    %squeeze3A_2073 = vector.shape_cast %slice3A_2072 : vector<1x6016xf32> to vector<6016xf32>
    %swap3A_2074 = arith.constant 0 : index
    %swap3A_2075 = arith.constant 1 : index
    %swap3A_2076 = arith.constant 2 : index
    %swap3A_2077 = arith.constant 13 : index
    %swap3A_2078 = arith.constant 0 : index
    %swap3A_2079 = vector.load %arg2[%swap3A_2074, %swap3A_2075, %swap3A_2076, %swap3A_2077, %swap3A_2078] : memref<1x2x8x16x6016xf32, #tpu.memory_space<vmem>>, vector<1x1x1x1x6016xf32>
    %swap3A_2080 = vector.shape_cast %swap3A_2079 : vector<1x1x1x1x6016xf32> to vector<6016xf32>
    %swap3A_2081 = vector.shape_cast %squeeze3A_2073 : vector<6016xf32> to vector<1x1x1x1x6016xf32>
    tpu.vector_store %arg2[%swap3A_2074, %swap3A_2075, %swap3A_2076, %swap3A_2077, %swap3A_2078], %swap3A_2081 {strides = array<i32>} : memref<1x2x8x16x6016xf32, #tpu.memory_space<vmem>>, vector<1x1x1x1x6016xf32>,
    %slice3A_2082 = vector.extract_strided_slice %select_n3A_344 {offsets = [0, 81], sizes = [1, 6016], strides = [1, 1]} : vector<1x8192xf32> to vector<1x6016xf32>
    %squeeze3A_2083 = vector.shape_cast %slice3A_2082 : vector<1x6016xf32> to vector<6016xf32>
    %swap3A_2084 = arith.constant 0 : index
    %swap3A_2085 = arith.constant 1 : index
    %swap3A_2086 = arith.constant 2 : index
    %swap3A_2087 = arith.constant 14 : index
    %swap3A_2088 = arith.constant 0 : index
    %swap3A_2089 = vector.load %arg2[%swap3A_2084, %swap3A_2085, %swap3A_2086, %swap3A_2087, %swap3A_2088] : memref<1x2x8x16x6016xf32, #tpu.memory_space<vmem>>, vector<1x1x1x1x6016xf32>
    %swap3A_2090 = vector.shape_cast %swap3A_2089 : vector<1x1x1x1x6016xf32> to vector<6016xf32>
    %swap3A_2091 = vector.shape_cast %squeeze3A_2083 : vector<6016xf32> to vector<1x1x1x1x6016xf32>
    tpu.vector_store %arg2[%swap3A_2084, %swap3A_2085, %swap3A_2086, %swap3A_2087, %swap3A_2088], %swap3A_2091 {strides = array<i32>} : memref<1x2x8x16x6016xf32, #tpu.memory_space<vmem>>, vector<1x1x1x1x6016xf32>,
    %slice3A_2092 = vector.extract_strided_slice %select_n3A_344 {offsets = [0, 80], sizes = [1, 6016], strides = [1, 1]} : vector<1x8192xf32> to vector<1x6016xf32>
    %squeeze3A_2093 = vector.shape_cast %slice3A_2092 : vector<1x6016xf32> to vector<6016xf32>
    %swap3A_2094 = arith.constant 0 : index
    %swap3A_2095 = arith.constant 1 : index
    %swap3A_2096 = arith.constant 2 : index
    %swap3A_2097 = arith.constant 15 : index
    %swap3A_2098 = arith.constant 0 : index
    %swap3A_2099 = vector.load %arg2[%swap3A_2094, %swap3A_2095, %swap3A_2096, %swap3A_2097, %swap3A_2098] : memref<1x2x8x16x6016xf32, #tpu.memory_space<vmem>>, vector<1x1x1x1x6016xf32>
    %swap3A_2100 = vector.shape_cast %swap3A_2099 : vector<1x1x1x1x6016xf32> to vector<6016xf32>
    %swap3A_2101 = vector.shape_cast %squeeze3A_2093 : vector<6016xf32> to vector<1x1x1x1x6016xf32>
    tpu.vector_store %arg2[%swap3A_2094, %swap3A_2095, %swap3A_2096, %swap3A_2097, %swap3A_2098], %swap3A_2101 {strides = array<i32>} : memref<1x2x8x16x6016xf32, #tpu.memory_space<vmem>>, vector<1x1x1x1x6016xf32>,
    %slice3A_2102 = vector.extract_strided_slice %select_n3A_344 {offsets = [0, 79], sizes = [1, 6016], strides = [1, 1]} : vector<1x8192xf32> to vector<1x6016xf32>
    %squeeze3A_2103 = vector.shape_cast %slice3A_2102 : vector<1x6016xf32> to vector<6016xf32>
    %swap3A_2104 = arith.constant 0 : index
    %swap3A_2105 = arith.constant 1 : index
    %swap3A_2106 = arith.constant 3 : index
    %swap3A_2107 = arith.constant 0 : index
    %swap3A_2108 = arith.constant 0 : index
    %swap3A_2109 = vector.load %arg2[%swap3A_2104, %swap3A_2105, %swap3A_2106, %swap3A_2107, %swap3A_2108] : memref<1x2x8x16x6016xf32, #tpu.memory_space<vmem>>, vector<1x1x1x1x6016xf32>
    %swap3A_2110 = vector.shape_cast %swap3A_2109 : vector<1x1x1x1x6016xf32> to vector<6016xf32>
    %swap3A_2111 = vector.shape_cast %squeeze3A_2103 : vector<6016xf32> to vector<1x1x1x1x6016xf32>
    tpu.vector_store %arg2[%swap3A_2104, %swap3A_2105, %swap3A_2106, %swap3A_2107, %swap3A_2108], %swap3A_2111 {strides = array<i32>} : memref<1x2x8x16x6016xf32, #tpu.memory_space<vmem>>, vector<1x1x1x1x6016xf32>,
    %slice3A_2112 = vector.extract_strided_slice %select_n3A_344 {offsets = [0, 78], sizes = [1, 6016], strides = [1, 1]} : vector<1x8192xf32> to vector<1x6016xf32>
    %squeeze3A_2113 = vector.shape_cast %slice3A_2112 : vector<1x6016xf32> to vector<6016xf32>
    %swap3A_2114 = arith.constant 0 : index
    %swap3A_2115 = arith.constant 1 : index
    %swap3A_2116 = arith.constant 3 : index
    %swap3A_2117 = arith.constant 1 : index
    %swap3A_2118 = arith.constant 0 : index
    %swap3A_2119 = vector.load %arg2[%swap3A_2114, %swap3A_2115, %swap3A_2116, %swap3A_2117, %swap3A_2118] : memref<1x2x8x16x6016xf32, #tpu.memory_space<vmem>>, vector<1x1x1x1x6016xf32>
    %swap3A_2120 = vector.shape_cast %swap3A_2119 : vector<1x1x1x1x6016xf32> to vector<6016xf32>
    %swap3A_2121 = vector.shape_cast %squeeze3A_2113 : vector<6016xf32> to vector<1x1x1x1x6016xf32>
    tpu.vector_store %arg2[%swap3A_2114, %swap3A_2115, %swap3A_2116, %swap3A_2117, %swap3A_2118], %swap3A_2121 {strides = array<i32>} : memref<1x2x8x16x6016xf32, #tpu.memory_space<vmem>>, vector<1x1x1x1x6016xf32>,
    %slice3A_2122 = vector.extract_strided_slice %select_n3A_344 {offsets = [0, 77], sizes = [1, 6016], strides = [1, 1]} : vector<1x8192xf32> to vector<1x6016xf32>
    %squeeze3A_2123 = vector.shape_cast %slice3A_2122 : vector<1x6016xf32> to vector<6016xf32>
    %swap3A_2124 = arith.constant 0 : index
    %swap3A_2125 = arith.constant 1 : index
    %swap3A_2126 = arith.constant 3 : index
    %swap3A_2127 = arith.constant 2 : index
    %swap3A_2128 = arith.constant 0 : index
    %swap3A_2129 = vector.load %arg2[%swap3A_2124, %swap3A_2125, %swap3A_2126, %swap3A_2127, %swap3A_2128] : memref<1x2x8x16x6016xf32, #tpu.memory_space<vmem>>, vector<1x1x1x1x6016xf32>
    %swap3A_2130 = vector.shape_cast %swap3A_2129 : vector<1x1x1x1x6016xf32> to vector<6016xf32>
    %swap3A_2131 = vector.shape_cast %squeeze3A_2123 : vector<6016xf32> to vector<1x1x1x1x6016xf32>
    tpu.vector_store %arg2[%swap3A_2124, %swap3A_2125, %swap3A_2126, %swap3A_2127, %swap3A_2128], %swap3A_2131 {strides = array<i32>} : memref<1x2x8x16x6016xf32, #tpu.memory_space<vmem>>, vector<1x1x1x1x6016xf32>,
    %slice3A_2132 = vector.extract_strided_slice %select_n3A_344 {offsets = [0, 76], sizes = [1, 6016], strides = [1, 1]} : vector<1x8192xf32> to vector<1x6016xf32>
    %squeeze3A_2133 = vector.shape_cast %slice3A_2132 : vector<1x6016xf32> to vector<6016xf32>
    %swap3A_2134 = arith.constant 0 : index
    %swap3A_2135 = arith.constant 1 : index
    %swap3A_2136 = arith.constant 3 : index
    %swap3A_2137 = arith.constant 3 : index
    %swap3A_2138 = arith.constant 0 : index
    %swap3A_2139 = vector.load %arg2[%swap3A_2134, %swap3A_2135, %swap3A_2136, %swap3A_2137, %swap3A_2138] : memref<1x2x8x16x6016xf32, #tpu.memory_space<vmem>>, vector<1x1x1x1x6016xf32>
    %swap3A_2140 = vector.shape_cast %swap3A_2139 : vector<1x1x1x1x6016xf32> to vector<6016xf32>
    %swap3A_2141 = vector.shape_cast %squeeze3A_2133 : vector<6016xf32> to vector<1x1x1x1x6016xf32>
    tpu.vector_store %arg2[%swap3A_2134, %swap3A_2135, %swap3A_2136, %swap3A_2137, %swap3A_2138], %swap3A_2141 {strides = array<i32>} : memref<1x2x8x16x6016xf32, #tpu.memory_space<vmem>>, vector<1x1x1x1x6016xf32>,
    %slice3A_2142 = vector.extract_strided_slice %select_n3A_344 {offsets = [0, 75], sizes = [1, 6016], strides = [1, 1]} : vector<1x8192xf32> to vector<1x6016xf32>
    %squeeze3A_2143 = vector.shape_cast %slice3A_2142 : vector<1x6016xf32> to vector<6016xf32>
    %swap3A_2144 = arith.constant 0 : index
    %swap3A_2145 = arith.constant 1 : index
    %swap3A_2146 = arith.constant 3 : index
    %swap3A_2147 = arith.constant 4 : index
    %swap3A_2148 = arith.constant 0 : index
    %swap3A_2149 = vector.load %arg2[%swap3A_2144, %swap3A_2145, %swap3A_2146, %swap3A_2147, %swap3A_2148] : memref<1x2x8x16x6016xf32, #tpu.memory_space<vmem>>, vector<1x1x1x1x6016xf32>
    %swap3A_2150 = vector.shape_cast %swap3A_2149 : vector<1x1x1x1x6016xf32> to vector<6016xf32>
    %swap3A_2151 = vector.shape_cast %squeeze3A_2143 : vector<6016xf32> to vector<1x1x1x1x6016xf32>
    tpu.vector_store %arg2[%swap3A_2144, %swap3A_2145, %swap3A_2146, %swap3A_2147, %swap3A_2148], %swap3A_2151 {strides = array<i32>} : memref<1x2x8x16x6016xf32, #tpu.memory_space<vmem>>, vector<1x1x1x1x6016xf32>,
    %slice3A_2152 = vector.extract_strided_slice %select_n3A_344 {offsets = [0, 74], sizes = [1, 6016], strides = [1, 1]} : vector<1x8192xf32> to vector<1x6016xf32>
    %squeeze3A_2153 = vector.shape_cast %slice3A_2152 : vector<1x6016xf32> to vector<6016xf32>
    %swap3A_2154 = arith.constant 0 : index
    %swap3A_2155 = arith.constant 1 : index
    %swap3A_2156 = arith.constant 3 : index
    %swap3A_2157 = arith.constant 5 : index
    %swap3A_2158 = arith.constant 0 : index
    %swap3A_2159 = vector.load %arg2[%swap3A_2154, %swap3A_2155, %swap3A_2156, %swap3A_2157, %swap3A_2158] : memref<1x2x8x16x6016xf32, #tpu.memory_space<vmem>>, vector<1x1x1x1x6016xf32>
    %swap3A_2160 = vector.shape_cast %swap3A_2159 : vector<1x1x1x1x6016xf32> to vector<6016xf32>
    %swap3A_2161 = vector.shape_cast %squeeze3A_2153 : vector<6016xf32> to vector<1x1x1x1x6016xf32>
    tpu.vector_store %arg2[%swap3A_2154, %swap3A_2155, %swap3A_2156, %swap3A_2157, %swap3A_2158], %swap3A_2161 {strides = array<i32>} : memref<1x2x8x16x6016xf32, #tpu.memory_space<vmem>>, vector<1x1x1x1x6016xf32>,
    %slice3A_2162 = vector.extract_strided_slice %select_n3A_344 {offsets = [0, 73], sizes = [1, 6016], strides = [1, 1]} : vector<1x8192xf32> to vector<1x6016xf32>
    %squeeze3A_2163 = vector.shape_cast %slice3A_2162 : vector<1x6016xf32> to vector<6016xf32>
    %swap3A_2164 = arith.constant 0 : index
    %swap3A_2165 = arith.constant 1 : index
    %swap3A_2166 = arith.constant 3 : index
    %swap3A_2167 = arith.constant 6 : index
    %swap3A_2168 = arith.constant 0 : index
    %swap3A_2169 = vector.load %arg2[%swap3A_2164, %swap3A_2165, %swap3A_2166, %swap3A_2167, %swap3A_2168] : memref<1x2x8x16x6016xf32, #tpu.memory_space<vmem>>, vector<1x1x1x1x6016xf32>
    %swap3A_2170 = vector.shape_cast %swap3A_2169 : vector<1x1x1x1x6016xf32> to vector<6016xf32>
    %swap3A_2171 = vector.shape_cast %squeeze3A_2163 : vector<6016xf32> to vector<1x1x1x1x6016xf32>
    tpu.vector_store %arg2[%swap3A_2164, %swap3A_2165, %swap3A_2166, %swap3A_2167, %swap3A_2168], %swap3A_2171 {strides = array<i32>} : memref<1x2x8x16x6016xf32, #tpu.memory_space<vmem>>, vector<1x1x1x1x6016xf32>,
    %slice3A_2172 = vector.extract_strided_slice %select_n3A_344 {offsets = [0, 72], sizes = [1, 6016], strides = [1, 1]} : vector<1x8192xf32> to vector<1x6016xf32>
    %squeeze3A_2173 = vector.shape_cast %slice3A_2172 : vector<1x6016xf32> to vector<6016xf32>
    %swap3A_2174 = arith.constant 0 : index
    %swap3A_2175 = arith.constant 1 : index
    %swap3A_2176 = arith.constant 3 : index
    %swap3A_2177 = arith.constant 7 : index
    %swap3A_2178 = arith.constant 0 : index
    %swap3A_2179 = vector.load %arg2[%swap3A_2174, %swap3A_2175, %swap3A_2176, %swap3A_2177, %swap3A_2178] : memref<1x2x8x16x6016xf32, #tpu.memory_space<vmem>>, vector<1x1x1x1x6016xf32>
    %swap3A_2180 = vector.shape_cast %swap3A_2179 : vector<1x1x1x1x6016xf32> to vector<6016xf32>
    %swap3A_2181 = vector.shape_cast %squeeze3A_2173 : vector<6016xf32> to vector<1x1x1x1x6016xf32>
    tpu.vector_store %arg2[%swap3A_2174, %swap3A_2175, %swap3A_2176, %swap3A_2177, %swap3A_2178], %swap3A_2181 {strides = array<i32>} : memref<1x2x8x16x6016xf32, #tpu.memory_space<vmem>>, vector<1x1x1x1x6016xf32>,
    %slice3A_2182 = vector.extract_strided_slice %select_n3A_344 {offsets = [0, 71], sizes = [1, 6016], strides = [1, 1]} : vector<1x8192xf32> to vector<1x6016xf32>
    %squeeze3A_2183 = vector.shape_cast %slice3A_2182 : vector<1x6016xf32> to vector<6016xf32>
    %swap3A_2184 = arith.constant 0 : index
    %swap3A_2185 = arith.constant 1 : index
    %swap3A_2186 = arith.constant 3 : index
    %swap3A_2187 = arith.constant 8 : index
    %swap3A_2188 = arith.constant 0 : index
    %swap3A_2189 = vector.load %arg2[%swap3A_2184, %swap3A_2185, %swap3A_2186, %swap3A_2187, %swap3A_2188] : memref<1x2x8x16x6016xf32, #tpu.memory_space<vmem>>, vector<1x1x1x1x6016xf32>
    %swap3A_2190 = vector.shape_cast %swap3A_2189 : vector<1x1x1x1x6016xf32> to vector<6016xf32>
    %swap3A_2191 = vector.shape_cast %squeeze3A_2183 : vector<6016xf32> to vector<1x1x1x1x6016xf32>
    tpu.vector_store %arg2[%swap3A_2184, %swap3A_2185, %swap3A_2186, %swap3A_2187, %swap3A_2188], %swap3A_2191 {strides = array<i32>} : memref<1x2x8x16x6016xf32, #tpu.memory_space<vmem>>, vector<1x1x1x1x6016xf32>,
    %slice3A_2192 = vector.extract_strided_slice %select_n3A_344 {offsets = [0, 70], sizes = [1, 6016], strides = [1, 1]} : vector<1x8192xf32> to vector<1x6016xf32>
    %squeeze3A_2193 = vector.shape_cast %slice3A_2192 : vector<1x6016xf32> to vector<6016xf32>
    %swap3A_2194 = arith.constant 0 : index
    %swap3A_2195 = arith.constant 1 : index
    %swap3A_2196 = arith.constant 3 : index
    %swap3A_2197 = arith.constant 9 : index
    %swap3A_2198 = arith.constant 0 : index
    %swap3A_2199 = vector.load %arg2[%swap3A_2194, %swap3A_2195, %swap3A_2196, %swap3A_2197, %swap3A_2198] : memref<1x2x8x16x6016xf32, #tpu.memory_space<vmem>>, vector<1x1x1x1x6016xf32>
    %swap3A_2200 = vector.shape_cast %swap3A_2199 : vector<1x1x1x1x6016xf32> to vector<6016xf32>
    %swap3A_2201 = vector.shape_cast %squeeze3A_2193 : vector<6016xf32> to vector<1x1x1x1x6016xf32>
    tpu.vector_store %arg2[%swap3A_2194, %swap3A_2195, %swap3A_2196, %swap3A_2197, %swap3A_2198], %swap3A_2201 {strides = array<i32>} : memref<1x2x8x16x6016xf32, #tpu.memory_space<vmem>>, vector<1x1x1x1x6016xf32>,
    %slice3A_2202 = vector.extract_strided_slice %select_n3A_344 {offsets = [0, 69], sizes = [1, 6016], strides = [1, 1]} : vector<1x8192xf32> to vector<1x6016xf32>
    %squeeze3A_2203 = vector.shape_cast %slice3A_2202 : vector<1x6016xf32> to vector<6016xf32>
    %swap3A_2204 = arith.constant 0 : index
    %swap3A_2205 = arith.constant 1 : index
    %swap3A_2206 = arith.constant 3 : index
    %swap3A_2207 = arith.constant 10 : index
    %swap3A_2208 = arith.constant 0 : index
    %swap3A_2209 = vector.load %arg2[%swap3A_2204, %swap3A_2205, %swap3A_2206, %swap3A_2207, %swap3A_2208] : memref<1x2x8x16x6016xf32, #tpu.memory_space<vmem>>, vector<1x1x1x1x6016xf32>
    %swap3A_2210 = vector.shape_cast %swap3A_2209 : vector<1x1x1x1x6016xf32> to vector<6016xf32>
    %swap3A_2211 = vector.shape_cast %squeeze3A_2203 : vector<6016xf32> to vector<1x1x1x1x6016xf32>
    tpu.vector_store %arg2[%swap3A_2204, %swap3A_2205, %swap3A_2206, %swap3A_2207, %swap3A_2208], %swap3A_2211 {strides = array<i32>} : memref<1x2x8x16x6016xf32, #tpu.memory_space<vmem>>, vector<1x1x1x1x6016xf32>,
    %slice3A_2212 = vector.extract_strided_slice %select_n3A_344 {offsets = [0, 68], sizes = [1, 6016], strides = [1, 1]} : vector<1x8192xf32> to vector<1x6016xf32>
    %squeeze3A_2213 = vector.shape_cast %slice3A_2212 : vector<1x6016xf32> to vector<6016xf32>
    %swap3A_2214 = arith.constant 0 : index
    %swap3A_2215 = arith.constant 1 : index
    %swap3A_2216 = arith.constant 3 : index
    %swap3A_2217 = arith.constant 11 : index
    %swap3A_2218 = arith.constant 0 : index
    %swap3A_2219 = vector.load %arg2[%swap3A_2214, %swap3A_2215, %swap3A_2216, %swap3A_2217, %swap3A_2218] : memref<1x2x8x16x6016xf32, #tpu.memory_space<vmem>>, vector<1x1x1x1x6016xf32>
    %swap3A_2220 = vector.shape_cast %swap3A_2219 : vector<1x1x1x1x6016xf32> to vector<6016xf32>
    %swap3A_2221 = vector.shape_cast %squeeze3A_2213 : vector<6016xf32> to vector<1x1x1x1x6016xf32>
    tpu.vector_store %arg2[%swap3A_2214, %swap3A_2215, %swap3A_2216, %swap3A_2217, %swap3A_2218], %swap3A_2221 {strides = array<i32>} : memref<1x2x8x16x6016xf32, #tpu.memory_space<vmem>>, vector<1x1x1x1x6016xf32>,
    %slice3A_2222 = vector.extract_strided_slice %select_n3A_344 {offsets = [0, 67], sizes = [1, 6016], strides = [1, 1]} : vector<1x8192xf32> to vector<1x6016xf32>
    %squeeze3A_2223 = vector.shape_cast %slice3A_2222 : vector<1x6016xf32> to vector<6016xf32>
    %swap3A_2224 = arith.constant 0 : index
    %swap3A_2225 = arith.constant 1 : index
    %swap3A_2226 = arith.constant 3 : index
    %swap3A_2227 = arith.constant 12 : index
    %swap3A_2228 = arith.constant 0 : index
    %swap3A_2229 = vector.load %arg2[%swap3A_2224, %swap3A_2225, %swap3A_2226, %swap3A_2227, %swap3A_2228] : memref<1x2x8x16x6016xf32, #tpu.memory_space<vmem>>, vector<1x1x1x1x6016xf32>
    %swap3A_2230 = vector.shape_cast %swap3A_2229 : vector<1x1x1x1x6016xf32> to vector<6016xf32>
    %swap3A_2231 = vector.shape_cast %squeeze3A_2223 : vector<6016xf32> to vector<1x1x1x1x6016xf32>
    tpu.vector_store %arg2[%swap3A_2224, %swap3A_2225, %swap3A_2226, %swap3A_2227, %swap3A_2228], %swap3A_2231 {strides = array<i32>} : memref<1x2x8x16x6016xf32, #tpu.memory_space<vmem>>, vector<1x1x1x1x6016xf32>,
    %slice3A_2232 = vector.extract_strided_slice %select_n3A_344 {offsets = [0, 66], sizes = [1, 6016], strides = [1, 1]} : vector<1x8192xf32> to vector<1x6016xf32>
    %squeeze3A_2233 = vector.shape_cast %slice3A_2232 : vector<1x6016xf32> to vector<6016xf32>
    %swap3A_2234 = arith.constant 0 : index
    %swap3A_2235 = arith.constant 1 : index
    %swap3A_2236 = arith.constant 3 : index
    %swap3A_2237 = arith.constant 13 : index
    %swap3A_2238 = arith.constant 0 : index
    %swap3A_2239 = vector.load %arg2[%swap3A_2234, %swap3A_2235, %swap3A_2236, %swap3A_2237, %swap3A_2238] : memref<1x2x8x16x6016xf32, #tpu.memory_space<vmem>>, vector<1x1x1x1x6016xf32>
    %swap3A_2240 = vector.shape_cast %swap3A_2239 : vector<1x1x1x1x6016xf32> to vector<6016xf32>
    %swap3A_2241 = vector.shape_cast %squeeze3A_2233 : vector<6016xf32> to vector<1x1x1x1x6016xf32>
    tpu.vector_store %arg2[%swap3A_2234, %swap3A_2235, %swap3A_2236, %swap3A_2237, %swap3A_2238], %swap3A_2241 {strides = array<i32>} : memref<1x2x8x16x6016xf32, #tpu.memory_space<vmem>>, vector<1x1x1x1x6016xf32>,
    %slice3A_2242 = vector.extract_strided_slice %select_n3A_344 {offsets = [0, 65], sizes = [1, 6016], strides = [1, 1]} : vector<1x8192xf32> to vector<1x6016xf32>
    %squeeze3A_2243 = vector.shape_cast %slice3A_2242 : vector<1x6016xf32> to vector<6016xf32>
    %swap3A_2244 = arith.constant 0 : index
    %swap3A_2245 = arith.constant 1 : index
    %swap3A_2246 = arith.constant 3 : index
    %swap3A_2247 = arith.constant 14 : index
    %swap3A_2248 = arith.constant 0 : index
    %swap3A_2249 = vector.load %arg2[%swap3A_2244, %swap3A_2245, %swap3A_2246, %swap3A_2247, %swap3A_2248] : memref<1x2x8x16x6016xf32, #tpu.memory_space<vmem>>, vector<1x1x1x1x6016xf32>
    %swap3A_2250 = vector.shape_cast %swap3A_2249 : vector<1x1x1x1x6016xf32> to vector<6016xf32>
    %swap3A_2251 = vector.shape_cast %squeeze3A_2243 : vector<6016xf32> to vector<1x1x1x1x6016xf32>
    tpu.vector_store %arg2[%swap3A_2244, %swap3A_2245, %swap3A_2246, %swap3A_2247, %swap3A_2248], %swap3A_2251 {strides = array<i32>} : memref<1x2x8x16x6016xf32, #tpu.memory_space<vmem>>, vector<1x1x1x1x6016xf32>,
    %slice3A_2252 = vector.extract_strided_slice %select_n3A_344 {offsets = [0, 64], sizes = [1, 6016], strides = [1, 1]} : vector<1x8192xf32> to vector<1x6016xf32>
    %squeeze3A_2253 = vector.shape_cast %slice3A_2252 : vector<1x6016xf32> to vector<6016xf32>
    %swap3A_2254 = arith.constant 0 : index
    %swap3A_2255 = arith.constant 1 : index
    %swap3A_2256 = arith.constant 3 : index
    %swap3A_2257 = arith.constant 15 : index
    %swap3A_2258 = arith.constant 0 : index
    %swap3A_2259 = vector.load %arg2[%swap3A_2254, %swap3A_2255, %swap3A_2256, %swap3A_2257, %swap3A_2258] : memref<1x2x8x16x6016xf32, #tpu.memory_space<vmem>>, vector<1x1x1x1x6016xf32>
    %swap3A_2260 = vector.shape_cast %swap3A_2259 : vector<1x1x1x1x6016xf32> to vector<6016xf32>
    %swap3A_2261 = vector.shape_cast %squeeze3A_2253 : vector<6016xf32> to vector<1x1x1x1x6016xf32>
    tpu.vector_store %arg2[%swap3A_2254, %swap3A_2255, %swap3A_2256, %swap3A_2257, %swap3A_2258], %swap3A_2261 {strides = array<i32>} : memref<1x2x8x16x6016xf32, #tpu.memory_space<vmem>>, vector<1x1x1x1x6016xf32>,
    %slice3A_2262 = vector.extract_strided_slice %select_n3A_344 {offsets = [0, 63], sizes = [1, 6016], strides = [1, 1]} : vector<1x8192xf32> to vector<1x6016xf32>
    %squeeze3A_2263 = vector.shape_cast %slice3A_2262 : vector<1x6016xf32> to vector<6016xf32>
    %swap3A_2264 = arith.constant 0 : index
    %swap3A_2265 = arith.constant 1 : index
    %swap3A_2266 = arith.constant 4 : index
    %swap3A_2267 = arith.constant 0 : index
    %swap3A_2268 = arith.constant 0 : index
    %swap3A_2269 = vector.load %arg2[%swap3A_2264, %swap3A_2265, %swap3A_2266, %swap3A_2267, %swap3A_2268] : memref<1x2x8x16x6016xf32, #tpu.memory_space<vmem>>, vector<1x1x1x1x6016xf32>
    %swap3A_2270 = vector.shape_cast %swap3A_2269 : vector<1x1x1x1x6016xf32> to vector<6016xf32>
    %swap3A_2271 = vector.shape_cast %squeeze3A_2263 : vector<6016xf32> to vector<1x1x1x1x6016xf32>
    tpu.vector_store %arg2[%swap3A_2264, %swap3A_2265, %swap3A_2266, %swap3A_2267, %swap3A_2268], %swap3A_2271 {strides = array<i32>} : memref<1x2x8x16x6016xf32, #tpu.memory_space<vmem>>, vector<1x1x1x1x6016xf32>,
    %slice3A_2272 = vector.extract_strided_slice %select_n3A_344 {offsets = [0, 62], sizes = [1, 6016], strides = [1, 1]} : vector<1x8192xf32> to vector<1x6016xf32>
    %squeeze3A_2273 = vector.shape_cast %slice3A_2272 : vector<1x6016xf32> to vector<6016xf32>
    %swap3A_2274 = arith.constant 0 : index
    %swap3A_2275 = arith.constant 1 : index
    %swap3A_2276 = arith.constant 4 : index
    %swap3A_2277 = arith.constant 1 : index
    %swap3A_2278 = arith.constant 0 : index
    %swap3A_2279 = vector.load %arg2[%swap3A_2274, %swap3A_2275, %swap3A_2276, %swap3A_2277, %swap3A_2278] : memref<1x2x8x16x6016xf32, #tpu.memory_space<vmem>>, vector<1x1x1x1x6016xf32>
    %swap3A_2280 = vector.shape_cast %swap3A_2279 : vector<1x1x1x1x6016xf32> to vector<6016xf32>
    %swap3A_2281 = vector.shape_cast %squeeze3A_2273 : vector<6016xf32> to vector<1x1x1x1x6016xf32>
    tpu.vector_store %arg2[%swap3A_2274, %swap3A_2275, %swap3A_2276, %swap3A_2277, %swap3A_2278], %swap3A_2281 {strides = array<i32>} : memref<1x2x8x16x6016xf32, #tpu.memory_space<vmem>>, vector<1x1x1x1x6016xf32>,
    %slice3A_2282 = vector.extract_strided_slice %select_n3A_344 {offsets = [0, 61], sizes = [1, 6016], strides = [1, 1]} : vector<1x8192xf32> to vector<1x6016xf32>
    %squeeze3A_2283 = vector.shape_cast %slice3A_2282 : vector<1x6016xf32> to vector<6016xf32>
    %swap3A_2284 = arith.constant 0 : index
    %swap3A_2285 = arith.constant 1 : index
    %swap3A_2286 = arith.constant 4 : index
    %swap3A_2287 = arith.constant 2 : index
    %swap3A_2288 = arith.constant 0 : index
    %swap3A_2289 = vector.load %arg2[%swap3A_2284, %swap3A_2285, %swap3A_2286, %swap3A_2287, %swap3A_2288] : memref<1x2x8x16x6016xf32, #tpu.memory_space<vmem>>, vector<1x1x1x1x6016xf32>
    %swap3A_2290 = vector.shape_cast %swap3A_2289 : vector<1x1x1x1x6016xf32> to vector<6016xf32>
    %swap3A_2291 = vector.shape_cast %squeeze3A_2283 : vector<6016xf32> to vector<1x1x1x1x6016xf32>
    tpu.vector_store %arg2[%swap3A_2284, %swap3A_2285, %swap3A_2286, %swap3A_2287, %swap3A_2288], %swap3A_2291 {strides = array<i32>} : memref<1x2x8x16x6016xf32, #tpu.memory_space<vmem>>, vector<1x1x1x1x6016xf32>,
    %slice3A_2292 = vector.extract_strided_slice %select_n3A_344 {offsets = [0, 60], sizes = [1, 6016], strides = [1, 1]} : vector<1x8192xf32> to vector<1x6016xf32>
    %squeeze3A_2293 = vector.shape_cast %slice3A_2292 : vector<1x6016xf32> to vector<6016xf32>
    %swap3A_2294 = arith.constant 0 : index
    %swap3A_2295 = arith.constant 1 : index
    %swap3A_2296 = arith.constant 4 : index
    %swap3A_2297 = arith.constant 3 : index
    %swap3A_2298 = arith.constant 0 : index
    %swap3A_2299 = vector.load %arg2[%swap3A_2294, %swap3A_2295, %swap3A_2296, %swap3A_2297, %swap3A_2298] : memref<1x2x8x16x6016xf32, #tpu.memory_space<vmem>>, vector<1x1x1x1x6016xf32>
    %swap3A_2300 = vector.shape_cast %swap3A_2299 : vector<1x1x1x1x6016xf32> to vector<6016xf32>
    %swap3A_2301 = vector.shape_cast %squeeze3A_2293 : vector<6016xf32> to vector<1x1x1x1x6016xf32>
    tpu.vector_store %arg2[%swap3A_2294, %swap3A_2295, %swap3A_2296, %swap3A_2297, %swap3A_2298], %swap3A_2301 {strides = array<i32>} : memref<1x2x8x16x6016xf32, #tpu.memory_space<vmem>>, vector<1x1x1x1x6016xf32>,
    %slice3A_2302 = vector.extract_strided_slice %select_n3A_344 {offsets = [0, 59], sizes = [1, 6016], strides = [1, 1]} : vector<1x8192xf32> to vector<1x6016xf32>
    %squeeze3A_2303 = vector.shape_cast %slice3A_2302 : vector<1x6016xf32> to vector<6016xf32>
    %swap3A_2304 = arith.constant 0 : index
    %swap3A_2305 = arith.constant 1 : index
    %swap3A_2306 = arith.constant 4 : index
    %swap3A_2307 = arith.constant 4 : index
    %swap3A_2308 = arith.constant 0 : index
    %swap3A_2309 = vector.load %arg2[%swap3A_2304, %swap3A_2305, %swap3A_2306, %swap3A_2307, %swap3A_2308] : memref<1x2x8x16x6016xf32, #tpu.memory_space<vmem>>, vector<1x1x1x1x6016xf32>
    %swap3A_2310 = vector.shape_cast %swap3A_2309 : vector<1x1x1x1x6016xf32> to vector<6016xf32>
    %swap3A_2311 = vector.shape_cast %squeeze3A_2303 : vector<6016xf32> to vector<1x1x1x1x6016xf32>
    tpu.vector_store %arg2[%swap3A_2304, %swap3A_2305, %swap3A_2306, %swap3A_2307, %swap3A_2308], %swap3A_2311 {strides = array<i32>} : memref<1x2x8x16x6016xf32, #tpu.memory_space<vmem>>, vector<1x1x1x1x6016xf32>,
    %slice3A_2312 = vector.extract_strided_slice %select_n3A_344 {offsets = [0, 58], sizes = [1, 6016], strides = [1, 1]} : vector<1x8192xf32> to vector<1x6016xf32>
    %squeeze3A_2313 = vector.shape_cast %slice3A_2312 : vector<1x6016xf32> to vector<6016xf32>
    %swap3A_2314 = arith.constant 0 : index
    %swap3A_2315 = arith.constant 1 : index
    %swap3A_2316 = arith.constant 4 : index
    %swap3A_2317 = arith.constant 5 : index
    %swap3A_2318 = arith.constant 0 : index
    %swap3A_2319 = vector.load %arg2[%swap3A_2314, %swap3A_2315, %swap3A_2316, %swap3A_2317, %swap3A_2318] : memref<1x2x8x16x6016xf32, #tpu.memory_space<vmem>>, vector<1x1x1x1x6016xf32>
    %swap3A_2320 = vector.shape_cast %swap3A_2319 : vector<1x1x1x1x6016xf32> to vector<6016xf32>
    %swap3A_2321 = vector.shape_cast %squeeze3A_2313 : vector<6016xf32> to vector<1x1x1x1x6016xf32>
    tpu.vector_store %arg2[%swap3A_2314, %swap3A_2315, %swap3A_2316, %swap3A_2317, %swap3A_2318], %swap3A_2321 {strides = array<i32>} : memref<1x2x8x16x6016xf32, #tpu.memory_space<vmem>>, vector<1x1x1x1x6016xf32>,
    %slice3A_2322 = vector.extract_strided_slice %select_n3A_344 {offsets = [0, 57], sizes = [1, 6016], strides = [1, 1]} : vector<1x8192xf32> to vector<1x6016xf32>
    %squeeze3A_2323 = vector.shape_cast %slice3A_2322 : vector<1x6016xf32> to vector<6016xf32>
    %swap3A_2324 = arith.constant 0 : index
    %swap3A_2325 = arith.constant 1 : index
    %swap3A_2326 = arith.constant 4 : index
    %swap3A_2327 = arith.constant 6 : index
    %swap3A_2328 = arith.constant 0 : index
    %swap3A_2329 = vector.load %arg2[%swap3A_2324, %swap3A_2325, %swap3A_2326, %swap3A_2327, %swap3A_2328] : memref<1x2x8x16x6016xf32, #tpu.memory_space<vmem>>, vector<1x1x1x1x6016xf32>
    %swap3A_2330 = vector.shape_cast %swap3A_2329 : vector<1x1x1x1x6016xf32> to vector<6016xf32>
    %swap3A_2331 = vector.shape_cast %squeeze3A_2323 : vector<6016xf32> to vector<1x1x1x1x6016xf32>
    tpu.vector_store %arg2[%swap3A_2324, %swap3A_2325, %swap3A_2326, %swap3A_2327, %swap3A_2328], %swap3A_2331 {strides = array<i32>} : memref<1x2x8x16x6016xf32, #tpu.memory_space<vmem>>, vector<1x1x1x1x6016xf32>,
    %slice3A_2332 = vector.extract_strided_slice %select_n3A_344 {offsets = [0, 56], sizes = [1, 6016], strides = [1, 1]} : vector<1x8192xf32> to vector<1x6016xf32>
    %squeeze3A_2333 = vector.shape_cast %slice3A_2332 : vector<1x6016xf32> to vector<6016xf32>
    %swap3A_2334 = arith.constant 0 : index
    %swap3A_2335 = arith.constant 1 : index
    %swap3A_2336 = arith.constant 4 : index
    %swap3A_2337 = arith.constant 7 : index
    %swap3A_2338 = arith.constant 0 : index
    %swap3A_2339 = vector.load %arg2[%swap3A_2334, %swap3A_2335, %swap3A_2336, %swap3A_2337, %swap3A_2338] : memref<1x2x8x16x6016xf32, #tpu.memory_space<vmem>>, vector<1x1x1x1x6016xf32>
    %swap3A_2340 = vector.shape_cast %swap3A_2339 : vector<1x1x1x1x6016xf32> to vector<6016xf32>
    %swap3A_2341 = vector.shape_cast %squeeze3A_2333 : vector<6016xf32> to vector<1x1x1x1x6016xf32>
    tpu.vector_store %arg2[%swap3A_2334, %swap3A_2335, %swap3A_2336, %swap3A_2337, %swap3A_2338], %swap3A_2341 {strides = array<i32>} : memref<1x2x8x16x6016xf32, #tpu.memory_space<vmem>>, vector<1x1x1x1x6016xf32>,
    %slice3A_2342 = vector.extract_strided_slice %select_n3A_344 {offsets = [0, 55], sizes = [1, 6016], strides = [1, 1]} : vector<1x8192xf32> to vector<1x6016xf32>
    %squeeze3A_2343 = vector.shape_cast %slice3A_2342 : vector<1x6016xf32> to vector<6016xf32>
    %swap3A_2344 = arith.constant 0 : index
    %swap3A_2345 = arith.constant 1 : index
    %swap3A_2346 = arith.constant 4 : index
    %swap3A_2347 = arith.constant 8 : index
    %swap3A_2348 = arith.constant 0 : index
    %swap3A_2349 = vector.load %arg2[%swap3A_2344, %swap3A_2345, %swap3A_2346, %swap3A_2347, %swap3A_2348] : memref<1x2x8x16x6016xf32, #tpu.memory_space<vmem>>, vector<1x1x1x1x6016xf32>
    %swap3A_2350 = vector.shape_cast %swap3A_2349 : vector<1x1x1x1x6016xf32> to vector<6016xf32>
    %swap3A_2351 = vector.shape_cast %squeeze3A_2343 : vector<6016xf32> to vector<1x1x1x1x6016xf32>
    tpu.vector_store %arg2[%swap3A_2344, %swap3A_2345, %swap3A_2346, %swap3A_2347, %swap3A_2348], %swap3A_2351 {strides = array<i32>} : memref<1x2x8x16x6016xf32, #tpu.memory_space<vmem>>, vector<1x1x1x1x6016xf32>,
    %slice3A_2352 = vector.extract_strided_slice %select_n3A_344 {offsets = [0, 54], sizes = [1, 6016], strides = [1, 1]} : vector<1x8192xf32> to vector<1x6016xf32>
    %squeeze3A_2353 = vector.shape_cast %slice3A_2352 : vector<1x6016xf32> to vector<6016xf32>
    %swap3A_2354 = arith.constant 0 : index
    %swap3A_2355 = arith.constant 1 : index
    %swap3A_2356 = arith.constant 4 : index
    %swap3A_2357 = arith.constant 9 : index
    %swap3A_2358 = arith.constant 0 : index
    %swap3A_2359 = vector.load %arg2[%swap3A_2354, %swap3A_2355, %swap3A_2356, %swap3A_2357, %swap3A_2358] : memref<1x2x8x16x6016xf32, #tpu.memory_space<vmem>>, vector<1x1x1x1x6016xf32>
    %swap3A_2360 = vector.shape_cast %swap3A_2359 : vector<1x1x1x1x6016xf32> to vector<6016xf32>
    %swap3A_2361 = vector.shape_cast %squeeze3A_2353 : vector<6016xf32> to vector<1x1x1x1x6016xf32>
    tpu.vector_store %arg2[%swap3A_2354, %swap3A_2355, %swap3A_2356, %swap3A_2357, %swap3A_2358], %swap3A_2361 {strides = array<i32>} : memref<1x2x8x16x6016xf32, #tpu.memory_space<vmem>>, vector<1x1x1x1x6016xf32>,
    %slice3A_2362 = vector.extract_strided_slice %select_n3A_344 {offsets = [0, 53], sizes = [1, 6016], strides = [1, 1]} : vector<1x8192xf32> to vector<1x6016xf32>
    %squeeze3A_2363 = vector.shape_cast %slice3A_2362 : vector<1x6016xf32> to vector<6016xf32>
    %swap3A_2364 = arith.constant 0 : index
    %swap3A_2365 = arith.constant 1 : index
    %swap3A_2366 = arith.constant 4 : index
    %swap3A_2367 = arith.constant 10 : index
    %swap3A_2368 = arith.constant 0 : index
    %swap3A_2369 = vector.load %arg2[%swap3A_2364, %swap3A_2365, %swap3A_2366, %swap3A_2367, %swap3A_2368] : memref<1x2x8x16x6016xf32, #tpu.memory_space<vmem>>, vector<1x1x1x1x6016xf32>
    %swap3A_2370 = vector.shape_cast %swap3A_2369 : vector<1x1x1x1x6016xf32> to vector<6016xf32>
    %swap3A_2371 = vector.shape_cast %squeeze3A_2363 : vector<6016xf32> to vector<1x1x1x1x6016xf32>
    tpu.vector_store %arg2[%swap3A_2364, %swap3A_2365, %swap3A_2366, %swap3A_2367, %swap3A_2368], %swap3A_2371 {strides = array<i32>} : memref<1x2x8x16x6016xf32, #tpu.memory_space<vmem>>, vector<1x1x1x1x6016xf32>,
    %slice3A_2372 = vector.extract_strided_slice %select_n3A_344 {offsets = [0, 52], sizes = [1, 6016], strides = [1, 1]} : vector<1x8192xf32> to vector<1x6016xf32>
    %squeeze3A_2373 = vector.shape_cast %slice3A_2372 : vector<1x6016xf32> to vector<6016xf32>
    %swap3A_2374 = arith.constant 0 : index
    %swap3A_2375 = arith.constant 1 : index
    %swap3A_2376 = arith.constant 4 : index
    %swap3A_2377 = arith.constant 11 : index
    %swap3A_2378 = arith.constant 0 : index
    %swap3A_2379 = vector.load %arg2[%swap3A_2374, %swap3A_2375, %swap3A_2376, %swap3A_2377, %swap3A_2378] : memref<1x2x8x16x6016xf32, #tpu.memory_space<vmem>>, vector<1x1x1x1x6016xf32>
    %swap3A_2380 = vector.shape_cast %swap3A_2379 : vector<1x1x1x1x6016xf32> to vector<6016xf32>
    %swap3A_2381 = vector.shape_cast %squeeze3A_2373 : vector<6016xf32> to vector<1x1x1x1x6016xf32>
    tpu.vector_store %arg2[%swap3A_2374, %swap3A_2375, %swap3A_2376, %swap3A_2377, %swap3A_2378], %swap3A_2381 {strides = array<i32>} : memref<1x2x8x16x6016xf32, #tpu.memory_space<vmem>>, vector<1x1x1x1x6016xf32>,
    %slice3A_2382 = vector.extract_strided_slice %select_n3A_344 {offsets = [0, 51], sizes = [1, 6016], strides = [1, 1]} : vector<1x8192xf32> to vector<1x6016xf32>
    %squeeze3A_2383 = vector.shape_cast %slice3A_2382 : vector<1x6016xf32> to vector<6016xf32>
    %swap3A_2384 = arith.constant 0 : index
    %swap3A_2385 = arith.constant 1 : index
    %swap3A_2386 = arith.constant 4 : index
    %swap3A_2387 = arith.constant 12 : index
    %swap3A_2388 = arith.constant 0 : index
    %swap3A_2389 = vector.load %arg2[%swap3A_2384, %swap3A_2385, %swap3A_2386, %swap3A_2387, %swap3A_2388] : memref<1x2x8x16x6016xf32, #tpu.memory_space<vmem>>, vector<1x1x1x1x6016xf32>
    %swap3A_2390 = vector.shape_cast %swap3A_2389 : vector<1x1x1x1x6016xf32> to vector<6016xf32>
    %swap3A_2391 = vector.shape_cast %squeeze3A_2383 : vector<6016xf32> to vector<1x1x1x1x6016xf32>
    tpu.vector_store %arg2[%swap3A_2384, %swap3A_2385, %swap3A_2386, %swap3A_2387, %swap3A_2388], %swap3A_2391 {strides = array<i32>} : memref<1x2x8x16x6016xf32, #tpu.memory_space<vmem>>, vector<1x1x1x1x6016xf32>,
    %slice3A_2392 = vector.extract_strided_slice %select_n3A_344 {offsets = [0, 50], sizes = [1, 6016], strides = [1, 1]} : vector<1x8192xf32> to vector<1x6016xf32>
    %squeeze3A_2393 = vector.shape_cast %slice3A_2392 : vector<1x6016xf32> to vector<6016xf32>
    %swap3A_2394 = arith.constant 0 : index
    %swap3A_2395 = arith.constant 1 : index
    %swap3A_2396 = arith.constant 4 : index
    %swap3A_2397 = arith.constant 13 : index
    %swap3A_2398 = arith.constant 0 : index
    %swap3A_2399 = vector.load %arg2[%swap3A_2394, %swap3A_2395, %swap3A_2396, %swap3A_2397, %swap3A_2398] : memref<1x2x8x16x6016xf32, #tpu.memory_space<vmem>>, vector<1x1x1x1x6016xf32>
    %swap3A_2400 = vector.shape_cast %swap3A_2399 : vector<1x1x1x1x6016xf32> to vector<6016xf32>
    %swap3A_2401 = vector.shape_cast %squeeze3A_2393 : vector<6016xf32> to vector<1x1x1x1x6016xf32>
    tpu.vector_store %arg2[%swap3A_2394, %swap3A_2395, %swap3A_2396, %swap3A_2397, %swap3A_2398], %swap3A_2401 {strides = array<i32>} : memref<1x2x8x16x6016xf32, #tpu.memory_space<vmem>>, vector<1x1x1x1x6016xf32>,
    %slice3A_2402 = vector.extract_strided_slice %select_n3A_344 {offsets = [0, 49], sizes = [1, 6016], strides = [1, 1]} : vector<1x8192xf32> to vector<1x6016xf32>
    %squeeze3A_2403 = vector.shape_cast %slice3A_2402 : vector<1x6016xf32> to vector<6016xf32>
    %swap3A_2404 = arith.constant 0 : index
    %swap3A_2405 = arith.constant 1 : index
    %swap3A_2406 = arith.constant 4 : index
    %swap3A_2407 = arith.constant 14 : index
    %swap3A_2408 = arith.constant 0 : index
    %swap3A_2409 = vector.load %arg2[%swap3A_2404, %swap3A_2405, %swap3A_2406, %swap3A_2407, %swap3A_2408] : memref<1x2x8x16x6016xf32, #tpu.memory_space<vmem>>, vector<1x1x1x1x6016xf32>
    %swap3A_2410 = vector.shape_cast %swap3A_2409 : vector<1x1x1x1x6016xf32> to vector<6016xf32>
    %swap3A_2411 = vector.shape_cast %squeeze3A_2403 : vector<6016xf32> to vector<1x1x1x1x6016xf32>
    tpu.vector_store %arg2[%swap3A_2404, %swap3A_2405, %swap3A_2406, %swap3A_2407, %swap3A_2408], %swap3A_2411 {strides = array<i32>} : memref<1x2x8x16x6016xf32, #tpu.memory_space<vmem>>, vector<1x1x1x1x6016xf32>,
    %slice3A_2412 = vector.extract_strided_slice %select_n3A_344 {offsets = [0, 48], sizes = [1, 6016], strides = [1, 1]} : vector<1x8192xf32> to vector<1x6016xf32>
    %squeeze3A_2413 = vector.shape_cast %slice3A_2412 : vector<1x6016xf32> to vector<6016xf32>
    %swap3A_2414 = arith.constant 0 : index
    %swap3A_2415 = arith.constant 1 : index
    %swap3A_2416 = arith.constant 4 : index
    %swap3A_2417 = arith.constant 15 : index
    %swap3A_2418 = arith.constant 0 : index
    %swap3A_2419 = vector.load %arg2[%swap3A_2414, %swap3A_2415, %swap3A_2416, %swap3A_2417, %swap3A_2418] : memref<1x2x8x16x6016xf32, #tpu.memory_space<vmem>>, vector<1x1x1x1x6016xf32>
    %swap3A_2420 = vector.shape_cast %swap3A_2419 : vector<1x1x1x1x6016xf32> to vector<6016xf32>
    %swap3A_2421 = vector.shape_cast %squeeze3A_2413 : vector<6016xf32> to vector<1x1x1x1x6016xf32>
    tpu.vector_store %arg2[%swap3A_2414, %swap3A_2415, %swap3A_2416, %swap3A_2417, %swap3A_2418], %swap3A_2421 {strides = array<i32>} : memref<1x2x8x16x6016xf32, #tpu.memory_space<vmem>>, vector<1x1x1x1x6016xf32>,
    %slice3A_2422 = vector.extract_strided_slice %select_n3A_344 {offsets = [0, 47], sizes = [1, 6016], strides = [1, 1]} : vector<1x8192xf32> to vector<1x6016xf32>
    %squeeze3A_2423 = vector.shape_cast %slice3A_2422 : vector<1x6016xf32> to vector<6016xf32>
    %swap3A_2424 = arith.constant 0 : index
    %swap3A_2425 = arith.constant 1 : index
    %swap3A_2426 = arith.constant 5 : index
    %swap3A_2427 = arith.constant 0 : index
    %swap3A_2428 = arith.constant 0 : index
    %swap3A_2429 = vector.load %arg2[%swap3A_2424, %swap3A_2425, %swap3A_2426, %swap3A_2427, %swap3A_2428] : memref<1x2x8x16x6016xf32, #tpu.memory_space<vmem>>, vector<1x1x1x1x6016xf32>
    %swap3A_2430 = vector.shape_cast %swap3A_2429 : vector<1x1x1x1x6016xf32> to vector<6016xf32>
    %swap3A_2431 = vector.shape_cast %squeeze3A_2423 : vector<6016xf32> to vector<1x1x1x1x6016xf32>
    tpu.vector_store %arg2[%swap3A_2424, %swap3A_2425, %swap3A_2426, %swap3A_2427, %swap3A_2428], %swap3A_2431 {strides = array<i32>} : memref<1x2x8x16x6016xf32, #tpu.memory_space<vmem>>, vector<1x1x1x1x6016xf32>,
    %slice3A_2432 = vector.extract_strided_slice %select_n3A_344 {offsets = [0, 46], sizes = [1, 6016], strides = [1, 1]} : vector<1x8192xf32> to vector<1x6016xf32>
    %squeeze3A_2433 = vector.shape_cast %slice3A_2432 : vector<1x6016xf32> to vector<6016xf32>
    %swap3A_2434 = arith.constant 0 : index
    %swap3A_2435 = arith.constant 1 : index
    %swap3A_2436 = arith.constant 5 : index
    %swap3A_2437 = arith.constant 1 : index
    %swap3A_2438 = arith.constant 0 : index
    %swap3A_2439 = vector.load %arg2[%swap3A_2434, %swap3A_2435, %swap3A_2436, %swap3A_2437, %swap3A_2438] : memref<1x2x8x16x6016xf32, #tpu.memory_space<vmem>>, vector<1x1x1x1x6016xf32>
    %swap3A_2440 = vector.shape_cast %swap3A_2439 : vector<1x1x1x1x6016xf32> to vector<6016xf32>
    %swap3A_2441 = vector.shape_cast %squeeze3A_2433 : vector<6016xf32> to vector<1x1x1x1x6016xf32>
    tpu.vector_store %arg2[%swap3A_2434, %swap3A_2435, %swap3A_2436, %swap3A_2437, %swap3A_2438], %swap3A_2441 {strides = array<i32>} : memref<1x2x8x16x6016xf32, #tpu.memory_space<vmem>>, vector<1x1x1x1x6016xf32>,
    %slice3A_2442 = vector.extract_strided_slice %select_n3A_344 {offsets = [0, 45], sizes = [1, 6016], strides = [1, 1]} : vector<1x8192xf32> to vector<1x6016xf32>
    %squeeze3A_2443 = vector.shape_cast %slice3A_2442 : vector<1x6016xf32> to vector<6016xf32>
    %swap3A_2444 = arith.constant 0 : index
    %swap3A_2445 = arith.constant 1 : index
    %swap3A_2446 = arith.constant 5 : index
    %swap3A_2447 = arith.constant 2 : index
    %swap3A_2448 = arith.constant 0 : index
    %swap3A_2449 = vector.load %arg2[%swap3A_2444, %swap3A_2445, %swap3A_2446, %swap3A_2447, %swap3A_2448] : memref<1x2x8x16x6016xf32, #tpu.memory_space<vmem>>, vector<1x1x1x1x6016xf32>
    %swap3A_2450 = vector.shape_cast %swap3A_2449 : vector<1x1x1x1x6016xf32> to vector<6016xf32>
    %swap3A_2451 = vector.shape_cast %squeeze3A_2443 : vector<6016xf32> to vector<1x1x1x1x6016xf32>
    tpu.vector_store %arg2[%swap3A_2444, %swap3A_2445, %swap3A_2446, %swap3A_2447, %swap3A_2448], %swap3A_2451 {strides = array<i32>} : memref<1x2x8x16x6016xf32, #tpu.memory_space<vmem>>, vector<1x1x1x1x6016xf32>,
    %slice3A_2452 = vector.extract_strided_slice %select_n3A_344 {offsets = [0, 44], sizes = [1, 6016], strides = [1, 1]} : vector<1x8192xf32> to vector<1x6016xf32>
    %squeeze3A_2453 = vector.shape_cast %slice3A_2452 : vector<1x6016xf32> to vector<6016xf32>
    %swap3A_2454 = arith.constant 0 : index
    %swap3A_2455 = arith.constant 1 : index
    %swap3A_2456 = arith.constant 5 : index
    %swap3A_2457 = arith.constant 3 : index
    %swap3A_2458 = arith.constant 0 : index
    %swap3A_2459 = vector.load %arg2[%swap3A_2454, %swap3A_2455, %swap3A_2456, %swap3A_2457, %swap3A_2458] : memref<1x2x8x16x6016xf32, #tpu.memory_space<vmem>>, vector<1x1x1x1x6016xf32>
    %swap3A_2460 = vector.shape_cast %swap3A_2459 : vector<1x1x1x1x6016xf32> to vector<6016xf32>
    %swap3A_2461 = vector.shape_cast %squeeze3A_2453 : vector<6016xf32> to vector<1x1x1x1x6016xf32>
    tpu.vector_store %arg2[%swap3A_2454, %swap3A_2455, %swap3A_2456, %swap3A_2457, %swap3A_2458], %swap3A_2461 {strides = array<i32>} : memref<1x2x8x16x6016xf32, #tpu.memory_space<vmem>>, vector<1x1x1x1x6016xf32>,
    %slice3A_2462 = vector.extract_strided_slice %select_n3A_344 {offsets = [0, 43], sizes = [1, 6016], strides = [1, 1]} : vector<1x8192xf32> to vector<1x6016xf32>
    %squeeze3A_2463 = vector.shape_cast %slice3A_2462 : vector<1x6016xf32> to vector<6016xf32>
    %swap3A_2464 = arith.constant 0 : index
    %swap3A_2465 = arith.constant 1 : index
    %swap3A_2466 = arith.constant 5 : index
    %swap3A_2467 = arith.constant 4 : index
    %swap3A_2468 = arith.constant 0 : index
    %swap3A_2469 = vector.load %arg2[%swap3A_2464, %swap3A_2465, %swap3A_2466, %swap3A_2467, %swap3A_2468] : memref<1x2x8x16x6016xf32, #tpu.memory_space<vmem>>, vector<1x1x1x1x6016xf32>
    %swap3A_2470 = vector.shape_cast %swap3A_2469 : vector<1x1x1x1x6016xf32> to vector<6016xf32>
    %swap3A_2471 = vector.shape_cast %squeeze3A_2463 : vector<6016xf32> to vector<1x1x1x1x6016xf32>
    tpu.vector_store %arg2[%swap3A_2464, %swap3A_2465, %swap3A_2466, %swap3A_2467, %swap3A_2468], %swap3A_2471 {strides = array<i32>} : memref<1x2x8x16x6016xf32, #tpu.memory_space<vmem>>, vector<1x1x1x1x6016xf32>,
    %slice3A_2472 = vector.extract_strided_slice %select_n3A_344 {offsets = [0, 42], sizes = [1, 6016], strides = [1, 1]} : vector<1x8192xf32> to vector<1x6016xf32>
    %squeeze3A_2473 = vector.shape_cast %slice3A_2472 : vector<1x6016xf32> to vector<6016xf32>
    %swap3A_2474 = arith.constant 0 : index
    %swap3A_2475 = arith.constant 1 : index
    %swap3A_2476 = arith.constant 5 : index
    %swap3A_2477 = arith.constant 5 : index
    %swap3A_2478 = arith.constant 0 : index
    %swap3A_2479 = vector.load %arg2[%swap3A_2474, %swap3A_2475, %swap3A_2476, %swap3A_2477, %swap3A_2478] : memref<1x2x8x16x6016xf32, #tpu.memory_space<vmem>>, vector<1x1x1x1x6016xf32>
    %swap3A_2480 = vector.shape_cast %swap3A_2479 : vector<1x1x1x1x6016xf32> to vector<6016xf32>
    %swap3A_2481 = vector.shape_cast %squeeze3A_2473 : vector<6016xf32> to vector<1x1x1x1x6016xf32>
    tpu.vector_store %arg2[%swap3A_2474, %swap3A_2475, %swap3A_2476, %swap3A_2477, %swap3A_2478], %swap3A_2481 {strides = array<i32>} : memref<1x2x8x16x6016xf32, #tpu.memory_space<vmem>>, vector<1x1x1x1x6016xf32>,
    %slice3A_2482 = vector.extract_strided_slice %select_n3A_344 {offsets = [0, 41], sizes = [1, 6016], strides = [1, 1]} : vector<1x8192xf32> to vector<1x6016xf32>
    %squeeze3A_2483 = vector.shape_cast %slice3A_2482 : vector<1x6016xf32> to vector<6016xf32>
    %swap3A_2484 = arith.constant 0 : index
    %swap3A_2485 = arith.constant 1 : index
    %swap3A_2486 = arith.constant 5 : index
    %swap3A_2487 = arith.constant 6 : index
    %swap3A_2488 = arith.constant 0 : index
    %swap3A_2489 = vector.load %arg2[%swap3A_2484, %swap3A_2485, %swap3A_2486, %swap3A_2487, %swap3A_2488] : memref<1x2x8x16x6016xf32, #tpu.memory_space<vmem>>, vector<1x1x1x1x6016xf32>
    %swap3A_2490 = vector.shape_cast %swap3A_2489 : vector<1x1x1x1x6016xf32> to vector<6016xf32>
    %swap3A_2491 = vector.shape_cast %squeeze3A_2483 : vector<6016xf32> to vector<1x1x1x1x6016xf32>
    tpu.vector_store %arg2[%swap3A_2484, %swap3A_2485, %swap3A_2486, %swap3A_2487, %swap3A_2488], %swap3A_2491 {strides = array<i32>} : memref<1x2x8x16x6016xf32, #tpu.memory_space<vmem>>, vector<1x1x1x1x6016xf32>,
    %slice3A_2492 = vector.extract_strided_slice %select_n3A_344 {offsets = [0, 40], sizes = [1, 6016], strides = [1, 1]} : vector<1x8192xf32> to vector<1x6016xf32>
    %squeeze3A_2493 = vector.shape_cast %slice3A_2492 : vector<1x6016xf32> to vector<6016xf32>
    %swap3A_2494 = arith.constant 0 : index
    %swap3A_2495 = arith.constant 1 : index
    %swap3A_2496 = arith.constant 5 : index
    %swap3A_2497 = arith.constant 7 : index
    %swap3A_2498 = arith.constant 0 : index
    %swap3A_2499 = vector.load %arg2[%swap3A_2494, %swap3A_2495, %swap3A_2496, %swap3A_2497, %swap3A_2498] : memref<1x2x8x16x6016xf32, #tpu.memory_space<vmem>>, vector<1x1x1x1x6016xf32>
    %swap3A_2500 = vector.shape_cast %swap3A_2499 : vector<1x1x1x1x6016xf32> to vector<6016xf32>
    %swap3A_2501 = vector.shape_cast %squeeze3A_2493 : vector<6016xf32> to vector<1x1x1x1x6016xf32>
    tpu.vector_store %arg2[%swap3A_2494, %swap3A_2495, %swap3A_2496, %swap3A_2497, %swap3A_2498], %swap3A_2501 {strides = array<i32>} : memref<1x2x8x16x6016xf32, #tpu.memory_space<vmem>>, vector<1x1x1x1x6016xf32>,
    %slice3A_2502 = vector.extract_strided_slice %select_n3A_344 {offsets = [0, 39], sizes = [1, 6016], strides = [1, 1]} : vector<1x8192xf32> to vector<1x6016xf32>
    %squeeze3A_2503 = vector.shape_cast %slice3A_2502 : vector<1x6016xf32> to vector<6016xf32>
    %swap3A_2504 = arith.constant 0 : index
    %swap3A_2505 = arith.constant 1 : index
    %swap3A_2506 = arith.constant 5 : index
    %swap3A_2507 = arith.constant 8 : index
    %swap3A_2508 = arith.constant 0 : index
    %swap3A_2509 = vector.load %arg2[%swap3A_2504, %swap3A_2505, %swap3A_2506, %swap3A_2507, %swap3A_2508] : memref<1x2x8x16x6016xf32, #tpu.memory_space<vmem>>, vector<1x1x1x1x6016xf32>
    %swap3A_2510 = vector.shape_cast %swap3A_2509 : vector<1x1x1x1x6016xf32> to vector<6016xf32>
    %swap3A_2511 = vector.shape_cast %squeeze3A_2503 : vector<6016xf32> to vector<1x1x1x1x6016xf32>
    tpu.vector_store %arg2[%swap3A_2504, %swap3A_2505, %swap3A_2506, %swap3A_2507, %swap3A_2508], %swap3A_2511 {strides = array<i32>} : memref<1x2x8x16x6016xf32, #tpu.memory_space<vmem>>, vector<1x1x1x1x6016xf32>,
    %slice3A_2512 = vector.extract_strided_slice %select_n3A_344 {offsets = [0, 38], sizes = [1, 6016], strides = [1, 1]} : vector<1x8192xf32> to vector<1x6016xf32>
    %squeeze3A_2513 = vector.shape_cast %slice3A_2512 : vector<1x6016xf32> to vector<6016xf32>
    %swap3A_2514 = arith.constant 0 : index
    %swap3A_2515 = arith.constant 1 : index
    %swap3A_2516 = arith.constant 5 : index
    %swap3A_2517 = arith.constant 9 : index
    %swap3A_2518 = arith.constant 0 : index
    %swap3A_2519 = vector.load %arg2[%swap3A_2514, %swap3A_2515, %swap3A_2516, %swap3A_2517, %swap3A_2518] : memref<1x2x8x16x6016xf32, #tpu.memory_space<vmem>>, vector<1x1x1x1x6016xf32>
    %swap3A_2520 = vector.shape_cast %swap3A_2519 : vector<1x1x1x1x6016xf32> to vector<6016xf32>
    %swap3A_2521 = vector.shape_cast %squeeze3A_2513 : vector<6016xf32> to vector<1x1x1x1x6016xf32>
    tpu.vector_store %arg2[%swap3A_2514, %swap3A_2515, %swap3A_2516, %swap3A_2517, %swap3A_2518], %swap3A_2521 {strides = array<i32>} : memref<1x2x8x16x6016xf32, #tpu.memory_space<vmem>>, vector<1x1x1x1x6016xf32>,
    %slice3A_2522 = vector.extract_strided_slice %select_n3A_344 {offsets = [0, 37], sizes = [1, 6016], strides = [1, 1]} : vector<1x8192xf32> to vector<1x6016xf32>
    %squeeze3A_2523 = vector.shape_cast %slice3A_2522 : vector<1x6016xf32> to vector<6016xf32>
    %swap3A_2524 = arith.constant 0 : index
    %swap3A_2525 = arith.constant 1 : index
    %swap3A_2526 = arith.constant 5 : index
    %swap3A_2527 = arith.constant 10 : index
    %swap3A_2528 = arith.constant 0 : index
    %swap3A_2529 = vector.load %arg2[%swap3A_2524, %swap3A_2525, %swap3A_2526, %swap3A_2527, %swap3A_2528] : memref<1x2x8x16x6016xf32, #tpu.memory_space<vmem>>, vector<1x1x1x1x6016xf32>
    %swap3A_2530 = vector.shape_cast %swap3A_2529 : vector<1x1x1x1x6016xf32> to vector<6016xf32>
    %swap3A_2531 = vector.shape_cast %squeeze3A_2523 : vector<6016xf32> to vector<1x1x1x1x6016xf32>
    tpu.vector_store %arg2[%swap3A_2524, %swap3A_2525, %swap3A_2526, %swap3A_2527, %swap3A_2528], %swap3A_2531 {strides = array<i32>} : memref<1x2x8x16x6016xf32, #tpu.memory_space<vmem>>, vector<1x1x1x1x6016xf32>,
    %slice3A_2532 = vector.extract_strided_slice %select_n3A_344 {offsets = [0, 36], sizes = [1, 6016], strides = [1, 1]} : vector<1x8192xf32> to vector<1x6016xf32>
    %squeeze3A_2533 = vector.shape_cast %slice3A_2532 : vector<1x6016xf32> to vector<6016xf32>
    %swap3A_2534 = arith.constant 0 : index
    %swap3A_2535 = arith.constant 1 : index
    %swap3A_2536 = arith.constant 5 : index
    %swap3A_2537 = arith.constant 11 : index
    %swap3A_2538 = arith.constant 0 : index
    %swap3A_2539 = vector.load %arg2[%swap3A_2534, %swap3A_2535, %swap3A_2536, %swap3A_2537, %swap3A_2538] : memref<1x2x8x16x6016xf32, #tpu.memory_space<vmem>>, vector<1x1x1x1x6016xf32>
    %swap3A_2540 = vector.shape_cast %swap3A_2539 : vector<1x1x1x1x6016xf32> to vector<6016xf32>
    %swap3A_2541 = vector.shape_cast %squeeze3A_2533 : vector<6016xf32> to vector<1x1x1x1x6016xf32>
    tpu.vector_store %arg2[%swap3A_2534, %swap3A_2535, %swap3A_2536, %swap3A_2537, %swap3A_2538], %swap3A_2541 {strides = array<i32>} : memref<1x2x8x16x6016xf32, #tpu.memory_space<vmem>>, vector<1x1x1x1x6016xf32>,
    %slice3A_2542 = vector.extract_strided_slice %select_n3A_344 {offsets = [0, 35], sizes = [1, 6016], strides = [1, 1]} : vector<1x8192xf32> to vector<1x6016xf32>
    %squeeze3A_2543 = vector.shape_cast %slice3A_2542 : vector<1x6016xf32> to vector<6016xf32>
    %swap3A_2544 = arith.constant 0 : index
    %swap3A_2545 = arith.constant 1 : index
    %swap3A_2546 = arith.constant 5 : index
    %swap3A_2547 = arith.constant 12 : index
    %swap3A_2548 = arith.constant 0 : index
    %swap3A_2549 = vector.load %arg2[%swap3A_2544, %swap3A_2545, %swap3A_2546, %swap3A_2547, %swap3A_2548] : memref<1x2x8x16x6016xf32, #tpu.memory_space<vmem>>, vector<1x1x1x1x6016xf32>
    %swap3A_2550 = vector.shape_cast %swap3A_2549 : vector<1x1x1x1x6016xf32> to vector<6016xf32>
    %swap3A_2551 = vector.shape_cast %squeeze3A_2543 : vector<6016xf32> to vector<1x1x1x1x6016xf32>
    tpu.vector_store %arg2[%swap3A_2544, %swap3A_2545, %swap3A_2546, %swap3A_2547, %swap3A_2548], %swap3A_2551 {strides = array<i32>} : memref<1x2x8x16x6016xf32, #tpu.memory_space<vmem>>, vector<1x1x1x1x6016xf32>,
    %slice3A_2552 = vector.extract_strided_slice %select_n3A_344 {offsets = [0, 34], sizes = [1, 6016], strides = [1, 1]} : vector<1x8192xf32> to vector<1x6016xf32>
    %squeeze3A_2553 = vector.shape_cast %slice3A_2552 : vector<1x6016xf32> to vector<6016xf32>
    %swap3A_2554 = arith.constant 0 : index
    %swap3A_2555 = arith.constant 1 : index
    %swap3A_2556 = arith.constant 5 : index
    %swap3A_2557 = arith.constant 13 : index
    %swap3A_2558 = arith.constant 0 : index
    %swap3A_2559 = vector.load %arg2[%swap3A_2554, %swap3A_2555, %swap3A_2556, %swap3A_2557, %swap3A_2558] : memref<1x2x8x16x6016xf32, #tpu.memory_space<vmem>>, vector<1x1x1x1x6016xf32>
    %swap3A_2560 = vector.shape_cast %swap3A_2559 : vector<1x1x1x1x6016xf32> to vector<6016xf32>
    %swap3A_2561 = vector.shape_cast %squeeze3A_2553 : vector<6016xf32> to vector<1x1x1x1x6016xf32>
    tpu.vector_store %arg2[%swap3A_2554, %swap3A_2555, %swap3A_2556, %swap3A_2557, %swap3A_2558], %swap3A_2561 {strides = array<i32>} : memref<1x2x8x16x6016xf32, #tpu.memory_space<vmem>>, vector<1x1x1x1x6016xf32>,
    %slice3A_2562 = vector.extract_strided_slice %select_n3A_344 {offsets = [0, 33], sizes = [1, 6016], strides = [1, 1]} : vector<1x8192xf32> to vector<1x6016xf32>
    %squeeze3A_2563 = vector.shape_cast %slice3A_2562 : vector<1x6016xf32> to vector<6016xf32>
    %swap3A_2564 = arith.constant 0 : index
    %swap3A_2565 = arith.constant 1 : index
    %swap3A_2566 = arith.constant 5 : index
    %swap3A_2567 = arith.constant 14 : index
    %swap3A_2568 = arith.constant 0 : index
    %swap3A_2569 = vector.load %arg2[%swap3A_2564, %swap3A_2565, %swap3A_2566, %swap3A_2567, %swap3A_2568] : memref<1x2x8x16x6016xf32, #tpu.memory_space<vmem>>, vector<1x1x1x1x6016xf32>
    %swap3A_2570 = vector.shape_cast %swap3A_2569 : vector<1x1x1x1x6016xf32> to vector<6016xf32>
    %swap3A_2571 = vector.shape_cast %squeeze3A_2563 : vector<6016xf32> to vector<1x1x1x1x6016xf32>
    tpu.vector_store %arg2[%swap3A_2564, %swap3A_2565, %swap3A_2566, %swap3A_2567, %swap3A_2568], %swap3A_2571 {strides = array<i32>} : memref<1x2x8x16x6016xf32, #tpu.memory_space<vmem>>, vector<1x1x1x1x6016xf32>,
    %slice3A_2572 = vector.extract_strided_slice %select_n3A_344 {offsets = [0, 32], sizes = [1, 6016], strides = [1, 1]} : vector<1x8192xf32> to vector<1x6016xf32>
    %squeeze3A_2573 = vector.shape_cast %slice3A_2572 : vector<1x6016xf32> to vector<6016xf32>
    %swap3A_2574 = arith.constant 0 : index
    %swap3A_2575 = arith.constant 1 : index
    %swap3A_2576 = arith.constant 5 : index
    %swap3A_2577 = arith.constant 15 : index
    %swap3A_2578 = arith.constant 0 : index
    %swap3A_2579 = vector.load %arg2[%swap3A_2574, %swap3A_2575, %swap3A_2576, %swap3A_2577, %swap3A_2578] : memref<1x2x8x16x6016xf32, #tpu.memory_space<vmem>>, vector<1x1x1x1x6016xf32>
    %swap3A_2580 = vector.shape_cast %swap3A_2579 : vector<1x1x1x1x6016xf32> to vector<6016xf32>
    %swap3A_2581 = vector.shape_cast %squeeze3A_2573 : vector<6016xf32> to vector<1x1x1x1x6016xf32>
    tpu.vector_store %arg2[%swap3A_2574, %swap3A_2575, %swap3A_2576, %swap3A_2577, %swap3A_2578], %swap3A_2581 {strides = array<i32>} : memref<1x2x8x16x6016xf32, #tpu.memory_space<vmem>>, vector<1x1x1x1x6016xf32>,
    %slice3A_2582 = vector.extract_strided_slice %select_n3A_344 {offsets = [0, 31], sizes = [1, 6016], strides = [1, 1]} : vector<1x8192xf32> to vector<1x6016xf32>
    %squeeze3A_2583 = vector.shape_cast %slice3A_2582 : vector<1x6016xf32> to vector<6016xf32>
    %swap3A_2584 = arith.constant 0 : index
    %swap3A_2585 = arith.constant 1 : index
    %swap3A_2586 = arith.constant 6 : index
    %swap3A_2587 = arith.constant 0 : index
    %swap3A_2588 = arith.constant 0 : index
    %swap3A_2589 = vector.load %arg2[%swap3A_2584, %swap3A_2585, %swap3A_2586, %swap3A_2587, %swap3A_2588] : memref<1x2x8x16x6016xf32, #tpu.memory_space<vmem>>, vector<1x1x1x1x6016xf32>
    %swap3A_2590 = vector.shape_cast %swap3A_2589 : vector<1x1x1x1x6016xf32> to vector<6016xf32>
    %swap3A_2591 = vector.shape_cast %squeeze3A_2583 : vector<6016xf32> to vector<1x1x1x1x6016xf32>
    tpu.vector_store %arg2[%swap3A_2584, %swap3A_2585, %swap3A_2586, %swap3A_2587, %swap3A_2588], %swap3A_2591 {strides = array<i32>} : memref<1x2x8x16x6016xf32, #tpu.memory_space<vmem>>, vector<1x1x1x1x6016xf32>,
    %slice3A_2592 = vector.extract_strided_slice %select_n3A_344 {offsets = [0, 30], sizes = [1, 6016], strides = [1, 1]} : vector<1x8192xf32> to vector<1x6016xf32>
    %squeeze3A_2593 = vector.shape_cast %slice3A_2592 : vector<1x6016xf32> to vector<6016xf32>
    %swap3A_2594 = arith.constant 0 : index
    %swap3A_2595 = arith.constant 1 : index
    %swap3A_2596 = arith.constant 6 : index
    %swap3A_2597 = arith.constant 1 : index
    %swap3A_2598 = arith.constant 0 : index
    %swap3A_2599 = vector.load %arg2[%swap3A_2594, %swap3A_2595, %swap3A_2596, %swap3A_2597, %swap3A_2598] : memref<1x2x8x16x6016xf32, #tpu.memory_space<vmem>>, vector<1x1x1x1x6016xf32>
    %swap3A_2600 = vector.shape_cast %swap3A_2599 : vector<1x1x1x1x6016xf32> to vector<6016xf32>
    %swap3A_2601 = vector.shape_cast %squeeze3A_2593 : vector<6016xf32> to vector<1x1x1x1x6016xf32>
    tpu.vector_store %arg2[%swap3A_2594, %swap3A_2595, %swap3A_2596, %swap3A_2597, %swap3A_2598], %swap3A_2601 {strides = array<i32>} : memref<1x2x8x16x6016xf32, #tpu.memory_space<vmem>>, vector<1x1x1x1x6016xf32>,
    %slice3A_2602 = vector.extract_strided_slice %select_n3A_344 {offsets = [0, 29], sizes = [1, 6016], strides = [1, 1]} : vector<1x8192xf32> to vector<1x6016xf32>
    %squeeze3A_2603 = vector.shape_cast %slice3A_2602 : vector<1x6016xf32> to vector<6016xf32>
    %swap3A_2604 = arith.constant 0 : index
    %swap3A_2605 = arith.constant 1 : index
    %swap3A_2606 = arith.constant 6 : index
    %swap3A_2607 = arith.constant 2 : index
    %swap3A_2608 = arith.constant 0 : index
    %swap3A_2609 = vector.load %arg2[%swap3A_2604, %swap3A_2605, %swap3A_2606, %swap3A_2607, %swap3A_2608] : memref<1x2x8x16x6016xf32, #tpu.memory_space<vmem>>, vector<1x1x1x1x6016xf32>
    %swap3A_2610 = vector.shape_cast %swap3A_2609 : vector<1x1x1x1x6016xf32> to vector<6016xf32>
    %swap3A_2611 = vector.shape_cast %squeeze3A_2603 : vector<6016xf32> to vector<1x1x1x1x6016xf32>
    tpu.vector_store %arg2[%swap3A_2604, %swap3A_2605, %swap3A_2606, %swap3A_2607, %swap3A_2608], %swap3A_2611 {strides = array<i32>} : memref<1x2x8x16x6016xf32, #tpu.memory_space<vmem>>, vector<1x1x1x1x6016xf32>,
    %slice3A_2612 = vector.extract_strided_slice %select_n3A_344 {offsets = [0, 28], sizes = [1, 6016], strides = [1, 1]} : vector<1x8192xf32> to vector<1x6016xf32>
    %squeeze3A_2613 = vector.shape_cast %slice3A_2612 : vector<1x6016xf32> to vector<6016xf32>
    %swap3A_2614 = arith.constant 0 : index
    %swap3A_2615 = arith.constant 1 : index
    %swap3A_2616 = arith.constant 6 : index
    %swap3A_2617 = arith.constant 3 : index
    %swap3A_2618 = arith.constant 0 : index
    %swap3A_2619 = vector.load %arg2[%swap3A_2614, %swap3A_2615, %swap3A_2616, %swap3A_2617, %swap3A_2618] : memref<1x2x8x16x6016xf32, #tpu.memory_space<vmem>>, vector<1x1x1x1x6016xf32>
    %swap3A_2620 = vector.shape_cast %swap3A_2619 : vector<1x1x1x1x6016xf32> to vector<6016xf32>
    %swap3A_2621 = vector.shape_cast %squeeze3A_2613 : vector<6016xf32> to vector<1x1x1x1x6016xf32>
    tpu.vector_store %arg2[%swap3A_2614, %swap3A_2615, %swap3A_2616, %swap3A_2617, %swap3A_2618], %swap3A_2621 {strides = array<i32>} : memref<1x2x8x16x6016xf32, #tpu.memory_space<vmem>>, vector<1x1x1x1x6016xf32>,
    %slice3A_2622 = vector.extract_strided_slice %select_n3A_344 {offsets = [0, 27], sizes = [1, 6016], strides = [1, 1]} : vector<1x8192xf32> to vector<1x6016xf32>
    %squeeze3A_2623 = vector.shape_cast %slice3A_2622 : vector<1x6016xf32> to vector<6016xf32>
    %swap3A_2624 = arith.constant 0 : index
    %swap3A_2625 = arith.constant 1 : index
    %swap3A_2626 = arith.constant 6 : index
    %swap3A_2627 = arith.constant 4 : index
    %swap3A_2628 = arith.constant 0 : index
    %swap3A_2629 = vector.load %arg2[%swap3A_2624, %swap3A_2625, %swap3A_2626, %swap3A_2627, %swap3A_2628] : memref<1x2x8x16x6016xf32, #tpu.memory_space<vmem>>, vector<1x1x1x1x6016xf32>
    %swap3A_2630 = vector.shape_cast %swap3A_2629 : vector<1x1x1x1x6016xf32> to vector<6016xf32>
    %swap3A_2631 = vector.shape_cast %squeeze3A_2623 : vector<6016xf32> to vector<1x1x1x1x6016xf32>
    tpu.vector_store %arg2[%swap3A_2624, %swap3A_2625, %swap3A_2626, %swap3A_2627, %swap3A_2628], %swap3A_2631 {strides = array<i32>} : memref<1x2x8x16x6016xf32, #tpu.memory_space<vmem>>, vector<1x1x1x1x6016xf32>,
    %slice3A_2632 = vector.extract_strided_slice %select_n3A_344 {offsets = [0, 26], sizes = [1, 6016], strides = [1, 1]} : vector<1x8192xf32> to vector<1x6016xf32>
    %squeeze3A_2633 = vector.shape_cast %slice3A_2632 : vector<1x6016xf32> to vector<6016xf32>
    %swap3A_2634 = arith.constant 0 : index
    %swap3A_2635 = arith.constant 1 : index
    %swap3A_2636 = arith.constant 6 : index
    %swap3A_2637 = arith.constant 5 : index
    %swap3A_2638 = arith.constant 0 : index
    %swap3A_2639 = vector.load %arg2[%swap3A_2634, %swap3A_2635, %swap3A_2636, %swap3A_2637, %swap3A_2638] : memref<1x2x8x16x6016xf32, #tpu.memory_space<vmem>>, vector<1x1x1x1x6016xf32>
    %swap3A_2640 = vector.shape_cast %swap3A_2639 : vector<1x1x1x1x6016xf32> to vector<6016xf32>
    %swap3A_2641 = vector.shape_cast %squeeze3A_2633 : vector<6016xf32> to vector<1x1x1x1x6016xf32>
    tpu.vector_store %arg2[%swap3A_2634, %swap3A_2635, %swap3A_2636, %swap3A_2637, %swap3A_2638], %swap3A_2641 {strides = array<i32>} : memref<1x2x8x16x6016xf32, #tpu.memory_space<vmem>>, vector<1x1x1x1x6016xf32>,
    %slice3A_2642 = vector.extract_strided_slice %select_n3A_344 {offsets = [0, 25], sizes = [1, 6016], strides = [1, 1]} : vector<1x8192xf32> to vector<1x6016xf32>
    %squeeze3A_2643 = vector.shape_cast %slice3A_2642 : vector<1x6016xf32> to vector<6016xf32>
    %swap3A_2644 = arith.constant 0 : index
    %swap3A_2645 = arith.constant 1 : index
    %swap3A_2646 = arith.constant 6 : index
    %swap3A_2647 = arith.constant 6 : index
    %swap3A_2648 = arith.constant 0 : index
    %swap3A_2649 = vector.load %arg2[%swap3A_2644, %swap3A_2645, %swap3A_2646, %swap3A_2647, %swap3A_2648] : memref<1x2x8x16x6016xf32, #tpu.memory_space<vmem>>, vector<1x1x1x1x6016xf32>
    %swap3A_2650 = vector.shape_cast %swap3A_2649 : vector<1x1x1x1x6016xf32> to vector<6016xf32>
    %swap3A_2651 = vector.shape_cast %squeeze3A_2643 : vector<6016xf32> to vector<1x1x1x1x6016xf32>
    tpu.vector_store %arg2[%swap3A_2644, %swap3A_2645, %swap3A_2646, %swap3A_2647, %swap3A_2648], %swap3A_2651 {strides = array<i32>} : memref<1x2x8x16x6016xf32, #tpu.memory_space<vmem>>, vector<1x1x1x1x6016xf32>,
    %slice3A_2652 = vector.extract_strided_slice %select_n3A_344 {offsets = [0, 24], sizes = [1, 6016], strides = [1, 1]} : vector<1x8192xf32> to vector<1x6016xf32>
    %squeeze3A_2653 = vector.shape_cast %slice3A_2652 : vector<1x6016xf32> to vector<6016xf32>
    %swap3A_2654 = arith.constant 0 : index
    %swap3A_2655 = arith.constant 1 : index
    %swap3A_2656 = arith.constant 6 : index
    %swap3A_2657 = arith.constant 7 : index
    %swap3A_2658 = arith.constant 0 : index
    %swap3A_2659 = vector.load %arg2[%swap3A_2654, %swap3A_2655, %swap3A_2656, %swap3A_2657, %swap3A_2658] : memref<1x2x8x16x6016xf32, #tpu.memory_space<vmem>>, vector<1x1x1x1x6016xf32>
    %swap3A_2660 = vector.shape_cast %swap3A_2659 : vector<1x1x1x1x6016xf32> to vector<6016xf32>
    %swap3A_2661 = vector.shape_cast %squeeze3A_2653 : vector<6016xf32> to vector<1x1x1x1x6016xf32>
    tpu.vector_store %arg2[%swap3A_2654, %swap3A_2655, %swap3A_2656, %swap3A_2657, %swap3A_2658], %swap3A_2661 {strides = array<i32>} : memref<1x2x8x16x6016xf32, #tpu.memory_space<vmem>>, vector<1x1x1x1x6016xf32>,
    %slice3A_2662 = vector.extract_strided_slice %select_n3A_344 {offsets = [0, 23], sizes = [1, 6016], strides = [1, 1]} : vector<1x8192xf32> to vector<1x6016xf32>
    %squeeze3A_2663 = vector.shape_cast %slice3A_2662 : vector<1x6016xf32> to vector<6016xf32>
    %swap3A_2664 = arith.constant 0 : index
    %swap3A_2665 = arith.constant 1 : index
    %swap3A_2666 = arith.constant 6 : index
    %swap3A_2667 = arith.constant 8 : index
    %swap3A_2668 = arith.constant 0 : index
    %swap3A_2669 = vector.load %arg2[%swap3A_2664, %swap3A_2665, %swap3A_2666, %swap3A_2667, %swap3A_2668] : memref<1x2x8x16x6016xf32, #tpu.memory_space<vmem>>, vector<1x1x1x1x6016xf32>
    %swap3A_2670 = vector.shape_cast %swap3A_2669 : vector<1x1x1x1x6016xf32> to vector<6016xf32>
    %swap3A_2671 = vector.shape_cast %squeeze3A_2663 : vector<6016xf32> to vector<1x1x1x1x6016xf32>
    tpu.vector_store %arg2[%swap3A_2664, %swap3A_2665, %swap3A_2666, %swap3A_2667, %swap3A_2668], %swap3A_2671 {strides = array<i32>} : memref<1x2x8x16x6016xf32, #tpu.memory_space<vmem>>, vector<1x1x1x1x6016xf32>,
    %slice3A_2672 = vector.extract_strided_slice %select_n3A_344 {offsets = [0, 22], sizes = [1, 6016], strides = [1, 1]} : vector<1x8192xf32> to vector<1x6016xf32>
    %squeeze3A_2673 = vector.shape_cast %slice3A_2672 : vector<1x6016xf32> to vector<6016xf32>
    %swap3A_2674 = arith.constant 0 : index
    %swap3A_2675 = arith.constant 1 : index
    %swap3A_2676 = arith.constant 6 : index
    %swap3A_2677 = arith.constant 9 : index
    %swap3A_2678 = arith.constant 0 : index
    %swap3A_2679 = vector.load %arg2[%swap3A_2674, %swap3A_2675, %swap3A_2676, %swap3A_2677, %swap3A_2678] : memref<1x2x8x16x6016xf32, #tpu.memory_space<vmem>>, vector<1x1x1x1x6016xf32>
    %swap3A_2680 = vector.shape_cast %swap3A_2679 : vector<1x1x1x1x6016xf32> to vector<6016xf32>
    %swap3A_2681 = vector.shape_cast %squeeze3A_2673 : vector<6016xf32> to vector<1x1x1x1x6016xf32>
    tpu.vector_store %arg2[%swap3A_2674, %swap3A_2675, %swap3A_2676, %swap3A_2677, %swap3A_2678], %swap3A_2681 {strides = array<i32>} : memref<1x2x8x16x6016xf32, #tpu.memory_space<vmem>>, vector<1x1x1x1x6016xf32>,
    %slice3A_2682 = vector.extract_strided_slice %select_n3A_344 {offsets = [0, 21], sizes = [1, 6016], strides = [1, 1]} : vector<1x8192xf32> to vector<1x6016xf32>
    %squeeze3A_2683 = vector.shape_cast %slice3A_2682 : vector<1x6016xf32> to vector<6016xf32>
    %swap3A_2684 = arith.constant 0 : index
    %swap3A_2685 = arith.constant 1 : index
    %swap3A_2686 = arith.constant 6 : index
    %swap3A_2687 = arith.constant 10 : index
    %swap3A_2688 = arith.constant 0 : index
    %swap3A_2689 = vector.load %arg2[%swap3A_2684, %swap3A_2685, %swap3A_2686, %swap3A_2687, %swap3A_2688] : memref<1x2x8x16x6016xf32, #tpu.memory_space<vmem>>, vector<1x1x1x1x6016xf32>
    %swap3A_2690 = vector.shape_cast %swap3A_2689 : vector<1x1x1x1x6016xf32> to vector<6016xf32>
    %swap3A_2691 = vector.shape_cast %squeeze3A_2683 : vector<6016xf32> to vector<1x1x1x1x6016xf32>
    tpu.vector_store %arg2[%swap3A_2684, %swap3A_2685, %swap3A_2686, %swap3A_2687, %swap3A_2688], %swap3A_2691 {strides = array<i32>} : memref<1x2x8x16x6016xf32, #tpu.memory_space<vmem>>, vector<1x1x1x1x6016xf32>,
    %slice3A_2692 = vector.extract_strided_slice %select_n3A_344 {offsets = [0, 20], sizes = [1, 6016], strides = [1, 1]} : vector<1x8192xf32> to vector<1x6016xf32>
    %squeeze3A_2693 = vector.shape_cast %slice3A_2692 : vector<1x6016xf32> to vector<6016xf32>
    %swap3A_2694 = arith.constant 0 : index
    %swap3A_2695 = arith.constant 1 : index
    %swap3A_2696 = arith.constant 6 : index
    %swap3A_2697 = arith.constant 11 : index
    %swap3A_2698 = arith.constant 0 : index
    %swap3A_2699 = vector.load %arg2[%swap3A_2694, %swap3A_2695, %swap3A_2696, %swap3A_2697, %swap3A_2698] : memref<1x2x8x16x6016xf32, #tpu.memory_space<vmem>>, vector<1x1x1x1x6016xf32>
    %swap3A_2700 = vector.shape_cast %swap3A_2699 : vector<1x1x1x1x6016xf32> to vector<6016xf32>
    %swap3A_2701 = vector.shape_cast %squeeze3A_2693 : vector<6016xf32> to vector<1x1x1x1x6016xf32>
    tpu.vector_store %arg2[%swap3A_2694, %swap3A_2695, %swap3A_2696, %swap3A_2697, %swap3A_2698], %swap3A_2701 {strides = array<i32>} : memref<1x2x8x16x6016xf32, #tpu.memory_space<vmem>>, vector<1x1x1x1x6016xf32>,
    %slice3A_2702 = vector.extract_strided_slice %select_n3A_344 {offsets = [0, 19], sizes = [1, 6016], strides = [1, 1]} : vector<1x8192xf32> to vector<1x6016xf32>
    %squeeze3A_2703 = vector.shape_cast %slice3A_2702 : vector<1x6016xf32> to vector<6016xf32>
    %swap3A_2704 = arith.constant 0 : index
    %swap3A_2705 = arith.constant 1 : index
    %swap3A_2706 = arith.constant 6 : index
    %swap3A_2707 = arith.constant 12 : index
    %swap3A_2708 = arith.constant 0 : index
    %swap3A_2709 = vector.load %arg2[%swap3A_2704, %swap3A_2705, %swap3A_2706, %swap3A_2707, %swap3A_2708] : memref<1x2x8x16x6016xf32, #tpu.memory_space<vmem>>, vector<1x1x1x1x6016xf32>
    %swap3A_2710 = vector.shape_cast %swap3A_2709 : vector<1x1x1x1x6016xf32> to vector<6016xf32>
    %swap3A_2711 = vector.shape_cast %squeeze3A_2703 : vector<6016xf32> to vector<1x1x1x1x6016xf32>
    tpu.vector_store %arg2[%swap3A_2704, %swap3A_2705, %swap3A_2706, %swap3A_2707, %swap3A_2708], %swap3A_2711 {strides = array<i32>} : memref<1x2x8x16x6016xf32, #tpu.memory_space<vmem>>, vector<1x1x1x1x6016xf32>,
    %slice3A_2712 = vector.extract_strided_slice %select_n3A_344 {offsets = [0, 18], sizes = [1, 6016], strides = [1, 1]} : vector<1x8192xf32> to vector<1x6016xf32>
    %squeeze3A_2713 = vector.shape_cast %slice3A_2712 : vector<1x6016xf32> to vector<6016xf32>
    %swap3A_2714 = arith.constant 0 : index
    %swap3A_2715 = arith.constant 1 : index
    %swap3A_2716 = arith.constant 6 : index
    %swap3A_2717 = arith.constant 13 : index
    %swap3A_2718 = arith.constant 0 : index
    %swap3A_2719 = vector.load %arg2[%swap3A_2714, %swap3A_2715, %swap3A_2716, %swap3A_2717, %swap3A_2718] : memref<1x2x8x16x6016xf32, #tpu.memory_space<vmem>>, vector<1x1x1x1x6016xf32>
    %swap3A_2720 = vector.shape_cast %swap3A_2719 : vector<1x1x1x1x6016xf32> to vector<6016xf32>
    %swap3A_2721 = vector.shape_cast %squeeze3A_2713 : vector<6016xf32> to vector<1x1x1x1x6016xf32>
    tpu.vector_store %arg2[%swap3A_2714, %swap3A_2715, %swap3A_2716, %swap3A_2717, %swap3A_2718], %swap3A_2721 {strides = array<i32>} : memref<1x2x8x16x6016xf32, #tpu.memory_space<vmem>>, vector<1x1x1x1x6016xf32>,
    %slice3A_2722 = vector.extract_strided_slice %select_n3A_344 {offsets = [0, 17], sizes = [1, 6016], strides = [1, 1]} : vector<1x8192xf32> to vector<1x6016xf32>
    %squeeze3A_2723 = vector.shape_cast %slice3A_2722 : vector<1x6016xf32> to vector<6016xf32>
    %swap3A_2724 = arith.constant 0 : index
    %swap3A_2725 = arith.constant 1 : index
    %swap3A_2726 = arith.constant 6 : index
    %swap3A_2727 = arith.constant 14 : index
    %swap3A_2728 = arith.constant 0 : index
    %swap3A_2729 = vector.load %arg2[%swap3A_2724, %swap3A_2725, %swap3A_2726, %swap3A_2727, %swap3A_2728] : memref<1x2x8x16x6016xf32, #tpu.memory_space<vmem>>, vector<1x1x1x1x6016xf32>
    %swap3A_2730 = vector.shape_cast %swap3A_2729 : vector<1x1x1x1x6016xf32> to vector<6016xf32>
    %swap3A_2731 = vector.shape_cast %squeeze3A_2723 : vector<6016xf32> to vector<1x1x1x1x6016xf32>
    tpu.vector_store %arg2[%swap3A_2724, %swap3A_2725, %swap3A_2726, %swap3A_2727, %swap3A_2728], %swap3A_2731 {strides = array<i32>} : memref<1x2x8x16x6016xf32, #tpu.memory_space<vmem>>, vector<1x1x1x1x6016xf32>,
    %slice3A_2732 = vector.extract_strided_slice %select_n3A_344 {offsets = [0, 16], sizes = [1, 6016], strides = [1, 1]} : vector<1x8192xf32> to vector<1x6016xf32>
    %squeeze3A_2733 = vector.shape_cast %slice3A_2732 : vector<1x6016xf32> to vector<6016xf32>
    %swap3A_2734 = arith.constant 0 : index
    %swap3A_2735 = arith.constant 1 : index
    %swap3A_2736 = arith.constant 6 : index
    %swap3A_2737 = arith.constant 15 : index
    %swap3A_2738 = arith.constant 0 : index
    %swap3A_2739 = vector.load %arg2[%swap3A_2734, %swap3A_2735, %swap3A_2736, %swap3A_2737, %swap3A_2738] : memref<1x2x8x16x6016xf32, #tpu.memory_space<vmem>>, vector<1x1x1x1x6016xf32>
    %swap3A_2740 = vector.shape_cast %swap3A_2739 : vector<1x1x1x1x6016xf32> to vector<6016xf32>
    %swap3A_2741 = vector.shape_cast %squeeze3A_2733 : vector<6016xf32> to vector<1x1x1x1x6016xf32>
    tpu.vector_store %arg2[%swap3A_2734, %swap3A_2735, %swap3A_2736, %swap3A_2737, %swap3A_2738], %swap3A_2741 {strides = array<i32>} : memref<1x2x8x16x6016xf32, #tpu.memory_space<vmem>>, vector<1x1x1x1x6016xf32>,
    %slice3A_2742 = vector.extract_strided_slice %select_n3A_344 {offsets = [0, 15], sizes = [1, 6016], strides = [1, 1]} : vector<1x8192xf32> to vector<1x6016xf32>
    %squeeze3A_2743 = vector.shape_cast %slice3A_2742 : vector<1x6016xf32> to vector<6016xf32>
    %swap3A_2744 = arith.constant 0 : index
    %swap3A_2745 = arith.constant 1 : index
    %swap3A_2746 = arith.constant 7 : index
    %swap3A_2747 = arith.constant 0 : index
    %swap3A_2748 = arith.constant 0 : index
    %swap3A_2749 = vector.load %arg2[%swap3A_2744, %swap3A_2745, %swap3A_2746, %swap3A_2747, %swap3A_2748] : memref<1x2x8x16x6016xf32, #tpu.memory_space<vmem>>, vector<1x1x1x1x6016xf32>
    %swap3A_2750 = vector.shape_cast %swap3A_2749 : vector<1x1x1x1x6016xf32> to vector<6016xf32>
    %swap3A_2751 = vector.shape_cast %squeeze3A_2743 : vector<6016xf32> to vector<1x1x1x1x6016xf32>
    tpu.vector_store %arg2[%swap3A_2744, %swap3A_2745, %swap3A_2746, %swap3A_2747, %swap3A_2748], %swap3A_2751 {strides = array<i32>} : memref<1x2x8x16x6016xf32, #tpu.memory_space<vmem>>, vector<1x1x1x1x6016xf32>,
    %slice3A_2752 = vector.extract_strided_slice %select_n3A_344 {offsets = [0, 14], sizes = [1, 6016], strides = [1, 1]} : vector<1x8192xf32> to vector<1x6016xf32>
    %squeeze3A_2753 = vector.shape_cast %slice3A_2752 : vector<1x6016xf32> to vector<6016xf32>
    %swap3A_2754 = arith.constant 0 : index
    %swap3A_2755 = arith.constant 1 : index
    %swap3A_2756 = arith.constant 7 : index
    %swap3A_2757 = arith.constant 1 : index
    %swap3A_2758 = arith.constant 0 : index
    %swap3A_2759 = vector.load %arg2[%swap3A_2754, %swap3A_2755, %swap3A_2756, %swap3A_2757, %swap3A_2758] : memref<1x2x8x16x6016xf32, #tpu.memory_space<vmem>>, vector<1x1x1x1x6016xf32>
    %swap3A_2760 = vector.shape_cast %swap3A_2759 : vector<1x1x1x1x6016xf32> to vector<6016xf32>
    %swap3A_2761 = vector.shape_cast %squeeze3A_2753 : vector<6016xf32> to vector<1x1x1x1x6016xf32>
    tpu.vector_store %arg2[%swap3A_2754, %swap3A_2755, %swap3A_2756, %swap3A_2757, %swap3A_2758], %swap3A_2761 {strides = array<i32>} : memref<1x2x8x16x6016xf32, #tpu.memory_space<vmem>>, vector<1x1x1x1x6016xf32>,
    %slice3A_2762 = vector.extract_strided_slice %select_n3A_344 {offsets = [0, 13], sizes = [1, 6016], strides = [1, 1]} : vector<1x8192xf32> to vector<1x6016xf32>
    %squeeze3A_2763 = vector.shape_cast %slice3A_2762 : vector<1x6016xf32> to vector<6016xf32>
    %swap3A_2764 = arith.constant 0 : index
    %swap3A_2765 = arith.constant 1 : index
    %swap3A_2766 = arith.constant 7 : index
    %swap3A_2767 = arith.constant 2 : index
    %swap3A_2768 = arith.constant 0 : index
    %swap3A_2769 = vector.load %arg2[%swap3A_2764, %swap3A_2765, %swap3A_2766, %swap3A_2767, %swap3A_2768] : memref<1x2x8x16x6016xf32, #tpu.memory_space<vmem>>, vector<1x1x1x1x6016xf32>
    %swap3A_2770 = vector.shape_cast %swap3A_2769 : vector<1x1x1x1x6016xf32> to vector<6016xf32>
    %swap3A_2771 = vector.shape_cast %squeeze3A_2763 : vector<6016xf32> to vector<1x1x1x1x6016xf32>
    tpu.vector_store %arg2[%swap3A_2764, %swap3A_2765, %swap3A_2766, %swap3A_2767, %swap3A_2768], %swap3A_2771 {strides = array<i32>} : memref<1x2x8x16x6016xf32, #tpu.memory_space<vmem>>, vector<1x1x1x1x6016xf32>,
    %slice3A_2772 = vector.extract_strided_slice %select_n3A_344 {offsets = [0, 12], sizes = [1, 6016], strides = [1, 1]} : vector<1x8192xf32> to vector<1x6016xf32>
    %squeeze3A_2773 = vector.shape_cast %slice3A_2772 : vector<1x6016xf32> to vector<6016xf32>
    %swap3A_2774 = arith.constant 0 : index
    %swap3A_2775 = arith.constant 1 : index
    %swap3A_2776 = arith.constant 7 : index
    %swap3A_2777 = arith.constant 3 : index
    %swap3A_2778 = arith.constant 0 : index
    %swap3A_2779 = vector.load %arg2[%swap3A_2774, %swap3A_2775, %swap3A_2776, %swap3A_2777, %swap3A_2778] : memref<1x2x8x16x6016xf32, #tpu.memory_space<vmem>>, vector<1x1x1x1x6016xf32>
    %swap3A_2780 = vector.shape_cast %swap3A_2779 : vector<1x1x1x1x6016xf32> to vector<6016xf32>
    %swap3A_2781 = vector.shape_cast %squeeze3A_2773 : vector<6016xf32> to vector<1x1x1x1x6016xf32>
    tpu.vector_store %arg2[%swap3A_2774, %swap3A_2775, %swap3A_2776, %swap3A_2777, %swap3A_2778], %swap3A_2781 {strides = array<i32>} : memref<1x2x8x16x6016xf32, #tpu.memory_space<vmem>>, vector<1x1x1x1x6016xf32>,
    %slice3A_2782 = vector.extract_strided_slice %select_n3A_344 {offsets = [0, 11], sizes = [1, 6016], strides = [1, 1]} : vector<1x8192xf32> to vector<1x6016xf32>
    %squeeze3A_2783 = vector.shape_cast %slice3A_2782 : vector<1x6016xf32> to vector<6016xf32>
    %swap3A_2784 = arith.constant 0 : index
    %swap3A_2785 = arith.constant 1 : index
    %swap3A_2786 = arith.constant 7 : index
    %swap3A_2787 = arith.constant 4 : index
    %swap3A_2788 = arith.constant 0 : index
    %swap3A_2789 = vector.load %arg2[%swap3A_2784, %swap3A_2785, %swap3A_2786, %swap3A_2787, %swap3A_2788] : memref<1x2x8x16x6016xf32, #tpu.memory_space<vmem>>, vector<1x1x1x1x6016xf32>
    %swap3A_2790 = vector.shape_cast %swap3A_2789 : vector<1x1x1x1x6016xf32> to vector<6016xf32>
    %swap3A_2791 = vector.shape_cast %squeeze3A_2783 : vector<6016xf32> to vector<1x1x1x1x6016xf32>
    tpu.vector_store %arg2[%swap3A_2784, %swap3A_2785, %swap3A_2786, %swap3A_2787, %swap3A_2788], %swap3A_2791 {strides = array<i32>} : memref<1x2x8x16x6016xf32, #tpu.memory_space<vmem>>, vector<1x1x1x1x6016xf32>,
    %slice3A_2792 = vector.extract_strided_slice %select_n3A_344 {offsets = [0, 10], sizes = [1, 6016], strides = [1, 1]} : vector<1x8192xf32> to vector<1x6016xf32>
    %squeeze3A_2793 = vector.shape_cast %slice3A_2792 : vector<1x6016xf32> to vector<6016xf32>
    %swap3A_2794 = arith.constant 0 : index
    %swap3A_2795 = arith.constant 1 : index
    %swap3A_2796 = arith.constant 7 : index
    %swap3A_2797 = arith.constant 5 : index
    %swap3A_2798 = arith.constant 0 : index
    %swap3A_2799 = vector.load %arg2[%swap3A_2794, %swap3A_2795, %swap3A_2796, %swap3A_2797, %swap3A_2798] : memref<1x2x8x16x6016xf32, #tpu.memory_space<vmem>>, vector<1x1x1x1x6016xf32>
    %swap3A_2800 = vector.shape_cast %swap3A_2799 : vector<1x1x1x1x6016xf32> to vector<6016xf32>
    %swap3A_2801 = vector.shape_cast %squeeze3A_2793 : vector<6016xf32> to vector<1x1x1x1x6016xf32>
    tpu.vector_store %arg2[%swap3A_2794, %swap3A_2795, %swap3A_2796, %swap3A_2797, %swap3A_2798], %swap3A_2801 {strides = array<i32>} : memref<1x2x8x16x6016xf32, #tpu.memory_space<vmem>>, vector<1x1x1x1x6016xf32>,
    %slice3A_2802 = vector.extract_strided_slice %select_n3A_344 {offsets = [0, 9], sizes = [1, 6016], strides = [1, 1]} : vector<1x8192xf32> to vector<1x6016xf32>
    %squeeze3A_2803 = vector.shape_cast %slice3A_2802 : vector<1x6016xf32> to vector<6016xf32>
    %swap3A_2804 = arith.constant 0 : index
    %swap3A_2805 = arith.constant 1 : index
    %swap3A_2806 = arith.constant 7 : index
    %swap3A_2807 = arith.constant 6 : index
    %swap3A_2808 = arith.constant 0 : index
    %swap3A_2809 = vector.load %arg2[%swap3A_2804, %swap3A_2805, %swap3A_2806, %swap3A_2807, %swap3A_2808] : memref<1x2x8x16x6016xf32, #tpu.memory_space<vmem>>, vector<1x1x1x1x6016xf32>
    %swap3A_2810 = vector.shape_cast %swap3A_2809 : vector<1x1x1x1x6016xf32> to vector<6016xf32>
    %swap3A_2811 = vector.shape_cast %squeeze3A_2803 : vector<6016xf32> to vector<1x1x1x1x6016xf32>
    tpu.vector_store %arg2[%swap3A_2804, %swap3A_2805, %swap3A_2806, %swap3A_2807, %swap3A_2808], %swap3A_2811 {strides = array<i32>} : memref<1x2x8x16x6016xf32, #tpu.memory_space<vmem>>, vector<1x1x1x1x6016xf32>,
    %slice3A_2812 = vector.extract_strided_slice %select_n3A_344 {offsets = [0, 8], sizes = [1, 6016], strides = [1, 1]} : vector<1x8192xf32> to vector<1x6016xf32>
    %squeeze3A_2813 = vector.shape_cast %slice3A_2812 : vector<1x6016xf32> to vector<6016xf32>
    %swap3A_2814 = arith.constant 0 : index
    %swap3A_2815 = arith.constant 1 : index
    %swap3A_2816 = arith.constant 7 : index
    %swap3A_2817 = arith.constant 7 : index
    %swap3A_2818 = arith.constant 0 : index
    %swap3A_2819 = vector.load %arg2[%swap3A_2814, %swap3A_2815, %swap3A_2816, %swap3A_2817, %swap3A_2818] : memref<1x2x8x16x6016xf32, #tpu.memory_space<vmem>>, vector<1x1x1x1x6016xf32>
    %swap3A_2820 = vector.shape_cast %swap3A_2819 : vector<1x1x1x1x6016xf32> to vector<6016xf32>
    %swap3A_2821 = vector.shape_cast %squeeze3A_2813 : vector<6016xf32> to vector<1x1x1x1x6016xf32>
    tpu.vector_store %arg2[%swap3A_2814, %swap3A_2815, %swap3A_2816, %swap3A_2817, %swap3A_2818], %swap3A_2821 {strides = array<i32>} : memref<1x2x8x16x6016xf32, #tpu.memory_space<vmem>>, vector<1x1x1x1x6016xf32>,
    %slice3A_2822 = vector.extract_strided_slice %select_n3A_344 {offsets = [0, 7], sizes = [1, 6016], strides = [1, 1]} : vector<1x8192xf32> to vector<1x6016xf32>
    %squeeze3A_2823 = vector.shape_cast %slice3A_2822 : vector<1x6016xf32> to vector<6016xf32>
    %swap3A_2824 = arith.constant 0 : index
    %swap3A_2825 = arith.constant 1 : index
    %swap3A_2826 = arith.constant 7 : index
    %swap3A_2827 = arith.constant 8 : index
    %swap3A_2828 = arith.constant 0 : index
    %swap3A_2829 = vector.load %arg2[%swap3A_2824, %swap3A_2825, %swap3A_2826, %swap3A_2827, %swap3A_2828] : memref<1x2x8x16x6016xf32, #tpu.memory_space<vmem>>, vector<1x1x1x1x6016xf32>
    %swap3A_2830 = vector.shape_cast %swap3A_2829 : vector<1x1x1x1x6016xf32> to vector<6016xf32>
    %swap3A_2831 = vector.shape_cast %squeeze3A_2823 : vector<6016xf32> to vector<1x1x1x1x6016xf32>
    tpu.vector_store %arg2[%swap3A_2824, %swap3A_2825, %swap3A_2826, %swap3A_2827, %swap3A_2828], %swap3A_2831 {strides = array<i32>} : memref<1x2x8x16x6016xf32, #tpu.memory_space<vmem>>, vector<1x1x1x1x6016xf32>,
    %slice3A_2832 = vector.extract_strided_slice %select_n3A_344 {offsets = [0, 6], sizes = [1, 6016], strides = [1, 1]} : vector<1x8192xf32> to vector<1x6016xf32>
    %squeeze3A_2833 = vector.shape_cast %slice3A_2832 : vector<1x6016xf32> to vector<6016xf32>
    %swap3A_2834 = arith.constant 0 : index
    %swap3A_2835 = arith.constant 1 : index
    %swap3A_2836 = arith.constant 7 : index
    %swap3A_2837 = arith.constant 9 : index
    %swap3A_2838 = arith.constant 0 : index
    %swap3A_2839 = vector.load %arg2[%swap3A_2834, %swap3A_2835, %swap3A_2836, %swap3A_2837, %swap3A_2838] : memref<1x2x8x16x6016xf32, #tpu.memory_space<vmem>>, vector<1x1x1x1x6016xf32>
    %swap3A_2840 = vector.shape_cast %swap3A_2839 : vector<1x1x1x1x6016xf32> to vector<6016xf32>
    %swap3A_2841 = vector.shape_cast %squeeze3A_2833 : vector<6016xf32> to vector<1x1x1x1x6016xf32>
    tpu.vector_store %arg2[%swap3A_2834, %swap3A_2835, %swap3A_2836, %swap3A_2837, %swap3A_2838], %swap3A_2841 {strides = array<i32>} : memref<1x2x8x16x6016xf32, #tpu.memory_space<vmem>>, vector<1x1x1x1x6016xf32>,
    %slice3A_2842 = vector.extract_strided_slice %select_n3A_344 {offsets = [0, 5], sizes = [1, 6016], strides = [1, 1]} : vector<1x8192xf32> to vector<1x6016xf32>
    %squeeze3A_2843 = vector.shape_cast %slice3A_2842 : vector<1x6016xf32> to vector<6016xf32>
    %swap3A_2844 = arith.constant 0 : index
    %swap3A_2845 = arith.constant 1 : index
    %swap3A_2846 = arith.constant 7 : index
    %swap3A_2847 = arith.constant 10 : index
    %swap3A_2848 = arith.constant 0 : index
    %swap3A_2849 = vector.load %arg2[%swap3A_2844, %swap3A_2845, %swap3A_2846, %swap3A_2847, %swap3A_2848] : memref<1x2x8x16x6016xf32, #tpu.memory_space<vmem>>, vector<1x1x1x1x6016xf32>
    %swap3A_2850 = vector.shape_cast %swap3A_2849 : vector<1x1x1x1x6016xf32> to vector<6016xf32>
    %swap3A_2851 = vector.shape_cast %squeeze3A_2843 : vector<6016xf32> to vector<1x1x1x1x6016xf32>
    tpu.vector_store %arg2[%swap3A_2844, %swap3A_2845, %swap3A_2846, %swap3A_2847, %swap3A_2848], %swap3A_2851 {strides = array<i32>} : memref<1x2x8x16x6016xf32, #tpu.memory_space<vmem>>, vector<1x1x1x1x6016xf32>,
    %slice3A_2852 = vector.extract_strided_slice %select_n3A_344 {offsets = [0, 4], sizes = [1, 6016], strides = [1, 1]} : vector<1x8192xf32> to vector<1x6016xf32>
    %squeeze3A_2853 = vector.shape_cast %slice3A_2852 : vector<1x6016xf32> to vector<6016xf32>
    %swap3A_2854 = arith.constant 0 : index
    %swap3A_2855 = arith.constant 1 : index
    %swap3A_2856 = arith.constant 7 : index
    %swap3A_2857 = arith.constant 11 : index
    %swap3A_2858 = arith.constant 0 : index
    %swap3A_2859 = vector.load %arg2[%swap3A_2854, %swap3A_2855, %swap3A_2856, %swap3A_2857, %swap3A_2858] : memref<1x2x8x16x6016xf32, #tpu.memory_space<vmem>>, vector<1x1x1x1x6016xf32>
    %swap3A_2860 = vector.shape_cast %swap3A_2859 : vector<1x1x1x1x6016xf32> to vector<6016xf32>
    %swap3A_2861 = vector.shape_cast %squeeze3A_2853 : vector<6016xf32> to vector<1x1x1x1x6016xf32>
    tpu.vector_store %arg2[%swap3A_2854, %swap3A_2855, %swap3A_2856, %swap3A_2857, %swap3A_2858], %swap3A_2861 {strides = array<i32>} : memref<1x2x8x16x6016xf32, #tpu.memory_space<vmem>>, vector<1x1x1x1x6016xf32>,
    %slice3A_2862 = vector.extract_strided_slice %select_n3A_344 {offsets = [0, 3], sizes = [1, 6016], strides = [1, 1]} : vector<1x8192xf32> to vector<1x6016xf32>
    %squeeze3A_2863 = vector.shape_cast %slice3A_2862 : vector<1x6016xf32> to vector<6016xf32>
    %swap3A_2864 = arith.constant 0 : index
    %swap3A_2865 = arith.constant 1 : index
    %swap3A_2866 = arith.constant 7 : index
    %swap3A_2867 = arith.constant 12 : index
    %swap3A_2868 = arith.constant 0 : index
    %swap3A_2869 = vector.load %arg2[%swap3A_2864, %swap3A_2865, %swap3A_2866, %swap3A_2867, %swap3A_2868] : memref<1x2x8x16x6016xf32, #tpu.memory_space<vmem>>, vector<1x1x1x1x6016xf32>
    %swap3A_2870 = vector.shape_cast %swap3A_2869 : vector<1x1x1x1x6016xf32> to vector<6016xf32>
    %swap3A_2871 = vector.shape_cast %squeeze3A_2863 : vector<6016xf32> to vector<1x1x1x1x6016xf32>
    tpu.vector_store %arg2[%swap3A_2864, %swap3A_2865, %swap3A_2866, %swap3A_2867, %swap3A_2868], %swap3A_2871 {strides = array<i32>} : memref<1x2x8x16x6016xf32, #tpu.memory_space<vmem>>, vector<1x1x1x1x6016xf32>,
    %slice3A_2872 = vector.extract_strided_slice %select_n3A_344 {offsets = [0, 2], sizes = [1, 6016], strides = [1, 1]} : vector<1x8192xf32> to vector<1x6016xf32>
    %squeeze3A_2873 = vector.shape_cast %slice3A_2872 : vector<1x6016xf32> to vector<6016xf32>
    %swap3A_2874 = arith.constant 0 : index
    %swap3A_2875 = arith.constant 1 : index
    %swap3A_2876 = arith.constant 7 : index
    %swap3A_2877 = arith.constant 13 : index
    %swap3A_2878 = arith.constant 0 : index
    %swap3A_2879 = vector.load %arg2[%swap3A_2874, %swap3A_2875, %swap3A_2876, %swap3A_2877, %swap3A_2878] : memref<1x2x8x16x6016xf32, #tpu.memory_space<vmem>>, vector<1x1x1x1x6016xf32>
    %swap3A_2880 = vector.shape_cast %swap3A_2879 : vector<1x1x1x1x6016xf32> to vector<6016xf32>
    %swap3A_2881 = vector.shape_cast %squeeze3A_2873 : vector<6016xf32> to vector<1x1x1x1x6016xf32>
    tpu.vector_store %arg2[%swap3A_2874, %swap3A_2875, %swap3A_2876, %swap3A_2877, %swap3A_2878], %swap3A_2881 {strides = array<i32>} : memref<1x2x8x16x6016xf32, #tpu.memory_space<vmem>>, vector<1x1x1x1x6016xf32>,
    %slice3A_2882 = vector.extract_strided_slice %select_n3A_344 {offsets = [0, 1], sizes = [1, 6016], strides = [1, 1]} : vector<1x8192xf32> to vector<1x6016xf32>
    %squeeze3A_2883 = vector.shape_cast %slice3A_2882 : vector<1x6016xf32> to vector<6016xf32>
    %swap3A_2884 = arith.constant 0 : index
    %swap3A_2885 = arith.constant 1 : index
    %swap3A_2886 = arith.constant 7 : index
    %swap3A_2887 = arith.constant 14 : index
    %swap3A_2888 = arith.constant 0 : index
    %swap3A_2889 = vector.load %arg2[%swap3A_2884, %swap3A_2885, %swap3A_2886, %swap3A_2887, %swap3A_2888] : memref<1x2x8x16x6016xf32, #tpu.memory_space<vmem>>, vector<1x1x1x1x6016xf32>
    %swap3A_2890 = vector.shape_cast %swap3A_2889 : vector<1x1x1x1x6016xf32> to vector<6016xf32>
    %swap3A_2891 = vector.shape_cast %squeeze3A_2883 : vector<6016xf32> to vector<1x1x1x1x6016xf32>
    tpu.vector_store %arg2[%swap3A_2884, %swap3A_2885, %swap3A_2886, %swap3A_2887, %swap3A_2888], %swap3A_2891 {strides = array<i32>} : memref<1x2x8x16x6016xf32, #tpu.memory_space<vmem>>, vector<1x1x1x1x6016xf32>,
    %slice3A_2892 = vector.extract_strided_slice %select_n3A_344 {offsets = [0, 0], sizes = [1, 6016], strides = [1, 1]} : vector<1x8192xf32> to vector<1x6016xf32>
    %squeeze3A_2893 = vector.shape_cast %slice3A_2892 : vector<1x6016xf32> to vector<6016xf32>
    %swap3A_2894 = arith.constant 0 : index
    %swap3A_2895 = arith.constant 1 : index
    %swap3A_2896 = arith.constant 7 : index
    %swap3A_2897 = arith.constant 15 : index
    %swap3A_2898 = arith.constant 0 : index
    %swap3A_2899 = vector.load %arg2[%swap3A_2894, %swap3A_2895, %swap3A_2896, %swap3A_2897, %swap3A_2898] : memref<1x2x8x16x6016xf32, #tpu.memory_space<vmem>>, vector<1x1x1x1x6016xf32>
    %swap3A_2900 = vector.shape_cast %swap3A_2899 : vector<1x1x1x1x6016xf32> to vector<6016xf32>
    %swap3A_2901 = vector.shape_cast %squeeze3A_2893 : vector<6016xf32> to vector<1x1x1x1x6016xf32>
    tpu.vector_store %arg2[%swap3A_2894, %swap3A_2895, %swap3A_2896, %swap3A_2897, %swap3A_2898], %swap3A_2901 {strides = array<i32>} : memref<1x2x8x16x6016xf32, #tpu.memory_space<vmem>>, vector<1x1x1x1x6016xf32>,
    return
  }
  func.func @transform_0(%arg0: i32) -> (i32, i32, i32) {
    %c0_i32 = arith.constant 0 : i32
    %c0_i32_0 = arith.constant 0 : i32
    %c0_i32_1 = arith.constant 0 : i32
    return %arg0, %c0_i32, %c0_i32_0 : i32, i32, i32
  }
  func.func @transform_1(%arg0: i32) -> (i32, i32, i32, i32, i32) {
    %c0_i32 = arith.constant 0 : i32
    %c0_i32_0 = arith.constant 0 : i32
    %c0_i32_1 = arith.constant 0 : i32
    %c0_i32_2 = arith.constant 0 : i32
    %c0_i32_3 = arith.constant 0 : i32
    return %arg0, %c0_i32, %c0_i32_0, %c0_i32_1, %c0_i32_2 : i32, i32, i32, i32, i32
  }
}

</mosaic_0001>

<sc_bundles>
// kernel: kernel.4.cloned.1.call-start
scs
__scs_entry_jumppad:
0x0: {  	(pc) =	sbr.rel $0x88, $3  }
0x1: {  	(tag) =	ssettag $0x0;
	lr =	simm.s32 $0x1  }
0x2: {  	[smem:$0x3FA0] =	sst lr;
	_ =	strace $0xD0000000  }
0x3: {  	_ = 	snop  }
0x4: {  	_ = 	snop  }
0x5: {  	_ = 	snop  }
0x6: {  	_ = 	snop  }
0x7: {  	_ = 	snop  }
__scs_overlays_trampoline_lowered:
0x8: {  	[smem:$0x3FAF] =	sst s0  }
0x9: {  	[smem:$0x3FB0] =	sst s1  }
0xa: {  	[smem:$0x3FB1] =	sst s2  }
0xb: {  	[smem:$0x3FB2] =	sst s3  }
0xc: {  	[smem:$0x3FB3] =	sst s4  }
0xd: {  	[smem:$0x3FB4] =	sst s5  }
0xe: {  	[smem:$0x3FB5] =	sst s6  }
0xf: {  	[smem:$0x3FB6] =	sst s7  }
0x10: {  	[smem:$0x3FB7] =	sst s8  }
0x11: {  	[smem:$0x3FB8] =	sst s9;
	s0 =	simm.s32 @!p0 $0x0  }
0x12: {  	s1 =	sld [smem:$0x3F9E];
	s0 =	simm.s32 @p0 $0x1  }
0x13: {  	[smem:$0x3FB9] =	sst s0;
	s0 =	simm.s32 @!p1 $0x0  }
0x14: {  	s2 =	sld [smem:$0x3F9D];
	s0 =	simm.s32 @p1 $0x1  }
0x15: {  	[smem:$0x3FBA] =	sst s0;
	s0 =	simm.s32 @!p2 $0x0  }
0x16: {  	s3 =	sld [smem:$0x3FDB];
	s0 =	simm.s32 @p2 $0x1  }
0x17: {  	s4 =	simm.s32 $0x1BF5;
	[smem:$0x3FBC] =	sst s0  }
0x18: {  	s0 =	sld [smem:$0x3F9F];
	_ =	swait.ge [sflag:s4], $0x0  }
0x19: {  	s7 =	sld [smem:$0x3FA0]  }
0x1a: {  	s8 =	sadd.s32 $0xFFFFE003, lr  }
0x1b: {  	s9 =	sadd.s32 $0xFFFFFEF7, lr;
	s5 =	simm.s32 $0xFFFFFFFF;
	p2 =	slt.u32 s8, $0xFFFFF086  }
0x1c: {  	p1 =	slt.u32 s9, $0xF7A;
	s5 =	simm.s32 @!p2 $0x0  }
0x1d: {  	s5 =	simm.s32 @p1 $0x1;
	p0 =	seq.s32 s7, s2  }
0x1e: {  	s7 =	smul.u32 @!p0 $0xF7A, s2;
	p2 =	seq.s32 @!p0 s5, $0x0  }
0x1f: {  	s9 =	smul.u32 $0xF7A, s1;
	s8 =	simm.s32 @!p0 $0x1BF5;
	p2 =	por !p2, p0  }
0x20: {  	[sflag:s8] =	ssyncset.s32 @!p0 $0xFFFFF086;
	s6 =	sadd.s32 @!p0 s3, s7;
	s7 =	simm.s32 @!p0 $0x108  }
0x21: {  	s3 =	sadd.s32 s3, s9;
	s6 =	sadd.s32 @!p0 $0x88, s6;
	s7 =	simm.s32 @p2 $0x1082  }
0x22: {  	[simem:s7], [sflag:s8] =	dma.local @!p0 [hbm:s6], $0xF7A  }
0x23: {  	s9 =	sor.u32 $0xD0000000, s2;
	s6 =	simm.s32 $0x108;
	_ =	swait.ge @!p0 [sflag:s8], $0x0  }
0x24: {  	s3 =	sadd.s32 $0x88, s3;
	s6 =	simm.s32 @!p1 $0x1082;
	[sflag:s4] =	ssyncset.s32 $0xFFFFF086  }
0x25: {  	[simem:s6], [sflag:s4] =	dma.local [hbm:s3], $0xF7A  }
0x26: {  	[smem:$0x3FA0] =	sst s1;
	(tag) =	ssettag s2;
	_ =	strace s9  }
0x27: {  	s1 =	sld [smem:$0x3FB0]  }
0x28: {  	s2 =	sld [smem:$0x3FB1]  }
0x29: {  	s4 =	sld [smem:$0x3FB3]  }
0x2a: {  	p0 =	seq.s32 s5, $0x0;
	s5 =	sld [smem:$0x3FB4]  }
0x2b: {  	s6 =	sld [smem:$0x3FB5]  }
0x2c: {  	s7 =	sld [smem:$0x3FB6]  }
0x2d: {  	s3 =	simm.s32 $0x108;
	s8 =	sld [smem:$0x3FB7]  }
0x2e: {  	s3 =	simm.s32 @!p0 $0x1082;
	s9 =	sld [smem:$0x3FB8]  }
0x2f: {  	lr =	sadd.s32 s0, s3;
	s0 =	sld [smem:$0x3FAF]  }
0x30: {  	s3 =	sld [smem:$0x3FB2]  }
0x31: {  	[smem:$0x3FBB] =	sst s10  }
0x32: {  	s10 =	sld [smem:$0x3FB9];
	_ =	sdelay $0x3  }
0x33: {  	p0 =	seq.s32 s10, $0x1;
	s10 =	sld [smem:$0x3FBB];
	_ =	sdelay $0x3  }
0x34: {  	[smem:$0x3FBB] =	sst s10  }
0x35: {  	s10 =	sld [smem:$0x3FBA];
	_ =	sdelay $0x3  }
0x36: {  	p1 =	seq.s32 s10, $0x1;
	s10 =	sld [smem:$0x3FBB];
	_ =	sdelay $0x3  }
0x37: {  	[smem:$0x3FBB] =	sst s10  }
0x38: {  	s10 =	sld [smem:$0x3FBC]  }
0x39: {  	_ = 	snop;
	(pc) =	sbr.ind lr, $3  }
0x3a: {  	_ = 	snop  }
0x3b: {  	_ = 	snop  }
0x3c: {  	p2 =	seq.s32 s10, $0x1;
	s10 =	sld [smem:$0x3FBB]  }
0x3d: {  	_ =	shalt  }
0x3e: {  	_ =	shalt  }
0x3f: {  	_ =	shalt  }
0x40: {  	_ =	shalt  }
0x41: {  	_ =	shalt  }
0x42: {  	_ =	shalt  }
0x43: {  	_ =	shalt  }
0x44: {  	_ =	shalt  }
0x45: {  	_ =	shalt  }
0x46: {  	_ =	shalt  }
0x47: {  	_ =	shalt  }
0x48: {  	_ =	shalt  }
0x49: {  	_ =	shalt  }
0x4a: {  	_ =	shalt  }
0x4b: {  	_ =	shalt  }
0x4c: {  	_ =	shalt  }
0x4d: {  	_ =	shalt  }
0x4e: {  	_ =	shalt  }
0x4f: {  	_ =	shalt  }
0x50: {  	_ =	shalt  }
0x51: {  	_ =	shalt  }
0x52: {  	_ =	shalt  }
0x53: {  	_ =	shalt  }
0x54: {  	_ =	shalt  }
0x55: {  	_ =	shalt  }
0x56: {  	_ =	shalt  }
0x57: {  	_ =	shalt  }
0x58: {  	_ =	shalt  }
0x59: {  	_ =	shalt  }
0x5a: {  	_ =	shalt  }
0x5b: {  	_ =	shalt  }
0x5c: {  	_ =	shalt  }
0x5d: {  	_ =	shalt  }
0x5e: {  	_ =	shalt  }
0x5f: {  	_ =	shalt  }
0x60: {  	_ =	shalt  }
0x61: {  	_ =	shalt  }
0x62: {  	_ =	shalt  }
0x63: {  	_ =	shalt  }
0x64: {  	_ =	shalt  }
0x65: {  	_ =	shalt  }
0x66: {  	_ =	shalt  }
0x67: {  	_ =	shalt  }
0x68: {  	_ =	shalt  }
0x69: {  	_ =	shalt  }
0x6a: {  	_ =	shalt  }
0x6b: {  	_ =	shalt  }
0x6c: {  	_ =	shalt  }
0x6d: {  	_ =	shalt  }
0x6e: {  	_ =	shalt  }
0x6f: {  	_ =	shalt  }
0x70: {  	_ =	shalt  }
0x71: {  	_ =	shalt  }
0x72: {  	_ =	shalt  }
0x73: {  	_ =	shalt  }
0x74: {  	_ =	shalt  }
0x75: {  	_ =	shalt  }
0x76: {  	_ =	shalt  }
0x77: {  	_ =	shalt  }
0x78: {  	_ =	shalt  }
0x79: {  	_ =	shalt  }
0x7a: {  	_ =	shalt  }
0x7b: {  	_ =	shalt  }
0x7c: {  	_ =	shalt  }
0x7d: {  	_ =	shalt  }
0x7e: {  	_ =	shalt  }
0x7f: {  	_ =	shalt  }
0x80: {  	_ =	shalt  }
0x81: {  	_ =	shalt  }
0x82: {  	_ =	shalt  }
0x83: {  	_ =	shalt  }
0x84: {  	_ =	shalt  }
0x85: {  	_ =	shalt  }
0x86: {  	_ =	shalt  }
0x87: {  	_ =	shalt  }
.Lfunc_end0:
.L_simem_size_0:
called_computation_lowered:
.L_overlay_start_0:
0x88: {  	s2 =	sld [smem:$0x3FD9]  }
0x89: {  	s3 =	sld [smem:$0x3FFE];
	_ =	sdelay $0x1  }
0x8a: {  	s1 =	srdreg.scid  }
0x8b: {  	s0 =	sand.u32 $0x1, s1  }
0x8c: {  	s17 =	sshll.u32 s0, $0xA;
	s2 =	sadd.s32 s3, s2  }
0x8d: {  	s2 =	sadd.s32 s2, s17  }
0x8e: {  	[smem:$0x3FC7] =	sst s2  }
0x8f: {  	_ = 	snop  }
0x90: {  	s2 =	sld [smem:$0x3FD0];
	(tm) =	ssettm $0x1  }
0x91: {  	s18 =	sld [smem:$0x3FFB];
	_ =	sdelay $0x3  }
0x92: {  	_ =	strace s18  }
0x93: {  	s3 =	sld [smem:$0x3FFC];
	_ =	sdelay $0x3  }
0x94: {  	_ =	strace s3  }
0x95: {  	s3 =	sld [smem:$0x3FFD];
	_ =	sdelay $0x3  }
0x96: {  	_ =	strace s3  }
0x97: {  	_ =	strace $0x8FFFFFFF  }
0x98: {  	s19 =	sld [smem:$0x3FDB];
	_ =	sdelay $0x1  }
0x99: {  	s4 =	simm.s32 $_scs_section_size  }
0x9a: {  	s5 =	simm.s32 $_size__tile_overlayer_lowered;
	s6 =	simm.s32 $_tile_overlayer_lowered  }
0x9b: {  	s22 =	simm.s32 $0x1BFF;
	s21 =	sshll.u32 s6, $0x1;
	s3 =	sadd.s32 s4, s19  }
0x9c: {  	s7 =	simm.s32 $0x0;
	s20 =	sshll.u32 s5, $0x1;
	s5 =	sadd.s32 s21, s3  }
0x9d: {  	[timem:s7], [sflag:s22] =	dma.local [hbm:s5], s20  }
0x9e: {  	_ =	swait.ge [sflag:s22], s20  }
0x9f: {  	s4 =	ssub.s32 $0x0, s20;
	[sflag:s22] =	ssyncset.done $0x0  }
0xa0: {  	[sflag:s22] =	ssyncadd.s32 s4;
	_ =	sdelay $0x1  }
0xa1: {  	s23 =	simm.s32 $0x1B8B  }
0xa2: {  	_ =	swait.ge [sflag:s23], $0x1  }
0xa3: {  	[sflag:s23] =	ssyncset.done $0x0  }
0xa4: {  	s25 =	simm.s32 $0x1B8E;
	s24 =	sld [smem:$0x3FFE];
	[sflag:s23] =	ssyncadd.s32 $0xFFFFFFFF  }
0xa5: {  	s26 =	simm.s32 $execute0_lowered;
	[smem:$0x3FD2] =	sst s25  }
0xa6: {  	s5 =	sshll.u32 s26, $0x1;
	_ =	strace $0x80000046;
	[dreg:$0x1] =	wrdreg $0xFFFFFFFF  }
0xa7: {  	s28 =	simm.s32 $_size_execute0_lowered;
	s3 =	sadd.s32 s3, s5;
	[dreg:$0x0] =	wrdreg $0x0  }
0xa8: {  	s5 =	sshll.u32 s28, $0x1;
	[dreg:$0x2] =	wrdreg s3  }
0xa9: {  	[dreg:$0x3] =	wrdreg s5  }
0xaa: {  	[dreg:$0x4] =	wrdreg $0xC0  }
0xab: {  	_ =	task [dreg:s7], $0x5FFFF  }
0xac: {  	[dreg:$0x1] =	wrdreg $0xFFFFFFFF  }
0xad: {  	[dreg:$0x0] =	wrdreg $0x60  }
0xae: {  	[dreg:$0x2] =	wrdreg s24  }
0xaf: {  	[dreg:$0x3] =	wrdreg s2  }
0xb0: {  	[dreg:$0x4] =	wrdreg $0x9  }
0xb1: {  	_ =	task.clear_ibuf [dreg:s7], $0x5FFFF;
	_ =	strace $0x90000046  }
0xb2: {  	s29 =	simm.s32 $0x9;
	_ =	strace $0x80000048  }
0xb3: {  	_ =	swait.ge [sflag:s29], $0x1  }
0xb4: {  	[sflag:s29] =	ssyncadd.s32 $0xFFFFFFFF  }
0xb5: {  	_ =	strace $0x90000048  }
0xb6: {  	_ =	sfence  }
0xb7: {  	s30 =	sld [smem:$0x0];
	_ =	sdelay $0x2  }
0xb8: {  	s31 =	sshll.u32 s1, $0xD;
	s1 =	sshrl.u32 s1, $0x2  }
0xb9: {  	s3 =	sand.u32 $0x4000, s31;
	s1 =	sadd.s32 s1, s30  }
0xba: {  	s0 =	sor.u32 s3, s0;
	s1 =	sshll.u32 s1, $0x11  }
0xbb: {  	s0 =	sor.u32 s1, s0  }
0xbc: {  	s0 =	sadd.s32 $0x8F2B, s0  }
0xbd: {  	[sflag:s0] =	ssyncadd.remote.s32 $0x1  }
0xbe: {  	_ =	sfence.sel $0xFFFF  }
0xbf: {  	[dreg:$0x0] =	wrdreg $0xFFFFFFFF;
	(pc) =	sbr.abs _section_cstart, $3  }
0xc0: {  	[dreg:$0x1] =	wrdreg $0xFFFFFFFF  }
0xc1: {  	_ =	task.clear_ibuf [dreg:s7], $0x2FFFF;
	_ =	strace $0x9FFFFFFF  }
0xc2: {  	(tm) =	ssettm $0x7FFFFFFF  }
0xc3: {  	_ =	shalt  }
tec
execute0_lowered:
.L_overlay_start_1:
0x0: {  	(tag) =	ssettag $0x1  }
0x1: {  	s3 =	rddreg [dreg:$0x0]  }
0x2: {  	s1 =	rddreg [dreg:$0x1]  }
0x3: {  	s0 =	rddreg [dreg:$0x2]  }
0x4: {  	s2 =	simm.s32 $0x0;
	s4 =	srdreg.scid;
	s10 =	simm.s32 $0x2  }
0x5: {  	s11 =	simm.s32 $0x0;
	[smem:$0x7FF] =	sst s2;
	s4 =	sand.u32 $0x1, s4  }
0x6: {  	s5 =	sadd.s32 $0x600, s3;
	s3 =	stileid.u32;
	s6 =	ssub.s32 $0x2, s4  }
0x7: {  	s8 =	sshll.u32 s3, $0x18;
	s9 =	sshll.u32 s4, $0x17;
	s7 =	sshrl.u32 s6, $0x1  }
0x8: {  	_ =	strace $0x80000047;
	s8 =	sor.u32 s9, s8;
	s7 =	ssub.s32 s6, s7  }
0x9: {  	s9 =	simm.s32 $0x1;
	s6 =	smul.u32 $0x178000, s3;
	s7 =	smax.u32 s7, $0x1  }
.LBB2_1:
0xa: {  	s12 =	smov.u32 s8;
	s13 =	simm.s32 $0x0  }
.LBB2_2:
0xb: {  	p0 =	seq.s32 s13, $0x0  }
0xc: {  	s14 =	simm.s32 @!p0 $0x1  }
0xd: {  	_ =	swait.ge @!p0 [sflag:s14], $0x10000  }
0xe: {  	[sflag:s14] =	ssyncset.done @!p0 $0x0  }
0xf: {  	[sflag:s14] =	ssyncadd.s32 @!p0 $0xFFFF0000  }
0x10: {  	_ =	swait.ge @!p0 [sflag:s14], $0x10000  }
0x11: {  	[sflag:s14] =	ssyncset.done @!p0 $0x0  }
0x12: {  	[sflag:s14] =	ssyncadd.s32 @!p0 $0xFFFF0000  }
0x13: {  	_ =	swait.ge @!p0 [sflag:s14], $0x10000  }
0x14: {  	[sflag:s14] =	ssyncset.done @!p0 $0x0  }
0x15: {  	[sflag:s14] =	ssyncadd.s32 @!p0 $0xFFFF0000  }
0x16: {  	_ =	swait.ge @!p0 [sflag:s14], $0x10000  }
0x17: {  	[sflag:s14] =	ssyncset.done @!p0 $0x0  }
0x18: {  	[sflag:s14] =	ssyncadd.s32 @!p0 $0xFFFF0000  }
0x19: {  	_ =	swait.ge @!p0 [sflag:s14], $0x10000  }
0x1a: {  	[sflag:s14] =	ssyncset.done @!p0 $0x0  }
0x1b: {  	[sflag:s14] =	ssyncadd.s32 @!p0 $0xFFFF0000  }
0x1c: {  	_ =	swait.ge @!p0 [sflag:s14], $0x10000  }
0x1d: {  	[sflag:s14] =	ssyncset.done @!p0 $0x0  }
0x1e: {  	[sflag:s14] =	ssyncadd.s32 @!p0 $0xFFFF0000  }
0x1f: {  	_ =	swait.ge @!p0 [sflag:s14], $0x10000  }
0x20: {  	[sflag:s14] =	ssyncset.done @!p0 $0x0  }
0x21: {  	[sflag:s14] =	ssyncadd.s32 @!p0 $0xFFFF0000  }
0x22: {  	_ =	swait.ge @!p0 [sflag:s14], $0x10000  }
0x23: {  	[sflag:s14] =	ssyncset.done @!p0 $0x0  }
0x24: {  	[sflag:s14] =	ssyncadd.s32 @!p0 $0xFFFF0000  }
0x25: {  	_ =	swait.ge @!p0 [sflag:s14], $0x10000  }
0x26: {  	[sflag:s14] =	ssyncset.done @!p0 $0x0  }
0x27: {  	[sflag:s14] =	ssyncadd.s32 @!p0 $0xFFFF0000  }
0x28: {  	_ =	swait.ge @!p0 [sflag:s14], $0x10000  }
0x29: {  	[sflag:s14] =	ssyncset.done @!p0 $0x0  }
0x2a: {  	[sflag:s14] =	ssyncadd.s32 @!p0 $0xFFFF0000  }
0x2b: {  	_ =	swait.ge @!p0 [sflag:s14], $0x10000  }
0x2c: {  	[sflag:s14] =	ssyncset.done @!p0 $0x0  }
0x2d: {  	[sflag:s14] =	ssyncadd.s32 @!p0 $0xFFFF0000  }
0x2e: {  	_ =	swait.ge @!p0 [sflag:s14], $0x10000  }
0x2f: {  	[sflag:s14] =	ssyncset.done @!p0 $0x0  }
0x30: {  	[sflag:s14] =	ssyncadd.s32 @!p0 $0xFFFF0000  }
0x31: {  	_ =	swait.ge @!p0 [sflag:s14], $0x10000  }
0x32: {  	s15 =	sor.u32 s4, s13;
	[sflag:s14] =	ssyncset.done @!p0 $0x0  }
0x33: {  	p2 =	sne.s32 s13, $0x0;
	p1 =	seq.s32 s15, $0x0;
	[sflag:s14] =	ssyncadd.s32 @!p0 $0xFFFF0000  }
0x34: {  	p1 =	por !p2, !p1;
	_ =	swait.ge @!p0 [sflag:s14], $0x10000  }
0x35: {  	s15 =	simm.s32 $0x1;
	p1 =	por !p1, !p1;
	[sflag:s14] =	ssyncset.done @!p0 $0x0  }
0x36: {  	s15 =	simm.s32 @!p1 $0x0;
	[sflag:s14] =	ssyncadd.s32 @!p0 $0xFFFF0000  }
0x37: {  	s16 =	smul.u32 $0x17800, s13;
	s15 =	ssub.s32 s4, s15;
	_ =	swait.ge @!p0 [sflag:s14], $0x10000  }
0x38: {  	s17 =	simm.s32 $0xFFFFFFFF;
	s15 =	smul.u32 $0xBC000, s15;
	[sflag:s14] =	ssyncset.done @!p0 $0x0  }
0x39: {  	s26 =	simm.s32 $0x0;
	s16 =	sadd.s32 s6, s16;
	[sflag:s14] =	ssyncadd.s32 @!p0 $0xFFFF0000  }
0x3a: {  	s17 =	simm.s32 @!p1 $0x0;
	s15 =	sadd.s32 s15, s16;
	_ =	swait.ge @!p0 [sflag:s14], $0x10000  }
0x3b: {  	s28 =	sshll.u32 s17, $0x17;
	s15 =	sshrl.u32 s15, $0x3;
	[sflag:s14] =	ssyncset.done @!p0 $0x0  }
0x3c: {  	s25 =	sadd.s32 s5, s15;
	[sflag:s14] =	ssyncadd.s32 @!p0 $0xFFFF0000;
	s14 =	sadd.s32 s28, s12  }
0x3d: {  	[tilespmem:s26], [sflag:$0x2] =	stream.linear.gather [hbm4b:s25+s26], $0x17800, $0x38;
	[tilespmem:$0x17800] =	vst v63  }
0x3e: {  	s29 =	sadd.s32 $0x0, s14;
	_ =	swait.ge [sflag:s10], $0x17800  }
0x3f: {  	s15 =	sshrl.u32 s29, $0x3;
	[sflag:s10] =	ssyncset.done $0x0  }
0x40: {  	s31 =	simm.s32 $0x3C00;
	s30 =	sadd.s32 s1, s15;
	[sflag:s10] =	ssyncadd.s32 $0xFFFE8800  }
0x41: {  	[hbm4b:s30+s2] =	stream.linear.scatter [tilespmem:s31], [sflag:$0x1], $0x8000, $0x38;
	[tilespmem:$0x17800] =	vst v63  }
0x42: {  	s15 =	simm.s32 $0xF800;
	s16 =	sadd.s32 $0x1000, s30  }
0x43: {  	[hbm4b:s16+s2] =	stream.linear.scatter [tilespmem:s15], [sflag:$0x1], $0x8000, $0x38;
	[tilespmem:$0x17800] =	vst v63  }
0x44: {  	s16 =	simm.s32 $0x80000  }
.LBB2_3:
0x45: {  	s17 =	sadd.s32 s16, s14;
	p0 =	sne.s32 s16, $0x780000;
	s16 =	sadd.s32 $0x80000, s16  }
.Ltmp0:
0x46: {  	s15 =	sadd.s32 $0xFFFFFC00, s15;
	s17 =	sshrl.u32 s17, $0x3;
	(pc) =	sbr.rel @p0 .LBB2_3-.Ltmp0, $4  }
0x47: {  	s18 =	sadd.s32 $0xFFFF4400, s15;
	s17 =	sadd.s32 s1, s17  }
0x48: {  	[hbm4b:s17+s2] =	stream.linear.scatter [tilespmem:s18], [sflag:$0x1], $0x8000, $0x38;
	[tilespmem:$0x17800] =	vst v63  }
0x49: {  	s17 =	sadd.s32 $0x1000, s17  }
0x4a: {  	[hbm4b:s17+s2] =	stream.linear.scatter [tilespmem:s15], [sflag:$0x1], $0x8000, $0x38;
	[tilespmem:$0x17800] =	vst v63  }
0x4b: {  	s13 =	sadd.s32 $0x1, s13  }
0x4c: {  	p0 =	sne.s32 s13, $0x8  }
.Ltmp1:
0x4d: {  	_ = 	snop;
	(pc) =	sbr.rel @p0 .LBB2_2-.Ltmp1, $2  }
0x4e: {  	_ =	sdelay $0x2  }
0x4f: {  	s12 =	sadd.s32 $0x10000, s12  }
0x50: {  	_ =	swait.ge [sflag:s9], $0x10000  }
0x51: {  	[sflag:s9] =	ssyncset.done $0x0  }
0x52: {  	[sflag:s9] =	ssyncadd.s32 $0xFFFF0000  }
0x53: {  	_ =	swait.ge [sflag:s9], $0x10000  }
0x54: {  	[sflag:s9] =	ssyncset.done $0x0  }
0x55: {  	[sflag:s9] =	ssyncadd.s32 $0xFFFF0000  }
0x56: {  	_ =	swait.ge [sflag:s9], $0x10000  }
0x57: {  	[sflag:s9] =	ssyncset.done $0x0  }
0x58: {  	[sflag:s9] =	ssyncadd.s32 $0xFFFF0000  }
0x59: {  	_ =	swait.ge [sflag:s9], $0x10000  }
0x5a: {  	[sflag:s9] =	ssyncset.done $0x0  }
0x5b: {  	[sflag:s9] =	ssyncadd.s32 $0xFFFF0000  }
0x5c: {  	_ =	swait.ge [sflag:s9], $0x10000  }
0x5d: {  	[sflag:s9] =	ssyncset.done $0x0  }
0x5e: {  	[sflag:s9] =	ssyncadd.s32 $0xFFFF0000  }
0x5f: {  	_ =	swait.ge [sflag:s9], $0x10000  }
0x60: {  	[sflag:s9] =	ssyncset.done $0x0  }
0x61: {  	[sflag:s9] =	ssyncadd.s32 $0xFFFF0000  }
0x62: {  	_ =	swait.ge [sflag:s9], $0x10000  }
0x63: {  	[sflag:s9] =	ssyncset.done $0x0  }
0x64: {  	[sflag:s9] =	ssyncadd.s32 $0xFFFF0000  }
0x65: {  	_ =	swait.ge [sflag:s9], $0x10000  }
0x66: {  	[sflag:s9] =	ssyncset.done $0x0  }
0x67: {  	[sflag:s9] =	ssyncadd.s32 $0xFFFF0000  }
0x68: {  	_ =	swait.ge [sflag:s9], $0x10000  }
0x69: {  	[sflag:s9] =	ssyncset.done $0x0  }
0x6a: {  	[sflag:s9] =	ssyncadd.s32 $0xFFFF0000  }
0x6b: {  	_ =	swait.ge [sflag:s9], $0x10000  }
0x6c: {  	[sflag:s9] =	ssyncset.done $0x0  }
0x6d: {  	[sflag:s9] =	ssyncadd.s32 $0xFFFF0000  }
0x6e: {  	_ =	swait.ge [sflag:s9], $0x10000  }
0x6f: {  	[sflag:s9] =	ssyncset.done $0x0  }
0x70: {  	[sflag:s9] =	ssyncadd.s32 $0xFFFF0000  }
0x71: {  	_ =	swait.ge [sflag:s9], $0x10000  }
0x72: {  	[sflag:s9] =	ssyncset.done $0x0  }
0x73: {  	[sflag:s9] =	ssyncadd.s32 $0xFFFF0000  }
0x74: {  	_ =	swait.ge [sflag:s9], $0x10000  }
0x75: {  	[sflag:s9] =	ssyncset.done $0x0  }
0x76: {  	[sflag:s9] =	ssyncadd.s32 $0xFFFF0000  }
0x77: {  	_ =	swait.ge [sflag:s9], $0x10000  }
0x78: {  	[sflag:s9] =	ssyncset.done $0x0  }
0x79: {  	s11 =	sadd.s32 $0x1, s11;
	[sflag:s9] =	ssyncadd.s32 $0xFFFF0000  }
0x7a: {  	p0 =	sne.s32 s11, s7;
	_ =	swait.ge [sflag:s9], $0x10000  }
.Ltmp2:
0x7b: {  	[sflag:s9] =	ssyncset.done $0x0;
	(pc) =	sbr.rel @p0 .LBB2_1-.Ltmp2, $4  }
0x7c: {  	[sflag:s9] =	ssyncadd.s32 $0xFFFF0000  }
0x7d: {  	_ =	swait.ge [sflag:s9], $0x10000  }
0x7e: {  	[sflag:s9] =	ssyncset.done $0x0  }
0x7f: {  	[sflag:s9] =	ssyncadd.s32 $0xFFFF0000  }
0x80: {  	_ =	sfence.sel $0x180000  }
0x81: {  	[bflag:$0x0] =	sbarrier.arrive $0xFFFF  }
0x82: {  	p0 =	sne.s32 s3, $0x0;
	_ =	strace $0x90000047  }
0x83: {  	s0 =	sadd.s32 @!p0 $0x100000, s0;
	[bflag:$0x2] =	sbarrier.arrive $0xFFFF  }
0x84: {  	[sflag:s0] =	ssyncadd.tile.s32 @!p0 $0x1;
	_ =	shalt  }
.Lfunc_end2:
_tile_overlayer_lowered:
.L_overlay_start_2:
0x85: {  	(tag) =	ssettag $0x2  }
0x86: {  	s0 =	rddreg [dreg:$0x0];
	s2 =	stileid.u32  }
0x87: {  	s1 =	rddreg [dreg:$0x1];
	p0 =	sne.s32 s2, $0x0  }
0x88: {  	s3 =	rddreg [dreg:$0x2];
	[bflag:$0x3] =	sbarrier.arrive $0xFFFF;
	s2 =	simm.s32 @!p0 $0x1C02  }
0x89: {  	[timem:s3], [sflag:s2] =	dma.local @!p0 [hbm:s0], s1  }
0x8a: {  	s0 =	simm.s32 @!p0 $0x2  }
0x8b: {  	_ =	swait.ge @!p0 [sflag:s0], s1  }
0x8c: {  	s1 =	ssub.s32 @!p0 $0x0, s1;
	[sflag:s0] =	ssyncset.done @!p0 $0x0  }
0x8d: {  	[sflag:s0] =	ssyncadd.s32 @!p0 s1  }
0x8e: {  	[bflag:$0x3] =	sbarrier.arrive $0xFFFF  }
0x8f: {  	_ =	shalt  }

</sc_bundles>
